<compile_context>
chip_gen: v7x
topology: tpu7x:2x2x1
jax: 0.10.2.dev20260603
libtpu: 0.0.44.dev20260713+nightly
codegen_flags: <defaults>
</compile_context>

<pallas_src>
import functools

import jax
import jax.numpy as jnp
from jax import lax
from jax.experimental import pallas as pl
from jax.experimental.pallas import tpu as pltpu
from jax.experimental.pallas import tpu_sc as plsc

_LANES = 16
_CH = 16
_NBUF = 4


def _sc_add(x, t, B, S, D):
    info = plsc.get_sparse_core_info()
    NC, NS = info.num_cores, info.num_subcores
    NW = NC * NS
    s_per_w = S // NW
    nch = s_per_w // _CH
    nsteps = nch * B

    mesh = plsc.VectorSubcoreMesh(core_axis_name="c", subcore_axis_name="s")

    @functools.partial(
        pl.kernel,
        mesh=mesh,
        out_type=jax.ShapeDtypeStruct((B, S, D), jnp.float32),
        scratch_types=(
            [pltpu.VMEM((_CH, D), jnp.float32) for _ in range(_NBUF)]
            + [pltpu.VMEM((_CH, D), jnp.float32) for _ in range(2)]
            + [pltpu.SemaphoreType.DMA for _ in range(2 * _NBUF + 2)]
        ),
    )
    def k(x_hbm, t_hbm, out_hbm, *bufs_and_sems):
        o_bufs = bufs_and_sems[:_NBUF]
        t_bufs = bufs_and_sems[_NBUF:_NBUF + 2]
        sx = bufs_and_sems[_NBUF + 2:2 * _NBUF + 2]
        so = bufs_and_sems[2 * _NBUF + 2:3 * _NBUF + 2]
        st = bufs_and_sems[3 * _NBUF + 2:]
        wid = lax.axis_index("s") * NC + lax.axis_index("c")
        s0 = wid * s_per_w

        def x_copy(step, b):
            i, bat = step // B, step % B
            return pltpu.make_async_copy(
                x_hbm.at[bat, pl.ds(s0 + i * _CH, _CH), :], o_bufs[b], sx[b])

        def t_copy(i, b):
            return pltpu.make_async_copy(
                t_hbm.at[pl.ds(s0 + i * _CH, _CH), :], t_bufs[b], st[b])

        def out_copy(step, b):
            i, bat = step // B, step % B
            return pltpu.make_async_copy(
                o_bufs[b], out_hbm.at[bat, pl.ds(s0 + i * _CH, _CH), :], so[b])

        for p in range(min(_NBUF - 1, nsteps)):
            x_copy(p, p % _NBUF).start()
        t_copy(0, 0).start()
        if nch > 1:
            t_copy(1, 1).start()
        for step in range(nsteps):
            b = step % _NBUF
            i = step // B
            pf = step + _NBUF - 1
            if pf < nsteps:
                if step >= 1:
                    out_copy(pf - _NBUF, pf % _NBUF).wait()
                x_copy(pf, pf % _NBUF).start()
            x_copy(step, b).wait()
            if step % B == 0:
                t_copy(i, i % 2).wait()
            o_v, t_v = o_bufs[b], t_bufs[i % 2]

            H = _CH // 2
            ii, bat = step // B, step % B
            for h in range(2):

                @plsc.parallel_loop(h * H * D, (h + 1) * H * D, _LANES,
                                    unroll=8)
                def add_body(off):
                    r = off // D
                    c = off % D
                    plsc.addupdate(o_v.at[r, pl.ds(c, _LANES)],
                                   t_v[r, pl.ds(c, _LANES)])

                pltpu.make_async_copy(
                    o_bufs[b].at[pl.ds(h * H, H), :],
                    out_hbm.at[bat, pl.ds(s0 + ii * _CH + h * H, H), :],
                    so[b]).start()
            if step % B == B - 1 and i + 2 < nch:
                t_copy(i + 2, i % 2).start()
        for tail in range(max(nsteps - _NBUF + 1, 0), nsteps):
            out_copy(tail, tail % _NBUF).wait()

    return k(x, t)


def kernel(x, embeddings_table):
    B, S, D = x.shape
    return _sc_add(x, embeddings_table, B, S, D)

# --- scband reference (transcript-rebuilt; emitter-appended) ---
"""Pipeline reference for scband-relativeembedding-42460046688897 (READ-ONLY COPY).

The authoritative reference and input builder live on the scoring server;
editing this copy changes nothing except your own understanding.
"""

import jax, jax.numpy as jnp
import numpy as np

D_MODEL = 1024
MAX_POSITION = 2048
BATCH = 4
SEQ_LEN = 2048


def setup_inputs(seed: int = 0) -> dict:
    key = jax.random.key(seed)
    k1, k2 = jax.random.split(key)
    x = jax.random.normal(k1, (BATCH, SEQ_LEN, D_MODEL), dtype=jnp.float32)
    # xavier_uniform init for the (2*max_position+1, d_model) table
    fan_in = MAX_POSITION * 2 + 1
    fan_out = D_MODEL
    bound = float(np.sqrt(6.0 / (fan_in + fan_out)))
    embeddings_table = jax.random.uniform(
        k2, (MAX_POSITION * 2 + 1, D_MODEL), dtype=jnp.float32,
        minval=-bound, maxval=bound)
    return {"x": x, "embeddings_table": embeddings_table}


def reference(x, embeddings_table):
    batch_size, seq_len, _ = x.shape
    if seq_len > MAX_POSITION:
        raise ValueError(
            f'Sequence length {seq_len} exceeds the maximum position {MAX_POSITION}.')
    position_indices = jnp.broadcast_to(
        jnp.arange(seq_len)[None, :], (batch_size, seq_len))
    embeddings = jnp.take(embeddings_table, position_indices, axis=0)
    return x + embeddings

if __name__ == "__main__":
    import jax
    _d = setup_inputs()
    print(jax.jit(kernel)(*tuple(_d.values())))

</pallas_src>

<mosaic_0001>
#map = affine_map<(d0, d1) -> (0, 0, 0)>
#map1 = affine_map<(d0, d1) -> (0, 0)>
module attributes {stable_mosaic.version = 14 : i64} {
  func.func @k(%arg0: i32, %arg1: i32, %arg2: memref<4x2048x1024xf32, #tpu.memory_space<hbm>>, %arg3: memref<4097x1024xf32, #tpu.memory_space<hbm>>, %arg4: memref<4x2048x1024xf32, #tpu.memory_space<hbm>>, %arg5: memref<16x1024xf32, #tpu.memory_space<vmem>>, %arg6: memref<16x1024xf32, #tpu.memory_space<vmem>>, %arg7: memref<16x1024xf32, #tpu.memory_space<vmem>>, %arg8: memref<16x1024xf32, #tpu.memory_space<vmem>>, %arg9: memref<16x1024xf32, #tpu.memory_space<vmem>>, %arg10: memref<16x1024xf32, #tpu.memory_space<vmem>>, %arg11: memref<!tpu.dma_semaphore, #tpu.memory_space<semaphore_mem>>, %arg12: memref<!tpu.dma_semaphore, #tpu.memory_space<semaphore_mem>>, %arg13: memref<!tpu.dma_semaphore, #tpu.memory_space<semaphore_mem>>, %arg14: memref<!tpu.dma_semaphore, #tpu.memory_space<semaphore_mem>>, %arg15: memref<!tpu.dma_semaphore, #tpu.memory_space<semaphore_mem>>, %arg16: memref<!tpu.dma_semaphore, #tpu.memory_space<semaphore_mem>>, %arg17: memref<!tpu.dma_semaphore, #tpu.memory_space<semaphore_mem>>, %arg18: memref<!tpu.dma_semaphore, #tpu.memory_space<semaphore_mem>>, %arg19: memref<!tpu.dma_semaphore, #tpu.memory_space<semaphore_mem>>, %arg20: memref<!tpu.dma_semaphore, #tpu.memory_space<semaphore_mem>>) attributes {dimension_semantics = [#tpu.dimension_semantics<core_parallel>, #tpu.dimension_semantics<subcore_parallel>], iteration_bounds = array<i64: 2, 16>, scalar_prefetch = 0 : i64, scratch_operands = 16 : i64, tpu.core_type = #tpu.core_type<sc_vector_subcore>, window_params = [{transform_indices = #map}, {transform_indices = #map1}, {transform_indices = #map}]} {
    %mul3A = arith.constant 2 : i32
    %mul3A_0 = arith.muli %arg1, %mul3A : i32
    %add3A = arith.addi %mul3A_0, %arg0 : i32
    %mul3A_1 = arith.constant 64 : i32
    %mul3A_2 = arith.muli %add3A, %mul3A_1 : i32
    %add3A_3 = arith.constant 0 : i32
    %add3A_4 = arith.addi %mul3A_2, %add3A_3 : i32
    %dma_start3A = arith.constant 0 : i32
    %dma_start3A_5 = arith.constant 0 : i32
    %dma_start3A_6 = tpu.memref_slice %arg2[%dma_start3A, %add3A_4, %dma_start3A_5] : memref<4x2048x1024xf32, #tpu.memory_space<hbm>> -> memref<1x16x1024xf32, #tpu.memory_space<hbm>>
    %dma_start3A_7 = tpu.memref_squeeze %dma_start3A_6 : memref<1x16x1024xf32, #tpu.memory_space<hbm>> -> memref<16x1024xf32, #tpu.memory_space<hbm>>
    %dma_start3A_8 = arith.constant 0 : i32
    %dma_start3A_9 = tpu.memref_slice %arg2[%dma_start3A, %add3A_4, %dma_start3A_8] : memref<4x2048x1024xf32, #tpu.memory_space<hbm>> -> memref<1x16x1024xf32, #tpu.memory_space<hbm>>
    %dma_start3A_10 = tpu.memref_squeeze %dma_start3A_9 : memref<1x16x1024xf32, #tpu.memory_space<hbm>> -> memref<16x1024xf32, #tpu.memory_space<hbm>>
    tpu.enqueue_dma source(%dma_start3A_10 : memref<16x1024xf32, #tpu.memory_space<hbm>>) target(%arg5 : memref<16x1024xf32, #tpu.memory_space<vmem>>) target_semaphore(%arg11 : memref<!tpu.dma_semaphore, #tpu.memory_space<semaphore_mem>>)
    %add3A_11 = arith.constant 0 : i32
    %add3A_12 = arith.addi %mul3A_2, %add3A_11 : i32
    %dma_start3A_13 = arith.constant 1 : i32
    %dma_start3A_14 = arith.constant 0 : i32
    %dma_start3A_15 = tpu.memref_slice %arg2[%dma_start3A_13, %add3A_12, %dma_start3A_14] : memref<4x2048x1024xf32, #tpu.memory_space<hbm>> -> memref<1x16x1024xf32, #tpu.memory_space<hbm>>
    %dma_start3A_16 = tpu.memref_squeeze %dma_start3A_15 : memref<1x16x1024xf32, #tpu.memory_space<hbm>> -> memref<16x1024xf32, #tpu.memory_space<hbm>>
    %dma_start3A_17 = arith.constant 0 : i32
    %dma_start3A_18 = tpu.memref_slice %arg2[%dma_start3A_13, %add3A_12, %dma_start3A_17] : memref<4x2048x1024xf32, #tpu.memory_space<hbm>> -> memref<1x16x1024xf32, #tpu.memory_space<hbm>>
    %dma_start3A_19 = tpu.memref_squeeze %dma_start3A_18 : memref<1x16x1024xf32, #tpu.memory_space<hbm>> -> memref<16x1024xf32, #tpu.memory_space<hbm>>
    tpu.enqueue_dma source(%dma_start3A_19 : memref<16x1024xf32, #tpu.memory_space<hbm>>) target(%arg6 : memref<16x1024xf32, #tpu.memory_space<vmem>>) target_semaphore(%arg12 : memref<!tpu.dma_semaphore, #tpu.memory_space<semaphore_mem>>)
    %add3A_20 = arith.constant 0 : i32
    %add3A_21 = arith.addi %mul3A_2, %add3A_20 : i32
    %dma_start3A_22 = arith.constant 2 : i32
    %dma_start3A_23 = arith.constant 0 : i32
    %dma_start3A_24 = tpu.memref_slice %arg2[%dma_start3A_22, %add3A_21, %dma_start3A_23] : memref<4x2048x1024xf32, #tpu.memory_space<hbm>> -> memref<1x16x1024xf32, #tpu.memory_space<hbm>>
    %dma_start3A_25 = tpu.memref_squeeze %dma_start3A_24 : memref<1x16x1024xf32, #tpu.memory_space<hbm>> -> memref<16x1024xf32, #tpu.memory_space<hbm>>
    %dma_start3A_26 = arith.constant 0 : i32
    %dma_start3A_27 = tpu.memref_slice %arg2[%dma_start3A_22, %add3A_21, %dma_start3A_26] : memref<4x2048x1024xf32, #tpu.memory_space<hbm>> -> memref<1x16x1024xf32, #tpu.memory_space<hbm>>
    %dma_start3A_28 = tpu.memref_squeeze %dma_start3A_27 : memref<1x16x1024xf32, #tpu.memory_space<hbm>> -> memref<16x1024xf32, #tpu.memory_space<hbm>>
    tpu.enqueue_dma source(%dma_start3A_28 : memref<16x1024xf32, #tpu.memory_space<hbm>>) target(%arg7 : memref<16x1024xf32, #tpu.memory_space<vmem>>) target_semaphore(%arg13 : memref<!tpu.dma_semaphore, #tpu.memory_space<semaphore_mem>>)
    %add3A_29 = arith.constant 0 : i32
    %add3A_30 = arith.addi %mul3A_2, %add3A_29 : i32
    %dma_start3A_31 = arith.constant 0 : i32
    %dma_start3A_32 = tpu.memref_slice %arg3[%add3A_30, %dma_start3A_31] : memref<4097x1024xf32, #tpu.memory_space<hbm>> -> memref<16x1024xf32, #tpu.memory_space<hbm>>
    %dma_start3A_33 = arith.constant 0 : i32
    %dma_start3A_34 = tpu.memref_slice %arg3[%add3A_30, %dma_start3A_33] : memref<4097x1024xf32, #tpu.memory_space<hbm>> -> memref<16x1024xf32, #tpu.memory_space<hbm>>
    tpu.enqueue_dma source(%dma_start3A_34 : memref<16x1024xf32, #tpu.memory_space<hbm>>) target(%arg9 : memref<16x1024xf32, #tpu.memory_space<vmem>>) target_semaphore(%arg19 : memref<!tpu.dma_semaphore, #tpu.memory_space<semaphore_mem>>)
    %add3A_35 = arith.constant 16 : i32
    %add3A_36 = arith.addi %mul3A_2, %add3A_35 : i32
    %dma_start3A_37 = arith.constant 0 : i32
    %dma_start3A_38 = tpu.memref_slice %arg3[%add3A_36, %dma_start3A_37] : memref<4097x1024xf32, #tpu.memory_space<hbm>> -> memref<16x1024xf32, #tpu.memory_space<hbm>>
    %dma_start3A_39 = arith.constant 0 : i32
    %dma_start3A_40 = tpu.memref_slice %arg3[%add3A_36, %dma_start3A_39] : memref<4097x1024xf32, #tpu.memory_space<hbm>> -> memref<16x1024xf32, #tpu.memory_space<hbm>>
    tpu.enqueue_dma source(%dma_start3A_40 : memref<16x1024xf32, #tpu.memory_space<hbm>>) target(%arg10 : memref<16x1024xf32, #tpu.memory_space<vmem>>) target_semaphore(%arg20 : memref<!tpu.dma_semaphore, #tpu.memory_space<semaphore_mem>>)
    %add3A_41 = arith.constant 0 : i32
    %add3A_42 = arith.addi %mul3A_2, %add3A_41 : i32
    %dma_start3A_43 = arith.constant 3 : i32
    %dma_start3A_44 = arith.constant 0 : i32
    %dma_start3A_45 = tpu.memref_slice %arg2[%dma_start3A_43, %add3A_42, %dma_start3A_44] : memref<4x2048x1024xf32, #tpu.memory_space<hbm>> -> memref<1x16x1024xf32, #tpu.memory_space<hbm>>
    %dma_start3A_46 = tpu.memref_squeeze %dma_start3A_45 : memref<1x16x1024xf32, #tpu.memory_space<hbm>> -> memref<16x1024xf32, #tpu.memory_space<hbm>>
    %dma_start3A_47 = arith.constant 0 : i32
    %dma_start3A_48 = tpu.memref_slice %arg2[%dma_start3A_43, %add3A_42, %dma_start3A_47] : memref<4x2048x1024xf32, #tpu.memory_space<hbm>> -> memref<1x16x1024xf32, #tpu.memory_space<hbm>>
    %dma_start3A_49 = tpu.memref_squeeze %dma_start3A_48 : memref<1x16x1024xf32, #tpu.memory_space<hbm>> -> memref<16x1024xf32, #tpu.memory_space<hbm>>
    tpu.enqueue_dma source(%dma_start3A_49 : memref<16x1024xf32, #tpu.memory_space<hbm>>) target(%arg8 : memref<16x1024xf32, #tpu.memory_space<vmem>>) target_semaphore(%arg14 : memref<!tpu.dma_semaphore, #tpu.memory_space<semaphore_mem>>)
    %add3A_50 = arith.constant 0 : i32
    %add3A_51 = arith.addi %mul3A_2, %add3A_50 : i32
    %dma_wait3A = arith.constant 0 : i32
    %dma_wait3A_52 = arith.constant 0 : i32
    %dma_wait3A_53 = tpu.memref_slice %arg2[%dma_wait3A, %add3A_51, %dma_wait3A_52] : memref<4x2048x1024xf32, #tpu.memory_space<hbm>> -> memref<1x16x1024xf32, #tpu.memory_space<hbm>>
    %dma_wait3A_54 = tpu.memref_squeeze %dma_wait3A_53 : memref<1x16x1024xf32, #tpu.memory_space<hbm>> -> memref<16x1024xf32, #tpu.memory_space<hbm>>
    %dma_wait3A_55 = arith.constant 0 : i32
    %dma_wait3A_56 = tpu.memref_slice %arg2[%dma_wait3A, %add3A_51, %dma_wait3A_55] : memref<4x2048x1024xf32, #tpu.memory_space<hbm>> -> memref<1x16x1024xf32, #tpu.memory_space<hbm>>
    %dma_wait3A_57 = tpu.memref_squeeze %dma_wait3A_56 : memref<1x16x1024xf32, #tpu.memory_space<hbm>> -> memref<16x1024xf32, #tpu.memory_space<hbm>>
    tpu.wait_dma2 semaphore(%arg11 : memref<!tpu.dma_semaphore, #tpu.memory_space<semaphore_mem>>) src(%dma_wait3A_57 : memref<16x1024xf32, #tpu.memory_space<hbm>>) dst(%arg5 : memref<16x1024xf32, #tpu.memory_space<vmem>>)
    %add3A_58 = arith.constant 0 : i32
    %add3A_59 = arith.addi %mul3A_2, %add3A_58 : i32
    %dma_wait3A_60 = arith.constant 0 : i32
    %dma_wait3A_61 = tpu.memref_slice %arg3[%add3A_59, %dma_wait3A_60] : memref<4097x1024xf32, #tpu.memory_space<hbm>> -> memref<16x1024xf32, #tpu.memory_space<hbm>>
    %dma_wait3A_62 = arith.constant 0 : i32
    %dma_wait3A_63 = tpu.memref_slice %arg3[%add3A_59, %dma_wait3A_62] : memref<4097x1024xf32, #tpu.memory_space<hbm>> -> memref<16x1024xf32, #tpu.memory_space<hbm>>
    tpu.wait_dma2 semaphore(%arg19 : memref<!tpu.dma_semaphore, #tpu.memory_space<semaphore_mem>>) src(%dma_wait3A_63 : memref<16x1024xf32, #tpu.memory_space<hbm>>) dst(%arg9 : memref<16x1024xf32, #tpu.memory_space<vmem>>)
    %parallel_loop3A = arith.constant 0 : i32
    %parallel_loop3A_64 = arith.constant 8192 : i32
    %parallel_loop3A_65 = arith.constant 16 : i32
    scf.for %parallel_loop3A_1111 = %parallel_loop3A to %parallel_loop3A_64 step %parallel_loop3A_65  : i32 {
      %parallel_loop3A_1112 = arith.constant 1024 : i32
      %parallel_loop3A_1113 = arith.divsi %parallel_loop3A_1111, %parallel_loop3A_1112 : i32
      %parallel_loop3A_1114 = arith.constant 0 : i32
      %parallel_loop3A_1115 = arith.cmpi sgt, %parallel_loop3A_1111, %parallel_loop3A_1114 : i32
      %parallel_loop3A_1116 = arith.extui %parallel_loop3A_1115 : i1 to i32
      %parallel_loop3A_1117 = arith.constant 0 : i32
      %parallel_loop3A_1118 = arith.cmpi slt, %parallel_loop3A_1111, %parallel_loop3A_1117 : i32
      %parallel_loop3A_1119 = arith.extui %parallel_loop3A_1118 : i1 to i32
      %parallel_loop3A_1120 = arith.subi %parallel_loop3A_1116, %parallel_loop3A_1119 : i32
      %parallel_loop3A_1121 = arith.constant 0 : i32
      %parallel_loop3A_1122 = arith.cmpi sgt, %parallel_loop3A_1112, %parallel_loop3A_1121 : i32
      %parallel_loop3A_1123 = arith.extui %parallel_loop3A_1122 : i1 to i32
      %parallel_loop3A_1124 = arith.constant 0 : i32
      %parallel_loop3A_1125 = arith.cmpi slt, %parallel_loop3A_1112, %parallel_loop3A_1124 : i32
      %parallel_loop3A_1126 = arith.extui %parallel_loop3A_1125 : i1 to i32
      %parallel_loop3A_1127 = arith.subi %parallel_loop3A_1123, %parallel_loop3A_1126 : i32
      %parallel_loop3A_1128 = arith.cmpi ne, %parallel_loop3A_1120, %parallel_loop3A_1127 : i32
      %parallel_loop3A_1129 = arith.remsi %parallel_loop3A_1111, %parallel_loop3A_1112 : i32
      %parallel_loop3A_1130 = arith.constant 0 : i32
      %parallel_loop3A_1131 = arith.cmpi ne, %parallel_loop3A_1129, %parallel_loop3A_1130 : i32
      %parallel_loop3A_1132 = arith.andi %parallel_loop3A_1128, %parallel_loop3A_1131 : i1
      %parallel_loop3A_1133 = arith.constant 1 : i32
      %parallel_loop3A_1134 = arith.subi %parallel_loop3A_1113, %parallel_loop3A_1133 : i32
      %parallel_loop3A_1135 = arith.select %parallel_loop3A_1132, %parallel_loop3A_1134, %parallel_loop3A_1113 : i32
      %parallel_loop3A_1136 = arith.constant 1024 : i32
      %parallel_loop3A_1137 = arith.constant 0 : i32
      %parallel_loop3A_1138 = arith.cmpi eq, %parallel_loop3A_1136, %parallel_loop3A_1137 : i32
      %parallel_loop3A_1139 = arith.constant 1 : i32
      %parallel_loop3A_1140 = arith.select %parallel_loop3A_1138, %parallel_loop3A_1139, %parallel_loop3A_1136 : i32
      %parallel_loop3A_1141 = arith.remsi %parallel_loop3A_1111, %parallel_loop3A_1140 : i32
      %parallel_loop3A_1142 = arith.constant 0 : i32
      %parallel_loop3A_1143 = arith.cmpi ne, %parallel_loop3A_1141, %parallel_loop3A_1142 : i32
      %parallel_loop3A_1144 = arith.constant 0 : i32
      %parallel_loop3A_1145 = arith.cmpi slt, %parallel_loop3A_1141, %parallel_loop3A_1144 : i32
      %parallel_loop3A_1146 = arith.constant 0 : i32
      %parallel_loop3A_1147 = arith.cmpi slt, %parallel_loop3A_1140, %parallel_loop3A_1146 : i32
      %parallel_loop3A_1148 = arith.xori %parallel_loop3A_1145, %parallel_loop3A_1147 : i1
      %parallel_loop3A_1149 = arith.andi %parallel_loop3A_1148, %parallel_loop3A_1143 : i1
      %parallel_loop3A_1150 = arith.addi %parallel_loop3A_1141, %parallel_loop3A_1140 : i32
      %parallel_loop3A_1151 = arith.select %parallel_loop3A_1149, %parallel_loop3A_1150, %parallel_loop3A_1141 : i32
      %parallel_loop3A_1152 = arith.index_cast %parallel_loop3A_1135 : i32 to index
      %parallel_loop3A_1153 = arith.index_cast %parallel_loop3A_1151 : i32 to index
      %parallel_loop3A_1154 = tpu.vector_load %arg9[%parallel_loop3A_1152, %parallel_loop3A_1153] {strides = array<i32>} : memref<16x1024xf32, #tpu.memory_space<vmem>>, vector<1x16xf32>,
      %parallel_loop3A_1155 = vector.shape_cast %parallel_loop3A_1154 : vector<1x16xf32> to vector<16xf32>
      %parallel_loop3A_1156 = arith.index_cast %parallel_loop3A_1135 : i32 to index
      %parallel_loop3A_1157 = arith.index_cast %parallel_loop3A_1151 : i32 to index
      %parallel_loop3A_1158 = tpu.vector_load %arg5[%parallel_loop3A_1156, %parallel_loop3A_1157] {strides = array<i32>} : memref<16x1024xf32, #tpu.memory_space<vmem>>, vector<1x16xf32>,
      %parallel_loop3A_1159 = vector.shape_cast %parallel_loop3A_1158 : vector<1x16xf32> to vector<16xf32>
      %parallel_loop3A_1160 = vector.shape_cast %parallel_loop3A_1155 : vector<16xf32> to vector<1x16xf32>
      tpu.vector_store %arg5[%parallel_loop3A_1156, %parallel_loop3A_1157], %parallel_loop3A_1160 {add = true, strides = array<i32>} : memref<16x1024xf32, #tpu.memory_space<vmem>>, vector<1x16xf32>,
    } {sc.loop_unroll_factor = 8 : i64, sc.parallel_access}
    %add3A_66 = arith.constant 0 : i32
    %add3A_67 = arith.addi %mul3A_2, %add3A_66 : i32
    %add3A_68 = arith.constant 0 : i32
    %add3A_69 = arith.addi %add3A_67, %add3A_68 : i32
    %dma_start3A_70 = arith.constant 0 : i32
    %dma_start3A_71 = arith.constant 0 : i32
    %dma_start3A_72 = arith.constant 0 : i32
    %dma_start3A_73 = tpu.memref_slice %arg5[%dma_start3A_71, %dma_start3A_72] : memref<16x1024xf32, #tpu.memory_space<vmem>> -> memref<8x1024xf32, #tpu.memory_space<vmem>>
    %dma_start3A_74 = arith.constant 0 : i32
    %dma_start3A_75 = tpu.memref_slice %arg4[%dma_start3A_70, %add3A_69, %dma_start3A_74] : memref<4x2048x1024xf32, #tpu.memory_space<hbm>> -> memref<1x8x1024xf32, #tpu.memory_space<hbm>>
    %dma_start3A_76 = tpu.memref_squeeze %dma_start3A_75 : memref<1x8x1024xf32, #tpu.memory_space<hbm>> -> memref<8x1024xf32, #tpu.memory_space<hbm>>
    %dma_start3A_77 = arith.constant 0 : i32
    %dma_start3A_78 = tpu.memref_slice %arg4[%dma_start3A_70, %add3A_69, %dma_start3A_77] : memref<4x2048x1024xf32, #tpu.memory_space<hbm>> -> memref<1x8x1024xf32, #tpu.memory_space<hbm>>
    %dma_start3A_79 = tpu.memref_squeeze %dma_start3A_78 : memref<1x8x1024xf32, #tpu.memory_space<hbm>> -> memref<8x1024xf32, #tpu.memory_space<hbm>>
    %dma_start3A_80 = arith.constant 0 : i32
    %dma_start3A_81 = arith.constant 0 : i32
    %dma_start3A_82 = tpu.memref_slice %arg5[%dma_start3A_80, %dma_start3A_81] : memref<16x1024xf32, #tpu.memory_space<vmem>> -> memref<8x1024xf32, #tpu.memory_space<vmem>>
    tpu.enqueue_dma source(%dma_start3A_82 : memref<8x1024xf32, #tpu.memory_space<vmem>>) target(%dma_start3A_79 : memref<8x1024xf32, #tpu.memory_space<hbm>>) target_semaphore(%arg15 : memref<!tpu.dma_semaphore, #tpu.memory_space<semaphore_mem>>)
    %parallel_loop3A_83 = arith.constant 8192 : i32
    %parallel_loop3A_84 = arith.constant 16384 : i32
    %parallel_loop3A_85 = arith.constant 16 : i32
    scf.for %parallel_loop3A_1111 = %parallel_loop3A_83 to %parallel_loop3A_84 step %parallel_loop3A_85  : i32 {
      %parallel_loop3A_1112 = arith.constant 1024 : i32
      %parallel_loop3A_1113 = arith.divsi %parallel_loop3A_1111, %parallel_loop3A_1112 : i32
      %parallel_loop3A_1114 = arith.constant 0 : i32
      %parallel_loop3A_1115 = arith.cmpi sgt, %parallel_loop3A_1111, %parallel_loop3A_1114 : i32
      %parallel_loop3A_1116 = arith.extui %parallel_loop3A_1115 : i1 to i32
      %parallel_loop3A_1117 = arith.constant 0 : i32
      %parallel_loop3A_1118 = arith.cmpi slt, %parallel_loop3A_1111, %parallel_loop3A_1117 : i32
      %parallel_loop3A_1119 = arith.extui %parallel_loop3A_1118 : i1 to i32
      %parallel_loop3A_1120 = arith.subi %parallel_loop3A_1116, %parallel_loop3A_1119 : i32
      %parallel_loop3A_1121 = arith.constant 0 : i32
      %parallel_loop3A_1122 = arith.cmpi sgt, %parallel_loop3A_1112, %parallel_loop3A_1121 : i32
      %parallel_loop3A_1123 = arith.extui %parallel_loop3A_1122 : i1 to i32
      %parallel_loop3A_1124 = arith.constant 0 : i32
      %parallel_loop3A_1125 = arith.cmpi slt, %parallel_loop3A_1112, %parallel_loop3A_1124 : i32
      %parallel_loop3A_1126 = arith.extui %parallel_loop3A_1125 : i1 to i32
      %parallel_loop3A_1127 = arith.subi %parallel_loop3A_1123, %parallel_loop3A_1126 : i32
      %parallel_loop3A_1128 = arith.cmpi ne, %parallel_loop3A_1120, %parallel_loop3A_1127 : i32
      %parallel_loop3A_1129 = arith.remsi %parallel_loop3A_1111, %parallel_loop3A_1112 : i32
      %parallel_loop3A_1130 = arith.constant 0 : i32
      %parallel_loop3A_1131 = arith.cmpi ne, %parallel_loop3A_1129, %parallel_loop3A_1130 : i32
      %parallel_loop3A_1132 = arith.andi %parallel_loop3A_1128, %parallel_loop3A_1131 : i1
      %parallel_loop3A_1133 = arith.constant 1 : i32
      %parallel_loop3A_1134 = arith.subi %parallel_loop3A_1113, %parallel_loop3A_1133 : i32
      %parallel_loop3A_1135 = arith.select %parallel_loop3A_1132, %parallel_loop3A_1134, %parallel_loop3A_1113 : i32
      %parallel_loop3A_1136 = arith.constant 1024 : i32
      %parallel_loop3A_1137 = arith.constant 0 : i32
      %parallel_loop3A_1138 = arith.cmpi eq, %parallel_loop3A_1136, %parallel_loop3A_1137 : i32
      %parallel_loop3A_1139 = arith.constant 1 : i32
      %parallel_loop3A_1140 = arith.select %parallel_loop3A_1138, %parallel_loop3A_1139, %parallel_loop3A_1136 : i32
      %parallel_loop3A_1141 = arith.remsi %parallel_loop3A_1111, %parallel_loop3A_1140 : i32
      %parallel_loop3A_1142 = arith.constant 0 : i32
      %parallel_loop3A_1143 = arith.cmpi ne, %parallel_loop3A_1141, %parallel_loop3A_1142 : i32
      %parallel_loop3A_1144 = arith.constant 0 : i32
      %parallel_loop3A_1145 = arith.cmpi slt, %parallel_loop3A_1141, %parallel_loop3A_1144 : i32
      %parallel_loop3A_1146 = arith.constant 0 : i32
      %parallel_loop3A_1147 = arith.cmpi slt, %parallel_loop3A_1140, %parallel_loop3A_1146 : i32
      %parallel_loop3A_1148 = arith.xori %parallel_loop3A_1145, %parallel_loop3A_1147 : i1
      %parallel_loop3A_1149 = arith.andi %parallel_loop3A_1148, %parallel_loop3A_1143 : i1
      %parallel_loop3A_1150 = arith.addi %parallel_loop3A_1141, %parallel_loop3A_1140 : i32
      %parallel_loop3A_1151 = arith.select %parallel_loop3A_1149, %parallel_loop3A_1150, %parallel_loop3A_1141 : i32
      %parallel_loop3A_1152 = arith.index_cast %parallel_loop3A_1135 : i32 to index
      %parallel_loop3A_1153 = arith.index_cast %parallel_loop3A_1151 : i32 to index
      %parallel_loop3A_1154 = tpu.vector_load %arg9[%parallel_loop3A_1152, %parallel_loop3A_1153] {strides = array<i32>} : memref<16x1024xf32, #tpu.memory_space<vmem>>, vector<1x16xf32>,
      %parallel_loop3A_1155 = vector.shape_cast %parallel_loop3A_1154 : vector<1x16xf32> to vector<16xf32>
      %parallel_loop3A_1156 = arith.index_cast %parallel_loop3A_1135 : i32 to index
      %parallel_loop3A_1157 = arith.index_cast %parallel_loop3A_1151 : i32 to index
      %parallel_loop3A_1158 = tpu.vector_load %arg5[%parallel_loop3A_1156, %parallel_loop3A_1157] {strides = array<i32>} : memref<16x1024xf32, #tpu.memory_space<vmem>>, vector<1x16xf32>,
      %parallel_loop3A_1159 = vector.shape_cast %parallel_loop3A_1158 : vector<1x16xf32> to vector<16xf32>
      %parallel_loop3A_1160 = vector.shape_cast %parallel_loop3A_1155 : vector<16xf32> to vector<1x16xf32>
      tpu.vector_store %arg5[%parallel_loop3A_1156, %parallel_loop3A_1157], %parallel_loop3A_1160 {add = true, strides = array<i32>} : memref<16x1024xf32, #tpu.memory_space<vmem>>, vector<1x16xf32>,
    } {sc.loop_unroll_factor = 8 : i64, sc.parallel_access}
    %add3A_86 = arith.constant 0 : i32
    %add3A_87 = arith.addi %mul3A_2, %add3A_86 : i32
    %add3A_88 = arith.constant 8 : i32
    %add3A_89 = arith.addi %add3A_87, %add3A_88 : i32
    %dma_start3A_90 = arith.constant 0 : i32
    %dma_start3A_91 = arith.constant 8 : i32
    %dma_start3A_92 = arith.constant 0 : i32
    %dma_start3A_93 = tpu.memref_slice %arg5[%dma_start3A_91, %dma_start3A_92] : memref<16x1024xf32, #tpu.memory_space<vmem>> -> memref<8x1024xf32, #tpu.memory_space<vmem>>
    %dma_start3A_94 = arith.constant 0 : i32
    %dma_start3A_95 = tpu.memref_slice %arg4[%dma_start3A_90, %add3A_89, %dma_start3A_94] : memref<4x2048x1024xf32, #tpu.memory_space<hbm>> -> memref<1x8x1024xf32, #tpu.memory_space<hbm>>
    %dma_start3A_96 = tpu.memref_squeeze %dma_start3A_95 : memref<1x8x1024xf32, #tpu.memory_space<hbm>> -> memref<8x1024xf32, #tpu.memory_space<hbm>>
    %dma_start3A_97 = arith.constant 0 : i32
    %dma_start3A_98 = tpu.memref_slice %arg4[%dma_start3A_90, %add3A_89, %dma_start3A_97] : memref<4x2048x1024xf32, #tpu.memory_space<hbm>> -> memref<1x8x1024xf32, #tpu.memory_space<hbm>>
    %dma_start3A_99 = tpu.memref_squeeze %dma_start3A_98 : memref<1x8x1024xf32, #tpu.memory_space<hbm>> -> memref<8x1024xf32, #tpu.memory_space<hbm>>
    %dma_start3A_100 = arith.constant 8 : i32
    %dma_start3A_101 = arith.constant 0 : i32
    %dma_start3A_102 = tpu.memref_slice %arg5[%dma_start3A_100, %dma_start3A_101] : memref<16x1024xf32, #tpu.memory_space<vmem>> -> memref<8x1024xf32, #tpu.memory_space<vmem>>
    tpu.enqueue_dma source(%dma_start3A_102 : memref<8x1024xf32, #tpu.memory_space<vmem>>) target(%dma_start3A_99 : memref<8x1024xf32, #tpu.memory_space<hbm>>) target_semaphore(%arg15 : memref<!tpu.dma_semaphore, #tpu.memory_space<semaphore_mem>>)
    %add3A_103 = arith.constant 0 : i32
    %add3A_104 = arith.addi %mul3A_2, %add3A_103 : i32
    %dma_wait3A_105 = arith.constant 0 : i32
    %dma_wait3A_106 = arith.constant 0 : i32
    %dma_wait3A_107 = tpu.memref_slice %arg4[%dma_wait3A_105, %add3A_104, %dma_wait3A_106] : memref<4x2048x1024xf32, #tpu.memory_space<hbm>> -> memref<1x16x1024xf32, #tpu.memory_space<hbm>>
    %dma_wait3A_108 = tpu.memref_squeeze %dma_wait3A_107 : memref<1x16x1024xf32, #tpu.memory_space<hbm>> -> memref<16x1024xf32, #tpu.memory_space<hbm>>
    %dma_wait3A_109 = arith.constant 0 : i32
    %dma_wait3A_110 = tpu.memref_slice %arg4[%dma_wait3A_105, %add3A_104, %dma_wait3A_109] : memref<4x2048x1024xf32, #tpu.memory_space<hbm>> -> memref<1x16x1024xf32, #tpu.memory_space<hbm>>
    %dma_wait3A_111 = tpu.memref_squeeze %dma_wait3A_110 : memref<1x16x1024xf32, #tpu.memory_space<hbm>> -> memref<16x1024xf32, #tpu.memory_space<hbm>>
    tpu.wait_dma2 semaphore(%arg15 : memref<!tpu.dma_semaphore, #tpu.memory_space<semaphore_mem>>) src(%arg5 : memref<16x1024xf32, #tpu.memory_space<vmem>>) dst(%dma_wait3A_111 : memref<16x1024xf32, #tpu.memory_space<hbm>>)
    %add3A_112 = arith.constant 16 : i32
    %add3A_113 = arith.addi %mul3A_2, %add3A_112 : i32
    %dma_start3A_114 = arith.constant 0 : i32
    %dma_start3A_115 = arith.constant 0 : i32
    %dma_start3A_116 = tpu.memref_slice %arg2[%dma_start3A_114, %add3A_113, %dma_start3A_115] : memref<4x2048x1024xf32, #tpu.memory_space<hbm>> -> memref<1x16x1024xf32, #tpu.memory_space<hbm>>
    %dma_start3A_117 = tpu.memref_squeeze %dma_start3A_116 : memref<1x16x1024xf32, #tpu.memory_space<hbm>> -> memref<16x1024xf32, #tpu.memory_space<hbm>>
    %dma_start3A_118 = arith.constant 0 : i32
    %dma_start3A_119 = tpu.memref_slice %arg2[%dma_start3A_114, %add3A_113, %dma_start3A_118] : memref<4x2048x1024xf32, #tpu.memory_space<hbm>> -> memref<1x16x1024xf32, #tpu.memory_space<hbm>>
    %dma_start3A_120 = tpu.memref_squeeze %dma_start3A_119 : memref<1x16x1024xf32, #tpu.memory_space<hbm>> -> memref<16x1024xf32, #tpu.memory_space<hbm>>
    tpu.enqueue_dma source(%dma_start3A_120 : memref<16x1024xf32, #tpu.memory_space<hbm>>) target(%arg5 : memref<16x1024xf32, #tpu.memory_space<vmem>>) target_semaphore(%arg11 : memref<!tpu.dma_semaphore, #tpu.memory_space<semaphore_mem>>)
    %add3A_121 = arith.constant 0 : i32
    %add3A_122 = arith.addi %mul3A_2, %add3A_121 : i32
    %dma_wait3A_123 = arith.constant 1 : i32
    %dma_wait3A_124 = arith.constant 0 : i32
    %dma_wait3A_125 = tpu.memref_slice %arg2[%dma_wait3A_123, %add3A_122, %dma_wait3A_124] : memref<4x2048x1024xf32, #tpu.memory_space<hbm>> -> memref<1x16x1024xf32, #tpu.memory_space<hbm>>
    %dma_wait3A_126 = tpu.memref_squeeze %dma_wait3A_125 : memref<1x16x1024xf32, #tpu.memory_space<hbm>> -> memref<16x1024xf32, #tpu.memory_space<hbm>>
    %dma_wait3A_127 = arith.constant 0 : i32
    %dma_wait3A_128 = tpu.memref_slice %arg2[%dma_wait3A_123, %add3A_122, %dma_wait3A_127] : memref<4x2048x1024xf32, #tpu.memory_space<hbm>> -> memref<1x16x1024xf32, #tpu.memory_space<hbm>>
    %dma_wait3A_129 = tpu.memref_squeeze %dma_wait3A_128 : memref<1x16x1024xf32, #tpu.memory_space<hbm>> -> memref<16x1024xf32, #tpu.memory_space<hbm>>
    tpu.wait_dma2 semaphore(%arg12 : memref<!tpu.dma_semaphore, #tpu.memory_space<semaphore_mem>>) src(%dma_wait3A_129 : memref<16x1024xf32, #tpu.memory_space<hbm>>) dst(%arg6 : memref<16x1024xf32, #tpu.memory_space<vmem>>)
    %parallel_loop3A_130 = arith.constant 0 : i32
    %parallel_loop3A_131 = arith.constant 8192 : i32
    %parallel_loop3A_132 = arith.constant 16 : i32
    scf.for %parallel_loop3A_1111 = %parallel_loop3A_130 to %parallel_loop3A_131 step %parallel_loop3A_132  : i32 {
      %parallel_loop3A_1112 = arith.constant 1024 : i32
      %parallel_loop3A_1113 = arith.divsi %parallel_loop3A_1111, %parallel_loop3A_1112 : i32
      %parallel_loop3A_1114 = arith.constant 0 : i32
      %parallel_loop3A_1115 = arith.cmpi sgt, %parallel_loop3A_1111, %parallel_loop3A_1114 : i32
      %parallel_loop3A_1116 = arith.extui %parallel_loop3A_1115 : i1 to i32
      %parallel_loop3A_1117 = arith.constant 0 : i32
      %parallel_loop3A_1118 = arith.cmpi slt, %parallel_loop3A_1111, %parallel_loop3A_1117 : i32
      %parallel_loop3A_1119 = arith.extui %parallel_loop3A_1118 : i1 to i32
      %parallel_loop3A_1120 = arith.subi %parallel_loop3A_1116, %parallel_loop3A_1119 : i32
      %parallel_loop3A_1121 = arith.constant 0 : i32
      %parallel_loop3A_1122 = arith.cmpi sgt, %parallel_loop3A_1112, %parallel_loop3A_1121 : i32
      %parallel_loop3A_1123 = arith.extui %parallel_loop3A_1122 : i1 to i32
      %parallel_loop3A_1124 = arith.constant 0 : i32
      %parallel_loop3A_1125 = arith.cmpi slt, %parallel_loop3A_1112, %parallel_loop3A_1124 : i32
      %parallel_loop3A_1126 = arith.extui %parallel_loop3A_1125 : i1 to i32
      %parallel_loop3A_1127 = arith.subi %parallel_loop3A_1123, %parallel_loop3A_1126 : i32
      %parallel_loop3A_1128 = arith.cmpi ne, %parallel_loop3A_1120, %parallel_loop3A_1127 : i32
      %parallel_loop3A_1129 = arith.remsi %parallel_loop3A_1111, %parallel_loop3A_1112 : i32
      %parallel_loop3A_1130 = arith.constant 0 : i32
      %parallel_loop3A_1131 = arith.cmpi ne, %parallel_loop3A_1129, %parallel_loop3A_1130 : i32
      %parallel_loop3A_1132 = arith.andi %parallel_loop3A_1128, %parallel_loop3A_1131 : i1
      %parallel_loop3A_1133 = arith.constant 1 : i32
      %parallel_loop3A_1134 = arith.subi %parallel_loop3A_1113, %parallel_loop3A_1133 : i32
      %parallel_loop3A_1135 = arith.select %parallel_loop3A_1132, %parallel_loop3A_1134, %parallel_loop3A_1113 : i32
      %parallel_loop3A_1136 = arith.constant 1024 : i32
      %parallel_loop3A_1137 = arith.constant 0 : i32
      %parallel_loop3A_1138 = arith.cmpi eq, %parallel_loop3A_1136, %parallel_loop3A_1137 : i32
      %parallel_loop3A_1139 = arith.constant 1 : i32
      %parallel_loop3A_1140 = arith.select %parallel_loop3A_1138, %parallel_loop3A_1139, %parallel_loop3A_1136 : i32
      %parallel_loop3A_1141 = arith.remsi %parallel_loop3A_1111, %parallel_loop3A_1140 : i32
      %parallel_loop3A_1142 = arith.constant 0 : i32
      %parallel_loop3A_1143 = arith.cmpi ne, %parallel_loop3A_1141, %parallel_loop3A_1142 : i32
      %parallel_loop3A_1144 = arith.constant 0 : i32
      %parallel_loop3A_1145 = arith.cmpi slt, %parallel_loop3A_1141, %parallel_loop3A_1144 : i32
      %parallel_loop3A_1146 = arith.constant 0 : i32
      %parallel_loop3A_1147 = arith.cmpi slt, %parallel_loop3A_1140, %parallel_loop3A_1146 : i32
      %parallel_loop3A_1148 = arith.xori %parallel_loop3A_1145, %parallel_loop3A_1147 : i1
      %parallel_loop3A_1149 = arith.andi %parallel_loop3A_1148, %parallel_loop3A_1143 : i1
      %parallel_loop3A_1150 = arith.addi %parallel_loop3A_1141, %parallel_loop3A_1140 : i32
      %parallel_loop3A_1151 = arith.select %parallel_loop3A_1149, %parallel_loop3A_1150, %parallel_loop3A_1141 : i32
      %parallel_loop3A_1152 = arith.index_cast %parallel_loop3A_1135 : i32 to index
      %parallel_loop3A_1153 = arith.index_cast %parallel_loop3A_1151 : i32 to index
      %parallel_loop3A_1154 = tpu.vector_load %arg9[%parallel_loop3A_1152, %parallel_loop3A_1153] {strides = array<i32>} : memref<16x1024xf32, #tpu.memory_space<vmem>>, vector<1x16xf32>,
      %parallel_loop3A_1155 = vector.shape_cast %parallel_loop3A_1154 : vector<1x16xf32> to vector<16xf32>
      %parallel_loop3A_1156 = arith.index_cast %parallel_loop3A_1135 : i32 to index
      %parallel_loop3A_1157 = arith.index_cast %parallel_loop3A_1151 : i32 to index
      %parallel_loop3A_1158 = tpu.vector_load %arg6[%parallel_loop3A_1156, %parallel_loop3A_1157] {strides = array<i32>} : memref<16x1024xf32, #tpu.memory_space<vmem>>, vector<1x16xf32>,
      %parallel_loop3A_1159 = vector.shape_cast %parallel_loop3A_1158 : vector<1x16xf32> to vector<16xf32>
      %parallel_loop3A_1160 = vector.shape_cast %parallel_loop3A_1155 : vector<16xf32> to vector<1x16xf32>
      tpu.vector_store %arg6[%parallel_loop3A_1156, %parallel_loop3A_1157], %parallel_loop3A_1160 {add = true, strides = array<i32>} : memref<16x1024xf32, #tpu.memory_space<vmem>>, vector<1x16xf32>,
    } {sc.loop_unroll_factor = 8 : i64, sc.parallel_access}
    %add3A_133 = arith.constant 0 : i32
    %add3A_134 = arith.addi %mul3A_2, %add3A_133 : i32
    %add3A_135 = arith.constant 0 : i32
    %add3A_136 = arith.addi %add3A_134, %add3A_135 : i32
    %dma_start3A_137 = arith.constant 1 : i32
    %dma_start3A_138 = arith.constant 0 : i32
    %dma_start3A_139 = arith.constant 0 : i32
    %dma_start3A_140 = tpu.memref_slice %arg6[%dma_start3A_138, %dma_start3A_139] : memref<16x1024xf32, #tpu.memory_space<vmem>> -> memref<8x1024xf32, #tpu.memory_space<vmem>>
    %dma_start3A_141 = arith.constant 0 : i32
    %dma_start3A_142 = tpu.memref_slice %arg4[%dma_start3A_137, %add3A_136, %dma_start3A_141] : memref<4x2048x1024xf32, #tpu.memory_space<hbm>> -> memref<1x8x1024xf32, #tpu.memory_space<hbm>>
    %dma_start3A_143 = tpu.memref_squeeze %dma_start3A_142 : memref<1x8x1024xf32, #tpu.memory_space<hbm>> -> memref<8x1024xf32, #tpu.memory_space<hbm>>
    %dma_start3A_144 = arith.constant 0 : i32
    %dma_start3A_145 = tpu.memref_slice %arg4[%dma_start3A_137, %add3A_136, %dma_start3A_144] : memref<4x2048x1024xf32, #tpu.memory_space<hbm>> -> memref<1x8x1024xf32, #tpu.memory_space<hbm>>
    %dma_start3A_146 = tpu.memref_squeeze %dma_start3A_145 : memref<1x8x1024xf32, #tpu.memory_space<hbm>> -> memref<8x1024xf32, #tpu.memory_space<hbm>>
    %dma_start3A_147 = arith.constant 0 : i32
    %dma_start3A_148 = arith.constant 0 : i32
    %dma_start3A_149 = tpu.memref_slice %arg6[%dma_start3A_147, %dma_start3A_148] : memref<16x1024xf32, #tpu.memory_space<vmem>> -> memref<8x1024xf32, #tpu.memory_space<vmem>>
    tpu.enqueue_dma source(%dma_start3A_149 : memref<8x1024xf32, #tpu.memory_space<vmem>>) target(%dma_start3A_146 : memref<8x1024xf32, #tpu.memory_space<hbm>>) target_semaphore(%arg16 : memref<!tpu.dma_semaphore, #tpu.memory_space<semaphore_mem>>)
    %parallel_loop3A_150 = arith.constant 8192 : i32
    %parallel_loop3A_151 = arith.constant 16384 : i32
    %parallel_loop3A_152 = arith.constant 16 : i32
    scf.for %parallel_loop3A_1111 = %parallel_loop3A_150 to %parallel_loop3A_151 step %parallel_loop3A_152  : i32 {
      %parallel_loop3A_1112 = arith.constant 1024 : i32
      %parallel_loop3A_1113 = arith.divsi %parallel_loop3A_1111, %parallel_loop3A_1112 : i32
      %parallel_loop3A_1114 = arith.constant 0 : i32
      %parallel_loop3A_1115 = arith.cmpi sgt, %parallel_loop3A_1111, %parallel_loop3A_1114 : i32
      %parallel_loop3A_1116 = arith.extui %parallel_loop3A_1115 : i1 to i32
      %parallel_loop3A_1117 = arith.constant 0 : i32
      %parallel_loop3A_1118 = arith.cmpi slt, %parallel_loop3A_1111, %parallel_loop3A_1117 : i32
      %parallel_loop3A_1119 = arith.extui %parallel_loop3A_1118 : i1 to i32
      %parallel_loop3A_1120 = arith.subi %parallel_loop3A_1116, %parallel_loop3A_1119 : i32
      %parallel_loop3A_1121 = arith.constant 0 : i32
      %parallel_loop3A_1122 = arith.cmpi sgt, %parallel_loop3A_1112, %parallel_loop3A_1121 : i32
      %parallel_loop3A_1123 = arith.extui %parallel_loop3A_1122 : i1 to i32
      %parallel_loop3A_1124 = arith.constant 0 : i32
      %parallel_loop3A_1125 = arith.cmpi slt, %parallel_loop3A_1112, %parallel_loop3A_1124 : i32
      %parallel_loop3A_1126 = arith.extui %parallel_loop3A_1125 : i1 to i32
      %parallel_loop3A_1127 = arith.subi %parallel_loop3A_1123, %parallel_loop3A_1126 : i32
      %parallel_loop3A_1128 = arith.cmpi ne, %parallel_loop3A_1120, %parallel_loop3A_1127 : i32
      %parallel_loop3A_1129 = arith.remsi %parallel_loop3A_1111, %parallel_loop3A_1112 : i32
      %parallel_loop3A_1130 = arith.constant 0 : i32
      %parallel_loop3A_1131 = arith.cmpi ne, %parallel_loop3A_1129, %parallel_loop3A_1130 : i32
      %parallel_loop3A_1132 = arith.andi %parallel_loop3A_1128, %parallel_loop3A_1131 : i1
      %parallel_loop3A_1133 = arith.constant 1 : i32
      %parallel_loop3A_1134 = arith.subi %parallel_loop3A_1113, %parallel_loop3A_1133 : i32
      %parallel_loop3A_1135 = arith.select %parallel_loop3A_1132, %parallel_loop3A_1134, %parallel_loop3A_1113 : i32
      %parallel_loop3A_1136 = arith.constant 1024 : i32
      %parallel_loop3A_1137 = arith.constant 0 : i32
      %parallel_loop3A_1138 = arith.cmpi eq, %parallel_loop3A_1136, %parallel_loop3A_1137 : i32
      %parallel_loop3A_1139 = arith.constant 1 : i32
      %parallel_loop3A_1140 = arith.select %parallel_loop3A_1138, %parallel_loop3A_1139, %parallel_loop3A_1136 : i32
      %parallel_loop3A_1141 = arith.remsi %parallel_loop3A_1111, %parallel_loop3A_1140 : i32
      %parallel_loop3A_1142 = arith.constant 0 : i32
      %parallel_loop3A_1143 = arith.cmpi ne, %parallel_loop3A_1141, %parallel_loop3A_1142 : i32
      %parallel_loop3A_1144 = arith.constant 0 : i32
      %parallel_loop3A_1145 = arith.cmpi slt, %parallel_loop3A_1141, %parallel_loop3A_1144 : i32
      %parallel_loop3A_1146 = arith.constant 0 : i32
      %parallel_loop3A_1147 = arith.cmpi slt, %parallel_loop3A_1140, %parallel_loop3A_1146 : i32
      %parallel_loop3A_1148 = arith.xori %parallel_loop3A_1145, %parallel_loop3A_1147 : i1
      %parallel_loop3A_1149 = arith.andi %parallel_loop3A_1148, %parallel_loop3A_1143 : i1
      %parallel_loop3A_1150 = arith.addi %parallel_loop3A_1141, %parallel_loop3A_1140 : i32
      %parallel_loop3A_1151 = arith.select %parallel_loop3A_1149, %parallel_loop3A_1150, %parallel_loop3A_1141 : i32
      %parallel_loop3A_1152 = arith.index_cast %parallel_loop3A_1135 : i32 to index
      %parallel_loop3A_1153 = arith.index_cast %parallel_loop3A_1151 : i32 to index
      %parallel_loop3A_1154 = tpu.vector_load %arg9[%parallel_loop3A_1152, %parallel_loop3A_1153] {strides = array<i32>} : memref<16x1024xf32, #tpu.memory_space<vmem>>, vector<1x16xf32>,
      %parallel_loop3A_1155 = vector.shape_cast %parallel_loop3A_1154 : vector<1x16xf32> to vector<16xf32>
      %parallel_loop3A_1156 = arith.index_cast %parallel_loop3A_1135 : i32 to index
      %parallel_loop3A_1157 = arith.index_cast %parallel_loop3A_1151 : i32 to index
      %parallel_loop3A_1158 = tpu.vector_load %arg6[%parallel_loop3A_1156, %parallel_loop3A_1157] {strides = array<i32>} : memref<16x1024xf32, #tpu.memory_space<vmem>>, vector<1x16xf32>,
      %parallel_loop3A_1159 = vector.shape_cast %parallel_loop3A_1158 : vector<1x16xf32> to vector<16xf32>
      %parallel_loop3A_1160 = vector.shape_cast %parallel_loop3A_1155 : vector<16xf32> to vector<1x16xf32>
      tpu.vector_store %arg6[%parallel_loop3A_1156, %parallel_loop3A_1157], %parallel_loop3A_1160 {add = true, strides = array<i32>} : memref<16x1024xf32, #tpu.memory_space<vmem>>, vector<1x16xf32>,
    } {sc.loop_unroll_factor = 8 : i64, sc.parallel_access}
    %add3A_153 = arith.constant 0 : i32
    %add3A_154 = arith.addi %mul3A_2, %add3A_153 : i32
    %add3A_155 = arith.constant 8 : i32
    %add3A_156 = arith.addi %add3A_154, %add3A_155 : i32
    %dma_start3A_157 = arith.constant 1 : i32
    %dma_start3A_158 = arith.constant 8 : i32
    %dma_start3A_159 = arith.constant 0 : i32
    %dma_start3A_160 = tpu.memref_slice %arg6[%dma_start3A_158, %dma_start3A_159] : memref<16x1024xf32, #tpu.memory_space<vmem>> -> memref<8x1024xf32, #tpu.memory_space<vmem>>
    %dma_start3A_161 = arith.constant 0 : i32
    %dma_start3A_162 = tpu.memref_slice %arg4[%dma_start3A_157, %add3A_156, %dma_start3A_161] : memref<4x2048x1024xf32, #tpu.memory_space<hbm>> -> memref<1x8x1024xf32, #tpu.memory_space<hbm>>
    %dma_start3A_163 = tpu.memref_squeeze %dma_start3A_162 : memref<1x8x1024xf32, #tpu.memory_space<hbm>> -> memref<8x1024xf32, #tpu.memory_space<hbm>>
    %dma_start3A_164 = arith.constant 0 : i32
    %dma_start3A_165 = tpu.memref_slice %arg4[%dma_start3A_157, %add3A_156, %dma_start3A_164] : memref<4x2048x1024xf32, #tpu.memory_space<hbm>> -> memref<1x8x1024xf32, #tpu.memory_space<hbm>>
    %dma_start3A_166 = tpu.memref_squeeze %dma_start3A_165 : memref<1x8x1024xf32, #tpu.memory_space<hbm>> -> memref<8x1024xf32, #tpu.memory_space<hbm>>
    %dma_start3A_167 = arith.constant 8 : i32
    %dma_start3A_168 = arith.constant 0 : i32
    %dma_start3A_169 = tpu.memref_slice %arg6[%dma_start3A_167, %dma_start3A_168] : memref<16x1024xf32, #tpu.memory_space<vmem>> -> memref<8x1024xf32, #tpu.memory_space<vmem>>
    tpu.enqueue_dma source(%dma_start3A_169 : memref<8x1024xf32, #tpu.memory_space<vmem>>) target(%dma_start3A_166 : memref<8x1024xf32, #tpu.memory_space<hbm>>) target_semaphore(%arg16 : memref<!tpu.dma_semaphore, #tpu.memory_space<semaphore_mem>>)
    %add3A_170 = arith.constant 0 : i32
    %add3A_171 = arith.addi %mul3A_2, %add3A_170 : i32
    %dma_wait3A_172 = arith.constant 1 : i32
    %dma_wait3A_173 = arith.constant 0 : i32
    %dma_wait3A_174 = tpu.memref_slice %arg4[%dma_wait3A_172, %add3A_171, %dma_wait3A_173] : memref<4x2048x1024xf32, #tpu.memory_space<hbm>> -> memref<1x16x1024xf32, #tpu.memory_space<hbm>>
    %dma_wait3A_175 = tpu.memref_squeeze %dma_wait3A_174 : memref<1x16x1024xf32, #tpu.memory_space<hbm>> -> memref<16x1024xf32, #tpu.memory_space<hbm>>
    %dma_wait3A_176 = arith.constant 0 : i32
    %dma_wait3A_177 = tpu.memref_slice %arg4[%dma_wait3A_172, %add3A_171, %dma_wait3A_176] : memref<4x2048x1024xf32, #tpu.memory_space<hbm>> -> memref<1x16x1024xf32, #tpu.memory_space<hbm>>
    %dma_wait3A_178 = tpu.memref_squeeze %dma_wait3A_177 : memref<1x16x1024xf32, #tpu.memory_space<hbm>> -> memref<16x1024xf32, #tpu.memory_space<hbm>>
    tpu.wait_dma2 semaphore(%arg16 : memref<!tpu.dma_semaphore, #tpu.memory_space<semaphore_mem>>) src(%arg6 : memref<16x1024xf32, #tpu.memory_space<vmem>>) dst(%dma_wait3A_178 : memref<16x1024xf32, #tpu.memory_space<hbm>>)
    %add3A_179 = arith.constant 16 : i32
    %add3A_180 = arith.addi %mul3A_2, %add3A_179 : i32
    %dma_start3A_181 = arith.constant 1 : i32
    %dma_start3A_182 = arith.constant 0 : i32
    %dma_start3A_183 = tpu.memref_slice %arg2[%dma_start3A_181, %add3A_180, %dma_start3A_182] : memref<4x2048x1024xf32, #tpu.memory_space<hbm>> -> memref<1x16x1024xf32, #tpu.memory_space<hbm>>
    %dma_start3A_184 = tpu.memref_squeeze %dma_start3A_183 : memref<1x16x1024xf32, #tpu.memory_space<hbm>> -> memref<16x1024xf32, #tpu.memory_space<hbm>>
    %dma_start3A_185 = arith.constant 0 : i32
    %dma_start3A_186 = tpu.memref_slice %arg2[%dma_start3A_181, %add3A_180, %dma_start3A_185] : memref<4x2048x1024xf32, #tpu.memory_space<hbm>> -> memref<1x16x1024xf32, #tpu.memory_space<hbm>>
    %dma_start3A_187 = tpu.memref_squeeze %dma_start3A_186 : memref<1x16x1024xf32, #tpu.memory_space<hbm>> -> memref<16x1024xf32, #tpu.memory_space<hbm>>
    tpu.enqueue_dma source(%dma_start3A_187 : memref<16x1024xf32, #tpu.memory_space<hbm>>) target(%arg6 : memref<16x1024xf32, #tpu.memory_space<vmem>>) target_semaphore(%arg12 : memref<!tpu.dma_semaphore, #tpu.memory_space<semaphore_mem>>)
    %add3A_188 = arith.constant 0 : i32
    %add3A_189 = arith.addi %mul3A_2, %add3A_188 : i32
    %dma_wait3A_190 = arith.constant 2 : i32
    %dma_wait3A_191 = arith.constant 0 : i32
    %dma_wait3A_192 = tpu.memref_slice %arg2[%dma_wait3A_190, %add3A_189, %dma_wait3A_191] : memref<4x2048x1024xf32, #tpu.memory_space<hbm>> -> memref<1x16x1024xf32, #tpu.memory_space<hbm>>
    %dma_wait3A_193 = tpu.memref_squeeze %dma_wait3A_192 : memref<1x16x1024xf32, #tpu.memory_space<hbm>> -> memref<16x1024xf32, #tpu.memory_space<hbm>>
    %dma_wait3A_194 = arith.constant 0 : i32
    %dma_wait3A_195 = tpu.memref_slice %arg2[%dma_wait3A_190, %add3A_189, %dma_wait3A_194] : memref<4x2048x1024xf32, #tpu.memory_space<hbm>> -> memref<1x16x1024xf32, #tpu.memory_space<hbm>>
    %dma_wait3A_196 = tpu.memref_squeeze %dma_wait3A_195 : memref<1x16x1024xf32, #tpu.memory_space<hbm>> -> memref<16x1024xf32, #tpu.memory_space<hbm>>
    tpu.wait_dma2 semaphore(%arg13 : memref<!tpu.dma_semaphore, #tpu.memory_space<semaphore_mem>>) src(%dma_wait3A_196 : memref<16x1024xf32, #tpu.memory_space<hbm>>) dst(%arg7 : memref<16x1024xf32, #tpu.memory_space<vmem>>)
    %parallel_loop3A_197 = arith.constant 0 : i32
    %parallel_loop3A_198 = arith.constant 8192 : i32
    %parallel_loop3A_199 = arith.constant 16 : i32
    scf.for %parallel_loop3A_1111 = %parallel_loop3A_197 to %parallel_loop3A_198 step %parallel_loop3A_199  : i32 {
      %parallel_loop3A_1112 = arith.constant 1024 : i32
      %parallel_loop3A_1113 = arith.divsi %parallel_loop3A_1111, %parallel_loop3A_1112 : i32
      %parallel_loop3A_1114 = arith.constant 0 : i32
      %parallel_loop3A_1115 = arith.cmpi sgt, %parallel_loop3A_1111, %parallel_loop3A_1114 : i32
      %parallel_loop3A_1116 = arith.extui %parallel_loop3A_1115 : i1 to i32
      %parallel_loop3A_1117 = arith.constant 0 : i32
      %parallel_loop3A_1118 = arith.cmpi slt, %parallel_loop3A_1111, %parallel_loop3A_1117 : i32
      %parallel_loop3A_1119 = arith.extui %parallel_loop3A_1118 : i1 to i32
      %parallel_loop3A_1120 = arith.subi %parallel_loop3A_1116, %parallel_loop3A_1119 : i32
      %parallel_loop3A_1121 = arith.constant 0 : i32
      %parallel_loop3A_1122 = arith.cmpi sgt, %parallel_loop3A_1112, %parallel_loop3A_1121 : i32
      %parallel_loop3A_1123 = arith.extui %parallel_loop3A_1122 : i1 to i32
      %parallel_loop3A_1124 = arith.constant 0 : i32
      %parallel_loop3A_1125 = arith.cmpi slt, %parallel_loop3A_1112, %parallel_loop3A_1124 : i32
      %parallel_loop3A_1126 = arith.extui %parallel_loop3A_1125 : i1 to i32
      %parallel_loop3A_1127 = arith.subi %parallel_loop3A_1123, %parallel_loop3A_1126 : i32
      %parallel_loop3A_1128 = arith.cmpi ne, %parallel_loop3A_1120, %parallel_loop3A_1127 : i32
      %parallel_loop3A_1129 = arith.remsi %parallel_loop3A_1111, %parallel_loop3A_1112 : i32
      %parallel_loop3A_1130 = arith.constant 0 : i32
      %parallel_loop3A_1131 = arith.cmpi ne, %parallel_loop3A_1129, %parallel_loop3A_1130 : i32
      %parallel_loop3A_1132 = arith.andi %parallel_loop3A_1128, %parallel_loop3A_1131 : i1
      %parallel_loop3A_1133 = arith.constant 1 : i32
      %parallel_loop3A_1134 = arith.subi %parallel_loop3A_1113, %parallel_loop3A_1133 : i32
      %parallel_loop3A_1135 = arith.select %parallel_loop3A_1132, %parallel_loop3A_1134, %parallel_loop3A_1113 : i32
      %parallel_loop3A_1136 = arith.constant 1024 : i32
      %parallel_loop3A_1137 = arith.constant 0 : i32
      %parallel_loop3A_1138 = arith.cmpi eq, %parallel_loop3A_1136, %parallel_loop3A_1137 : i32
      %parallel_loop3A_1139 = arith.constant 1 : i32
      %parallel_loop3A_1140 = arith.select %parallel_loop3A_1138, %parallel_loop3A_1139, %parallel_loop3A_1136 : i32
      %parallel_loop3A_1141 = arith.remsi %parallel_loop3A_1111, %parallel_loop3A_1140 : i32
      %parallel_loop3A_1142 = arith.constant 0 : i32
      %parallel_loop3A_1143 = arith.cmpi ne, %parallel_loop3A_1141, %parallel_loop3A_1142 : i32
      %parallel_loop3A_1144 = arith.constant 0 : i32
      %parallel_loop3A_1145 = arith.cmpi slt, %parallel_loop3A_1141, %parallel_loop3A_1144 : i32
      %parallel_loop3A_1146 = arith.constant 0 : i32
      %parallel_loop3A_1147 = arith.cmpi slt, %parallel_loop3A_1140, %parallel_loop3A_1146 : i32
      %parallel_loop3A_1148 = arith.xori %parallel_loop3A_1145, %parallel_loop3A_1147 : i1
      %parallel_loop3A_1149 = arith.andi %parallel_loop3A_1148, %parallel_loop3A_1143 : i1
      %parallel_loop3A_1150 = arith.addi %parallel_loop3A_1141, %parallel_loop3A_1140 : i32
      %parallel_loop3A_1151 = arith.select %parallel_loop3A_1149, %parallel_loop3A_1150, %parallel_loop3A_1141 : i32
      %parallel_loop3A_1152 = arith.index_cast %parallel_loop3A_1135 : i32 to index
      %parallel_loop3A_1153 = arith.index_cast %parallel_loop3A_1151 : i32 to index
      %parallel_loop3A_1154 = tpu.vector_load %arg9[%parallel_loop3A_1152, %parallel_loop3A_1153] {strides = array<i32>} : memref<16x1024xf32, #tpu.memory_space<vmem>>, vector<1x16xf32>,
      %parallel_loop3A_1155 = vector.shape_cast %parallel_loop3A_1154 : vector<1x16xf32> to vector<16xf32>
      %parallel_loop3A_1156 = arith.index_cast %parallel_loop3A_1135 : i32 to index
      %parallel_loop3A_1157 = arith.index_cast %parallel_loop3A_1151 : i32 to index
      %parallel_loop3A_1158 = tpu.vector_load %arg7[%parallel_loop3A_1156, %parallel_loop3A_1157] {strides = array<i32>} : memref<16x1024xf32, #tpu.memory_space<vmem>>, vector<1x16xf32>,
      %parallel_loop3A_1159 = vector.shape_cast %parallel_loop3A_1158 : vector<1x16xf32> to vector<16xf32>
      %parallel_loop3A_1160 = vector.shape_cast %parallel_loop3A_1155 : vector<16xf32> to vector<1x16xf32>
      tpu.vector_store %arg7[%parallel_loop3A_1156, %parallel_loop3A_1157], %parallel_loop3A_1160 {add = true, strides = array<i32>} : memref<16x1024xf32, #tpu.memory_space<vmem>>, vector<1x16xf32>,
    } {sc.loop_unroll_factor = 8 : i64, sc.parallel_access}
    %add3A_200 = arith.constant 0 : i32
    %add3A_201 = arith.addi %mul3A_2, %add3A_200 : i32
    %add3A_202 = arith.constant 0 : i32
    %add3A_203 = arith.addi %add3A_201, %add3A_202 : i32
    %dma_start3A_204 = arith.constant 2 : i32
    %dma_start3A_205 = arith.constant 0 : i32
    %dma_start3A_206 = arith.constant 0 : i32
    %dma_start3A_207 = tpu.memref_slice %arg7[%dma_start3A_205, %dma_start3A_206] : memref<16x1024xf32, #tpu.memory_space<vmem>> -> memref<8x1024xf32, #tpu.memory_space<vmem>>
    %dma_start3A_208 = arith.constant 0 : i32
    %dma_start3A_209 = tpu.memref_slice %arg4[%dma_start3A_204, %add3A_203, %dma_start3A_208] : memref<4x2048x1024xf32, #tpu.memory_space<hbm>> -> memref<1x8x1024xf32, #tpu.memory_space<hbm>>
    %dma_start3A_210 = tpu.memref_squeeze %dma_start3A_209 : memref<1x8x1024xf32, #tpu.memory_space<hbm>> -> memref<8x1024xf32, #tpu.memory_space<hbm>>
    %dma_start3A_211 = arith.constant 0 : i32
    %dma_start3A_212 = tpu.memref_slice %arg4[%dma_start3A_204, %add3A_203, %dma_start3A_211] : memref<4x2048x1024xf32, #tpu.memory_space<hbm>> -> memref<1x8x1024xf32, #tpu.memory_space<hbm>>
    %dma_start3A_213 = tpu.memref_squeeze %dma_start3A_212 : memref<1x8x1024xf32, #tpu.memory_space<hbm>> -> memref<8x1024xf32, #tpu.memory_space<hbm>>
    %dma_start3A_214 = arith.constant 0 : i32
    %dma_start3A_215 = arith.constant 0 : i32
    %dma_start3A_216 = tpu.memref_slice %arg7[%dma_start3A_214, %dma_start3A_215] : memref<16x1024xf32, #tpu.memory_space<vmem>> -> memref<8x1024xf32, #tpu.memory_space<vmem>>
    tpu.enqueue_dma source(%dma_start3A_216 : memref<8x1024xf32, #tpu.memory_space<vmem>>) target(%dma_start3A_213 : memref<8x1024xf32, #tpu.memory_space<hbm>>) target_semaphore(%arg17 : memref<!tpu.dma_semaphore, #tpu.memory_space<semaphore_mem>>)
    %parallel_loop3A_217 = arith.constant 8192 : i32
    %parallel_loop3A_218 = arith.constant 16384 : i32
    %parallel_loop3A_219 = arith.constant 16 : i32
    scf.for %parallel_loop3A_1111 = %parallel_loop3A_217 to %parallel_loop3A_218 step %parallel_loop3A_219  : i32 {
      %parallel_loop3A_1112 = arith.constant 1024 : i32
      %parallel_loop3A_1113 = arith.divsi %parallel_loop3A_1111, %parallel_loop3A_1112 : i32
      %parallel_loop3A_1114 = arith.constant 0 : i32
      %parallel_loop3A_1115 = arith.cmpi sgt, %parallel_loop3A_1111, %parallel_loop3A_1114 : i32
      %parallel_loop3A_1116 = arith.extui %parallel_loop3A_1115 : i1 to i32
      %parallel_loop3A_1117 = arith.constant 0 : i32
      %parallel_loop3A_1118 = arith.cmpi slt, %parallel_loop3A_1111, %parallel_loop3A_1117 : i32
      %parallel_loop3A_1119 = arith.extui %parallel_loop3A_1118 : i1 to i32
      %parallel_loop3A_1120 = arith.subi %parallel_loop3A_1116, %parallel_loop3A_1119 : i32
      %parallel_loop3A_1121 = arith.constant 0 : i32
      %parallel_loop3A_1122 = arith.cmpi sgt, %parallel_loop3A_1112, %parallel_loop3A_1121 : i32
      %parallel_loop3A_1123 = arith.extui %parallel_loop3A_1122 : i1 to i32
      %parallel_loop3A_1124 = arith.constant 0 : i32
      %parallel_loop3A_1125 = arith.cmpi slt, %parallel_loop3A_1112, %parallel_loop3A_1124 : i32
      %parallel_loop3A_1126 = arith.extui %parallel_loop3A_1125 : i1 to i32
      %parallel_loop3A_1127 = arith.subi %parallel_loop3A_1123, %parallel_loop3A_1126 : i32
      %parallel_loop3A_1128 = arith.cmpi ne, %parallel_loop3A_1120, %parallel_loop3A_1127 : i32
      %parallel_loop3A_1129 = arith.remsi %parallel_loop3A_1111, %parallel_loop3A_1112 : i32
      %parallel_loop3A_1130 = arith.constant 0 : i32
      %parallel_loop3A_1131 = arith.cmpi ne, %parallel_loop3A_1129, %parallel_loop3A_1130 : i32
      %parallel_loop3A_1132 = arith.andi %parallel_loop3A_1128, %parallel_loop3A_1131 : i1
      %parallel_loop3A_1133 = arith.constant 1 : i32
      %parallel_loop3A_1134 = arith.subi %parallel_loop3A_1113, %parallel_loop3A_1133 : i32
      %parallel_loop3A_1135 = arith.select %parallel_loop3A_1132, %parallel_loop3A_1134, %parallel_loop3A_1113 : i32
      %parallel_loop3A_1136 = arith.constant 1024 : i32
      %parallel_loop3A_1137 = arith.constant 0 : i32
      %parallel_loop3A_1138 = arith.cmpi eq, %parallel_loop3A_1136, %parallel_loop3A_1137 : i32
      %parallel_loop3A_1139 = arith.constant 1 : i32
      %parallel_loop3A_1140 = arith.select %parallel_loop3A_1138, %parallel_loop3A_1139, %parallel_loop3A_1136 : i32
      %parallel_loop3A_1141 = arith.remsi %parallel_loop3A_1111, %parallel_loop3A_1140 : i32
      %parallel_loop3A_1142 = arith.constant 0 : i32
      %parallel_loop3A_1143 = arith.cmpi ne, %parallel_loop3A_1141, %parallel_loop3A_1142 : i32
      %parallel_loop3A_1144 = arith.constant 0 : i32
      %parallel_loop3A_1145 = arith.cmpi slt, %parallel_loop3A_1141, %parallel_loop3A_1144 : i32
      %parallel_loop3A_1146 = arith.constant 0 : i32
      %parallel_loop3A_1147 = arith.cmpi slt, %parallel_loop3A_1140, %parallel_loop3A_1146 : i32
      %parallel_loop3A_1148 = arith.xori %parallel_loop3A_1145, %parallel_loop3A_1147 : i1
      %parallel_loop3A_1149 = arith.andi %parallel_loop3A_1148, %parallel_loop3A_1143 : i1
      %parallel_loop3A_1150 = arith.addi %parallel_loop3A_1141, %parallel_loop3A_1140 : i32
      %parallel_loop3A_1151 = arith.select %parallel_loop3A_1149, %parallel_loop3A_1150, %parallel_loop3A_1141 : i32
      %parallel_loop3A_1152 = arith.index_cast %parallel_loop3A_1135 : i32 to index
      %parallel_loop3A_1153 = arith.index_cast %parallel_loop3A_1151 : i32 to index
      %parallel_loop3A_1154 = tpu.vector_load %arg9[%parallel_loop3A_1152, %parallel_loop3A_1153] {strides = array<i32>} : memref<16x1024xf32, #tpu.memory_space<vmem>>, vector<1x16xf32>,
      %parallel_loop3A_1155 = vector.shape_cast %parallel_loop3A_1154 : vector<1x16xf32> to vector<16xf32>
      %parallel_loop3A_1156 = arith.index_cast %parallel_loop3A_1135 : i32 to index
      %parallel_loop3A_1157 = arith.index_cast %parallel_loop3A_1151 : i32 to index
      %parallel_loop3A_1158 = tpu.vector_load %arg7[%parallel_loop3A_1156, %parallel_loop3A_1157] {strides = array<i32>} : memref<16x1024xf32, #tpu.memory_space<vmem>>, vector<1x16xf32>,
      %parallel_loop3A_1159 = vector.shape_cast %parallel_loop3A_1158 : vector<1x16xf32> to vector<16xf32>
      %parallel_loop3A_1160 = vector.shape_cast %parallel_loop3A_1155 : vector<16xf32> to vector<1x16xf32>
      tpu.vector_store %arg7[%parallel_loop3A_1156, %parallel_loop3A_1157], %parallel_loop3A_1160 {add = true, strides = array<i32>} : memref<16x1024xf32, #tpu.memory_space<vmem>>, vector<1x16xf32>,
    } {sc.loop_unroll_factor = 8 : i64, sc.parallel_access}
    %add3A_220 = arith.constant 0 : i32
    %add3A_221 = arith.addi %mul3A_2, %add3A_220 : i32
    %add3A_222 = arith.constant 8 : i32
    %add3A_223 = arith.addi %add3A_221, %add3A_222 : i32
    %dma_start3A_224 = arith.constant 2 : i32
    %dma_start3A_225 = arith.constant 8 : i32
    %dma_start3A_226 = arith.constant 0 : i32
    %dma_start3A_227 = tpu.memref_slice %arg7[%dma_start3A_225, %dma_start3A_226] : memref<16x1024xf32, #tpu.memory_space<vmem>> -> memref<8x1024xf32, #tpu.memory_space<vmem>>
    %dma_start3A_228 = arith.constant 0 : i32
    %dma_start3A_229 = tpu.memref_slice %arg4[%dma_start3A_224, %add3A_223, %dma_start3A_228] : memref<4x2048x1024xf32, #tpu.memory_space<hbm>> -> memref<1x8x1024xf32, #tpu.memory_space<hbm>>
    %dma_start3A_230 = tpu.memref_squeeze %dma_start3A_229 : memref<1x8x1024xf32, #tpu.memory_space<hbm>> -> memref<8x1024xf32, #tpu.memory_space<hbm>>
    %dma_start3A_231 = arith.constant 0 : i32
    %dma_start3A_232 = tpu.memref_slice %arg4[%dma_start3A_224, %add3A_223, %dma_start3A_231] : memref<4x2048x1024xf32, #tpu.memory_space<hbm>> -> memref<1x8x1024xf32, #tpu.memory_space<hbm>>
    %dma_start3A_233 = tpu.memref_squeeze %dma_start3A_232 : memref<1x8x1024xf32, #tpu.memory_space<hbm>> -> memref<8x1024xf32, #tpu.memory_space<hbm>>
    %dma_start3A_234 = arith.constant 8 : i32
    %dma_start3A_235 = arith.constant 0 : i32
    %dma_start3A_236 = tpu.memref_slice %arg7[%dma_start3A_234, %dma_start3A_235] : memref<16x1024xf32, #tpu.memory_space<vmem>> -> memref<8x1024xf32, #tpu.memory_space<vmem>>
    tpu.enqueue_dma source(%dma_start3A_236 : memref<8x1024xf32, #tpu.memory_space<vmem>>) target(%dma_start3A_233 : memref<8x1024xf32, #tpu.memory_space<hbm>>) target_semaphore(%arg17 : memref<!tpu.dma_semaphore, #tpu.memory_space<semaphore_mem>>)
    %add3A_237 = arith.constant 0 : i32
    %add3A_238 = arith.addi %mul3A_2, %add3A_237 : i32
    %dma_wait3A_239 = arith.constant 2 : i32
    %dma_wait3A_240 = arith.constant 0 : i32
    %dma_wait3A_241 = tpu.memref_slice %arg4[%dma_wait3A_239, %add3A_238, %dma_wait3A_240] : memref<4x2048x1024xf32, #tpu.memory_space<hbm>> -> memref<1x16x1024xf32, #tpu.memory_space<hbm>>
    %dma_wait3A_242 = tpu.memref_squeeze %dma_wait3A_241 : memref<1x16x1024xf32, #tpu.memory_space<hbm>> -> memref<16x1024xf32, #tpu.memory_space<hbm>>
    %dma_wait3A_243 = arith.constant 0 : i32
    %dma_wait3A_244 = tpu.memref_slice %arg4[%dma_wait3A_239, %add3A_238, %dma_wait3A_243] : memref<4x2048x1024xf32, #tpu.memory_space<hbm>> -> memref<1x16x1024xf32, #tpu.memory_space<hbm>>
    %dma_wait3A_245 = tpu.memref_squeeze %dma_wait3A_244 : memref<1x16x1024xf32, #tpu.memory_space<hbm>> -> memref<16x1024xf32, #tpu.memory_space<hbm>>
    tpu.wait_dma2 semaphore(%arg17 : memref<!tpu.dma_semaphore, #tpu.memory_space<semaphore_mem>>) src(%arg7 : memref<16x1024xf32, #tpu.memory_space<vmem>>) dst(%dma_wait3A_245 : memref<16x1024xf32, #tpu.memory_space<hbm>>)
    %add3A_246 = arith.constant 16 : i32
    %add3A_247 = arith.addi %mul3A_2, %add3A_246 : i32
    %dma_start3A_248 = arith.constant 2 : i32
    %dma_start3A_249 = arith.constant 0 : i32
    %dma_start3A_250 = tpu.memref_slice %arg2[%dma_start3A_248, %add3A_247, %dma_start3A_249] : memref<4x2048x1024xf32, #tpu.memory_space<hbm>> -> memref<1x16x1024xf32, #tpu.memory_space<hbm>>
    %dma_start3A_251 = tpu.memref_squeeze %dma_start3A_250 : memref<1x16x1024xf32, #tpu.memory_space<hbm>> -> memref<16x1024xf32, #tpu.memory_space<hbm>>
    %dma_start3A_252 = arith.constant 0 : i32
    %dma_start3A_253 = tpu.memref_slice %arg2[%dma_start3A_248, %add3A_247, %dma_start3A_252] : memref<4x2048x1024xf32, #tpu.memory_space<hbm>> -> memref<1x16x1024xf32, #tpu.memory_space<hbm>>
    %dma_start3A_254 = tpu.memref_squeeze %dma_start3A_253 : memref<1x16x1024xf32, #tpu.memory_space<hbm>> -> memref<16x1024xf32, #tpu.memory_space<hbm>>
    tpu.enqueue_dma source(%dma_start3A_254 : memref<16x1024xf32, #tpu.memory_space<hbm>>) target(%arg7 : memref<16x1024xf32, #tpu.memory_space<vmem>>) target_semaphore(%arg13 : memref<!tpu.dma_semaphore, #tpu.memory_space<semaphore_mem>>)
    %add3A_255 = arith.constant 0 : i32
    %add3A_256 = arith.addi %mul3A_2, %add3A_255 : i32
    %dma_wait3A_257 = arith.constant 3 : i32
    %dma_wait3A_258 = arith.constant 0 : i32
    %dma_wait3A_259 = tpu.memref_slice %arg2[%dma_wait3A_257, %add3A_256, %dma_wait3A_258] : memref<4x2048x1024xf32, #tpu.memory_space<hbm>> -> memref<1x16x1024xf32, #tpu.memory_space<hbm>>
    %dma_wait3A_260 = tpu.memref_squeeze %dma_wait3A_259 : memref<1x16x1024xf32, #tpu.memory_space<hbm>> -> memref<16x1024xf32, #tpu.memory_space<hbm>>
    %dma_wait3A_261 = arith.constant 0 : i32
    %dma_wait3A_262 = tpu.memref_slice %arg2[%dma_wait3A_257, %add3A_256, %dma_wait3A_261] : memref<4x2048x1024xf32, #tpu.memory_space<hbm>> -> memref<1x16x1024xf32, #tpu.memory_space<hbm>>
    %dma_wait3A_263 = tpu.memref_squeeze %dma_wait3A_262 : memref<1x16x1024xf32, #tpu.memory_space<hbm>> -> memref<16x1024xf32, #tpu.memory_space<hbm>>
    tpu.wait_dma2 semaphore(%arg14 : memref<!tpu.dma_semaphore, #tpu.memory_space<semaphore_mem>>) src(%dma_wait3A_263 : memref<16x1024xf32, #tpu.memory_space<hbm>>) dst(%arg8 : memref<16x1024xf32, #tpu.memory_space<vmem>>)
    %parallel_loop3A_264 = arith.constant 0 : i32
    %parallel_loop3A_265 = arith.constant 8192 : i32
    %parallel_loop3A_266 = arith.constant 16 : i32
    scf.for %parallel_loop3A_1111 = %parallel_loop3A_264 to %parallel_loop3A_265 step %parallel_loop3A_266  : i32 {
      %parallel_loop3A_1112 = arith.constant 1024 : i32
      %parallel_loop3A_1113 = arith.divsi %parallel_loop3A_1111, %parallel_loop3A_1112 : i32
      %parallel_loop3A_1114 = arith.constant 0 : i32
      %parallel_loop3A_1115 = arith.cmpi sgt, %parallel_loop3A_1111, %parallel_loop3A_1114 : i32
      %parallel_loop3A_1116 = arith.extui %parallel_loop3A_1115 : i1 to i32
      %parallel_loop3A_1117 = arith.constant 0 : i32
      %parallel_loop3A_1118 = arith.cmpi slt, %parallel_loop3A_1111, %parallel_loop3A_1117 : i32
      %parallel_loop3A_1119 = arith.extui %parallel_loop3A_1118 : i1 to i32
      %parallel_loop3A_1120 = arith.subi %parallel_loop3A_1116, %parallel_loop3A_1119 : i32
      %parallel_loop3A_1121 = arith.constant 0 : i32
      %parallel_loop3A_1122 = arith.cmpi sgt, %parallel_loop3A_1112, %parallel_loop3A_1121 : i32
      %parallel_loop3A_1123 = arith.extui %parallel_loop3A_1122 : i1 to i32
      %parallel_loop3A_1124 = arith.constant 0 : i32
      %parallel_loop3A_1125 = arith.cmpi slt, %parallel_loop3A_1112, %parallel_loop3A_1124 : i32
      %parallel_loop3A_1126 = arith.extui %parallel_loop3A_1125 : i1 to i32
      %parallel_loop3A_1127 = arith.subi %parallel_loop3A_1123, %parallel_loop3A_1126 : i32
      %parallel_loop3A_1128 = arith.cmpi ne, %parallel_loop3A_1120, %parallel_loop3A_1127 : i32
      %parallel_loop3A_1129 = arith.remsi %parallel_loop3A_1111, %parallel_loop3A_1112 : i32
      %parallel_loop3A_1130 = arith.constant 0 : i32
      %parallel_loop3A_1131 = arith.cmpi ne, %parallel_loop3A_1129, %parallel_loop3A_1130 : i32
      %parallel_loop3A_1132 = arith.andi %parallel_loop3A_1128, %parallel_loop3A_1131 : i1
      %parallel_loop3A_1133 = arith.constant 1 : i32
      %parallel_loop3A_1134 = arith.subi %parallel_loop3A_1113, %parallel_loop3A_1133 : i32
      %parallel_loop3A_1135 = arith.select %parallel_loop3A_1132, %parallel_loop3A_1134, %parallel_loop3A_1113 : i32
      %parallel_loop3A_1136 = arith.constant 1024 : i32
      %parallel_loop3A_1137 = arith.constant 0 : i32
      %parallel_loop3A_1138 = arith.cmpi eq, %parallel_loop3A_1136, %parallel_loop3A_1137 : i32
      %parallel_loop3A_1139 = arith.constant 1 : i32
      %parallel_loop3A_1140 = arith.select %parallel_loop3A_1138, %parallel_loop3A_1139, %parallel_loop3A_1136 : i32
      %parallel_loop3A_1141 = arith.remsi %parallel_loop3A_1111, %parallel_loop3A_1140 : i32
      %parallel_loop3A_1142 = arith.constant 0 : i32
      %parallel_loop3A_1143 = arith.cmpi ne, %parallel_loop3A_1141, %parallel_loop3A_1142 : i32
      %parallel_loop3A_1144 = arith.constant 0 : i32
      %parallel_loop3A_1145 = arith.cmpi slt, %parallel_loop3A_1141, %parallel_loop3A_1144 : i32
      %parallel_loop3A_1146 = arith.constant 0 : i32
      %parallel_loop3A_1147 = arith.cmpi slt, %parallel_loop3A_1140, %parallel_loop3A_1146 : i32
      %parallel_loop3A_1148 = arith.xori %parallel_loop3A_1145, %parallel_loop3A_1147 : i1
      %parallel_loop3A_1149 = arith.andi %parallel_loop3A_1148, %parallel_loop3A_1143 : i1
      %parallel_loop3A_1150 = arith.addi %parallel_loop3A_1141, %parallel_loop3A_1140 : i32
      %parallel_loop3A_1151 = arith.select %parallel_loop3A_1149, %parallel_loop3A_1150, %parallel_loop3A_1141 : i32
      %parallel_loop3A_1152 = arith.index_cast %parallel_loop3A_1135 : i32 to index
      %parallel_loop3A_1153 = arith.index_cast %parallel_loop3A_1151 : i32 to index
      %parallel_loop3A_1154 = tpu.vector_load %arg9[%parallel_loop3A_1152, %parallel_loop3A_1153] {strides = array<i32>} : memref<16x1024xf32, #tpu.memory_space<vmem>>, vector<1x16xf32>,
      %parallel_loop3A_1155 = vector.shape_cast %parallel_loop3A_1154 : vector<1x16xf32> to vector<16xf32>
      %parallel_loop3A_1156 = arith.index_cast %parallel_loop3A_1135 : i32 to index
      %parallel_loop3A_1157 = arith.index_cast %parallel_loop3A_1151 : i32 to index
      %parallel_loop3A_1158 = tpu.vector_load %arg8[%parallel_loop3A_1156, %parallel_loop3A_1157] {strides = array<i32>} : memref<16x1024xf32, #tpu.memory_space<vmem>>, vector<1x16xf32>,
      %parallel_loop3A_1159 = vector.shape_cast %parallel_loop3A_1158 : vector<1x16xf32> to vector<16xf32>
      %parallel_loop3A_1160 = vector.shape_cast %parallel_loop3A_1155 : vector<16xf32> to vector<1x16xf32>
      tpu.vector_store %arg8[%parallel_loop3A_1156, %parallel_loop3A_1157], %parallel_loop3A_1160 {add = true, strides = array<i32>} : memref<16x1024xf32, #tpu.memory_space<vmem>>, vector<1x16xf32>,
    } {sc.loop_unroll_factor = 8 : i64, sc.parallel_access}
    %add3A_267 = arith.constant 0 : i32
    %add3A_268 = arith.addi %mul3A_2, %add3A_267 : i32
    %add3A_269 = arith.constant 0 : i32
    %add3A_270 = arith.addi %add3A_268, %add3A_269 : i32
    %dma_start3A_271 = arith.constant 3 : i32
    %dma_start3A_272 = arith.constant 0 : i32
    %dma_start3A_273 = arith.constant 0 : i32
    %dma_start3A_274 = tpu.memref_slice %arg8[%dma_start3A_272, %dma_start3A_273] : memref<16x1024xf32, #tpu.memory_space<vmem>> -> memref<8x1024xf32, #tpu.memory_space<vmem>>
    %dma_start3A_275 = arith.constant 0 : i32
    %dma_start3A_276 = tpu.memref_slice %arg4[%dma_start3A_271, %add3A_270, %dma_start3A_275] : memref<4x2048x1024xf32, #tpu.memory_space<hbm>> -> memref<1x8x1024xf32, #tpu.memory_space<hbm>>
    %dma_start3A_277 = tpu.memref_squeeze %dma_start3A_276 : memref<1x8x1024xf32, #tpu.memory_space<hbm>> -> memref<8x1024xf32, #tpu.memory_space<hbm>>
    %dma_start3A_278 = arith.constant 0 : i32
    %dma_start3A_279 = tpu.memref_slice %arg4[%dma_start3A_271, %add3A_270, %dma_start3A_278] : memref<4x2048x1024xf32, #tpu.memory_space<hbm>> -> memref<1x8x1024xf32, #tpu.memory_space<hbm>>
    %dma_start3A_280 = tpu.memref_squeeze %dma_start3A_279 : memref<1x8x1024xf32, #tpu.memory_space<hbm>> -> memref<8x1024xf32, #tpu.memory_space<hbm>>
    %dma_start3A_281 = arith.constant 0 : i32
    %dma_start3A_282 = arith.constant 0 : i32
    %dma_start3A_283 = tpu.memref_slice %arg8[%dma_start3A_281, %dma_start3A_282] : memref<16x1024xf32, #tpu.memory_space<vmem>> -> memref<8x1024xf32, #tpu.memory_space<vmem>>
    tpu.enqueue_dma source(%dma_start3A_283 : memref<8x1024xf32, #tpu.memory_space<vmem>>) target(%dma_start3A_280 : memref<8x1024xf32, #tpu.memory_space<hbm>>) target_semaphore(%arg18 : memref<!tpu.dma_semaphore, #tpu.memory_space<semaphore_mem>>)
    %parallel_loop3A_284 = arith.constant 8192 : i32
    %parallel_loop3A_285 = arith.constant 16384 : i32
    %parallel_loop3A_286 = arith.constant 16 : i32
    scf.for %parallel_loop3A_1111 = %parallel_loop3A_284 to %parallel_loop3A_285 step %parallel_loop3A_286  : i32 {
      %parallel_loop3A_1112 = arith.constant 1024 : i32
      %parallel_loop3A_1113 = arith.divsi %parallel_loop3A_1111, %parallel_loop3A_1112 : i32
      %parallel_loop3A_1114 = arith.constant 0 : i32
      %parallel_loop3A_1115 = arith.cmpi sgt, %parallel_loop3A_1111, %parallel_loop3A_1114 : i32
      %parallel_loop3A_1116 = arith.extui %parallel_loop3A_1115 : i1 to i32
      %parallel_loop3A_1117 = arith.constant 0 : i32
      %parallel_loop3A_1118 = arith.cmpi slt, %parallel_loop3A_1111, %parallel_loop3A_1117 : i32
      %parallel_loop3A_1119 = arith.extui %parallel_loop3A_1118 : i1 to i32
      %parallel_loop3A_1120 = arith.subi %parallel_loop3A_1116, %parallel_loop3A_1119 : i32
      %parallel_loop3A_1121 = arith.constant 0 : i32
      %parallel_loop3A_1122 = arith.cmpi sgt, %parallel_loop3A_1112, %parallel_loop3A_1121 : i32
      %parallel_loop3A_1123 = arith.extui %parallel_loop3A_1122 : i1 to i32
      %parallel_loop3A_1124 = arith.constant 0 : i32
      %parallel_loop3A_1125 = arith.cmpi slt, %parallel_loop3A_1112, %parallel_loop3A_1124 : i32
      %parallel_loop3A_1126 = arith.extui %parallel_loop3A_1125 : i1 to i32
      %parallel_loop3A_1127 = arith.subi %parallel_loop3A_1123, %parallel_loop3A_1126 : i32
      %parallel_loop3A_1128 = arith.cmpi ne, %parallel_loop3A_1120, %parallel_loop3A_1127 : i32
      %parallel_loop3A_1129 = arith.remsi %parallel_loop3A_1111, %parallel_loop3A_1112 : i32
      %parallel_loop3A_1130 = arith.constant 0 : i32
      %parallel_loop3A_1131 = arith.cmpi ne, %parallel_loop3A_1129, %parallel_loop3A_1130 : i32
      %parallel_loop3A_1132 = arith.andi %parallel_loop3A_1128, %parallel_loop3A_1131 : i1
      %parallel_loop3A_1133 = arith.constant 1 : i32
      %parallel_loop3A_1134 = arith.subi %parallel_loop3A_1113, %parallel_loop3A_1133 : i32
      %parallel_loop3A_1135 = arith.select %parallel_loop3A_1132, %parallel_loop3A_1134, %parallel_loop3A_1113 : i32
      %parallel_loop3A_1136 = arith.constant 1024 : i32
      %parallel_loop3A_1137 = arith.constant 0 : i32
      %parallel_loop3A_1138 = arith.cmpi eq, %parallel_loop3A_1136, %parallel_loop3A_1137 : i32
      %parallel_loop3A_1139 = arith.constant 1 : i32
      %parallel_loop3A_1140 = arith.select %parallel_loop3A_1138, %parallel_loop3A_1139, %parallel_loop3A_1136 : i32
      %parallel_loop3A_1141 = arith.remsi %parallel_loop3A_1111, %parallel_loop3A_1140 : i32
      %parallel_loop3A_1142 = arith.constant 0 : i32
      %parallel_loop3A_1143 = arith.cmpi ne, %parallel_loop3A_1141, %parallel_loop3A_1142 : i32
      %parallel_loop3A_1144 = arith.constant 0 : i32
      %parallel_loop3A_1145 = arith.cmpi slt, %parallel_loop3A_1141, %parallel_loop3A_1144 : i32
      %parallel_loop3A_1146 = arith.constant 0 : i32
      %parallel_loop3A_1147 = arith.cmpi slt, %parallel_loop3A_1140, %parallel_loop3A_1146 : i32
      %parallel_loop3A_1148 = arith.xori %parallel_loop3A_1145, %parallel_loop3A_1147 : i1
      %parallel_loop3A_1149 = arith.andi %parallel_loop3A_1148, %parallel_loop3A_1143 : i1
      %parallel_loop3A_1150 = arith.addi %parallel_loop3A_1141, %parallel_loop3A_1140 : i32
      %parallel_loop3A_1151 = arith.select %parallel_loop3A_1149, %parallel_loop3A_1150, %parallel_loop3A_1141 : i32
      %parallel_loop3A_1152 = arith.index_cast %parallel_loop3A_1135 : i32 to index
      %parallel_loop3A_1153 = arith.index_cast %parallel_loop3A_1151 : i32 to index
      %parallel_loop3A_1154 = tpu.vector_load %arg9[%parallel_loop3A_1152, %parallel_loop3A_1153] {strides = array<i32>} : memref<16x1024xf32, #tpu.memory_space<vmem>>, vector<1x16xf32>,
      %parallel_loop3A_1155 = vector.shape_cast %parallel_loop3A_1154 : vector<1x16xf32> to vector<16xf32>
      %parallel_loop3A_1156 = arith.index_cast %parallel_loop3A_1135 : i32 to index
      %parallel_loop3A_1157 = arith.index_cast %parallel_loop3A_1151 : i32 to index
      %parallel_loop3A_1158 = tpu.vector_load %arg8[%parallel_loop3A_1156, %parallel_loop3A_1157] {strides = array<i32>} : memref<16x1024xf32, #tpu.memory_space<vmem>>, vector<1x16xf32>,
      %parallel_loop3A_1159 = vector.shape_cast %parallel_loop3A_1158 : vector<1x16xf32> to vector<16xf32>
      %parallel_loop3A_1160 = vector.shape_cast %parallel_loop3A_1155 : vector<16xf32> to vector<1x16xf32>
      tpu.vector_store %arg8[%parallel_loop3A_1156, %parallel_loop3A_1157], %parallel_loop3A_1160 {add = true, strides = array<i32>} : memref<16x1024xf32, #tpu.memory_space<vmem>>, vector<1x16xf32>,
    } {sc.loop_unroll_factor = 8 : i64, sc.parallel_access}
    %add3A_287 = arith.constant 0 : i32
    %add3A_288 = arith.addi %mul3A_2, %add3A_287 : i32
    %add3A_289 = arith.constant 8 : i32
    %add3A_290 = arith.addi %add3A_288, %add3A_289 : i32
    %dma_start3A_291 = arith.constant 3 : i32
    %dma_start3A_292 = arith.constant 8 : i32
    %dma_start3A_293 = arith.constant 0 : i32
    %dma_start3A_294 = tpu.memref_slice %arg8[%dma_start3A_292, %dma_start3A_293] : memref<16x1024xf32, #tpu.memory_space<vmem>> -> memref<8x1024xf32, #tpu.memory_space<vmem>>
    %dma_start3A_295 = arith.constant 0 : i32
    %dma_start3A_296 = tpu.memref_slice %arg4[%dma_start3A_291, %add3A_290, %dma_start3A_295] : memref<4x2048x1024xf32, #tpu.memory_space<hbm>> -> memref<1x8x1024xf32, #tpu.memory_space<hbm>>
    %dma_start3A_297 = tpu.memref_squeeze %dma_start3A_296 : memref<1x8x1024xf32, #tpu.memory_space<hbm>> -> memref<8x1024xf32, #tpu.memory_space<hbm>>
    %dma_start3A_298 = arith.constant 0 : i32
    %dma_start3A_299 = tpu.memref_slice %arg4[%dma_start3A_291, %add3A_290, %dma_start3A_298] : memref<4x2048x1024xf32, #tpu.memory_space<hbm>> -> memref<1x8x1024xf32, #tpu.memory_space<hbm>>
    %dma_start3A_300 = tpu.memref_squeeze %dma_start3A_299 : memref<1x8x1024xf32, #tpu.memory_space<hbm>> -> memref<8x1024xf32, #tpu.memory_space<hbm>>
    %dma_start3A_301 = arith.constant 8 : i32
    %dma_start3A_302 = arith.constant 0 : i32
    %dma_start3A_303 = tpu.memref_slice %arg8[%dma_start3A_301, %dma_start3A_302] : memref<16x1024xf32, #tpu.memory_space<vmem>> -> memref<8x1024xf32, #tpu.memory_space<vmem>>
    tpu.enqueue_dma source(%dma_start3A_303 : memref<8x1024xf32, #tpu.memory_space<vmem>>) target(%dma_start3A_300 : memref<8x1024xf32, #tpu.memory_space<hbm>>) target_semaphore(%arg18 : memref<!tpu.dma_semaphore, #tpu.memory_space<semaphore_mem>>)
    %add3A_304 = arith.constant 32 : i32
    %add3A_305 = arith.addi %mul3A_2, %add3A_304 : i32
    %dma_start3A_306 = arith.constant 0 : i32
    %dma_start3A_307 = tpu.memref_slice %arg3[%add3A_305, %dma_start3A_306] : memref<4097x1024xf32, #tpu.memory_space<hbm>> -> memref<16x1024xf32, #tpu.memory_space<hbm>>
    %dma_start3A_308 = arith.constant 0 : i32
    %dma_start3A_309 = tpu.memref_slice %arg3[%add3A_305, %dma_start3A_308] : memref<4097x1024xf32, #tpu.memory_space<hbm>> -> memref<16x1024xf32, #tpu.memory_space<hbm>>
    tpu.enqueue_dma source(%dma_start3A_309 : memref<16x1024xf32, #tpu.memory_space<hbm>>) target(%arg9 : memref<16x1024xf32, #tpu.memory_space<vmem>>) target_semaphore(%arg19 : memref<!tpu.dma_semaphore, #tpu.memory_space<semaphore_mem>>)
    %add3A_310 = arith.constant 0 : i32
    %add3A_311 = arith.addi %mul3A_2, %add3A_310 : i32
    %dma_wait3A_312 = arith.constant 3 : i32
    %dma_wait3A_313 = arith.constant 0 : i32
    %dma_wait3A_314 = tpu.memref_slice %arg4[%dma_wait3A_312, %add3A_311, %dma_wait3A_313] : memref<4x2048x1024xf32, #tpu.memory_space<hbm>> -> memref<1x16x1024xf32, #tpu.memory_space<hbm>>
    %dma_wait3A_315 = tpu.memref_squeeze %dma_wait3A_314 : memref<1x16x1024xf32, #tpu.memory_space<hbm>> -> memref<16x1024xf32, #tpu.memory_space<hbm>>
    %dma_wait3A_316 = arith.constant 0 : i32
    %dma_wait3A_317 = tpu.memref_slice %arg4[%dma_wait3A_312, %add3A_311, %dma_wait3A_316] : memref<4x2048x1024xf32, #tpu.memory_space<hbm>> -> memref<1x16x1024xf32, #tpu.memory_space<hbm>>
    %dma_wait3A_318 = tpu.memref_squeeze %dma_wait3A_317 : memref<1x16x1024xf32, #tpu.memory_space<hbm>> -> memref<16x1024xf32, #tpu.memory_space<hbm>>
    tpu.wait_dma2 semaphore(%arg18 : memref<!tpu.dma_semaphore, #tpu.memory_space<semaphore_mem>>) src(%arg8 : memref<16x1024xf32, #tpu.memory_space<vmem>>) dst(%dma_wait3A_318 : memref<16x1024xf32, #tpu.memory_space<hbm>>)
    %add3A_319 = arith.constant 16 : i32
    %add3A_320 = arith.addi %mul3A_2, %add3A_319 : i32
    %dma_start3A_321 = arith.constant 3 : i32
    %dma_start3A_322 = arith.constant 0 : i32
    %dma_start3A_323 = tpu.memref_slice %arg2[%dma_start3A_321, %add3A_320, %dma_start3A_322] : memref<4x2048x1024xf32, #tpu.memory_space<hbm>> -> memref<1x16x1024xf32, #tpu.memory_space<hbm>>
    %dma_start3A_324 = tpu.memref_squeeze %dma_start3A_323 : memref<1x16x1024xf32, #tpu.memory_space<hbm>> -> memref<16x1024xf32, #tpu.memory_space<hbm>>
    %dma_start3A_325 = arith.constant 0 : i32
    %dma_start3A_326 = tpu.memref_slice %arg2[%dma_start3A_321, %add3A_320, %dma_start3A_325] : memref<4x2048x1024xf32, #tpu.memory_space<hbm>> -> memref<1x16x1024xf32, #tpu.memory_space<hbm>>
    %dma_start3A_327 = tpu.memref_squeeze %dma_start3A_326 : memref<1x16x1024xf32, #tpu.memory_space<hbm>> -> memref<16x1024xf32, #tpu.memory_space<hbm>>
    tpu.enqueue_dma source(%dma_start3A_327 : memref<16x1024xf32, #tpu.memory_space<hbm>>) target(%arg8 : memref<16x1024xf32, #tpu.memory_space<vmem>>) target_semaphore(%arg14 : memref<!tpu.dma_semaphore, #tpu.memory_space<semaphore_mem>>)
    %add3A_328 = arith.constant 16 : i32
    %add3A_329 = arith.addi %mul3A_2, %add3A_328 : i32
    %dma_wait3A_330 = arith.constant 0 : i32
    %dma_wait3A_331 = arith.constant 0 : i32
    %dma_wait3A_332 = tpu.memref_slice %arg2[%dma_wait3A_330, %add3A_329, %dma_wait3A_331] : memref<4x2048x1024xf32, #tpu.memory_space<hbm>> -> memref<1x16x1024xf32, #tpu.memory_space<hbm>>
    %dma_wait3A_333 = tpu.memref_squeeze %dma_wait3A_332 : memref<1x16x1024xf32, #tpu.memory_space<hbm>> -> memref<16x1024xf32, #tpu.memory_space<hbm>>
    %dma_wait3A_334 = arith.constant 0 : i32
    %dma_wait3A_335 = tpu.memref_slice %arg2[%dma_wait3A_330, %add3A_329, %dma_wait3A_334] : memref<4x2048x1024xf32, #tpu.memory_space<hbm>> -> memref<1x16x1024xf32, #tpu.memory_space<hbm>>
    %dma_wait3A_336 = tpu.memref_squeeze %dma_wait3A_335 : memref<1x16x1024xf32, #tpu.memory_space<hbm>> -> memref<16x1024xf32, #tpu.memory_space<hbm>>
    tpu.wait_dma2 semaphore(%arg11 : memref<!tpu.dma_semaphore, #tpu.memory_space<semaphore_mem>>) src(%dma_wait3A_336 : memref<16x1024xf32, #tpu.memory_space<hbm>>) dst(%arg5 : memref<16x1024xf32, #tpu.memory_space<vmem>>)
    %add3A_337 = arith.constant 16 : i32
    %add3A_338 = arith.addi %mul3A_2, %add3A_337 : i32
    %dma_wait3A_339 = arith.constant 0 : i32
    %dma_wait3A_340 = tpu.memref_slice %arg3[%add3A_338, %dma_wait3A_339] : memref<4097x1024xf32, #tpu.memory_space<hbm>> -> memref<16x1024xf32, #tpu.memory_space<hbm>>
    %dma_wait3A_341 = arith.constant 0 : i32
    %dma_wait3A_342 = tpu.memref_slice %arg3[%add3A_338, %dma_wait3A_341] : memref<4097x1024xf32, #tpu.memory_space<hbm>> -> memref<16x1024xf32, #tpu.memory_space<hbm>>
    tpu.wait_dma2 semaphore(%arg20 : memref<!tpu.dma_semaphore, #tpu.memory_space<semaphore_mem>>) src(%dma_wait3A_342 : memref<16x1024xf32, #tpu.memory_space<hbm>>) dst(%arg10 : memref<16x1024xf32, #tpu.memory_space<vmem>>)
    %parallel_loop3A_343 = arith.constant 0 : i32
    %parallel_loop3A_344 = arith.constant 8192 : i32
    %parallel_loop3A_345 = arith.constant 16 : i32
    scf.for %parallel_loop3A_1111 = %parallel_loop3A_343 to %parallel_loop3A_344 step %parallel_loop3A_345  : i32 {
      %parallel_loop3A_1112 = arith.constant 1024 : i32
      %parallel_loop3A_1113 = arith.divsi %parallel_loop3A_1111, %parallel_loop3A_1112 : i32
      %parallel_loop3A_1114 = arith.constant 0 : i32
      %parallel_loop3A_1115 = arith.cmpi sgt, %parallel_loop3A_1111, %parallel_loop3A_1114 : i32
      %parallel_loop3A_1116 = arith.extui %parallel_loop3A_1115 : i1 to i32
      %parallel_loop3A_1117 = arith.constant 0 : i32
      %parallel_loop3A_1118 = arith.cmpi slt, %parallel_loop3A_1111, %parallel_loop3A_1117 : i32
      %parallel_loop3A_1119 = arith.extui %parallel_loop3A_1118 : i1 to i32
      %parallel_loop3A_1120 = arith.subi %parallel_loop3A_1116, %parallel_loop3A_1119 : i32
      %parallel_loop3A_1121 = arith.constant 0 : i32
      %parallel_loop3A_1122 = arith.cmpi sgt, %parallel_loop3A_1112, %parallel_loop3A_1121 : i32
      %parallel_loop3A_1123 = arith.extui %parallel_loop3A_1122 : i1 to i32
      %parallel_loop3A_1124 = arith.constant 0 : i32
      %parallel_loop3A_1125 = arith.cmpi slt, %parallel_loop3A_1112, %parallel_loop3A_1124 : i32
      %parallel_loop3A_1126 = arith.extui %parallel_loop3A_1125 : i1 to i32
      %parallel_loop3A_1127 = arith.subi %parallel_loop3A_1123, %parallel_loop3A_1126 : i32
      %parallel_loop3A_1128 = arith.cmpi ne, %parallel_loop3A_1120, %parallel_loop3A_1127 : i32
      %parallel_loop3A_1129 = arith.remsi %parallel_loop3A_1111, %parallel_loop3A_1112 : i32
      %parallel_loop3A_1130 = arith.constant 0 : i32
      %parallel_loop3A_1131 = arith.cmpi ne, %parallel_loop3A_1129, %parallel_loop3A_1130 : i32
      %parallel_loop3A_1132 = arith.andi %parallel_loop3A_1128, %parallel_loop3A_1131 : i1
      %parallel_loop3A_1133 = arith.constant 1 : i32
      %parallel_loop3A_1134 = arith.subi %parallel_loop3A_1113, %parallel_loop3A_1133 : i32
      %parallel_loop3A_1135 = arith.select %parallel_loop3A_1132, %parallel_loop3A_1134, %parallel_loop3A_1113 : i32
      %parallel_loop3A_1136 = arith.constant 1024 : i32
      %parallel_loop3A_1137 = arith.constant 0 : i32
      %parallel_loop3A_1138 = arith.cmpi eq, %parallel_loop3A_1136, %parallel_loop3A_1137 : i32
      %parallel_loop3A_1139 = arith.constant 1 : i32
      %parallel_loop3A_1140 = arith.select %parallel_loop3A_1138, %parallel_loop3A_1139, %parallel_loop3A_1136 : i32
      %parallel_loop3A_1141 = arith.remsi %parallel_loop3A_1111, %parallel_loop3A_1140 : i32
      %parallel_loop3A_1142 = arith.constant 0 : i32
      %parallel_loop3A_1143 = arith.cmpi ne, %parallel_loop3A_1141, %parallel_loop3A_1142 : i32
      %parallel_loop3A_1144 = arith.constant 0 : i32
      %parallel_loop3A_1145 = arith.cmpi slt, %parallel_loop3A_1141, %parallel_loop3A_1144 : i32
      %parallel_loop3A_1146 = arith.constant 0 : i32
      %parallel_loop3A_1147 = arith.cmpi slt, %parallel_loop3A_1140, %parallel_loop3A_1146 : i32
      %parallel_loop3A_1148 = arith.xori %parallel_loop3A_1145, %parallel_loop3A_1147 : i1
      %parallel_loop3A_1149 = arith.andi %parallel_loop3A_1148, %parallel_loop3A_1143 : i1
      %parallel_loop3A_1150 = arith.addi %parallel_loop3A_1141, %parallel_loop3A_1140 : i32
      %parallel_loop3A_1151 = arith.select %parallel_loop3A_1149, %parallel_loop3A_1150, %parallel_loop3A_1141 : i32
      %parallel_loop3A_1152 = arith.index_cast %parallel_loop3A_1135 : i32 to index
      %parallel_loop3A_1153 = arith.index_cast %parallel_loop3A_1151 : i32 to index
      %parallel_loop3A_1154 = tpu.vector_load %arg10[%parallel_loop3A_1152, %parallel_loop3A_1153] {strides = array<i32>} : memref<16x1024xf32, #tpu.memory_space<vmem>>, vector<1x16xf32>,
      %parallel_loop3A_1155 = vector.shape_cast %parallel_loop3A_1154 : vector<1x16xf32> to vector<16xf32>
      %parallel_loop3A_1156 = arith.index_cast %parallel_loop3A_1135 : i32 to index
      %parallel_loop3A_1157 = arith.index_cast %parallel_loop3A_1151 : i32 to index
      %parallel_loop3A_1158 = tpu.vector_load %arg5[%parallel_loop3A_1156, %parallel_loop3A_1157] {strides = array<i32>} : memref<16x1024xf32, #tpu.memory_space<vmem>>, vector<1x16xf32>,
      %parallel_loop3A_1159 = vector.shape_cast %parallel_loop3A_1158 : vector<1x16xf32> to vector<16xf32>
      %parallel_loop3A_1160 = vector.shape_cast %parallel_loop3A_1155 : vector<16xf32> to vector<1x16xf32>
      tpu.vector_store %arg5[%parallel_loop3A_1156, %parallel_loop3A_1157], %parallel_loop3A_1160 {add = true, strides = array<i32>} : memref<16x1024xf32, #tpu.memory_space<vmem>>, vector<1x16xf32>,
    } {sc.loop_unroll_factor = 8 : i64, sc.parallel_access}
    %add3A_346 = arith.constant 16 : i32
    %add3A_347 = arith.addi %mul3A_2, %add3A_346 : i32
    %add3A_348 = arith.constant 0 : i32
    %add3A_349 = arith.addi %add3A_347, %add3A_348 : i32
    %dma_start3A_350 = arith.constant 0 : i32
    %dma_start3A_351 = arith.constant 0 : i32
    %dma_start3A_352 = arith.constant 0 : i32
    %dma_start3A_353 = tpu.memref_slice %arg5[%dma_start3A_351, %dma_start3A_352] : memref<16x1024xf32, #tpu.memory_space<vmem>> -> memref<8x1024xf32, #tpu.memory_space<vmem>>
    %dma_start3A_354 = arith.constant 0 : i32
    %dma_start3A_355 = tpu.memref_slice %arg4[%dma_start3A_350, %add3A_349, %dma_start3A_354] : memref<4x2048x1024xf32, #tpu.memory_space<hbm>> -> memref<1x8x1024xf32, #tpu.memory_space<hbm>>
    %dma_start3A_356 = tpu.memref_squeeze %dma_start3A_355 : memref<1x8x1024xf32, #tpu.memory_space<hbm>> -> memref<8x1024xf32, #tpu.memory_space<hbm>>
    %dma_start3A_357 = arith.constant 0 : i32
    %dma_start3A_358 = tpu.memref_slice %arg4[%dma_start3A_350, %add3A_349, %dma_start3A_357] : memref<4x2048x1024xf32, #tpu.memory_space<hbm>> -> memref<1x8x1024xf32, #tpu.memory_space<hbm>>
    %dma_start3A_359 = tpu.memref_squeeze %dma_start3A_358 : memref<1x8x1024xf32, #tpu.memory_space<hbm>> -> memref<8x1024xf32, #tpu.memory_space<hbm>>
    %dma_start3A_360 = arith.constant 0 : i32
    %dma_start3A_361 = arith.constant 0 : i32
    %dma_start3A_362 = tpu.memref_slice %arg5[%dma_start3A_360, %dma_start3A_361] : memref<16x1024xf32, #tpu.memory_space<vmem>> -> memref<8x1024xf32, #tpu.memory_space<vmem>>
    tpu.enqueue_dma source(%dma_start3A_362 : memref<8x1024xf32, #tpu.memory_space<vmem>>) target(%dma_start3A_359 : memref<8x1024xf32, #tpu.memory_space<hbm>>) target_semaphore(%arg15 : memref<!tpu.dma_semaphore, #tpu.memory_space<semaphore_mem>>)
    %parallel_loop3A_363 = arith.constant 8192 : i32
    %parallel_loop3A_364 = arith.constant 16384 : i32
    %parallel_loop3A_365 = arith.constant 16 : i32
    scf.for %parallel_loop3A_1111 = %parallel_loop3A_363 to %parallel_loop3A_364 step %parallel_loop3A_365  : i32 {
      %parallel_loop3A_1112 = arith.constant 1024 : i32
      %parallel_loop3A_1113 = arith.divsi %parallel_loop3A_1111, %parallel_loop3A_1112 : i32
      %parallel_loop3A_1114 = arith.constant 0 : i32
      %parallel_loop3A_1115 = arith.cmpi sgt, %parallel_loop3A_1111, %parallel_loop3A_1114 : i32
      %parallel_loop3A_1116 = arith.extui %parallel_loop3A_1115 : i1 to i32
      %parallel_loop3A_1117 = arith.constant 0 : i32
      %parallel_loop3A_1118 = arith.cmpi slt, %parallel_loop3A_1111, %parallel_loop3A_1117 : i32
      %parallel_loop3A_1119 = arith.extui %parallel_loop3A_1118 : i1 to i32
      %parallel_loop3A_1120 = arith.subi %parallel_loop3A_1116, %parallel_loop3A_1119 : i32
      %parallel_loop3A_1121 = arith.constant 0 : i32
      %parallel_loop3A_1122 = arith.cmpi sgt, %parallel_loop3A_1112, %parallel_loop3A_1121 : i32
      %parallel_loop3A_1123 = arith.extui %parallel_loop3A_1122 : i1 to i32
      %parallel_loop3A_1124 = arith.constant 0 : i32
      %parallel_loop3A_1125 = arith.cmpi slt, %parallel_loop3A_1112, %parallel_loop3A_1124 : i32
      %parallel_loop3A_1126 = arith.extui %parallel_loop3A_1125 : i1 to i32
      %parallel_loop3A_1127 = arith.subi %parallel_loop3A_1123, %parallel_loop3A_1126 : i32
      %parallel_loop3A_1128 = arith.cmpi ne, %parallel_loop3A_1120, %parallel_loop3A_1127 : i32
      %parallel_loop3A_1129 = arith.remsi %parallel_loop3A_1111, %parallel_loop3A_1112 : i32
      %parallel_loop3A_1130 = arith.constant 0 : i32
      %parallel_loop3A_1131 = arith.cmpi ne, %parallel_loop3A_1129, %parallel_loop3A_1130 : i32
      %parallel_loop3A_1132 = arith.andi %parallel_loop3A_1128, %parallel_loop3A_1131 : i1
      %parallel_loop3A_1133 = arith.constant 1 : i32
      %parallel_loop3A_1134 = arith.subi %parallel_loop3A_1113, %parallel_loop3A_1133 : i32
      %parallel_loop3A_1135 = arith.select %parallel_loop3A_1132, %parallel_loop3A_1134, %parallel_loop3A_1113 : i32
      %parallel_loop3A_1136 = arith.constant 1024 : i32
      %parallel_loop3A_1137 = arith.constant 0 : i32
      %parallel_loop3A_1138 = arith.cmpi eq, %parallel_loop3A_1136, %parallel_loop3A_1137 : i32
      %parallel_loop3A_1139 = arith.constant 1 : i32
      %parallel_loop3A_1140 = arith.select %parallel_loop3A_1138, %parallel_loop3A_1139, %parallel_loop3A_1136 : i32
      %parallel_loop3A_1141 = arith.remsi %parallel_loop3A_1111, %parallel_loop3A_1140 : i32
      %parallel_loop3A_1142 = arith.constant 0 : i32
      %parallel_loop3A_1143 = arith.cmpi ne, %parallel_loop3A_1141, %parallel_loop3A_1142 : i32
      %parallel_loop3A_1144 = arith.constant 0 : i32
      %parallel_loop3A_1145 = arith.cmpi slt, %parallel_loop3A_1141, %parallel_loop3A_1144 : i32
      %parallel_loop3A_1146 = arith.constant 0 : i32
      %parallel_loop3A_1147 = arith.cmpi slt, %parallel_loop3A_1140, %parallel_loop3A_1146 : i32
      %parallel_loop3A_1148 = arith.xori %parallel_loop3A_1145, %parallel_loop3A_1147 : i1
      %parallel_loop3A_1149 = arith.andi %parallel_loop3A_1148, %parallel_loop3A_1143 : i1
      %parallel_loop3A_1150 = arith.addi %parallel_loop3A_1141, %parallel_loop3A_1140 : i32
      %parallel_loop3A_1151 = arith.select %parallel_loop3A_1149, %parallel_loop3A_1150, %parallel_loop3A_1141 : i32
      %parallel_loop3A_1152 = arith.index_cast %parallel_loop3A_1135 : i32 to index
      %parallel_loop3A_1153 = arith.index_cast %parallel_loop3A_1151 : i32 to index
      %parallel_loop3A_1154 = tpu.vector_load %arg10[%parallel_loop3A_1152, %parallel_loop3A_1153] {strides = array<i32>} : memref<16x1024xf32, #tpu.memory_space<vmem>>, vector<1x16xf32>,
      %parallel_loop3A_1155 = vector.shape_cast %parallel_loop3A_1154 : vector<1x16xf32> to vector<16xf32>
      %parallel_loop3A_1156 = arith.index_cast %parallel_loop3A_1135 : i32 to index
      %parallel_loop3A_1157 = arith.index_cast %parallel_loop3A_1151 : i32 to index
      %parallel_loop3A_1158 = tpu.vector_load %arg5[%parallel_loop3A_1156, %parallel_loop3A_1157] {strides = array<i32>} : memref<16x1024xf32, #tpu.memory_space<vmem>>, vector<1x16xf32>,
      %parallel_loop3A_1159 = vector.shape_cast %parallel_loop3A_1158 : vector<1x16xf32> to vector<16xf32>
      %parallel_loop3A_1160 = vector.shape_cast %parallel_loop3A_1155 : vector<16xf32> to vector<1x16xf32>
      tpu.vector_store %arg5[%parallel_loop3A_1156, %parallel_loop3A_1157], %parallel_loop3A_1160 {add = true, strides = array<i32>} : memref<16x1024xf32, #tpu.memory_space<vmem>>, vector<1x16xf32>,
    } {sc.loop_unroll_factor = 8 : i64, sc.parallel_access}
    %add3A_366 = arith.constant 16 : i32
    %add3A_367 = arith.addi %mul3A_2, %add3A_366 : i32
    %add3A_368 = arith.constant 8 : i32
    %add3A_369 = arith.addi %add3A_367, %add3A_368 : i32
    %dma_start3A_370 = arith.constant 0 : i32
    %dma_start3A_371 = arith.constant 8 : i32
    %dma_start3A_372 = arith.constant 0 : i32
    %dma_start3A_373 = tpu.memref_slice %arg5[%dma_start3A_371, %dma_start3A_372] : memref<16x1024xf32, #tpu.memory_space<vmem>> -> memref<8x1024xf32, #tpu.memory_space<vmem>>
    %dma_start3A_374 = arith.constant 0 : i32
    %dma_start3A_375 = tpu.memref_slice %arg4[%dma_start3A_370, %add3A_369, %dma_start3A_374] : memref<4x2048x1024xf32, #tpu.memory_space<hbm>> -> memref<1x8x1024xf32, #tpu.memory_space<hbm>>
    %dma_start3A_376 = tpu.memref_squeeze %dma_start3A_375 : memref<1x8x1024xf32, #tpu.memory_space<hbm>> -> memref<8x1024xf32, #tpu.memory_space<hbm>>
    %dma_start3A_377 = arith.constant 0 : i32
    %dma_start3A_378 = tpu.memref_slice %arg4[%dma_start3A_370, %add3A_369, %dma_start3A_377] : memref<4x2048x1024xf32, #tpu.memory_space<hbm>> -> memref<1x8x1024xf32, #tpu.memory_space<hbm>>
    %dma_start3A_379 = tpu.memref_squeeze %dma_start3A_378 : memref<1x8x1024xf32, #tpu.memory_space<hbm>> -> memref<8x1024xf32, #tpu.memory_space<hbm>>
    %dma_start3A_380 = arith.constant 8 : i32
    %dma_start3A_381 = arith.constant 0 : i32
    %dma_start3A_382 = tpu.memref_slice %arg5[%dma_start3A_380, %dma_start3A_381] : memref<16x1024xf32, #tpu.memory_space<vmem>> -> memref<8x1024xf32, #tpu.memory_space<vmem>>
    tpu.enqueue_dma source(%dma_start3A_382 : memref<8x1024xf32, #tpu.memory_space<vmem>>) target(%dma_start3A_379 : memref<8x1024xf32, #tpu.memory_space<hbm>>) target_semaphore(%arg15 : memref<!tpu.dma_semaphore, #tpu.memory_space<semaphore_mem>>)
    %add3A_383 = arith.constant 16 : i32
    %add3A_384 = arith.addi %mul3A_2, %add3A_383 : i32
    %dma_wait3A_385 = arith.constant 0 : i32
    %dma_wait3A_386 = arith.constant 0 : i32
    %dma_wait3A_387 = tpu.memref_slice %arg4[%dma_wait3A_385, %add3A_384, %dma_wait3A_386] : memref<4x2048x1024xf32, #tpu.memory_space<hbm>> -> memref<1x16x1024xf32, #tpu.memory_space<hbm>>
    %dma_wait3A_388 = tpu.memref_squeeze %dma_wait3A_387 : memref<1x16x1024xf32, #tpu.memory_space<hbm>> -> memref<16x1024xf32, #tpu.memory_space<hbm>>
    %dma_wait3A_389 = arith.constant 0 : i32
    %dma_wait3A_390 = tpu.memref_slice %arg4[%dma_wait3A_385, %add3A_384, %dma_wait3A_389] : memref<4x2048x1024xf32, #tpu.memory_space<hbm>> -> memref<1x16x1024xf32, #tpu.memory_space<hbm>>
    %dma_wait3A_391 = tpu.memref_squeeze %dma_wait3A_390 : memref<1x16x1024xf32, #tpu.memory_space<hbm>> -> memref<16x1024xf32, #tpu.memory_space<hbm>>
    tpu.wait_dma2 semaphore(%arg15 : memref<!tpu.dma_semaphore, #tpu.memory_space<semaphore_mem>>) src(%arg5 : memref<16x1024xf32, #tpu.memory_space<vmem>>) dst(%dma_wait3A_391 : memref<16x1024xf32, #tpu.memory_space<hbm>>)
    %add3A_392 = arith.constant 32 : i32
    %add3A_393 = arith.addi %mul3A_2, %add3A_392 : i32
    %dma_start3A_394 = arith.constant 0 : i32
    %dma_start3A_395 = arith.constant 0 : i32
    %dma_start3A_396 = tpu.memref_slice %arg2[%dma_start3A_394, %add3A_393, %dma_start3A_395] : memref<4x2048x1024xf32, #tpu.memory_space<hbm>> -> memref<1x16x1024xf32, #tpu.memory_space<hbm>>
    %dma_start3A_397 = tpu.memref_squeeze %dma_start3A_396 : memref<1x16x1024xf32, #tpu.memory_space<hbm>> -> memref<16x1024xf32, #tpu.memory_space<hbm>>
    %dma_start3A_398 = arith.constant 0 : i32
    %dma_start3A_399 = tpu.memref_slice %arg2[%dma_start3A_394, %add3A_393, %dma_start3A_398] : memref<4x2048x1024xf32, #tpu.memory_space<hbm>> -> memref<1x16x1024xf32, #tpu.memory_space<hbm>>
    %dma_start3A_400 = tpu.memref_squeeze %dma_start3A_399 : memref<1x16x1024xf32, #tpu.memory_space<hbm>> -> memref<16x1024xf32, #tpu.memory_space<hbm>>
    tpu.enqueue_dma source(%dma_start3A_400 : memref<16x1024xf32, #tpu.memory_space<hbm>>) target(%arg5 : memref<16x1024xf32, #tpu.memory_space<vmem>>) target_semaphore(%arg11 : memref<!tpu.dma_semaphore, #tpu.memory_space<semaphore_mem>>)
    %add3A_401 = arith.constant 16 : i32
    %add3A_402 = arith.addi %mul3A_2, %add3A_401 : i32
    %dma_wait3A_403 = arith.constant 1 : i32
    %dma_wait3A_404 = arith.constant 0 : i32
    %dma_wait3A_405 = tpu.memref_slice %arg2[%dma_wait3A_403, %add3A_402, %dma_wait3A_404] : memref<4x2048x1024xf32, #tpu.memory_space<hbm>> -> memref<1x16x1024xf32, #tpu.memory_space<hbm>>
    %dma_wait3A_406 = tpu.memref_squeeze %dma_wait3A_405 : memref<1x16x1024xf32, #tpu.memory_space<hbm>> -> memref<16x1024xf32, #tpu.memory_space<hbm>>
    %dma_wait3A_407 = arith.constant 0 : i32
    %dma_wait3A_408 = tpu.memref_slice %arg2[%dma_wait3A_403, %add3A_402, %dma_wait3A_407] : memref<4x2048x1024xf32, #tpu.memory_space<hbm>> -> memref<1x16x1024xf32, #tpu.memory_space<hbm>>
    %dma_wait3A_409 = tpu.memref_squeeze %dma_wait3A_408 : memref<1x16x1024xf32, #tpu.memory_space<hbm>> -> memref<16x1024xf32, #tpu.memory_space<hbm>>
    tpu.wait_dma2 semaphore(%arg12 : memref<!tpu.dma_semaphore, #tpu.memory_space<semaphore_mem>>) src(%dma_wait3A_409 : memref<16x1024xf32, #tpu.memory_space<hbm>>) dst(%arg6 : memref<16x1024xf32, #tpu.memory_space<vmem>>)
    %parallel_loop3A_410 = arith.constant 0 : i32
    %parallel_loop3A_411 = arith.constant 8192 : i32
    %parallel_loop3A_412 = arith.constant 16 : i32
    scf.for %parallel_loop3A_1111 = %parallel_loop3A_410 to %parallel_loop3A_411 step %parallel_loop3A_412  : i32 {
      %parallel_loop3A_1112 = arith.constant 1024 : i32
      %parallel_loop3A_1113 = arith.divsi %parallel_loop3A_1111, %parallel_loop3A_1112 : i32
      %parallel_loop3A_1114 = arith.constant 0 : i32
      %parallel_loop3A_1115 = arith.cmpi sgt, %parallel_loop3A_1111, %parallel_loop3A_1114 : i32
      %parallel_loop3A_1116 = arith.extui %parallel_loop3A_1115 : i1 to i32
      %parallel_loop3A_1117 = arith.constant 0 : i32
      %parallel_loop3A_1118 = arith.cmpi slt, %parallel_loop3A_1111, %parallel_loop3A_1117 : i32
      %parallel_loop3A_1119 = arith.extui %parallel_loop3A_1118 : i1 to i32
      %parallel_loop3A_1120 = arith.subi %parallel_loop3A_1116, %parallel_loop3A_1119 : i32
      %parallel_loop3A_1121 = arith.constant 0 : i32
      %parallel_loop3A_1122 = arith.cmpi sgt, %parallel_loop3A_1112, %parallel_loop3A_1121 : i32
      %parallel_loop3A_1123 = arith.extui %parallel_loop3A_1122 : i1 to i32
      %parallel_loop3A_1124 = arith.constant 0 : i32
      %parallel_loop3A_1125 = arith.cmpi slt, %parallel_loop3A_1112, %parallel_loop3A_1124 : i32
      %parallel_loop3A_1126 = arith.extui %parallel_loop3A_1125 : i1 to i32
      %parallel_loop3A_1127 = arith.subi %parallel_loop3A_1123, %parallel_loop3A_1126 : i32
      %parallel_loop3A_1128 = arith.cmpi ne, %parallel_loop3A_1120, %parallel_loop3A_1127 : i32
      %parallel_loop3A_1129 = arith.remsi %parallel_loop3A_1111, %parallel_loop3A_1112 : i32
      %parallel_loop3A_1130 = arith.constant 0 : i32
      %parallel_loop3A_1131 = arith.cmpi ne, %parallel_loop3A_1129, %parallel_loop3A_1130 : i32
      %parallel_loop3A_1132 = arith.andi %parallel_loop3A_1128, %parallel_loop3A_1131 : i1
      %parallel_loop3A_1133 = arith.constant 1 : i32
      %parallel_loop3A_1134 = arith.subi %parallel_loop3A_1113, %parallel_loop3A_1133 : i32
      %parallel_loop3A_1135 = arith.select %parallel_loop3A_1132, %parallel_loop3A_1134, %parallel_loop3A_1113 : i32
      %parallel_loop3A_1136 = arith.constant 1024 : i32
      %parallel_loop3A_1137 = arith.constant 0 : i32
      %parallel_loop3A_1138 = arith.cmpi eq, %parallel_loop3A_1136, %parallel_loop3A_1137 : i32
      %parallel_loop3A_1139 = arith.constant 1 : i32
      %parallel_loop3A_1140 = arith.select %parallel_loop3A_1138, %parallel_loop3A_1139, %parallel_loop3A_1136 : i32
      %parallel_loop3A_1141 = arith.remsi %parallel_loop3A_1111, %parallel_loop3A_1140 : i32
      %parallel_loop3A_1142 = arith.constant 0 : i32
      %parallel_loop3A_1143 = arith.cmpi ne, %parallel_loop3A_1141, %parallel_loop3A_1142 : i32
      %parallel_loop3A_1144 = arith.constant 0 : i32
      %parallel_loop3A_1145 = arith.cmpi slt, %parallel_loop3A_1141, %parallel_loop3A_1144 : i32
      %parallel_loop3A_1146 = arith.constant 0 : i32
      %parallel_loop3A_1147 = arith.cmpi slt, %parallel_loop3A_1140, %parallel_loop3A_1146 : i32
      %parallel_loop3A_1148 = arith.xori %parallel_loop3A_1145, %parallel_loop3A_1147 : i1
      %parallel_loop3A_1149 = arith.andi %parallel_loop3A_1148, %parallel_loop3A_1143 : i1
      %parallel_loop3A_1150 = arith.addi %parallel_loop3A_1141, %parallel_loop3A_1140 : i32
      %parallel_loop3A_1151 = arith.select %parallel_loop3A_1149, %parallel_loop3A_1150, %parallel_loop3A_1141 : i32
      %parallel_loop3A_1152 = arith.index_cast %parallel_loop3A_1135 : i32 to index
      %parallel_loop3A_1153 = arith.index_cast %parallel_loop3A_1151 : i32 to index
      %parallel_loop3A_1154 = tpu.vector_load %arg10[%parallel_loop3A_1152, %parallel_loop3A_1153] {strides = array<i32>} : memref<16x1024xf32, #tpu.memory_space<vmem>>, vector<1x16xf32>,
      %parallel_loop3A_1155 = vector.shape_cast %parallel_loop3A_1154 : vector<1x16xf32> to vector<16xf32>
      %parallel_loop3A_1156 = arith.index_cast %parallel_loop3A_1135 : i32 to index
      %parallel_loop3A_1157 = arith.index_cast %parallel_loop3A_1151 : i32 to index
      %parallel_loop3A_1158 = tpu.vector_load %arg6[%parallel_loop3A_1156, %parallel_loop3A_1157] {strides = array<i32>} : memref<16x1024xf32, #tpu.memory_space<vmem>>, vector<1x16xf32>,
      %parallel_loop3A_1159 = vector.shape_cast %parallel_loop3A_1158 : vector<1x16xf32> to vector<16xf32>
      %parallel_loop3A_1160 = vector.shape_cast %parallel_loop3A_1155 : vector<16xf32> to vector<1x16xf32>
      tpu.vector_store %arg6[%parallel_loop3A_1156, %parallel_loop3A_1157], %parallel_loop3A_1160 {add = true, strides = array<i32>} : memref<16x1024xf32, #tpu.memory_space<vmem>>, vector<1x16xf32>,
    } {sc.loop_unroll_factor = 8 : i64, sc.parallel_access}
    %add3A_413 = arith.constant 16 : i32
    %add3A_414 = arith.addi %mul3A_2, %add3A_413 : i32
    %add3A_415 = arith.constant 0 : i32
    %add3A_416 = arith.addi %add3A_414, %add3A_415 : i32
    %dma_start3A_417 = arith.constant 1 : i32
    %dma_start3A_418 = arith.constant 0 : i32
    %dma_start3A_419 = arith.constant 0 : i32
    %dma_start3A_420 = tpu.memref_slice %arg6[%dma_start3A_418, %dma_start3A_419] : memref<16x1024xf32, #tpu.memory_space<vmem>> -> memref<8x1024xf32, #tpu.memory_space<vmem>>
    %dma_start3A_421 = arith.constant 0 : i32
    %dma_start3A_422 = tpu.memref_slice %arg4[%dma_start3A_417, %add3A_416, %dma_start3A_421] : memref<4x2048x1024xf32, #tpu.memory_space<hbm>> -> memref<1x8x1024xf32, #tpu.memory_space<hbm>>
    %dma_start3A_423 = tpu.memref_squeeze %dma_start3A_422 : memref<1x8x1024xf32, #tpu.memory_space<hbm>> -> memref<8x1024xf32, #tpu.memory_space<hbm>>
    %dma_start3A_424 = arith.constant 0 : i32
    %dma_start3A_425 = tpu.memref_slice %arg4[%dma_start3A_417, %add3A_416, %dma_start3A_424] : memref<4x2048x1024xf32, #tpu.memory_space<hbm>> -> memref<1x8x1024xf32, #tpu.memory_space<hbm>>
    %dma_start3A_426 = tpu.memref_squeeze %dma_start3A_425 : memref<1x8x1024xf32, #tpu.memory_space<hbm>> -> memref<8x1024xf32, #tpu.memory_space<hbm>>
    %dma_start3A_427 = arith.constant 0 : i32
    %dma_start3A_428 = arith.constant 0 : i32
    %dma_start3A_429 = tpu.memref_slice %arg6[%dma_start3A_427, %dma_start3A_428] : memref<16x1024xf32, #tpu.memory_space<vmem>> -> memref<8x1024xf32, #tpu.memory_space<vmem>>
    tpu.enqueue_dma source(%dma_start3A_429 : memref<8x1024xf32, #tpu.memory_space<vmem>>) target(%dma_start3A_426 : memref<8x1024xf32, #tpu.memory_space<hbm>>) target_semaphore(%arg16 : memref<!tpu.dma_semaphore, #tpu.memory_space<semaphore_mem>>)
    %parallel_loop3A_430 = arith.constant 8192 : i32
    %parallel_loop3A_431 = arith.constant 16384 : i32
    %parallel_loop3A_432 = arith.constant 16 : i32
    scf.for %parallel_loop3A_1111 = %parallel_loop3A_430 to %parallel_loop3A_431 step %parallel_loop3A_432  : i32 {
      %parallel_loop3A_1112 = arith.constant 1024 : i32
      %parallel_loop3A_1113 = arith.divsi %parallel_loop3A_1111, %parallel_loop3A_1112 : i32
      %parallel_loop3A_1114 = arith.constant 0 : i32
      %parallel_loop3A_1115 = arith.cmpi sgt, %parallel_loop3A_1111, %parallel_loop3A_1114 : i32
      %parallel_loop3A_1116 = arith.extui %parallel_loop3A_1115 : i1 to i32
      %parallel_loop3A_1117 = arith.constant 0 : i32
      %parallel_loop3A_1118 = arith.cmpi slt, %parallel_loop3A_1111, %parallel_loop3A_1117 : i32
      %parallel_loop3A_1119 = arith.extui %parallel_loop3A_1118 : i1 to i32
      %parallel_loop3A_1120 = arith.subi %parallel_loop3A_1116, %parallel_loop3A_1119 : i32
      %parallel_loop3A_1121 = arith.constant 0 : i32
      %parallel_loop3A_1122 = arith.cmpi sgt, %parallel_loop3A_1112, %parallel_loop3A_1121 : i32
      %parallel_loop3A_1123 = arith.extui %parallel_loop3A_1122 : i1 to i32
      %parallel_loop3A_1124 = arith.constant 0 : i32
      %parallel_loop3A_1125 = arith.cmpi slt, %parallel_loop3A_1112, %parallel_loop3A_1124 : i32
      %parallel_loop3A_1126 = arith.extui %parallel_loop3A_1125 : i1 to i32
      %parallel_loop3A_1127 = arith.subi %parallel_loop3A_1123, %parallel_loop3A_1126 : i32
      %parallel_loop3A_1128 = arith.cmpi ne, %parallel_loop3A_1120, %parallel_loop3A_1127 : i32
      %parallel_loop3A_1129 = arith.remsi %parallel_loop3A_1111, %parallel_loop3A_1112 : i32
      %parallel_loop3A_1130 = arith.constant 0 : i32
      %parallel_loop3A_1131 = arith.cmpi ne, %parallel_loop3A_1129, %parallel_loop3A_1130 : i32
      %parallel_loop3A_1132 = arith.andi %parallel_loop3A_1128, %parallel_loop3A_1131 : i1
      %parallel_loop3A_1133 = arith.constant 1 : i32
      %parallel_loop3A_1134 = arith.subi %parallel_loop3A_1113, %parallel_loop3A_1133 : i32
      %parallel_loop3A_1135 = arith.select %parallel_loop3A_1132, %parallel_loop3A_1134, %parallel_loop3A_1113 : i32
      %parallel_loop3A_1136 = arith.constant 1024 : i32
      %parallel_loop3A_1137 = arith.constant 0 : i32
      %parallel_loop3A_1138 = arith.cmpi eq, %parallel_loop3A_1136, %parallel_loop3A_1137 : i32
      %parallel_loop3A_1139 = arith.constant 1 : i32
      %parallel_loop3A_1140 = arith.select %parallel_loop3A_1138, %parallel_loop3A_1139, %parallel_loop3A_1136 : i32
      %parallel_loop3A_1141 = arith.remsi %parallel_loop3A_1111, %parallel_loop3A_1140 : i32
      %parallel_loop3A_1142 = arith.constant 0 : i32
      %parallel_loop3A_1143 = arith.cmpi ne, %parallel_loop3A_1141, %parallel_loop3A_1142 : i32
      %parallel_loop3A_1144 = arith.constant 0 : i32
      %parallel_loop3A_1145 = arith.cmpi slt, %parallel_loop3A_1141, %parallel_loop3A_1144 : i32
      %parallel_loop3A_1146 = arith.constant 0 : i32
      %parallel_loop3A_1147 = arith.cmpi slt, %parallel_loop3A_1140, %parallel_loop3A_1146 : i32
      %parallel_loop3A_1148 = arith.xori %parallel_loop3A_1145, %parallel_loop3A_1147 : i1
      %parallel_loop3A_1149 = arith.andi %parallel_loop3A_1148, %parallel_loop3A_1143 : i1
      %parallel_loop3A_1150 = arith.addi %parallel_loop3A_1141, %parallel_loop3A_1140 : i32
      %parallel_loop3A_1151 = arith.select %parallel_loop3A_1149, %parallel_loop3A_1150, %parallel_loop3A_1141 : i32
      %parallel_loop3A_1152 = arith.index_cast %parallel_loop3A_1135 : i32 to index
      %parallel_loop3A_1153 = arith.index_cast %parallel_loop3A_1151 : i32 to index
      %parallel_loop3A_1154 = tpu.vector_load %arg10[%parallel_loop3A_1152, %parallel_loop3A_1153] {strides = array<i32>} : memref<16x1024xf32, #tpu.memory_space<vmem>>, vector<1x16xf32>,
      %parallel_loop3A_1155 = vector.shape_cast %parallel_loop3A_1154 : vector<1x16xf32> to vector<16xf32>
      %parallel_loop3A_1156 = arith.index_cast %parallel_loop3A_1135 : i32 to index
      %parallel_loop3A_1157 = arith.index_cast %parallel_loop3A_1151 : i32 to index
      %parallel_loop3A_1158 = tpu.vector_load %arg6[%parallel_loop3A_1156, %parallel_loop3A_1157] {strides = array<i32>} : memref<16x1024xf32, #tpu.memory_space<vmem>>, vector<1x16xf32>,
      %parallel_loop3A_1159 = vector.shape_cast %parallel_loop3A_1158 : vector<1x16xf32> to vector<16xf32>
      %parallel_loop3A_1160 = vector.shape_cast %parallel_loop3A_1155 : vector<16xf32> to vector<1x16xf32>
      tpu.vector_store %arg6[%parallel_loop3A_1156, %parallel_loop3A_1157], %parallel_loop3A_1160 {add = true, strides = array<i32>} : memref<16x1024xf32, #tpu.memory_space<vmem>>, vector<1x16xf32>,
    } {sc.loop_unroll_factor = 8 : i64, sc.parallel_access}
    %add3A_433 = arith.constant 16 : i32
    %add3A_434 = arith.addi %mul3A_2, %add3A_433 : i32
    %add3A_435 = arith.constant 8 : i32
    %add3A_436 = arith.addi %add3A_434, %add3A_435 : i32
    %dma_start3A_437 = arith.constant 1 : i32
    %dma_start3A_438 = arith.constant 8 : i32
    %dma_start3A_439 = arith.constant 0 : i32
    %dma_start3A_440 = tpu.memref_slice %arg6[%dma_start3A_438, %dma_start3A_439] : memref<16x1024xf32, #tpu.memory_space<vmem>> -> memref<8x1024xf32, #tpu.memory_space<vmem>>
    %dma_start3A_441 = arith.constant 0 : i32
    %dma_start3A_442 = tpu.memref_slice %arg4[%dma_start3A_437, %add3A_436, %dma_start3A_441] : memref<4x2048x1024xf32, #tpu.memory_space<hbm>> -> memref<1x8x1024xf32, #tpu.memory_space<hbm>>
    %dma_start3A_443 = tpu.memref_squeeze %dma_start3A_442 : memref<1x8x1024xf32, #tpu.memory_space<hbm>> -> memref<8x1024xf32, #tpu.memory_space<hbm>>
    %dma_start3A_444 = arith.constant 0 : i32
    %dma_start3A_445 = tpu.memref_slice %arg4[%dma_start3A_437, %add3A_436, %dma_start3A_444] : memref<4x2048x1024xf32, #tpu.memory_space<hbm>> -> memref<1x8x1024xf32, #tpu.memory_space<hbm>>
    %dma_start3A_446 = tpu.memref_squeeze %dma_start3A_445 : memref<1x8x1024xf32, #tpu.memory_space<hbm>> -> memref<8x1024xf32, #tpu.memory_space<hbm>>
    %dma_start3A_447 = arith.constant 8 : i32
    %dma_start3A_448 = arith.constant 0 : i32
    %dma_start3A_449 = tpu.memref_slice %arg6[%dma_start3A_447, %dma_start3A_448] : memref<16x1024xf32, #tpu.memory_space<vmem>> -> memref<8x1024xf32, #tpu.memory_space<vmem>>
    tpu.enqueue_dma source(%dma_start3A_449 : memref<8x1024xf32, #tpu.memory_space<vmem>>) target(%dma_start3A_446 : memref<8x1024xf32, #tpu.memory_space<hbm>>) target_semaphore(%arg16 : memref<!tpu.dma_semaphore, #tpu.memory_space<semaphore_mem>>)
    %add3A_450 = arith.constant 16 : i32
    %add3A_451 = arith.addi %mul3A_2, %add3A_450 : i32
    %dma_wait3A_452 = arith.constant 1 : i32
    %dma_wait3A_453 = arith.constant 0 : i32
    %dma_wait3A_454 = tpu.memref_slice %arg4[%dma_wait3A_452, %add3A_451, %dma_wait3A_453] : memref<4x2048x1024xf32, #tpu.memory_space<hbm>> -> memref<1x16x1024xf32, #tpu.memory_space<hbm>>
    %dma_wait3A_455 = tpu.memref_squeeze %dma_wait3A_454 : memref<1x16x1024xf32, #tpu.memory_space<hbm>> -> memref<16x1024xf32, #tpu.memory_space<hbm>>
    %dma_wait3A_456 = arith.constant 0 : i32
    %dma_wait3A_457 = tpu.memref_slice %arg4[%dma_wait3A_452, %add3A_451, %dma_wait3A_456] : memref<4x2048x1024xf32, #tpu.memory_space<hbm>> -> memref<1x16x1024xf32, #tpu.memory_space<hbm>>
    %dma_wait3A_458 = tpu.memref_squeeze %dma_wait3A_457 : memref<1x16x1024xf32, #tpu.memory_space<hbm>> -> memref<16x1024xf32, #tpu.memory_space<hbm>>
    tpu.wait_dma2 semaphore(%arg16 : memref<!tpu.dma_semaphore, #tpu.memory_space<semaphore_mem>>) src(%arg6 : memref<16x1024xf32, #tpu.memory_space<vmem>>) dst(%dma_wait3A_458 : memref<16x1024xf32, #tpu.memory_space<hbm>>)
    %add3A_459 = arith.constant 32 : i32
    %add3A_460 = arith.addi %mul3A_2, %add3A_459 : i32
    %dma_start3A_461 = arith.constant 1 : i32
    %dma_start3A_462 = arith.constant 0 : i32
    %dma_start3A_463 = tpu.memref_slice %arg2[%dma_start3A_461, %add3A_460, %dma_start3A_462] : memref<4x2048x1024xf32, #tpu.memory_space<hbm>> -> memref<1x16x1024xf32, #tpu.memory_space<hbm>>
    %dma_start3A_464 = tpu.memref_squeeze %dma_start3A_463 : memref<1x16x1024xf32, #tpu.memory_space<hbm>> -> memref<16x1024xf32, #tpu.memory_space<hbm>>
    %dma_start3A_465 = arith.constant 0 : i32
    %dma_start3A_466 = tpu.memref_slice %arg2[%dma_start3A_461, %add3A_460, %dma_start3A_465] : memref<4x2048x1024xf32, #tpu.memory_space<hbm>> -> memref<1x16x1024xf32, #tpu.memory_space<hbm>>
    %dma_start3A_467 = tpu.memref_squeeze %dma_start3A_466 : memref<1x16x1024xf32, #tpu.memory_space<hbm>> -> memref<16x1024xf32, #tpu.memory_space<hbm>>
    tpu.enqueue_dma source(%dma_start3A_467 : memref<16x1024xf32, #tpu.memory_space<hbm>>) target(%arg6 : memref<16x1024xf32, #tpu.memory_space<vmem>>) target_semaphore(%arg12 : memref<!tpu.dma_semaphore, #tpu.memory_space<semaphore_mem>>)
    %add3A_468 = arith.constant 16 : i32
    %add3A_469 = arith.addi %mul3A_2, %add3A_468 : i32
    %dma_wait3A_470 = arith.constant 2 : i32
    %dma_wait3A_471 = arith.constant 0 : i32
    %dma_wait3A_472 = tpu.memref_slice %arg2[%dma_wait3A_470, %add3A_469, %dma_wait3A_471] : memref<4x2048x1024xf32, #tpu.memory_space<hbm>> -> memref<1x16x1024xf32, #tpu.memory_space<hbm>>
    %dma_wait3A_473 = tpu.memref_squeeze %dma_wait3A_472 : memref<1x16x1024xf32, #tpu.memory_space<hbm>> -> memref<16x1024xf32, #tpu.memory_space<hbm>>
    %dma_wait3A_474 = arith.constant 0 : i32
    %dma_wait3A_475 = tpu.memref_slice %arg2[%dma_wait3A_470, %add3A_469, %dma_wait3A_474] : memref<4x2048x1024xf32, #tpu.memory_space<hbm>> -> memref<1x16x1024xf32, #tpu.memory_space<hbm>>
    %dma_wait3A_476 = tpu.memref_squeeze %dma_wait3A_475 : memref<1x16x1024xf32, #tpu.memory_space<hbm>> -> memref<16x1024xf32, #tpu.memory_space<hbm>>
    tpu.wait_dma2 semaphore(%arg13 : memref<!tpu.dma_semaphore, #tpu.memory_space<semaphore_mem>>) src(%dma_wait3A_476 : memref<16x1024xf32, #tpu.memory_space<hbm>>) dst(%arg7 : memref<16x1024xf32, #tpu.memory_space<vmem>>)
    %parallel_loop3A_477 = arith.constant 0 : i32
    %parallel_loop3A_478 = arith.constant 8192 : i32
    %parallel_loop3A_479 = arith.constant 16 : i32
    scf.for %parallel_loop3A_1111 = %parallel_loop3A_477 to %parallel_loop3A_478 step %parallel_loop3A_479  : i32 {
      %parallel_loop3A_1112 = arith.constant 1024 : i32
      %parallel_loop3A_1113 = arith.divsi %parallel_loop3A_1111, %parallel_loop3A_1112 : i32
      %parallel_loop3A_1114 = arith.constant 0 : i32
      %parallel_loop3A_1115 = arith.cmpi sgt, %parallel_loop3A_1111, %parallel_loop3A_1114 : i32
      %parallel_loop3A_1116 = arith.extui %parallel_loop3A_1115 : i1 to i32
      %parallel_loop3A_1117 = arith.constant 0 : i32
      %parallel_loop3A_1118 = arith.cmpi slt, %parallel_loop3A_1111, %parallel_loop3A_1117 : i32
      %parallel_loop3A_1119 = arith.extui %parallel_loop3A_1118 : i1 to i32
      %parallel_loop3A_1120 = arith.subi %parallel_loop3A_1116, %parallel_loop3A_1119 : i32
      %parallel_loop3A_1121 = arith.constant 0 : i32
      %parallel_loop3A_1122 = arith.cmpi sgt, %parallel_loop3A_1112, %parallel_loop3A_1121 : i32
      %parallel_loop3A_1123 = arith.extui %parallel_loop3A_1122 : i1 to i32
      %parallel_loop3A_1124 = arith.constant 0 : i32
      %parallel_loop3A_1125 = arith.cmpi slt, %parallel_loop3A_1112, %parallel_loop3A_1124 : i32
      %parallel_loop3A_1126 = arith.extui %parallel_loop3A_1125 : i1 to i32
      %parallel_loop3A_1127 = arith.subi %parallel_loop3A_1123, %parallel_loop3A_1126 : i32
      %parallel_loop3A_1128 = arith.cmpi ne, %parallel_loop3A_1120, %parallel_loop3A_1127 : i32
      %parallel_loop3A_1129 = arith.remsi %parallel_loop3A_1111, %parallel_loop3A_1112 : i32
      %parallel_loop3A_1130 = arith.constant 0 : i32
      %parallel_loop3A_1131 = arith.cmpi ne, %parallel_loop3A_1129, %parallel_loop3A_1130 : i32
      %parallel_loop3A_1132 = arith.andi %parallel_loop3A_1128, %parallel_loop3A_1131 : i1
      %parallel_loop3A_1133 = arith.constant 1 : i32
      %parallel_loop3A_1134 = arith.subi %parallel_loop3A_1113, %parallel_loop3A_1133 : i32
      %parallel_loop3A_1135 = arith.select %parallel_loop3A_1132, %parallel_loop3A_1134, %parallel_loop3A_1113 : i32
      %parallel_loop3A_1136 = arith.constant 1024 : i32
      %parallel_loop3A_1137 = arith.constant 0 : i32
      %parallel_loop3A_1138 = arith.cmpi eq, %parallel_loop3A_1136, %parallel_loop3A_1137 : i32
      %parallel_loop3A_1139 = arith.constant 1 : i32
      %parallel_loop3A_1140 = arith.select %parallel_loop3A_1138, %parallel_loop3A_1139, %parallel_loop3A_1136 : i32
      %parallel_loop3A_1141 = arith.remsi %parallel_loop3A_1111, %parallel_loop3A_1140 : i32
      %parallel_loop3A_1142 = arith.constant 0 : i32
      %parallel_loop3A_1143 = arith.cmpi ne, %parallel_loop3A_1141, %parallel_loop3A_1142 : i32
      %parallel_loop3A_1144 = arith.constant 0 : i32
      %parallel_loop3A_1145 = arith.cmpi slt, %parallel_loop3A_1141, %parallel_loop3A_1144 : i32
      %parallel_loop3A_1146 = arith.constant 0 : i32
      %parallel_loop3A_1147 = arith.cmpi slt, %parallel_loop3A_1140, %parallel_loop3A_1146 : i32
      %parallel_loop3A_1148 = arith.xori %parallel_loop3A_1145, %parallel_loop3A_1147 : i1
      %parallel_loop3A_1149 = arith.andi %parallel_loop3A_1148, %parallel_loop3A_1143 : i1
      %parallel_loop3A_1150 = arith.addi %parallel_loop3A_1141, %parallel_loop3A_1140 : i32
      %parallel_loop3A_1151 = arith.select %parallel_loop3A_1149, %parallel_loop3A_1150, %parallel_loop3A_1141 : i32
      %parallel_loop3A_1152 = arith.index_cast %parallel_loop3A_1135 : i32 to index
      %parallel_loop3A_1153 = arith.index_cast %parallel_loop3A_1151 : i32 to index
      %parallel_loop3A_1154 = tpu.vector_load %arg10[%parallel_loop3A_1152, %parallel_loop3A_1153] {strides = array<i32>} : memref<16x1024xf32, #tpu.memory_space<vmem>>, vector<1x16xf32>,
      %parallel_loop3A_1155 = vector.shape_cast %parallel_loop3A_1154 : vector<1x16xf32> to vector<16xf32>
      %parallel_loop3A_1156 = arith.index_cast %parallel_loop3A_1135 : i32 to index
      %parallel_loop3A_1157 = arith.index_cast %parallel_loop3A_1151 : i32 to index
      %parallel_loop3A_1158 = tpu.vector_load %arg7[%parallel_loop3A_1156, %parallel_loop3A_1157] {strides = array<i32>} : memref<16x1024xf32, #tpu.memory_space<vmem>>, vector<1x16xf32>,
      %parallel_loop3A_1159 = vector.shape_cast %parallel_loop3A_1158 : vector<1x16xf32> to vector<16xf32>
      %parallel_loop3A_1160 = vector.shape_cast %parallel_loop3A_1155 : vector<16xf32> to vector<1x16xf32>
      tpu.vector_store %arg7[%parallel_loop3A_1156, %parallel_loop3A_1157], %parallel_loop3A_1160 {add = true, strides = array<i32>} : memref<16x1024xf32, #tpu.memory_space<vmem>>, vector<1x16xf32>,
    } {sc.loop_unroll_factor = 8 : i64, sc.parallel_access}
    %add3A_480 = arith.constant 16 : i32
    %add3A_481 = arith.addi %mul3A_2, %add3A_480 : i32
    %add3A_482 = arith.constant 0 : i32
    %add3A_483 = arith.addi %add3A_481, %add3A_482 : i32
    %dma_start3A_484 = arith.constant 2 : i32
    %dma_start3A_485 = arith.constant 0 : i32
    %dma_start3A_486 = arith.constant 0 : i32
    %dma_start3A_487 = tpu.memref_slice %arg7[%dma_start3A_485, %dma_start3A_486] : memref<16x1024xf32, #tpu.memory_space<vmem>> -> memref<8x1024xf32, #tpu.memory_space<vmem>>
    %dma_start3A_488 = arith.constant 0 : i32
    %dma_start3A_489 = tpu.memref_slice %arg4[%dma_start3A_484, %add3A_483, %dma_start3A_488] : memref<4x2048x1024xf32, #tpu.memory_space<hbm>> -> memref<1x8x1024xf32, #tpu.memory_space<hbm>>
    %dma_start3A_490 = tpu.memref_squeeze %dma_start3A_489 : memref<1x8x1024xf32, #tpu.memory_space<hbm>> -> memref<8x1024xf32, #tpu.memory_space<hbm>>
    %dma_start3A_491 = arith.constant 0 : i32
    %dma_start3A_492 = tpu.memref_slice %arg4[%dma_start3A_484, %add3A_483, %dma_start3A_491] : memref<4x2048x1024xf32, #tpu.memory_space<hbm>> -> memref<1x8x1024xf32, #tpu.memory_space<hbm>>
    %dma_start3A_493 = tpu.memref_squeeze %dma_start3A_492 : memref<1x8x1024xf32, #tpu.memory_space<hbm>> -> memref<8x1024xf32, #tpu.memory_space<hbm>>
    %dma_start3A_494 = arith.constant 0 : i32
    %dma_start3A_495 = arith.constant 0 : i32
    %dma_start3A_496 = tpu.memref_slice %arg7[%dma_start3A_494, %dma_start3A_495] : memref<16x1024xf32, #tpu.memory_space<vmem>> -> memref<8x1024xf32, #tpu.memory_space<vmem>>
    tpu.enqueue_dma source(%dma_start3A_496 : memref<8x1024xf32, #tpu.memory_space<vmem>>) target(%dma_start3A_493 : memref<8x1024xf32, #tpu.memory_space<hbm>>) target_semaphore(%arg17 : memref<!tpu.dma_semaphore, #tpu.memory_space<semaphore_mem>>)
    %parallel_loop3A_497 = arith.constant 8192 : i32
    %parallel_loop3A_498 = arith.constant 16384 : i32
    %parallel_loop3A_499 = arith.constant 16 : i32
    scf.for %parallel_loop3A_1111 = %parallel_loop3A_497 to %parallel_loop3A_498 step %parallel_loop3A_499  : i32 {
      %parallel_loop3A_1112 = arith.constant 1024 : i32
      %parallel_loop3A_1113 = arith.divsi %parallel_loop3A_1111, %parallel_loop3A_1112 : i32
      %parallel_loop3A_1114 = arith.constant 0 : i32
      %parallel_loop3A_1115 = arith.cmpi sgt, %parallel_loop3A_1111, %parallel_loop3A_1114 : i32
      %parallel_loop3A_1116 = arith.extui %parallel_loop3A_1115 : i1 to i32
      %parallel_loop3A_1117 = arith.constant 0 : i32
      %parallel_loop3A_1118 = arith.cmpi slt, %parallel_loop3A_1111, %parallel_loop3A_1117 : i32
      %parallel_loop3A_1119 = arith.extui %parallel_loop3A_1118 : i1 to i32
      %parallel_loop3A_1120 = arith.subi %parallel_loop3A_1116, %parallel_loop3A_1119 : i32
      %parallel_loop3A_1121 = arith.constant 0 : i32
      %parallel_loop3A_1122 = arith.cmpi sgt, %parallel_loop3A_1112, %parallel_loop3A_1121 : i32
      %parallel_loop3A_1123 = arith.extui %parallel_loop3A_1122 : i1 to i32
      %parallel_loop3A_1124 = arith.constant 0 : i32
      %parallel_loop3A_1125 = arith.cmpi slt, %parallel_loop3A_1112, %parallel_loop3A_1124 : i32
      %parallel_loop3A_1126 = arith.extui %parallel_loop3A_1125 : i1 to i32
      %parallel_loop3A_1127 = arith.subi %parallel_loop3A_1123, %parallel_loop3A_1126 : i32
      %parallel_loop3A_1128 = arith.cmpi ne, %parallel_loop3A_1120, %parallel_loop3A_1127 : i32
      %parallel_loop3A_1129 = arith.remsi %parallel_loop3A_1111, %parallel_loop3A_1112 : i32
      %parallel_loop3A_1130 = arith.constant 0 : i32
      %parallel_loop3A_1131 = arith.cmpi ne, %parallel_loop3A_1129, %parallel_loop3A_1130 : i32
      %parallel_loop3A_1132 = arith.andi %parallel_loop3A_1128, %parallel_loop3A_1131 : i1
      %parallel_loop3A_1133 = arith.constant 1 : i32
      %parallel_loop3A_1134 = arith.subi %parallel_loop3A_1113, %parallel_loop3A_1133 : i32
      %parallel_loop3A_1135 = arith.select %parallel_loop3A_1132, %parallel_loop3A_1134, %parallel_loop3A_1113 : i32
      %parallel_loop3A_1136 = arith.constant 1024 : i32
      %parallel_loop3A_1137 = arith.constant 0 : i32
      %parallel_loop3A_1138 = arith.cmpi eq, %parallel_loop3A_1136, %parallel_loop3A_1137 : i32
      %parallel_loop3A_1139 = arith.constant 1 : i32
      %parallel_loop3A_1140 = arith.select %parallel_loop3A_1138, %parallel_loop3A_1139, %parallel_loop3A_1136 : i32
      %parallel_loop3A_1141 = arith.remsi %parallel_loop3A_1111, %parallel_loop3A_1140 : i32
      %parallel_loop3A_1142 = arith.constant 0 : i32
      %parallel_loop3A_1143 = arith.cmpi ne, %parallel_loop3A_1141, %parallel_loop3A_1142 : i32
      %parallel_loop3A_1144 = arith.constant 0 : i32
      %parallel_loop3A_1145 = arith.cmpi slt, %parallel_loop3A_1141, %parallel_loop3A_1144 : i32
      %parallel_loop3A_1146 = arith.constant 0 : i32
      %parallel_loop3A_1147 = arith.cmpi slt, %parallel_loop3A_1140, %parallel_loop3A_1146 : i32
      %parallel_loop3A_1148 = arith.xori %parallel_loop3A_1145, %parallel_loop3A_1147 : i1
      %parallel_loop3A_1149 = arith.andi %parallel_loop3A_1148, %parallel_loop3A_1143 : i1
      %parallel_loop3A_1150 = arith.addi %parallel_loop3A_1141, %parallel_loop3A_1140 : i32
      %parallel_loop3A_1151 = arith.select %parallel_loop3A_1149, %parallel_loop3A_1150, %parallel_loop3A_1141 : i32
      %parallel_loop3A_1152 = arith.index_cast %parallel_loop3A_1135 : i32 to index
      %parallel_loop3A_1153 = arith.index_cast %parallel_loop3A_1151 : i32 to index
      %parallel_loop3A_1154 = tpu.vector_load %arg10[%parallel_loop3A_1152, %parallel_loop3A_1153] {strides = array<i32>} : memref<16x1024xf32, #tpu.memory_space<vmem>>, vector<1x16xf32>,
      %parallel_loop3A_1155 = vector.shape_cast %parallel_loop3A_1154 : vector<1x16xf32> to vector<16xf32>
      %parallel_loop3A_1156 = arith.index_cast %parallel_loop3A_1135 : i32 to index
      %parallel_loop3A_1157 = arith.index_cast %parallel_loop3A_1151 : i32 to index
      %parallel_loop3A_1158 = tpu.vector_load %arg7[%parallel_loop3A_1156, %parallel_loop3A_1157] {strides = array<i32>} : memref<16x1024xf32, #tpu.memory_space<vmem>>, vector<1x16xf32>,
      %parallel_loop3A_1159 = vector.shape_cast %parallel_loop3A_1158 : vector<1x16xf32> to vector<16xf32>
      %parallel_loop3A_1160 = vector.shape_cast %parallel_loop3A_1155 : vector<16xf32> to vector<1x16xf32>
      tpu.vector_store %arg7[%parallel_loop3A_1156, %parallel_loop3A_1157], %parallel_loop3A_1160 {add = true, strides = array<i32>} : memref<16x1024xf32, #tpu.memory_space<vmem>>, vector<1x16xf32>,
    } {sc.loop_unroll_factor = 8 : i64, sc.parallel_access}
    %add3A_500 = arith.constant 16 : i32
    %add3A_501 = arith.addi %mul3A_2, %add3A_500 : i32
    %add3A_502 = arith.constant 8 : i32
    %add3A_503 = arith.addi %add3A_501, %add3A_502 : i32
    %dma_start3A_504 = arith.constant 2 : i32
    %dma_start3A_505 = arith.constant 8 : i32
    %dma_start3A_506 = arith.constant 0 : i32
    %dma_start3A_507 = tpu.memref_slice %arg7[%dma_start3A_505, %dma_start3A_506] : memref<16x1024xf32, #tpu.memory_space<vmem>> -> memref<8x1024xf32, #tpu.memory_space<vmem>>
    %dma_start3A_508 = arith.constant 0 : i32
    %dma_start3A_509 = tpu.memref_slice %arg4[%dma_start3A_504, %add3A_503, %dma_start3A_508] : memref<4x2048x1024xf32, #tpu.memory_space<hbm>> -> memref<1x8x1024xf32, #tpu.memory_space<hbm>>
    %dma_start3A_510 = tpu.memref_squeeze %dma_start3A_509 : memref<1x8x1024xf32, #tpu.memory_space<hbm>> -> memref<8x1024xf32, #tpu.memory_space<hbm>>
    %dma_start3A_511 = arith.constant 0 : i32
    %dma_start3A_512 = tpu.memref_slice %arg4[%dma_start3A_504, %add3A_503, %dma_start3A_511] : memref<4x2048x1024xf32, #tpu.memory_space<hbm>> -> memref<1x8x1024xf32, #tpu.memory_space<hbm>>
    %dma_start3A_513 = tpu.memref_squeeze %dma_start3A_512 : memref<1x8x1024xf32, #tpu.memory_space<hbm>> -> memref<8x1024xf32, #tpu.memory_space<hbm>>
    %dma_start3A_514 = arith.constant 8 : i32
    %dma_start3A_515 = arith.constant 0 : i32
    %dma_start3A_516 = tpu.memref_slice %arg7[%dma_start3A_514, %dma_start3A_515] : memref<16x1024xf32, #tpu.memory_space<vmem>> -> memref<8x1024xf32, #tpu.memory_space<vmem>>
    tpu.enqueue_dma source(%dma_start3A_516 : memref<8x1024xf32, #tpu.memory_space<vmem>>) target(%dma_start3A_513 : memref<8x1024xf32, #tpu.memory_space<hbm>>) target_semaphore(%arg17 : memref<!tpu.dma_semaphore, #tpu.memory_space<semaphore_mem>>)
    %add3A_517 = arith.constant 16 : i32
    %add3A_518 = arith.addi %mul3A_2, %add3A_517 : i32
    %dma_wait3A_519 = arith.constant 2 : i32
    %dma_wait3A_520 = arith.constant 0 : i32
    %dma_wait3A_521 = tpu.memref_slice %arg4[%dma_wait3A_519, %add3A_518, %dma_wait3A_520] : memref<4x2048x1024xf32, #tpu.memory_space<hbm>> -> memref<1x16x1024xf32, #tpu.memory_space<hbm>>
    %dma_wait3A_522 = tpu.memref_squeeze %dma_wait3A_521 : memref<1x16x1024xf32, #tpu.memory_space<hbm>> -> memref<16x1024xf32, #tpu.memory_space<hbm>>
    %dma_wait3A_523 = arith.constant 0 : i32
    %dma_wait3A_524 = tpu.memref_slice %arg4[%dma_wait3A_519, %add3A_518, %dma_wait3A_523] : memref<4x2048x1024xf32, #tpu.memory_space<hbm>> -> memref<1x16x1024xf32, #tpu.memory_space<hbm>>
    %dma_wait3A_525 = tpu.memref_squeeze %dma_wait3A_524 : memref<1x16x1024xf32, #tpu.memory_space<hbm>> -> memref<16x1024xf32, #tpu.memory_space<hbm>>
    tpu.wait_dma2 semaphore(%arg17 : memref<!tpu.dma_semaphore, #tpu.memory_space<semaphore_mem>>) src(%arg7 : memref<16x1024xf32, #tpu.memory_space<vmem>>) dst(%dma_wait3A_525 : memref<16x1024xf32, #tpu.memory_space<hbm>>)
    %add3A_526 = arith.constant 32 : i32
    %add3A_527 = arith.addi %mul3A_2, %add3A_526 : i32
    %dma_start3A_528 = arith.constant 2 : i32
    %dma_start3A_529 = arith.constant 0 : i32
    %dma_start3A_530 = tpu.memref_slice %arg2[%dma_start3A_528, %add3A_527, %dma_start3A_529] : memref<4x2048x1024xf32, #tpu.memory_space<hbm>> -> memref<1x16x1024xf32, #tpu.memory_space<hbm>>
    %dma_start3A_531 = tpu.memref_squeeze %dma_start3A_530 : memref<1x16x1024xf32, #tpu.memory_space<hbm>> -> memref<16x1024xf32, #tpu.memory_space<hbm>>
    %dma_start3A_532 = arith.constant 0 : i32
    %dma_start3A_533 = tpu.memref_slice %arg2[%dma_start3A_528, %add3A_527, %dma_start3A_532] : memref<4x2048x1024xf32, #tpu.memory_space<hbm>> -> memref<1x16x1024xf32, #tpu.memory_space<hbm>>
    %dma_start3A_534 = tpu.memref_squeeze %dma_start3A_533 : memref<1x16x1024xf32, #tpu.memory_space<hbm>> -> memref<16x1024xf32, #tpu.memory_space<hbm>>
    tpu.enqueue_dma source(%dma_start3A_534 : memref<16x1024xf32, #tpu.memory_space<hbm>>) target(%arg7 : memref<16x1024xf32, #tpu.memory_space<vmem>>) target_semaphore(%arg13 : memref<!tpu.dma_semaphore, #tpu.memory_space<semaphore_mem>>)
    %add3A_535 = arith.constant 16 : i32
    %add3A_536 = arith.addi %mul3A_2, %add3A_535 : i32
    %dma_wait3A_537 = arith.constant 3 : i32
    %dma_wait3A_538 = arith.constant 0 : i32
    %dma_wait3A_539 = tpu.memref_slice %arg2[%dma_wait3A_537, %add3A_536, %dma_wait3A_538] : memref<4x2048x1024xf32, #tpu.memory_space<hbm>> -> memref<1x16x1024xf32, #tpu.memory_space<hbm>>
    %dma_wait3A_540 = tpu.memref_squeeze %dma_wait3A_539 : memref<1x16x1024xf32, #tpu.memory_space<hbm>> -> memref<16x1024xf32, #tpu.memory_space<hbm>>
    %dma_wait3A_541 = arith.constant 0 : i32
    %dma_wait3A_542 = tpu.memref_slice %arg2[%dma_wait3A_537, %add3A_536, %dma_wait3A_541] : memref<4x2048x1024xf32, #tpu.memory_space<hbm>> -> memref<1x16x1024xf32, #tpu.memory_space<hbm>>
    %dma_wait3A_543 = tpu.memref_squeeze %dma_wait3A_542 : memref<1x16x1024xf32, #tpu.memory_space<hbm>> -> memref<16x1024xf32, #tpu.memory_space<hbm>>
    tpu.wait_dma2 semaphore(%arg14 : memref<!tpu.dma_semaphore, #tpu.memory_space<semaphore_mem>>) src(%dma_wait3A_543 : memref<16x1024xf32, #tpu.memory_space<hbm>>) dst(%arg8 : memref<16x1024xf32, #tpu.memory_space<vmem>>)
    %parallel_loop3A_544 = arith.constant 0 : i32
    %parallel_loop3A_545 = arith.constant 8192 : i32
    %parallel_loop3A_546 = arith.constant 16 : i32
    scf.for %parallel_loop3A_1111 = %parallel_loop3A_544 to %parallel_loop3A_545 step %parallel_loop3A_546  : i32 {
      %parallel_loop3A_1112 = arith.constant 1024 : i32
      %parallel_loop3A_1113 = arith.divsi %parallel_loop3A_1111, %parallel_loop3A_1112 : i32
      %parallel_loop3A_1114 = arith.constant 0 : i32
      %parallel_loop3A_1115 = arith.cmpi sgt, %parallel_loop3A_1111, %parallel_loop3A_1114 : i32
      %parallel_loop3A_1116 = arith.extui %parallel_loop3A_1115 : i1 to i32
      %parallel_loop3A_1117 = arith.constant 0 : i32
      %parallel_loop3A_1118 = arith.cmpi slt, %parallel_loop3A_1111, %parallel_loop3A_1117 : i32
      %parallel_loop3A_1119 = arith.extui %parallel_loop3A_1118 : i1 to i32
      %parallel_loop3A_1120 = arith.subi %parallel_loop3A_1116, %parallel_loop3A_1119 : i32
      %parallel_loop3A_1121 = arith.constant 0 : i32
      %parallel_loop3A_1122 = arith.cmpi sgt, %parallel_loop3A_1112, %parallel_loop3A_1121 : i32
      %parallel_loop3A_1123 = arith.extui %parallel_loop3A_1122 : i1 to i32
      %parallel_loop3A_1124 = arith.constant 0 : i32
      %parallel_loop3A_1125 = arith.cmpi slt, %parallel_loop3A_1112, %parallel_loop3A_1124 : i32
      %parallel_loop3A_1126 = arith.extui %parallel_loop3A_1125 : i1 to i32
      %parallel_loop3A_1127 = arith.subi %parallel_loop3A_1123, %parallel_loop3A_1126 : i32
      %parallel_loop3A_1128 = arith.cmpi ne, %parallel_loop3A_1120, %parallel_loop3A_1127 : i32
      %parallel_loop3A_1129 = arith.remsi %parallel_loop3A_1111, %parallel_loop3A_1112 : i32
      %parallel_loop3A_1130 = arith.constant 0 : i32
      %parallel_loop3A_1131 = arith.cmpi ne, %parallel_loop3A_1129, %parallel_loop3A_1130 : i32
      %parallel_loop3A_1132 = arith.andi %parallel_loop3A_1128, %parallel_loop3A_1131 : i1
      %parallel_loop3A_1133 = arith.constant 1 : i32
      %parallel_loop3A_1134 = arith.subi %parallel_loop3A_1113, %parallel_loop3A_1133 : i32
      %parallel_loop3A_1135 = arith.select %parallel_loop3A_1132, %parallel_loop3A_1134, %parallel_loop3A_1113 : i32
      %parallel_loop3A_1136 = arith.constant 1024 : i32
      %parallel_loop3A_1137 = arith.constant 0 : i32
      %parallel_loop3A_1138 = arith.cmpi eq, %parallel_loop3A_1136, %parallel_loop3A_1137 : i32
      %parallel_loop3A_1139 = arith.constant 1 : i32
      %parallel_loop3A_1140 = arith.select %parallel_loop3A_1138, %parallel_loop3A_1139, %parallel_loop3A_1136 : i32
      %parallel_loop3A_1141 = arith.remsi %parallel_loop3A_1111, %parallel_loop3A_1140 : i32
      %parallel_loop3A_1142 = arith.constant 0 : i32
      %parallel_loop3A_1143 = arith.cmpi ne, %parallel_loop3A_1141, %parallel_loop3A_1142 : i32
      %parallel_loop3A_1144 = arith.constant 0 : i32
      %parallel_loop3A_1145 = arith.cmpi slt, %parallel_loop3A_1141, %parallel_loop3A_1144 : i32
      %parallel_loop3A_1146 = arith.constant 0 : i32
      %parallel_loop3A_1147 = arith.cmpi slt, %parallel_loop3A_1140, %parallel_loop3A_1146 : i32
      %parallel_loop3A_1148 = arith.xori %parallel_loop3A_1145, %parallel_loop3A_1147 : i1
      %parallel_loop3A_1149 = arith.andi %parallel_loop3A_1148, %parallel_loop3A_1143 : i1
      %parallel_loop3A_1150 = arith.addi %parallel_loop3A_1141, %parallel_loop3A_1140 : i32
      %parallel_loop3A_1151 = arith.select %parallel_loop3A_1149, %parallel_loop3A_1150, %parallel_loop3A_1141 : i32
      %parallel_loop3A_1152 = arith.index_cast %parallel_loop3A_1135 : i32 to index
      %parallel_loop3A_1153 = arith.index_cast %parallel_loop3A_1151 : i32 to index
      %parallel_loop3A_1154 = tpu.vector_load %arg10[%parallel_loop3A_1152, %parallel_loop3A_1153] {strides = array<i32>} : memref<16x1024xf32, #tpu.memory_space<vmem>>, vector<1x16xf32>,
      %parallel_loop3A_1155 = vector.shape_cast %parallel_loop3A_1154 : vector<1x16xf32> to vector<16xf32>
      %parallel_loop3A_1156 = arith.index_cast %parallel_loop3A_1135 : i32 to index
      %parallel_loop3A_1157 = arith.index_cast %parallel_loop3A_1151 : i32 to index
      %parallel_loop3A_1158 = tpu.vector_load %arg8[%parallel_loop3A_1156, %parallel_loop3A_1157] {strides = array<i32>} : memref<16x1024xf32, #tpu.memory_space<vmem>>, vector<1x16xf32>,
      %parallel_loop3A_1159 = vector.shape_cast %parallel_loop3A_1158 : vector<1x16xf32> to vector<16xf32>
      %parallel_loop3A_1160 = vector.shape_cast %parallel_loop3A_1155 : vector<16xf32> to vector<1x16xf32>
      tpu.vector_store %arg8[%parallel_loop3A_1156, %parallel_loop3A_1157], %parallel_loop3A_1160 {add = true, strides = array<i32>} : memref<16x1024xf32, #tpu.memory_space<vmem>>, vector<1x16xf32>,
    } {sc.loop_unroll_factor = 8 : i64, sc.parallel_access}
    %add3A_547 = arith.constant 16 : i32
    %add3A_548 = arith.addi %mul3A_2, %add3A_547 : i32
    %add3A_549 = arith.constant 0 : i32
    %add3A_550 = arith.addi %add3A_548, %add3A_549 : i32
    %dma_start3A_551 = arith.constant 3 : i32
    %dma_start3A_552 = arith.constant 0 : i32
    %dma_start3A_553 = arith.constant 0 : i32
    %dma_start3A_554 = tpu.memref_slice %arg8[%dma_start3A_552, %dma_start3A_553] : memref<16x1024xf32, #tpu.memory_space<vmem>> -> memref<8x1024xf32, #tpu.memory_space<vmem>>
    %dma_start3A_555 = arith.constant 0 : i32
    %dma_start3A_556 = tpu.memref_slice %arg4[%dma_start3A_551, %add3A_550, %dma_start3A_555] : memref<4x2048x1024xf32, #tpu.memory_space<hbm>> -> memref<1x8x1024xf32, #tpu.memory_space<hbm>>
    %dma_start3A_557 = tpu.memref_squeeze %dma_start3A_556 : memref<1x8x1024xf32, #tpu.memory_space<hbm>> -> memref<8x1024xf32, #tpu.memory_space<hbm>>
    %dma_start3A_558 = arith.constant 0 : i32
    %dma_start3A_559 = tpu.memref_slice %arg4[%dma_start3A_551, %add3A_550, %dma_start3A_558] : memref<4x2048x1024xf32, #tpu.memory_space<hbm>> -> memref<1x8x1024xf32, #tpu.memory_space<hbm>>
    %dma_start3A_560 = tpu.memref_squeeze %dma_start3A_559 : memref<1x8x1024xf32, #tpu.memory_space<hbm>> -> memref<8x1024xf32, #tpu.memory_space<hbm>>
    %dma_start3A_561 = arith.constant 0 : i32
    %dma_start3A_562 = arith.constant 0 : i32
    %dma_start3A_563 = tpu.memref_slice %arg8[%dma_start3A_561, %dma_start3A_562] : memref<16x1024xf32, #tpu.memory_space<vmem>> -> memref<8x1024xf32, #tpu.memory_space<vmem>>
    tpu.enqueue_dma source(%dma_start3A_563 : memref<8x1024xf32, #tpu.memory_space<vmem>>) target(%dma_start3A_560 : memref<8x1024xf32, #tpu.memory_space<hbm>>) target_semaphore(%arg18 : memref<!tpu.dma_semaphore, #tpu.memory_space<semaphore_mem>>)
    %parallel_loop3A_564 = arith.constant 8192 : i32
    %parallel_loop3A_565 = arith.constant 16384 : i32
    %parallel_loop3A_566 = arith.constant 16 : i32
    scf.for %parallel_loop3A_1111 = %parallel_loop3A_564 to %parallel_loop3A_565 step %parallel_loop3A_566  : i32 {
      %parallel_loop3A_1112 = arith.constant 1024 : i32
      %parallel_loop3A_1113 = arith.divsi %parallel_loop3A_1111, %parallel_loop3A_1112 : i32
      %parallel_loop3A_1114 = arith.constant 0 : i32
      %parallel_loop3A_1115 = arith.cmpi sgt, %parallel_loop3A_1111, %parallel_loop3A_1114 : i32
      %parallel_loop3A_1116 = arith.extui %parallel_loop3A_1115 : i1 to i32
      %parallel_loop3A_1117 = arith.constant 0 : i32
      %parallel_loop3A_1118 = arith.cmpi slt, %parallel_loop3A_1111, %parallel_loop3A_1117 : i32
      %parallel_loop3A_1119 = arith.extui %parallel_loop3A_1118 : i1 to i32
      %parallel_loop3A_1120 = arith.subi %parallel_loop3A_1116, %parallel_loop3A_1119 : i32
      %parallel_loop3A_1121 = arith.constant 0 : i32
      %parallel_loop3A_1122 = arith.cmpi sgt, %parallel_loop3A_1112, %parallel_loop3A_1121 : i32
      %parallel_loop3A_1123 = arith.extui %parallel_loop3A_1122 : i1 to i32
      %parallel_loop3A_1124 = arith.constant 0 : i32
      %parallel_loop3A_1125 = arith.cmpi slt, %parallel_loop3A_1112, %parallel_loop3A_1124 : i32
      %parallel_loop3A_1126 = arith.extui %parallel_loop3A_1125 : i1 to i32
      %parallel_loop3A_1127 = arith.subi %parallel_loop3A_1123, %parallel_loop3A_1126 : i32
      %parallel_loop3A_1128 = arith.cmpi ne, %parallel_loop3A_1120, %parallel_loop3A_1127 : i32
      %parallel_loop3A_1129 = arith.remsi %parallel_loop3A_1111, %parallel_loop3A_1112 : i32
      %parallel_loop3A_1130 = arith.constant 0 : i32
      %parallel_loop3A_1131 = arith.cmpi ne, %parallel_loop3A_1129, %parallel_loop3A_1130 : i32
      %parallel_loop3A_1132 = arith.andi %parallel_loop3A_1128, %parallel_loop3A_1131 : i1
      %parallel_loop3A_1133 = arith.constant 1 : i32
      %parallel_loop3A_1134 = arith.subi %parallel_loop3A_1113, %parallel_loop3A_1133 : i32
      %parallel_loop3A_1135 = arith.select %parallel_loop3A_1132, %parallel_loop3A_1134, %parallel_loop3A_1113 : i32
      %parallel_loop3A_1136 = arith.constant 1024 : i32
      %parallel_loop3A_1137 = arith.constant 0 : i32
      %parallel_loop3A_1138 = arith.cmpi eq, %parallel_loop3A_1136, %parallel_loop3A_1137 : i32
      %parallel_loop3A_1139 = arith.constant 1 : i32
      %parallel_loop3A_1140 = arith.select %parallel_loop3A_1138, %parallel_loop3A_1139, %parallel_loop3A_1136 : i32
      %parallel_loop3A_1141 = arith.remsi %parallel_loop3A_1111, %parallel_loop3A_1140 : i32
      %parallel_loop3A_1142 = arith.constant 0 : i32
      %parallel_loop3A_1143 = arith.cmpi ne, %parallel_loop3A_1141, %parallel_loop3A_1142 : i32
      %parallel_loop3A_1144 = arith.constant 0 : i32
      %parallel_loop3A_1145 = arith.cmpi slt, %parallel_loop3A_1141, %parallel_loop3A_1144 : i32
      %parallel_loop3A_1146 = arith.constant 0 : i32
      %parallel_loop3A_1147 = arith.cmpi slt, %parallel_loop3A_1140, %parallel_loop3A_1146 : i32
      %parallel_loop3A_1148 = arith.xori %parallel_loop3A_1145, %parallel_loop3A_1147 : i1
      %parallel_loop3A_1149 = arith.andi %parallel_loop3A_1148, %parallel_loop3A_1143 : i1
      %parallel_loop3A_1150 = arith.addi %parallel_loop3A_1141, %parallel_loop3A_1140 : i32
      %parallel_loop3A_1151 = arith.select %parallel_loop3A_1149, %parallel_loop3A_1150, %parallel_loop3A_1141 : i32
      %parallel_loop3A_1152 = arith.index_cast %parallel_loop3A_1135 : i32 to index
      %parallel_loop3A_1153 = arith.index_cast %parallel_loop3A_1151 : i32 to index
      %parallel_loop3A_1154 = tpu.vector_load %arg10[%parallel_loop3A_1152, %parallel_loop3A_1153] {strides = array<i32>} : memref<16x1024xf32, #tpu.memory_space<vmem>>, vector<1x16xf32>,
      %parallel_loop3A_1155 = vector.shape_cast %parallel_loop3A_1154 : vector<1x16xf32> to vector<16xf32>
      %parallel_loop3A_1156 = arith.index_cast %parallel_loop3A_1135 : i32 to index
      %parallel_loop3A_1157 = arith.index_cast %parallel_loop3A_1151 : i32 to index
      %parallel_loop3A_1158 = tpu.vector_load %arg8[%parallel_loop3A_1156, %parallel_loop3A_1157] {strides = array<i32>} : memref<16x1024xf32, #tpu.memory_space<vmem>>, vector<1x16xf32>,
      %parallel_loop3A_1159 = vector.shape_cast %parallel_loop3A_1158 : vector<1x16xf32> to vector<16xf32>
      %parallel_loop3A_1160 = vector.shape_cast %parallel_loop3A_1155 : vector<16xf32> to vector<1x16xf32>
      tpu.vector_store %arg8[%parallel_loop3A_1156, %parallel_loop3A_1157], %parallel_loop3A_1160 {add = true, strides = array<i32>} : memref<16x1024xf32, #tpu.memory_space<vmem>>, vector<1x16xf32>,
    } {sc.loop_unroll_factor = 8 : i64, sc.parallel_access}
    %add3A_567 = arith.constant 16 : i32
    %add3A_568 = arith.addi %mul3A_2, %add3A_567 : i32
    %add3A_569 = arith.constant 8 : i32
    %add3A_570 = arith.addi %add3A_568, %add3A_569 : i32
    %dma_start3A_571 = arith.constant 3 : i32
    %dma_start3A_572 = arith.constant 8 : i32
    %dma_start3A_573 = arith.constant 0 : i32
    %dma_start3A_574 = tpu.memref_slice %arg8[%dma_start3A_572, %dma_start3A_573] : memref<16x1024xf32, #tpu.memory_space<vmem>> -> memref<8x1024xf32, #tpu.memory_space<vmem>>
    %dma_start3A_575 = arith.constant 0 : i32
    %dma_start3A_576 = tpu.memref_slice %arg4[%dma_start3A_571, %add3A_570, %dma_start3A_575] : memref<4x2048x1024xf32, #tpu.memory_space<hbm>> -> memref<1x8x1024xf32, #tpu.memory_space<hbm>>
    %dma_start3A_577 = tpu.memref_squeeze %dma_start3A_576 : memref<1x8x1024xf32, #tpu.memory_space<hbm>> -> memref<8x1024xf32, #tpu.memory_space<hbm>>
    %dma_start3A_578 = arith.constant 0 : i32
    %dma_start3A_579 = tpu.memref_slice %arg4[%dma_start3A_571, %add3A_570, %dma_start3A_578] : memref<4x2048x1024xf32, #tpu.memory_space<hbm>> -> memref<1x8x1024xf32, #tpu.memory_space<hbm>>
    %dma_start3A_580 = tpu.memref_squeeze %dma_start3A_579 : memref<1x8x1024xf32, #tpu.memory_space<hbm>> -> memref<8x1024xf32, #tpu.memory_space<hbm>>
    %dma_start3A_581 = arith.constant 8 : i32
    %dma_start3A_582 = arith.constant 0 : i32
    %dma_start3A_583 = tpu.memref_slice %arg8[%dma_start3A_581, %dma_start3A_582] : memref<16x1024xf32, #tpu.memory_space<vmem>> -> memref<8x1024xf32, #tpu.memory_space<vmem>>
    tpu.enqueue_dma source(%dma_start3A_583 : memref<8x1024xf32, #tpu.memory_space<vmem>>) target(%dma_start3A_580 : memref<8x1024xf32, #tpu.memory_space<hbm>>) target_semaphore(%arg18 : memref<!tpu.dma_semaphore, #tpu.memory_space<semaphore_mem>>)
    %add3A_584 = arith.constant 48 : i32
    %add3A_585 = arith.addi %mul3A_2, %add3A_584 : i32
    %dma_start3A_586 = arith.constant 0 : i32
    %dma_start3A_587 = tpu.memref_slice %arg3[%add3A_585, %dma_start3A_586] : memref<4097x1024xf32, #tpu.memory_space<hbm>> -> memref<16x1024xf32, #tpu.memory_space<hbm>>
    %dma_start3A_588 = arith.constant 0 : i32
    %dma_start3A_589 = tpu.memref_slice %arg3[%add3A_585, %dma_start3A_588] : memref<4097x1024xf32, #tpu.memory_space<hbm>> -> memref<16x1024xf32, #tpu.memory_space<hbm>>
    tpu.enqueue_dma source(%dma_start3A_589 : memref<16x1024xf32, #tpu.memory_space<hbm>>) target(%arg10 : memref<16x1024xf32, #tpu.memory_space<vmem>>) target_semaphore(%arg20 : memref<!tpu.dma_semaphore, #tpu.memory_space<semaphore_mem>>)
    %add3A_590 = arith.constant 16 : i32
    %add3A_591 = arith.addi %mul3A_2, %add3A_590 : i32
    %dma_wait3A_592 = arith.constant 3 : i32
    %dma_wait3A_593 = arith.constant 0 : i32
    %dma_wait3A_594 = tpu.memref_slice %arg4[%dma_wait3A_592, %add3A_591, %dma_wait3A_593] : memref<4x2048x1024xf32, #tpu.memory_space<hbm>> -> memref<1x16x1024xf32, #tpu.memory_space<hbm>>
    %dma_wait3A_595 = tpu.memref_squeeze %dma_wait3A_594 : memref<1x16x1024xf32, #tpu.memory_space<hbm>> -> memref<16x1024xf32, #tpu.memory_space<hbm>>
    %dma_wait3A_596 = arith.constant 0 : i32
    %dma_wait3A_597 = tpu.memref_slice %arg4[%dma_wait3A_592, %add3A_591, %dma_wait3A_596] : memref<4x2048x1024xf32, #tpu.memory_space<hbm>> -> memref<1x16x1024xf32, #tpu.memory_space<hbm>>
    %dma_wait3A_598 = tpu.memref_squeeze %dma_wait3A_597 : memref<1x16x1024xf32, #tpu.memory_space<hbm>> -> memref<16x1024xf32, #tpu.memory_space<hbm>>
    tpu.wait_dma2 semaphore(%arg18 : memref<!tpu.dma_semaphore, #tpu.memory_space<semaphore_mem>>) src(%arg8 : memref<16x1024xf32, #tpu.memory_space<vmem>>) dst(%dma_wait3A_598 : memref<16x1024xf32, #tpu.memory_space<hbm>>)
    %add3A_599 = arith.constant 32 : i32
    %add3A_600 = arith.addi %mul3A_2, %add3A_599 : i32
    %dma_start3A_601 = arith.constant 3 : i32
    %dma_start3A_602 = arith.constant 0 : i32
    %dma_start3A_603 = tpu.memref_slice %arg2[%dma_start3A_601, %add3A_600, %dma_start3A_602] : memref<4x2048x1024xf32, #tpu.memory_space<hbm>> -> memref<1x16x1024xf32, #tpu.memory_space<hbm>>
    %dma_start3A_604 = tpu.memref_squeeze %dma_start3A_603 : memref<1x16x1024xf32, #tpu.memory_space<hbm>> -> memref<16x1024xf32, #tpu.memory_space<hbm>>
    %dma_start3A_605 = arith.constant 0 : i32
    %dma_start3A_606 = tpu.memref_slice %arg2[%dma_start3A_601, %add3A_600, %dma_start3A_605] : memref<4x2048x1024xf32, #tpu.memory_space<hbm>> -> memref<1x16x1024xf32, #tpu.memory_space<hbm>>
    %dma_start3A_607 = tpu.memref_squeeze %dma_start3A_606 : memref<1x16x1024xf32, #tpu.memory_space<hbm>> -> memref<16x1024xf32, #tpu.memory_space<hbm>>
    tpu.enqueue_dma source(%dma_start3A_607 : memref<16x1024xf32, #tpu.memory_space<hbm>>) target(%arg8 : memref<16x1024xf32, #tpu.memory_space<vmem>>) target_semaphore(%arg14 : memref<!tpu.dma_semaphore, #tpu.memory_space<semaphore_mem>>)
    %add3A_608 = arith.constant 32 : i32
    %add3A_609 = arith.addi %mul3A_2, %add3A_608 : i32
    %dma_wait3A_610 = arith.constant 0 : i32
    %dma_wait3A_611 = arith.constant 0 : i32
    %dma_wait3A_612 = tpu.memref_slice %arg2[%dma_wait3A_610, %add3A_609, %dma_wait3A_611] : memref<4x2048x1024xf32, #tpu.memory_space<hbm>> -> memref<1x16x1024xf32, #tpu.memory_space<hbm>>
    %dma_wait3A_613 = tpu.memref_squeeze %dma_wait3A_612 : memref<1x16x1024xf32, #tpu.memory_space<hbm>> -> memref<16x1024xf32, #tpu.memory_space<hbm>>
    %dma_wait3A_614 = arith.constant 0 : i32
    %dma_wait3A_615 = tpu.memref_slice %arg2[%dma_wait3A_610, %add3A_609, %dma_wait3A_614] : memref<4x2048x1024xf32, #tpu.memory_space<hbm>> -> memref<1x16x1024xf32, #tpu.memory_space<hbm>>
    %dma_wait3A_616 = tpu.memref_squeeze %dma_wait3A_615 : memref<1x16x1024xf32, #tpu.memory_space<hbm>> -> memref<16x1024xf32, #tpu.memory_space<hbm>>
    tpu.wait_dma2 semaphore(%arg11 : memref<!tpu.dma_semaphore, #tpu.memory_space<semaphore_mem>>) src(%dma_wait3A_616 : memref<16x1024xf32, #tpu.memory_space<hbm>>) dst(%arg5 : memref<16x1024xf32, #tpu.memory_space<vmem>>)
    %add3A_617 = arith.constant 32 : i32
    %add3A_618 = arith.addi %mul3A_2, %add3A_617 : i32
    %dma_wait3A_619 = arith.constant 0 : i32
    %dma_wait3A_620 = tpu.memref_slice %arg3[%add3A_618, %dma_wait3A_619] : memref<4097x1024xf32, #tpu.memory_space<hbm>> -> memref<16x1024xf32, #tpu.memory_space<hbm>>
    %dma_wait3A_621 = arith.constant 0 : i32
    %dma_wait3A_622 = tpu.memref_slice %arg3[%add3A_618, %dma_wait3A_621] : memref<4097x1024xf32, #tpu.memory_space<hbm>> -> memref<16x1024xf32, #tpu.memory_space<hbm>>
    tpu.wait_dma2 semaphore(%arg19 : memref<!tpu.dma_semaphore, #tpu.memory_space<semaphore_mem>>) src(%dma_wait3A_622 : memref<16x1024xf32, #tpu.memory_space<hbm>>) dst(%arg9 : memref<16x1024xf32, #tpu.memory_space<vmem>>)
    %parallel_loop3A_623 = arith.constant 0 : i32
    %parallel_loop3A_624 = arith.constant 8192 : i32
    %parallel_loop3A_625 = arith.constant 16 : i32
    scf.for %parallel_loop3A_1111 = %parallel_loop3A_623 to %parallel_loop3A_624 step %parallel_loop3A_625  : i32 {
      %parallel_loop3A_1112 = arith.constant 1024 : i32
      %parallel_loop3A_1113 = arith.divsi %parallel_loop3A_1111, %parallel_loop3A_1112 : i32
      %parallel_loop3A_1114 = arith.constant 0 : i32
      %parallel_loop3A_1115 = arith.cmpi sgt, %parallel_loop3A_1111, %parallel_loop3A_1114 : i32
      %parallel_loop3A_1116 = arith.extui %parallel_loop3A_1115 : i1 to i32
      %parallel_loop3A_1117 = arith.constant 0 : i32
      %parallel_loop3A_1118 = arith.cmpi slt, %parallel_loop3A_1111, %parallel_loop3A_1117 : i32
      %parallel_loop3A_1119 = arith.extui %parallel_loop3A_1118 : i1 to i32
      %parallel_loop3A_1120 = arith.subi %parallel_loop3A_1116, %parallel_loop3A_1119 : i32
      %parallel_loop3A_1121 = arith.constant 0 : i32
      %parallel_loop3A_1122 = arith.cmpi sgt, %parallel_loop3A_1112, %parallel_loop3A_1121 : i32
      %parallel_loop3A_1123 = arith.extui %parallel_loop3A_1122 : i1 to i32
      %parallel_loop3A_1124 = arith.constant 0 : i32
      %parallel_loop3A_1125 = arith.cmpi slt, %parallel_loop3A_1112, %parallel_loop3A_1124 : i32
      %parallel_loop3A_1126 = arith.extui %parallel_loop3A_1125 : i1 to i32
      %parallel_loop3A_1127 = arith.subi %parallel_loop3A_1123, %parallel_loop3A_1126 : i32
      %parallel_loop3A_1128 = arith.cmpi ne, %parallel_loop3A_1120, %parallel_loop3A_1127 : i32
      %parallel_loop3A_1129 = arith.remsi %parallel_loop3A_1111, %parallel_loop3A_1112 : i32
      %parallel_loop3A_1130 = arith.constant 0 : i32
      %parallel_loop3A_1131 = arith.cmpi ne, %parallel_loop3A_1129, %parallel_loop3A_1130 : i32
      %parallel_loop3A_1132 = arith.andi %parallel_loop3A_1128, %parallel_loop3A_1131 : i1
      %parallel_loop3A_1133 = arith.constant 1 : i32
      %parallel_loop3A_1134 = arith.subi %parallel_loop3A_1113, %parallel_loop3A_1133 : i32
      %parallel_loop3A_1135 = arith.select %parallel_loop3A_1132, %parallel_loop3A_1134, %parallel_loop3A_1113 : i32
      %parallel_loop3A_1136 = arith.constant 1024 : i32
      %parallel_loop3A_1137 = arith.constant 0 : i32
      %parallel_loop3A_1138 = arith.cmpi eq, %parallel_loop3A_1136, %parallel_loop3A_1137 : i32
      %parallel_loop3A_1139 = arith.constant 1 : i32
      %parallel_loop3A_1140 = arith.select %parallel_loop3A_1138, %parallel_loop3A_1139, %parallel_loop3A_1136 : i32
      %parallel_loop3A_1141 = arith.remsi %parallel_loop3A_1111, %parallel_loop3A_1140 : i32
      %parallel_loop3A_1142 = arith.constant 0 : i32
      %parallel_loop3A_1143 = arith.cmpi ne, %parallel_loop3A_1141, %parallel_loop3A_1142 : i32
      %parallel_loop3A_1144 = arith.constant 0 : i32
      %parallel_loop3A_1145 = arith.cmpi slt, %parallel_loop3A_1141, %parallel_loop3A_1144 : i32
      %parallel_loop3A_1146 = arith.constant 0 : i32
      %parallel_loop3A_1147 = arith.cmpi slt, %parallel_loop3A_1140, %parallel_loop3A_1146 : i32
      %parallel_loop3A_1148 = arith.xori %parallel_loop3A_1145, %parallel_loop3A_1147 : i1
      %parallel_loop3A_1149 = arith.andi %parallel_loop3A_1148, %parallel_loop3A_1143 : i1
      %parallel_loop3A_1150 = arith.addi %parallel_loop3A_1141, %parallel_loop3A_1140 : i32
      %parallel_loop3A_1151 = arith.select %parallel_loop3A_1149, %parallel_loop3A_1150, %parallel_loop3A_1141 : i32
      %parallel_loop3A_1152 = arith.index_cast %parallel_loop3A_1135 : i32 to index
      %parallel_loop3A_1153 = arith.index_cast %parallel_loop3A_1151 : i32 to index
      %parallel_loop3A_1154 = tpu.vector_load %arg9[%parallel_loop3A_1152, %parallel_loop3A_1153] {strides = array<i32>} : memref<16x1024xf32, #tpu.memory_space<vmem>>, vector<1x16xf32>,
      %parallel_loop3A_1155 = vector.shape_cast %parallel_loop3A_1154 : vector<1x16xf32> to vector<16xf32>
      %parallel_loop3A_1156 = arith.index_cast %parallel_loop3A_1135 : i32 to index
      %parallel_loop3A_1157 = arith.index_cast %parallel_loop3A_1151 : i32 to index
      %parallel_loop3A_1158 = tpu.vector_load %arg5[%parallel_loop3A_1156, %parallel_loop3A_1157] {strides = array<i32>} : memref<16x1024xf32, #tpu.memory_space<vmem>>, vector<1x16xf32>,
      %parallel_loop3A_1159 = vector.shape_cast %parallel_loop3A_1158 : vector<1x16xf32> to vector<16xf32>
      %parallel_loop3A_1160 = vector.shape_cast %parallel_loop3A_1155 : vector<16xf32> to vector<1x16xf32>
      tpu.vector_store %arg5[%parallel_loop3A_1156, %parallel_loop3A_1157], %parallel_loop3A_1160 {add = true, strides = array<i32>} : memref<16x1024xf32, #tpu.memory_space<vmem>>, vector<1x16xf32>,
    } {sc.loop_unroll_factor = 8 : i64, sc.parallel_access}
    %add3A_626 = arith.constant 32 : i32
    %add3A_627 = arith.addi %mul3A_2, %add3A_626 : i32
    %add3A_628 = arith.constant 0 : i32
    %add3A_629 = arith.addi %add3A_627, %add3A_628 : i32
    %dma_start3A_630 = arith.constant 0 : i32
    %dma_start3A_631 = arith.constant 0 : i32
    %dma_start3A_632 = arith.constant 0 : i32
    %dma_start3A_633 = tpu.memref_slice %arg5[%dma_start3A_631, %dma_start3A_632] : memref<16x1024xf32, #tpu.memory_space<vmem>> -> memref<8x1024xf32, #tpu.memory_space<vmem>>
    %dma_start3A_634 = arith.constant 0 : i32
    %dma_start3A_635 = tpu.memref_slice %arg4[%dma_start3A_630, %add3A_629, %dma_start3A_634] : memref<4x2048x1024xf32, #tpu.memory_space<hbm>> -> memref<1x8x1024xf32, #tpu.memory_space<hbm>>
    %dma_start3A_636 = tpu.memref_squeeze %dma_start3A_635 : memref<1x8x1024xf32, #tpu.memory_space<hbm>> -> memref<8x1024xf32, #tpu.memory_space<hbm>>
    %dma_start3A_637 = arith.constant 0 : i32
    %dma_start3A_638 = tpu.memref_slice %arg4[%dma_start3A_630, %add3A_629, %dma_start3A_637] : memref<4x2048x1024xf32, #tpu.memory_space<hbm>> -> memref<1x8x1024xf32, #tpu.memory_space<hbm>>
    %dma_start3A_639 = tpu.memref_squeeze %dma_start3A_638 : memref<1x8x1024xf32, #tpu.memory_space<hbm>> -> memref<8x1024xf32, #tpu.memory_space<hbm>>
    %dma_start3A_640 = arith.constant 0 : i32
    %dma_start3A_641 = arith.constant 0 : i32
    %dma_start3A_642 = tpu.memref_slice %arg5[%dma_start3A_640, %dma_start3A_641] : memref<16x1024xf32, #tpu.memory_space<vmem>> -> memref<8x1024xf32, #tpu.memory_space<vmem>>
    tpu.enqueue_dma source(%dma_start3A_642 : memref<8x1024xf32, #tpu.memory_space<vmem>>) target(%dma_start3A_639 : memref<8x1024xf32, #tpu.memory_space<hbm>>) target_semaphore(%arg15 : memref<!tpu.dma_semaphore, #tpu.memory_space<semaphore_mem>>)
    %parallel_loop3A_643 = arith.constant 8192 : i32
    %parallel_loop3A_644 = arith.constant 16384 : i32
    %parallel_loop3A_645 = arith.constant 16 : i32
    scf.for %parallel_loop3A_1111 = %parallel_loop3A_643 to %parallel_loop3A_644 step %parallel_loop3A_645  : i32 {
      %parallel_loop3A_1112 = arith.constant 1024 : i32
      %parallel_loop3A_1113 = arith.divsi %parallel_loop3A_1111, %parallel_loop3A_1112 : i32
      %parallel_loop3A_1114 = arith.constant 0 : i32
      %parallel_loop3A_1115 = arith.cmpi sgt, %parallel_loop3A_1111, %parallel_loop3A_1114 : i32
      %parallel_loop3A_1116 = arith.extui %parallel_loop3A_1115 : i1 to i32
      %parallel_loop3A_1117 = arith.constant 0 : i32
      %parallel_loop3A_1118 = arith.cmpi slt, %parallel_loop3A_1111, %parallel_loop3A_1117 : i32
      %parallel_loop3A_1119 = arith.extui %parallel_loop3A_1118 : i1 to i32
      %parallel_loop3A_1120 = arith.subi %parallel_loop3A_1116, %parallel_loop3A_1119 : i32
      %parallel_loop3A_1121 = arith.constant 0 : i32
      %parallel_loop3A_1122 = arith.cmpi sgt, %parallel_loop3A_1112, %parallel_loop3A_1121 : i32
      %parallel_loop3A_1123 = arith.extui %parallel_loop3A_1122 : i1 to i32
      %parallel_loop3A_1124 = arith.constant 0 : i32
      %parallel_loop3A_1125 = arith.cmpi slt, %parallel_loop3A_1112, %parallel_loop3A_1124 : i32
      %parallel_loop3A_1126 = arith.extui %parallel_loop3A_1125 : i1 to i32
      %parallel_loop3A_1127 = arith.subi %parallel_loop3A_1123, %parallel_loop3A_1126 : i32
      %parallel_loop3A_1128 = arith.cmpi ne, %parallel_loop3A_1120, %parallel_loop3A_1127 : i32
      %parallel_loop3A_1129 = arith.remsi %parallel_loop3A_1111, %parallel_loop3A_1112 : i32
      %parallel_loop3A_1130 = arith.constant 0 : i32
      %parallel_loop3A_1131 = arith.cmpi ne, %parallel_loop3A_1129, %parallel_loop3A_1130 : i32
      %parallel_loop3A_1132 = arith.andi %parallel_loop3A_1128, %parallel_loop3A_1131 : i1
      %parallel_loop3A_1133 = arith.constant 1 : i32
      %parallel_loop3A_1134 = arith.subi %parallel_loop3A_1113, %parallel_loop3A_1133 : i32
      %parallel_loop3A_1135 = arith.select %parallel_loop3A_1132, %parallel_loop3A_1134, %parallel_loop3A_1113 : i32
      %parallel_loop3A_1136 = arith.constant 1024 : i32
      %parallel_loop3A_1137 = arith.constant 0 : i32
      %parallel_loop3A_1138 = arith.cmpi eq, %parallel_loop3A_1136, %parallel_loop3A_1137 : i32
      %parallel_loop3A_1139 = arith.constant 1 : i32
      %parallel_loop3A_1140 = arith.select %parallel_loop3A_1138, %parallel_loop3A_1139, %parallel_loop3A_1136 : i32
      %parallel_loop3A_1141 = arith.remsi %parallel_loop3A_1111, %parallel_loop3A_1140 : i32
      %parallel_loop3A_1142 = arith.constant 0 : i32
      %parallel_loop3A_1143 = arith.cmpi ne, %parallel_loop3A_1141, %parallel_loop3A_1142 : i32
      %parallel_loop3A_1144 = arith.constant 0 : i32
      %parallel_loop3A_1145 = arith.cmpi slt, %parallel_loop3A_1141, %parallel_loop3A_1144 : i32
      %parallel_loop3A_1146 = arith.constant 0 : i32
      %parallel_loop3A_1147 = arith.cmpi slt, %parallel_loop3A_1140, %parallel_loop3A_1146 : i32
      %parallel_loop3A_1148 = arith.xori %parallel_loop3A_1145, %parallel_loop3A_1147 : i1
      %parallel_loop3A_1149 = arith.andi %parallel_loop3A_1148, %parallel_loop3A_1143 : i1
      %parallel_loop3A_1150 = arith.addi %parallel_loop3A_1141, %parallel_loop3A_1140 : i32
      %parallel_loop3A_1151 = arith.select %parallel_loop3A_1149, %parallel_loop3A_1150, %parallel_loop3A_1141 : i32
      %parallel_loop3A_1152 = arith.index_cast %parallel_loop3A_1135 : i32 to index
      %parallel_loop3A_1153 = arith.index_cast %parallel_loop3A_1151 : i32 to index
      %parallel_loop3A_1154 = tpu.vector_load %arg9[%parallel_loop3A_1152, %parallel_loop3A_1153] {strides = array<i32>} : memref<16x1024xf32, #tpu.memory_space<vmem>>, vector<1x16xf32>,
      %parallel_loop3A_1155 = vector.shape_cast %parallel_loop3A_1154 : vector<1x16xf32> to vector<16xf32>
      %parallel_loop3A_1156 = arith.index_cast %parallel_loop3A_1135 : i32 to index
      %parallel_loop3A_1157 = arith.index_cast %parallel_loop3A_1151 : i32 to index
      %parallel_loop3A_1158 = tpu.vector_load %arg5[%parallel_loop3A_1156, %parallel_loop3A_1157] {strides = array<i32>} : memref<16x1024xf32, #tpu.memory_space<vmem>>, vector<1x16xf32>,
      %parallel_loop3A_1159 = vector.shape_cast %parallel_loop3A_1158 : vector<1x16xf32> to vector<16xf32>
      %parallel_loop3A_1160 = vector.shape_cast %parallel_loop3A_1155 : vector<16xf32> to vector<1x16xf32>
      tpu.vector_store %arg5[%parallel_loop3A_1156, %parallel_loop3A_1157], %parallel_loop3A_1160 {add = true, strides = array<i32>} : memref<16x1024xf32, #tpu.memory_space<vmem>>, vector<1x16xf32>,
    } {sc.loop_unroll_factor = 8 : i64, sc.parallel_access}
    %add3A_646 = arith.constant 32 : i32
    %add3A_647 = arith.addi %mul3A_2, %add3A_646 : i32
    %add3A_648 = arith.constant 8 : i32
    %add3A_649 = arith.addi %add3A_647, %add3A_648 : i32
    %dma_start3A_650 = arith.constant 0 : i32
    %dma_start3A_651 = arith.constant 8 : i32
    %dma_start3A_652 = arith.constant 0 : i32
    %dma_start3A_653 = tpu.memref_slice %arg5[%dma_start3A_651, %dma_start3A_652] : memref<16x1024xf32, #tpu.memory_space<vmem>> -> memref<8x1024xf32, #tpu.memory_space<vmem>>
    %dma_start3A_654 = arith.constant 0 : i32
    %dma_start3A_655 = tpu.memref_slice %arg4[%dma_start3A_650, %add3A_649, %dma_start3A_654] : memref<4x2048x1024xf32, #tpu.memory_space<hbm>> -> memref<1x8x1024xf32, #tpu.memory_space<hbm>>
    %dma_start3A_656 = tpu.memref_squeeze %dma_start3A_655 : memref<1x8x1024xf32, #tpu.memory_space<hbm>> -> memref<8x1024xf32, #tpu.memory_space<hbm>>
    %dma_start3A_657 = arith.constant 0 : i32
    %dma_start3A_658 = tpu.memref_slice %arg4[%dma_start3A_650, %add3A_649, %dma_start3A_657] : memref<4x2048x1024xf32, #tpu.memory_space<hbm>> -> memref<1x8x1024xf32, #tpu.memory_space<hbm>>
    %dma_start3A_659 = tpu.memref_squeeze %dma_start3A_658 : memref<1x8x1024xf32, #tpu.memory_space<hbm>> -> memref<8x1024xf32, #tpu.memory_space<hbm>>
    %dma_start3A_660 = arith.constant 8 : i32
    %dma_start3A_661 = arith.constant 0 : i32
    %dma_start3A_662 = tpu.memref_slice %arg5[%dma_start3A_660, %dma_start3A_661] : memref<16x1024xf32, #tpu.memory_space<vmem>> -> memref<8x1024xf32, #tpu.memory_space<vmem>>
    tpu.enqueue_dma source(%dma_start3A_662 : memref<8x1024xf32, #tpu.memory_space<vmem>>) target(%dma_start3A_659 : memref<8x1024xf32, #tpu.memory_space<hbm>>) target_semaphore(%arg15 : memref<!tpu.dma_semaphore, #tpu.memory_space<semaphore_mem>>)
    %add3A_663 = arith.constant 32 : i32
    %add3A_664 = arith.addi %mul3A_2, %add3A_663 : i32
    %dma_wait3A_665 = arith.constant 0 : i32
    %dma_wait3A_666 = arith.constant 0 : i32
    %dma_wait3A_667 = tpu.memref_slice %arg4[%dma_wait3A_665, %add3A_664, %dma_wait3A_666] : memref<4x2048x1024xf32, #tpu.memory_space<hbm>> -> memref<1x16x1024xf32, #tpu.memory_space<hbm>>
    %dma_wait3A_668 = tpu.memref_squeeze %dma_wait3A_667 : memref<1x16x1024xf32, #tpu.memory_space<hbm>> -> memref<16x1024xf32, #tpu.memory_space<hbm>>
    %dma_wait3A_669 = arith.constant 0 : i32
    %dma_wait3A_670 = tpu.memref_slice %arg4[%dma_wait3A_665, %add3A_664, %dma_wait3A_669] : memref<4x2048x1024xf32, #tpu.memory_space<hbm>> -> memref<1x16x1024xf32, #tpu.memory_space<hbm>>
    %dma_wait3A_671 = tpu.memref_squeeze %dma_wait3A_670 : memref<1x16x1024xf32, #tpu.memory_space<hbm>> -> memref<16x1024xf32, #tpu.memory_space<hbm>>
    tpu.wait_dma2 semaphore(%arg15 : memref<!tpu.dma_semaphore, #tpu.memory_space<semaphore_mem>>) src(%arg5 : memref<16x1024xf32, #tpu.memory_space<vmem>>) dst(%dma_wait3A_671 : memref<16x1024xf32, #tpu.memory_space<hbm>>)
    %add3A_672 = arith.constant 48 : i32
    %add3A_673 = arith.addi %mul3A_2, %add3A_672 : i32
    %dma_start3A_674 = arith.constant 0 : i32
    %dma_start3A_675 = arith.constant 0 : i32
    %dma_start3A_676 = tpu.memref_slice %arg2[%dma_start3A_674, %add3A_673, %dma_start3A_675] : memref<4x2048x1024xf32, #tpu.memory_space<hbm>> -> memref<1x16x1024xf32, #tpu.memory_space<hbm>>
    %dma_start3A_677 = tpu.memref_squeeze %dma_start3A_676 : memref<1x16x1024xf32, #tpu.memory_space<hbm>> -> memref<16x1024xf32, #tpu.memory_space<hbm>>
    %dma_start3A_678 = arith.constant 0 : i32
    %dma_start3A_679 = tpu.memref_slice %arg2[%dma_start3A_674, %add3A_673, %dma_start3A_678] : memref<4x2048x1024xf32, #tpu.memory_space<hbm>> -> memref<1x16x1024xf32, #tpu.memory_space<hbm>>
    %dma_start3A_680 = tpu.memref_squeeze %dma_start3A_679 : memref<1x16x1024xf32, #tpu.memory_space<hbm>> -> memref<16x1024xf32, #tpu.memory_space<hbm>>
    tpu.enqueue_dma source(%dma_start3A_680 : memref<16x1024xf32, #tpu.memory_space<hbm>>) target(%arg5 : memref<16x1024xf32, #tpu.memory_space<vmem>>) target_semaphore(%arg11 : memref<!tpu.dma_semaphore, #tpu.memory_space<semaphore_mem>>)
    %add3A_681 = arith.constant 32 : i32
    %add3A_682 = arith.addi %mul3A_2, %add3A_681 : i32
    %dma_wait3A_683 = arith.constant 1 : i32
    %dma_wait3A_684 = arith.constant 0 : i32
    %dma_wait3A_685 = tpu.memref_slice %arg2[%dma_wait3A_683, %add3A_682, %dma_wait3A_684] : memref<4x2048x1024xf32, #tpu.memory_space<hbm>> -> memref<1x16x1024xf32, #tpu.memory_space<hbm>>
    %dma_wait3A_686 = tpu.memref_squeeze %dma_wait3A_685 : memref<1x16x1024xf32, #tpu.memory_space<hbm>> -> memref<16x1024xf32, #tpu.memory_space<hbm>>
    %dma_wait3A_687 = arith.constant 0 : i32
    %dma_wait3A_688 = tpu.memref_slice %arg2[%dma_wait3A_683, %add3A_682, %dma_wait3A_687] : memref<4x2048x1024xf32, #tpu.memory_space<hbm>> -> memref<1x16x1024xf32, #tpu.memory_space<hbm>>
    %dma_wait3A_689 = tpu.memref_squeeze %dma_wait3A_688 : memref<1x16x1024xf32, #tpu.memory_space<hbm>> -> memref<16x1024xf32, #tpu.memory_space<hbm>>
    tpu.wait_dma2 semaphore(%arg12 : memref<!tpu.dma_semaphore, #tpu.memory_space<semaphore_mem>>) src(%dma_wait3A_689 : memref<16x1024xf32, #tpu.memory_space<hbm>>) dst(%arg6 : memref<16x1024xf32, #tpu.memory_space<vmem>>)
    %parallel_loop3A_690 = arith.constant 0 : i32
    %parallel_loop3A_691 = arith.constant 8192 : i32
    %parallel_loop3A_692 = arith.constant 16 : i32
    scf.for %parallel_loop3A_1111 = %parallel_loop3A_690 to %parallel_loop3A_691 step %parallel_loop3A_692  : i32 {
      %parallel_loop3A_1112 = arith.constant 1024 : i32
      %parallel_loop3A_1113 = arith.divsi %parallel_loop3A_1111, %parallel_loop3A_1112 : i32
      %parallel_loop3A_1114 = arith.constant 0 : i32
      %parallel_loop3A_1115 = arith.cmpi sgt, %parallel_loop3A_1111, %parallel_loop3A_1114 : i32
      %parallel_loop3A_1116 = arith.extui %parallel_loop3A_1115 : i1 to i32
      %parallel_loop3A_1117 = arith.constant 0 : i32
      %parallel_loop3A_1118 = arith.cmpi slt, %parallel_loop3A_1111, %parallel_loop3A_1117 : i32
      %parallel_loop3A_1119 = arith.extui %parallel_loop3A_1118 : i1 to i32
      %parallel_loop3A_1120 = arith.subi %parallel_loop3A_1116, %parallel_loop3A_1119 : i32
      %parallel_loop3A_1121 = arith.constant 0 : i32
      %parallel_loop3A_1122 = arith.cmpi sgt, %parallel_loop3A_1112, %parallel_loop3A_1121 : i32
      %parallel_loop3A_1123 = arith.extui %parallel_loop3A_1122 : i1 to i32
      %parallel_loop3A_1124 = arith.constant 0 : i32
      %parallel_loop3A_1125 = arith.cmpi slt, %parallel_loop3A_1112, %parallel_loop3A_1124 : i32
      %parallel_loop3A_1126 = arith.extui %parallel_loop3A_1125 : i1 to i32
      %parallel_loop3A_1127 = arith.subi %parallel_loop3A_1123, %parallel_loop3A_1126 : i32
      %parallel_loop3A_1128 = arith.cmpi ne, %parallel_loop3A_1120, %parallel_loop3A_1127 : i32
      %parallel_loop3A_1129 = arith.remsi %parallel_loop3A_1111, %parallel_loop3A_1112 : i32
      %parallel_loop3A_1130 = arith.constant 0 : i32
      %parallel_loop3A_1131 = arith.cmpi ne, %parallel_loop3A_1129, %parallel_loop3A_1130 : i32
      %parallel_loop3A_1132 = arith.andi %parallel_loop3A_1128, %parallel_loop3A_1131 : i1
      %parallel_loop3A_1133 = arith.constant 1 : i32
      %parallel_loop3A_1134 = arith.subi %parallel_loop3A_1113, %parallel_loop3A_1133 : i32
      %parallel_loop3A_1135 = arith.select %parallel_loop3A_1132, %parallel_loop3A_1134, %parallel_loop3A_1113 : i32
      %parallel_loop3A_1136 = arith.constant 1024 : i32
      %parallel_loop3A_1137 = arith.constant 0 : i32
      %parallel_loop3A_1138 = arith.cmpi eq, %parallel_loop3A_1136, %parallel_loop3A_1137 : i32
      %parallel_loop3A_1139 = arith.constant 1 : i32
      %parallel_loop3A_1140 = arith.select %parallel_loop3A_1138, %parallel_loop3A_1139, %parallel_loop3A_1136 : i32
      %parallel_loop3A_1141 = arith.remsi %parallel_loop3A_1111, %parallel_loop3A_1140 : i32
      %parallel_loop3A_1142 = arith.constant 0 : i32
      %parallel_loop3A_1143 = arith.cmpi ne, %parallel_loop3A_1141, %parallel_loop3A_1142 : i32
      %parallel_loop3A_1144 = arith.constant 0 : i32
      %parallel_loop3A_1145 = arith.cmpi slt, %parallel_loop3A_1141, %parallel_loop3A_1144 : i32
      %parallel_loop3A_1146 = arith.constant 0 : i32
      %parallel_loop3A_1147 = arith.cmpi slt, %parallel_loop3A_1140, %parallel_loop3A_1146 : i32
      %parallel_loop3A_1148 = arith.xori %parallel_loop3A_1145, %parallel_loop3A_1147 : i1
      %parallel_loop3A_1149 = arith.andi %parallel_loop3A_1148, %parallel_loop3A_1143 : i1
      %parallel_loop3A_1150 = arith.addi %parallel_loop3A_1141, %parallel_loop3A_1140 : i32
      %parallel_loop3A_1151 = arith.select %parallel_loop3A_1149, %parallel_loop3A_1150, %parallel_loop3A_1141 : i32
      %parallel_loop3A_1152 = arith.index_cast %parallel_loop3A_1135 : i32 to index
      %parallel_loop3A_1153 = arith.index_cast %parallel_loop3A_1151 : i32 to index
      %parallel_loop3A_1154 = tpu.vector_load %arg9[%parallel_loop3A_1152, %parallel_loop3A_1153] {strides = array<i32>} : memref<16x1024xf32, #tpu.memory_space<vmem>>, vector<1x16xf32>,
      %parallel_loop3A_1155 = vector.shape_cast %parallel_loop3A_1154 : vector<1x16xf32> to vector<16xf32>
      %parallel_loop3A_1156 = arith.index_cast %parallel_loop3A_1135 : i32 to index
      %parallel_loop3A_1157 = arith.index_cast %parallel_loop3A_1151 : i32 to index
      %parallel_loop3A_1158 = tpu.vector_load %arg6[%parallel_loop3A_1156, %parallel_loop3A_1157] {strides = array<i32>} : memref<16x1024xf32, #tpu.memory_space<vmem>>, vector<1x16xf32>,
      %parallel_loop3A_1159 = vector.shape_cast %parallel_loop3A_1158 : vector<1x16xf32> to vector<16xf32>
      %parallel_loop3A_1160 = vector.shape_cast %parallel_loop3A_1155 : vector<16xf32> to vector<1x16xf32>
      tpu.vector_store %arg6[%parallel_loop3A_1156, %parallel_loop3A_1157], %parallel_loop3A_1160 {add = true, strides = array<i32>} : memref<16x1024xf32, #tpu.memory_space<vmem>>, vector<1x16xf32>,
    } {sc.loop_unroll_factor = 8 : i64, sc.parallel_access}
    %add3A_693 = arith.constant 32 : i32
    %add3A_694 = arith.addi %mul3A_2, %add3A_693 : i32
    %add3A_695 = arith.constant 0 : i32
    %add3A_696 = arith.addi %add3A_694, %add3A_695 : i32
    %dma_start3A_697 = arith.constant 1 : i32
    %dma_start3A_698 = arith.constant 0 : i32
    %dma_start3A_699 = arith.constant 0 : i32
    %dma_start3A_700 = tpu.memref_slice %arg6[%dma_start3A_698, %dma_start3A_699] : memref<16x1024xf32, #tpu.memory_space<vmem>> -> memref<8x1024xf32, #tpu.memory_space<vmem>>
    %dma_start3A_701 = arith.constant 0 : i32
    %dma_start3A_702 = tpu.memref_slice %arg4[%dma_start3A_697, %add3A_696, %dma_start3A_701] : memref<4x2048x1024xf32, #tpu.memory_space<hbm>> -> memref<1x8x1024xf32, #tpu.memory_space<hbm>>
    %dma_start3A_703 = tpu.memref_squeeze %dma_start3A_702 : memref<1x8x1024xf32, #tpu.memory_space<hbm>> -> memref<8x1024xf32, #tpu.memory_space<hbm>>
    %dma_start3A_704 = arith.constant 0 : i32
    %dma_start3A_705 = tpu.memref_slice %arg4[%dma_start3A_697, %add3A_696, %dma_start3A_704] : memref<4x2048x1024xf32, #tpu.memory_space<hbm>> -> memref<1x8x1024xf32, #tpu.memory_space<hbm>>
    %dma_start3A_706 = tpu.memref_squeeze %dma_start3A_705 : memref<1x8x1024xf32, #tpu.memory_space<hbm>> -> memref<8x1024xf32, #tpu.memory_space<hbm>>
    %dma_start3A_707 = arith.constant 0 : i32
    %dma_start3A_708 = arith.constant 0 : i32
    %dma_start3A_709 = tpu.memref_slice %arg6[%dma_start3A_707, %dma_start3A_708] : memref<16x1024xf32, #tpu.memory_space<vmem>> -> memref<8x1024xf32, #tpu.memory_space<vmem>>
    tpu.enqueue_dma source(%dma_start3A_709 : memref<8x1024xf32, #tpu.memory_space<vmem>>) target(%dma_start3A_706 : memref<8x1024xf32, #tpu.memory_space<hbm>>) target_semaphore(%arg16 : memref<!tpu.dma_semaphore, #tpu.memory_space<semaphore_mem>>)
    %parallel_loop3A_710 = arith.constant 8192 : i32
    %parallel_loop3A_711 = arith.constant 16384 : i32
    %parallel_loop3A_712 = arith.constant 16 : i32
    scf.for %parallel_loop3A_1111 = %parallel_loop3A_710 to %parallel_loop3A_711 step %parallel_loop3A_712  : i32 {
      %parallel_loop3A_1112 = arith.constant 1024 : i32
      %parallel_loop3A_1113 = arith.divsi %parallel_loop3A_1111, %parallel_loop3A_1112 : i32
      %parallel_loop3A_1114 = arith.constant 0 : i32
      %parallel_loop3A_1115 = arith.cmpi sgt, %parallel_loop3A_1111, %parallel_loop3A_1114 : i32
      %parallel_loop3A_1116 = arith.extui %parallel_loop3A_1115 : i1 to i32
      %parallel_loop3A_1117 = arith.constant 0 : i32
      %parallel_loop3A_1118 = arith.cmpi slt, %parallel_loop3A_1111, %parallel_loop3A_1117 : i32
      %parallel_loop3A_1119 = arith.extui %parallel_loop3A_1118 : i1 to i32
      %parallel_loop3A_1120 = arith.subi %parallel_loop3A_1116, %parallel_loop3A_1119 : i32
      %parallel_loop3A_1121 = arith.constant 0 : i32
      %parallel_loop3A_1122 = arith.cmpi sgt, %parallel_loop3A_1112, %parallel_loop3A_1121 : i32
      %parallel_loop3A_1123 = arith.extui %parallel_loop3A_1122 : i1 to i32
      %parallel_loop3A_1124 = arith.constant 0 : i32
      %parallel_loop3A_1125 = arith.cmpi slt, %parallel_loop3A_1112, %parallel_loop3A_1124 : i32
      %parallel_loop3A_1126 = arith.extui %parallel_loop3A_1125 : i1 to i32
      %parallel_loop3A_1127 = arith.subi %parallel_loop3A_1123, %parallel_loop3A_1126 : i32
      %parallel_loop3A_1128 = arith.cmpi ne, %parallel_loop3A_1120, %parallel_loop3A_1127 : i32
      %parallel_loop3A_1129 = arith.remsi %parallel_loop3A_1111, %parallel_loop3A_1112 : i32
      %parallel_loop3A_1130 = arith.constant 0 : i32
      %parallel_loop3A_1131 = arith.cmpi ne, %parallel_loop3A_1129, %parallel_loop3A_1130 : i32
      %parallel_loop3A_1132 = arith.andi %parallel_loop3A_1128, %parallel_loop3A_1131 : i1
      %parallel_loop3A_1133 = arith.constant 1 : i32
      %parallel_loop3A_1134 = arith.subi %parallel_loop3A_1113, %parallel_loop3A_1133 : i32
      %parallel_loop3A_1135 = arith.select %parallel_loop3A_1132, %parallel_loop3A_1134, %parallel_loop3A_1113 : i32
      %parallel_loop3A_1136 = arith.constant 1024 : i32
      %parallel_loop3A_1137 = arith.constant 0 : i32
      %parallel_loop3A_1138 = arith.cmpi eq, %parallel_loop3A_1136, %parallel_loop3A_1137 : i32
      %parallel_loop3A_1139 = arith.constant 1 : i32
      %parallel_loop3A_1140 = arith.select %parallel_loop3A_1138, %parallel_loop3A_1139, %parallel_loop3A_1136 : i32
      %parallel_loop3A_1141 = arith.remsi %parallel_loop3A_1111, %parallel_loop3A_1140 : i32
      %parallel_loop3A_1142 = arith.constant 0 : i32
      %parallel_loop3A_1143 = arith.cmpi ne, %parallel_loop3A_1141, %parallel_loop3A_1142 : i32
      %parallel_loop3A_1144 = arith.constant 0 : i32
      %parallel_loop3A_1145 = arith.cmpi slt, %parallel_loop3A_1141, %parallel_loop3A_1144 : i32
      %parallel_loop3A_1146 = arith.constant 0 : i32
      %parallel_loop3A_1147 = arith.cmpi slt, %parallel_loop3A_1140, %parallel_loop3A_1146 : i32
      %parallel_loop3A_1148 = arith.xori %parallel_loop3A_1145, %parallel_loop3A_1147 : i1
      %parallel_loop3A_1149 = arith.andi %parallel_loop3A_1148, %parallel_loop3A_1143 : i1
      %parallel_loop3A_1150 = arith.addi %parallel_loop3A_1141, %parallel_loop3A_1140 : i32
      %parallel_loop3A_1151 = arith.select %parallel_loop3A_1149, %parallel_loop3A_1150, %parallel_loop3A_1141 : i32
      %parallel_loop3A_1152 = arith.index_cast %parallel_loop3A_1135 : i32 to index
      %parallel_loop3A_1153 = arith.index_cast %parallel_loop3A_1151 : i32 to index
      %parallel_loop3A_1154 = tpu.vector_load %arg9[%parallel_loop3A_1152, %parallel_loop3A_1153] {strides = array<i32>} : memref<16x1024xf32, #tpu.memory_space<vmem>>, vector<1x16xf32>,
      %parallel_loop3A_1155 = vector.shape_cast %parallel_loop3A_1154 : vector<1x16xf32> to vector<16xf32>
      %parallel_loop3A_1156 = arith.index_cast %parallel_loop3A_1135 : i32 to index
      %parallel_loop3A_1157 = arith.index_cast %parallel_loop3A_1151 : i32 to index
      %parallel_loop3A_1158 = tpu.vector_load %arg6[%parallel_loop3A_1156, %parallel_loop3A_1157] {strides = array<i32>} : memref<16x1024xf32, #tpu.memory_space<vmem>>, vector<1x16xf32>,
      %parallel_loop3A_1159 = vector.shape_cast %parallel_loop3A_1158 : vector<1x16xf32> to vector<16xf32>
      %parallel_loop3A_1160 = vector.shape_cast %parallel_loop3A_1155 : vector<16xf32> to vector<1x16xf32>
      tpu.vector_store %arg6[%parallel_loop3A_1156, %parallel_loop3A_1157], %parallel_loop3A_1160 {add = true, strides = array<i32>} : memref<16x1024xf32, #tpu.memory_space<vmem>>, vector<1x16xf32>,
    } {sc.loop_unroll_factor = 8 : i64, sc.parallel_access}
    %add3A_713 = arith.constant 32 : i32
    %add3A_714 = arith.addi %mul3A_2, %add3A_713 : i32
    %add3A_715 = arith.constant 8 : i32
    %add3A_716 = arith.addi %add3A_714, %add3A_715 : i32
    %dma_start3A_717 = arith.constant 1 : i32
    %dma_start3A_718 = arith.constant 8 : i32
    %dma_start3A_719 = arith.constant 0 : i32
    %dma_start3A_720 = tpu.memref_slice %arg6[%dma_start3A_718, %dma_start3A_719] : memref<16x1024xf32, #tpu.memory_space<vmem>> -> memref<8x1024xf32, #tpu.memory_space<vmem>>
    %dma_start3A_721 = arith.constant 0 : i32
    %dma_start3A_722 = tpu.memref_slice %arg4[%dma_start3A_717, %add3A_716, %dma_start3A_721] : memref<4x2048x1024xf32, #tpu.memory_space<hbm>> -> memref<1x8x1024xf32, #tpu.memory_space<hbm>>
    %dma_start3A_723 = tpu.memref_squeeze %dma_start3A_722 : memref<1x8x1024xf32, #tpu.memory_space<hbm>> -> memref<8x1024xf32, #tpu.memory_space<hbm>>
    %dma_start3A_724 = arith.constant 0 : i32
    %dma_start3A_725 = tpu.memref_slice %arg4[%dma_start3A_717, %add3A_716, %dma_start3A_724] : memref<4x2048x1024xf32, #tpu.memory_space<hbm>> -> memref<1x8x1024xf32, #tpu.memory_space<hbm>>
    %dma_start3A_726 = tpu.memref_squeeze %dma_start3A_725 : memref<1x8x1024xf32, #tpu.memory_space<hbm>> -> memref<8x1024xf32, #tpu.memory_space<hbm>>
    %dma_start3A_727 = arith.constant 8 : i32
    %dma_start3A_728 = arith.constant 0 : i32
    %dma_start3A_729 = tpu.memref_slice %arg6[%dma_start3A_727, %dma_start3A_728] : memref<16x1024xf32, #tpu.memory_space<vmem>> -> memref<8x1024xf32, #tpu.memory_space<vmem>>
    tpu.enqueue_dma source(%dma_start3A_729 : memref<8x1024xf32, #tpu.memory_space<vmem>>) target(%dma_start3A_726 : memref<8x1024xf32, #tpu.memory_space<hbm>>) target_semaphore(%arg16 : memref<!tpu.dma_semaphore, #tpu.memory_space<semaphore_mem>>)
    %add3A_730 = arith.constant 32 : i32
    %add3A_731 = arith.addi %mul3A_2, %add3A_730 : i32
    %dma_wait3A_732 = arith.constant 1 : i32
    %dma_wait3A_733 = arith.constant 0 : i32
    %dma_wait3A_734 = tpu.memref_slice %arg4[%dma_wait3A_732, %add3A_731, %dma_wait3A_733] : memref<4x2048x1024xf32, #tpu.memory_space<hbm>> -> memref<1x16x1024xf32, #tpu.memory_space<hbm>>
    %dma_wait3A_735 = tpu.memref_squeeze %dma_wait3A_734 : memref<1x16x1024xf32, #tpu.memory_space<hbm>> -> memref<16x1024xf32, #tpu.memory_space<hbm>>
    %dma_wait3A_736 = arith.constant 0 : i32
    %dma_wait3A_737 = tpu.memref_slice %arg4[%dma_wait3A_732, %add3A_731, %dma_wait3A_736] : memref<4x2048x1024xf32, #tpu.memory_space<hbm>> -> memref<1x16x1024xf32, #tpu.memory_space<hbm>>
    %dma_wait3A_738 = tpu.memref_squeeze %dma_wait3A_737 : memref<1x16x1024xf32, #tpu.memory_space<hbm>> -> memref<16x1024xf32, #tpu.memory_space<hbm>>
    tpu.wait_dma2 semaphore(%arg16 : memref<!tpu.dma_semaphore, #tpu.memory_space<semaphore_mem>>) src(%arg6 : memref<16x1024xf32, #tpu.memory_space<vmem>>) dst(%dma_wait3A_738 : memref<16x1024xf32, #tpu.memory_space<hbm>>)
    %add3A_739 = arith.constant 48 : i32
    %add3A_740 = arith.addi %mul3A_2, %add3A_739 : i32
    %dma_start3A_741 = arith.constant 1 : i32
    %dma_start3A_742 = arith.constant 0 : i32
    %dma_start3A_743 = tpu.memref_slice %arg2[%dma_start3A_741, %add3A_740, %dma_start3A_742] : memref<4x2048x1024xf32, #tpu.memory_space<hbm>> -> memref<1x16x1024xf32, #tpu.memory_space<hbm>>
    %dma_start3A_744 = tpu.memref_squeeze %dma_start3A_743 : memref<1x16x1024xf32, #tpu.memory_space<hbm>> -> memref<16x1024xf32, #tpu.memory_space<hbm>>
    %dma_start3A_745 = arith.constant 0 : i32
    %dma_start3A_746 = tpu.memref_slice %arg2[%dma_start3A_741, %add3A_740, %dma_start3A_745] : memref<4x2048x1024xf32, #tpu.memory_space<hbm>> -> memref<1x16x1024xf32, #tpu.memory_space<hbm>>
    %dma_start3A_747 = tpu.memref_squeeze %dma_start3A_746 : memref<1x16x1024xf32, #tpu.memory_space<hbm>> -> memref<16x1024xf32, #tpu.memory_space<hbm>>
    tpu.enqueue_dma source(%dma_start3A_747 : memref<16x1024xf32, #tpu.memory_space<hbm>>) target(%arg6 : memref<16x1024xf32, #tpu.memory_space<vmem>>) target_semaphore(%arg12 : memref<!tpu.dma_semaphore, #tpu.memory_space<semaphore_mem>>)
    %add3A_748 = arith.constant 32 : i32
    %add3A_749 = arith.addi %mul3A_2, %add3A_748 : i32
    %dma_wait3A_750 = arith.constant 2 : i32
    %dma_wait3A_751 = arith.constant 0 : i32
    %dma_wait3A_752 = tpu.memref_slice %arg2[%dma_wait3A_750, %add3A_749, %dma_wait3A_751] : memref<4x2048x1024xf32, #tpu.memory_space<hbm>> -> memref<1x16x1024xf32, #tpu.memory_space<hbm>>
    %dma_wait3A_753 = tpu.memref_squeeze %dma_wait3A_752 : memref<1x16x1024xf32, #tpu.memory_space<hbm>> -> memref<16x1024xf32, #tpu.memory_space<hbm>>
    %dma_wait3A_754 = arith.constant 0 : i32
    %dma_wait3A_755 = tpu.memref_slice %arg2[%dma_wait3A_750, %add3A_749, %dma_wait3A_754] : memref<4x2048x1024xf32, #tpu.memory_space<hbm>> -> memref<1x16x1024xf32, #tpu.memory_space<hbm>>
    %dma_wait3A_756 = tpu.memref_squeeze %dma_wait3A_755 : memref<1x16x1024xf32, #tpu.memory_space<hbm>> -> memref<16x1024xf32, #tpu.memory_space<hbm>>
    tpu.wait_dma2 semaphore(%arg13 : memref<!tpu.dma_semaphore, #tpu.memory_space<semaphore_mem>>) src(%dma_wait3A_756 : memref<16x1024xf32, #tpu.memory_space<hbm>>) dst(%arg7 : memref<16x1024xf32, #tpu.memory_space<vmem>>)
    %parallel_loop3A_757 = arith.constant 0 : i32
    %parallel_loop3A_758 = arith.constant 8192 : i32
    %parallel_loop3A_759 = arith.constant 16 : i32
    scf.for %parallel_loop3A_1111 = %parallel_loop3A_757 to %parallel_loop3A_758 step %parallel_loop3A_759  : i32 {
      %parallel_loop3A_1112 = arith.constant 1024 : i32
      %parallel_loop3A_1113 = arith.divsi %parallel_loop3A_1111, %parallel_loop3A_1112 : i32
      %parallel_loop3A_1114 = arith.constant 0 : i32
      %parallel_loop3A_1115 = arith.cmpi sgt, %parallel_loop3A_1111, %parallel_loop3A_1114 : i32
      %parallel_loop3A_1116 = arith.extui %parallel_loop3A_1115 : i1 to i32
      %parallel_loop3A_1117 = arith.constant 0 : i32
      %parallel_loop3A_1118 = arith.cmpi slt, %parallel_loop3A_1111, %parallel_loop3A_1117 : i32
      %parallel_loop3A_1119 = arith.extui %parallel_loop3A_1118 : i1 to i32
      %parallel_loop3A_1120 = arith.subi %parallel_loop3A_1116, %parallel_loop3A_1119 : i32
      %parallel_loop3A_1121 = arith.constant 0 : i32
      %parallel_loop3A_1122 = arith.cmpi sgt, %parallel_loop3A_1112, %parallel_loop3A_1121 : i32
      %parallel_loop3A_1123 = arith.extui %parallel_loop3A_1122 : i1 to i32
      %parallel_loop3A_1124 = arith.constant 0 : i32
      %parallel_loop3A_1125 = arith.cmpi slt, %parallel_loop3A_1112, %parallel_loop3A_1124 : i32
      %parallel_loop3A_1126 = arith.extui %parallel_loop3A_1125 : i1 to i32
      %parallel_loop3A_1127 = arith.subi %parallel_loop3A_1123, %parallel_loop3A_1126 : i32
      %parallel_loop3A_1128 = arith.cmpi ne, %parallel_loop3A_1120, %parallel_loop3A_1127 : i32
      %parallel_loop3A_1129 = arith.remsi %parallel_loop3A_1111, %parallel_loop3A_1112 : i32
      %parallel_loop3A_1130 = arith.constant 0 : i32
      %parallel_loop3A_1131 = arith.cmpi ne, %parallel_loop3A_1129, %parallel_loop3A_1130 : i32
      %parallel_loop3A_1132 = arith.andi %parallel_loop3A_1128, %parallel_loop3A_1131 : i1
      %parallel_loop3A_1133 = arith.constant 1 : i32
      %parallel_loop3A_1134 = arith.subi %parallel_loop3A_1113, %parallel_loop3A_1133 : i32
      %parallel_loop3A_1135 = arith.select %parallel_loop3A_1132, %parallel_loop3A_1134, %parallel_loop3A_1113 : i32
      %parallel_loop3A_1136 = arith.constant 1024 : i32
      %parallel_loop3A_1137 = arith.constant 0 : i32
      %parallel_loop3A_1138 = arith.cmpi eq, %parallel_loop3A_1136, %parallel_loop3A_1137 : i32
      %parallel_loop3A_1139 = arith.constant 1 : i32
      %parallel_loop3A_1140 = arith.select %parallel_loop3A_1138, %parallel_loop3A_1139, %parallel_loop3A_1136 : i32
      %parallel_loop3A_1141 = arith.remsi %parallel_loop3A_1111, %parallel_loop3A_1140 : i32
      %parallel_loop3A_1142 = arith.constant 0 : i32
      %parallel_loop3A_1143 = arith.cmpi ne, %parallel_loop3A_1141, %parallel_loop3A_1142 : i32
      %parallel_loop3A_1144 = arith.constant 0 : i32
      %parallel_loop3A_1145 = arith.cmpi slt, %parallel_loop3A_1141, %parallel_loop3A_1144 : i32
      %parallel_loop3A_1146 = arith.constant 0 : i32
      %parallel_loop3A_1147 = arith.cmpi slt, %parallel_loop3A_1140, %parallel_loop3A_1146 : i32
      %parallel_loop3A_1148 = arith.xori %parallel_loop3A_1145, %parallel_loop3A_1147 : i1
      %parallel_loop3A_1149 = arith.andi %parallel_loop3A_1148, %parallel_loop3A_1143 : i1
      %parallel_loop3A_1150 = arith.addi %parallel_loop3A_1141, %parallel_loop3A_1140 : i32
      %parallel_loop3A_1151 = arith.select %parallel_loop3A_1149, %parallel_loop3A_1150, %parallel_loop3A_1141 : i32
      %parallel_loop3A_1152 = arith.index_cast %parallel_loop3A_1135 : i32 to index
      %parallel_loop3A_1153 = arith.index_cast %parallel_loop3A_1151 : i32 to index
      %parallel_loop3A_1154 = tpu.vector_load %arg9[%parallel_loop3A_1152, %parallel_loop3A_1153] {strides = array<i32>} : memref<16x1024xf32, #tpu.memory_space<vmem>>, vector<1x16xf32>,
      %parallel_loop3A_1155 = vector.shape_cast %parallel_loop3A_1154 : vector<1x16xf32> to vector<16xf32>
      %parallel_loop3A_1156 = arith.index_cast %parallel_loop3A_1135 : i32 to index
      %parallel_loop3A_1157 = arith.index_cast %parallel_loop3A_1151 : i32 to index
      %parallel_loop3A_1158 = tpu.vector_load %arg7[%parallel_loop3A_1156, %parallel_loop3A_1157] {strides = array<i32>} : memref<16x1024xf32, #tpu.memory_space<vmem>>, vector<1x16xf32>,
      %parallel_loop3A_1159 = vector.shape_cast %parallel_loop3A_1158 : vector<1x16xf32> to vector<16xf32>
      %parallel_loop3A_1160 = vector.shape_cast %parallel_loop3A_1155 : vector<16xf32> to vector<1x16xf32>
      tpu.vector_store %arg7[%parallel_loop3A_1156, %parallel_loop3A_1157], %parallel_loop3A_1160 {add = true, strides = array<i32>} : memref<16x1024xf32, #tpu.memory_space<vmem>>, vector<1x16xf32>,
    } {sc.loop_unroll_factor = 8 : i64, sc.parallel_access}
    %add3A_760 = arith.constant 32 : i32
    %add3A_761 = arith.addi %mul3A_2, %add3A_760 : i32
    %add3A_762 = arith.constant 0 : i32
    %add3A_763 = arith.addi %add3A_761, %add3A_762 : i32
    %dma_start3A_764 = arith.constant 2 : i32
    %dma_start3A_765 = arith.constant 0 : i32
    %dma_start3A_766 = arith.constant 0 : i32
    %dma_start3A_767 = tpu.memref_slice %arg7[%dma_start3A_765, %dma_start3A_766] : memref<16x1024xf32, #tpu.memory_space<vmem>> -> memref<8x1024xf32, #tpu.memory_space<vmem>>
    %dma_start3A_768 = arith.constant 0 : i32
    %dma_start3A_769 = tpu.memref_slice %arg4[%dma_start3A_764, %add3A_763, %dma_start3A_768] : memref<4x2048x1024xf32, #tpu.memory_space<hbm>> -> memref<1x8x1024xf32, #tpu.memory_space<hbm>>
    %dma_start3A_770 = tpu.memref_squeeze %dma_start3A_769 : memref<1x8x1024xf32, #tpu.memory_space<hbm>> -> memref<8x1024xf32, #tpu.memory_space<hbm>>
    %dma_start3A_771 = arith.constant 0 : i32
    %dma_start3A_772 = tpu.memref_slice %arg4[%dma_start3A_764, %add3A_763, %dma_start3A_771] : memref<4x2048x1024xf32, #tpu.memory_space<hbm>> -> memref<1x8x1024xf32, #tpu.memory_space<hbm>>
    %dma_start3A_773 = tpu.memref_squeeze %dma_start3A_772 : memref<1x8x1024xf32, #tpu.memory_space<hbm>> -> memref<8x1024xf32, #tpu.memory_space<hbm>>
    %dma_start3A_774 = arith.constant 0 : i32
    %dma_start3A_775 = arith.constant 0 : i32
    %dma_start3A_776 = tpu.memref_slice %arg7[%dma_start3A_774, %dma_start3A_775] : memref<16x1024xf32, #tpu.memory_space<vmem>> -> memref<8x1024xf32, #tpu.memory_space<vmem>>
    tpu.enqueue_dma source(%dma_start3A_776 : memref<8x1024xf32, #tpu.memory_space<vmem>>) target(%dma_start3A_773 : memref<8x1024xf32, #tpu.memory_space<hbm>>) target_semaphore(%arg17 : memref<!tpu.dma_semaphore, #tpu.memory_space<semaphore_mem>>)
    %parallel_loop3A_777 = arith.constant 8192 : i32
    %parallel_loop3A_778 = arith.constant 16384 : i32
    %parallel_loop3A_779 = arith.constant 16 : i32
    scf.for %parallel_loop3A_1111 = %parallel_loop3A_777 to %parallel_loop3A_778 step %parallel_loop3A_779  : i32 {
      %parallel_loop3A_1112 = arith.constant 1024 : i32
      %parallel_loop3A_1113 = arith.divsi %parallel_loop3A_1111, %parallel_loop3A_1112 : i32
      %parallel_loop3A_1114 = arith.constant 0 : i32
      %parallel_loop3A_1115 = arith.cmpi sgt, %parallel_loop3A_1111, %parallel_loop3A_1114 : i32
      %parallel_loop3A_1116 = arith.extui %parallel_loop3A_1115 : i1 to i32
      %parallel_loop3A_1117 = arith.constant 0 : i32
      %parallel_loop3A_1118 = arith.cmpi slt, %parallel_loop3A_1111, %parallel_loop3A_1117 : i32
      %parallel_loop3A_1119 = arith.extui %parallel_loop3A_1118 : i1 to i32
      %parallel_loop3A_1120 = arith.subi %parallel_loop3A_1116, %parallel_loop3A_1119 : i32
      %parallel_loop3A_1121 = arith.constant 0 : i32
      %parallel_loop3A_1122 = arith.cmpi sgt, %parallel_loop3A_1112, %parallel_loop3A_1121 : i32
      %parallel_loop3A_1123 = arith.extui %parallel_loop3A_1122 : i1 to i32
      %parallel_loop3A_1124 = arith.constant 0 : i32
      %parallel_loop3A_1125 = arith.cmpi slt, %parallel_loop3A_1112, %parallel_loop3A_1124 : i32
      %parallel_loop3A_1126 = arith.extui %parallel_loop3A_1125 : i1 to i32
      %parallel_loop3A_1127 = arith.subi %parallel_loop3A_1123, %parallel_loop3A_1126 : i32
      %parallel_loop3A_1128 = arith.cmpi ne, %parallel_loop3A_1120, %parallel_loop3A_1127 : i32
      %parallel_loop3A_1129 = arith.remsi %parallel_loop3A_1111, %parallel_loop3A_1112 : i32
      %parallel_loop3A_1130 = arith.constant 0 : i32
      %parallel_loop3A_1131 = arith.cmpi ne, %parallel_loop3A_1129, %parallel_loop3A_1130 : i32
      %parallel_loop3A_1132 = arith.andi %parallel_loop3A_1128, %parallel_loop3A_1131 : i1
      %parallel_loop3A_1133 = arith.constant 1 : i32
      %parallel_loop3A_1134 = arith.subi %parallel_loop3A_1113, %parallel_loop3A_1133 : i32
      %parallel_loop3A_1135 = arith.select %parallel_loop3A_1132, %parallel_loop3A_1134, %parallel_loop3A_1113 : i32
      %parallel_loop3A_1136 = arith.constant 1024 : i32
      %parallel_loop3A_1137 = arith.constant 0 : i32
      %parallel_loop3A_1138 = arith.cmpi eq, %parallel_loop3A_1136, %parallel_loop3A_1137 : i32
      %parallel_loop3A_1139 = arith.constant 1 : i32
      %parallel_loop3A_1140 = arith.select %parallel_loop3A_1138, %parallel_loop3A_1139, %parallel_loop3A_1136 : i32
      %parallel_loop3A_1141 = arith.remsi %parallel_loop3A_1111, %parallel_loop3A_1140 : i32
      %parallel_loop3A_1142 = arith.constant 0 : i32
      %parallel_loop3A_1143 = arith.cmpi ne, %parallel_loop3A_1141, %parallel_loop3A_1142 : i32
      %parallel_loop3A_1144 = arith.constant 0 : i32
      %parallel_loop3A_1145 = arith.cmpi slt, %parallel_loop3A_1141, %parallel_loop3A_1144 : i32
      %parallel_loop3A_1146 = arith.constant 0 : i32
      %parallel_loop3A_1147 = arith.cmpi slt, %parallel_loop3A_1140, %parallel_loop3A_1146 : i32
      %parallel_loop3A_1148 = arith.xori %parallel_loop3A_1145, %parallel_loop3A_1147 : i1
      %parallel_loop3A_1149 = arith.andi %parallel_loop3A_1148, %parallel_loop3A_1143 : i1
      %parallel_loop3A_1150 = arith.addi %parallel_loop3A_1141, %parallel_loop3A_1140 : i32
      %parallel_loop3A_1151 = arith.select %parallel_loop3A_1149, %parallel_loop3A_1150, %parallel_loop3A_1141 : i32
      %parallel_loop3A_1152 = arith.index_cast %parallel_loop3A_1135 : i32 to index
      %parallel_loop3A_1153 = arith.index_cast %parallel_loop3A_1151 : i32 to index
      %parallel_loop3A_1154 = tpu.vector_load %arg9[%parallel_loop3A_1152, %parallel_loop3A_1153] {strides = array<i32>} : memref<16x1024xf32, #tpu.memory_space<vmem>>, vector<1x16xf32>,
      %parallel_loop3A_1155 = vector.shape_cast %parallel_loop3A_1154 : vector<1x16xf32> to vector<16xf32>
      %parallel_loop3A_1156 = arith.index_cast %parallel_loop3A_1135 : i32 to index
      %parallel_loop3A_1157 = arith.index_cast %parallel_loop3A_1151 : i32 to index
      %parallel_loop3A_1158 = tpu.vector_load %arg7[%parallel_loop3A_1156, %parallel_loop3A_1157] {strides = array<i32>} : memref<16x1024xf32, #tpu.memory_space<vmem>>, vector<1x16xf32>,
      %parallel_loop3A_1159 = vector.shape_cast %parallel_loop3A_1158 : vector<1x16xf32> to vector<16xf32>
      %parallel_loop3A_1160 = vector.shape_cast %parallel_loop3A_1155 : vector<16xf32> to vector<1x16xf32>
      tpu.vector_store %arg7[%parallel_loop3A_1156, %parallel_loop3A_1157], %parallel_loop3A_1160 {add = true, strides = array<i32>} : memref<16x1024xf32, #tpu.memory_space<vmem>>, vector<1x16xf32>,
    } {sc.loop_unroll_factor = 8 : i64, sc.parallel_access}
    %add3A_780 = arith.constant 32 : i32
    %add3A_781 = arith.addi %mul3A_2, %add3A_780 : i32
    %add3A_782 = arith.constant 8 : i32
    %add3A_783 = arith.addi %add3A_781, %add3A_782 : i32
    %dma_start3A_784 = arith.constant 2 : i32
    %dma_start3A_785 = arith.constant 8 : i32
    %dma_start3A_786 = arith.constant 0 : i32
    %dma_start3A_787 = tpu.memref_slice %arg7[%dma_start3A_785, %dma_start3A_786] : memref<16x1024xf32, #tpu.memory_space<vmem>> -> memref<8x1024xf32, #tpu.memory_space<vmem>>
    %dma_start3A_788 = arith.constant 0 : i32
    %dma_start3A_789 = tpu.memref_slice %arg4[%dma_start3A_784, %add3A_783, %dma_start3A_788] : memref<4x2048x1024xf32, #tpu.memory_space<hbm>> -> memref<1x8x1024xf32, #tpu.memory_space<hbm>>
    %dma_start3A_790 = tpu.memref_squeeze %dma_start3A_789 : memref<1x8x1024xf32, #tpu.memory_space<hbm>> -> memref<8x1024xf32, #tpu.memory_space<hbm>>
    %dma_start3A_791 = arith.constant 0 : i32
    %dma_start3A_792 = tpu.memref_slice %arg4[%dma_start3A_784, %add3A_783, %dma_start3A_791] : memref<4x2048x1024xf32, #tpu.memory_space<hbm>> -> memref<1x8x1024xf32, #tpu.memory_space<hbm>>
    %dma_start3A_793 = tpu.memref_squeeze %dma_start3A_792 : memref<1x8x1024xf32, #tpu.memory_space<hbm>> -> memref<8x1024xf32, #tpu.memory_space<hbm>>
    %dma_start3A_794 = arith.constant 8 : i32
    %dma_start3A_795 = arith.constant 0 : i32
    %dma_start3A_796 = tpu.memref_slice %arg7[%dma_start3A_794, %dma_start3A_795] : memref<16x1024xf32, #tpu.memory_space<vmem>> -> memref<8x1024xf32, #tpu.memory_space<vmem>>
    tpu.enqueue_dma source(%dma_start3A_796 : memref<8x1024xf32, #tpu.memory_space<vmem>>) target(%dma_start3A_793 : memref<8x1024xf32, #tpu.memory_space<hbm>>) target_semaphore(%arg17 : memref<!tpu.dma_semaphore, #tpu.memory_space<semaphore_mem>>)
    %add3A_797 = arith.constant 32 : i32
    %add3A_798 = arith.addi %mul3A_2, %add3A_797 : i32
    %dma_wait3A_799 = arith.constant 2 : i32
    %dma_wait3A_800 = arith.constant 0 : i32
    %dma_wait3A_801 = tpu.memref_slice %arg4[%dma_wait3A_799, %add3A_798, %dma_wait3A_800] : memref<4x2048x1024xf32, #tpu.memory_space<hbm>> -> memref<1x16x1024xf32, #tpu.memory_space<hbm>>
    %dma_wait3A_802 = tpu.memref_squeeze %dma_wait3A_801 : memref<1x16x1024xf32, #tpu.memory_space<hbm>> -> memref<16x1024xf32, #tpu.memory_space<hbm>>
    %dma_wait3A_803 = arith.constant 0 : i32
    %dma_wait3A_804 = tpu.memref_slice %arg4[%dma_wait3A_799, %add3A_798, %dma_wait3A_803] : memref<4x2048x1024xf32, #tpu.memory_space<hbm>> -> memref<1x16x1024xf32, #tpu.memory_space<hbm>>
    %dma_wait3A_805 = tpu.memref_squeeze %dma_wait3A_804 : memref<1x16x1024xf32, #tpu.memory_space<hbm>> -> memref<16x1024xf32, #tpu.memory_space<hbm>>
    tpu.wait_dma2 semaphore(%arg17 : memref<!tpu.dma_semaphore, #tpu.memory_space<semaphore_mem>>) src(%arg7 : memref<16x1024xf32, #tpu.memory_space<vmem>>) dst(%dma_wait3A_805 : memref<16x1024xf32, #tpu.memory_space<hbm>>)
    %add3A_806 = arith.constant 48 : i32
    %add3A_807 = arith.addi %mul3A_2, %add3A_806 : i32
    %dma_start3A_808 = arith.constant 2 : i32
    %dma_start3A_809 = arith.constant 0 : i32
    %dma_start3A_810 = tpu.memref_slice %arg2[%dma_start3A_808, %add3A_807, %dma_start3A_809] : memref<4x2048x1024xf32, #tpu.memory_space<hbm>> -> memref<1x16x1024xf32, #tpu.memory_space<hbm>>
    %dma_start3A_811 = tpu.memref_squeeze %dma_start3A_810 : memref<1x16x1024xf32, #tpu.memory_space<hbm>> -> memref<16x1024xf32, #tpu.memory_space<hbm>>
    %dma_start3A_812 = arith.constant 0 : i32
    %dma_start3A_813 = tpu.memref_slice %arg2[%dma_start3A_808, %add3A_807, %dma_start3A_812] : memref<4x2048x1024xf32, #tpu.memory_space<hbm>> -> memref<1x16x1024xf32, #tpu.memory_space<hbm>>
    %dma_start3A_814 = tpu.memref_squeeze %dma_start3A_813 : memref<1x16x1024xf32, #tpu.memory_space<hbm>> -> memref<16x1024xf32, #tpu.memory_space<hbm>>
    tpu.enqueue_dma source(%dma_start3A_814 : memref<16x1024xf32, #tpu.memory_space<hbm>>) target(%arg7 : memref<16x1024xf32, #tpu.memory_space<vmem>>) target_semaphore(%arg13 : memref<!tpu.dma_semaphore, #tpu.memory_space<semaphore_mem>>)
    %add3A_815 = arith.constant 32 : i32
    %add3A_816 = arith.addi %mul3A_2, %add3A_815 : i32
    %dma_wait3A_817 = arith.constant 3 : i32
    %dma_wait3A_818 = arith.constant 0 : i32
    %dma_wait3A_819 = tpu.memref_slice %arg2[%dma_wait3A_817, %add3A_816, %dma_wait3A_818] : memref<4x2048x1024xf32, #tpu.memory_space<hbm>> -> memref<1x16x1024xf32, #tpu.memory_space<hbm>>
    %dma_wait3A_820 = tpu.memref_squeeze %dma_wait3A_819 : memref<1x16x1024xf32, #tpu.memory_space<hbm>> -> memref<16x1024xf32, #tpu.memory_space<hbm>>
    %dma_wait3A_821 = arith.constant 0 : i32
    %dma_wait3A_822 = tpu.memref_slice %arg2[%dma_wait3A_817, %add3A_816, %dma_wait3A_821] : memref<4x2048x1024xf32, #tpu.memory_space<hbm>> -> memref<1x16x1024xf32, #tpu.memory_space<hbm>>
    %dma_wait3A_823 = tpu.memref_squeeze %dma_wait3A_822 : memref<1x16x1024xf32, #tpu.memory_space<hbm>> -> memref<16x1024xf32, #tpu.memory_space<hbm>>
    tpu.wait_dma2 semaphore(%arg14 : memref<!tpu.dma_semaphore, #tpu.memory_space<semaphore_mem>>) src(%dma_wait3A_823 : memref<16x1024xf32, #tpu.memory_space<hbm>>) dst(%arg8 : memref<16x1024xf32, #tpu.memory_space<vmem>>)
    %parallel_loop3A_824 = arith.constant 0 : i32
    %parallel_loop3A_825 = arith.constant 8192 : i32
    %parallel_loop3A_826 = arith.constant 16 : i32
    scf.for %parallel_loop3A_1111 = %parallel_loop3A_824 to %parallel_loop3A_825 step %parallel_loop3A_826  : i32 {
      %parallel_loop3A_1112 = arith.constant 1024 : i32
      %parallel_loop3A_1113 = arith.divsi %parallel_loop3A_1111, %parallel_loop3A_1112 : i32
      %parallel_loop3A_1114 = arith.constant 0 : i32
      %parallel_loop3A_1115 = arith.cmpi sgt, %parallel_loop3A_1111, %parallel_loop3A_1114 : i32
      %parallel_loop3A_1116 = arith.extui %parallel_loop3A_1115 : i1 to i32
      %parallel_loop3A_1117 = arith.constant 0 : i32
      %parallel_loop3A_1118 = arith.cmpi slt, %parallel_loop3A_1111, %parallel_loop3A_1117 : i32
      %parallel_loop3A_1119 = arith.extui %parallel_loop3A_1118 : i1 to i32
      %parallel_loop3A_1120 = arith.subi %parallel_loop3A_1116, %parallel_loop3A_1119 : i32
      %parallel_loop3A_1121 = arith.constant 0 : i32
      %parallel_loop3A_1122 = arith.cmpi sgt, %parallel_loop3A_1112, %parallel_loop3A_1121 : i32
      %parallel_loop3A_1123 = arith.extui %parallel_loop3A_1122 : i1 to i32
      %parallel_loop3A_1124 = arith.constant 0 : i32
      %parallel_loop3A_1125 = arith.cmpi slt, %parallel_loop3A_1112, %parallel_loop3A_1124 : i32
      %parallel_loop3A_1126 = arith.extui %parallel_loop3A_1125 : i1 to i32
      %parallel_loop3A_1127 = arith.subi %parallel_loop3A_1123, %parallel_loop3A_1126 : i32
      %parallel_loop3A_1128 = arith.cmpi ne, %parallel_loop3A_1120, %parallel_loop3A_1127 : i32
      %parallel_loop3A_1129 = arith.remsi %parallel_loop3A_1111, %parallel_loop3A_1112 : i32
      %parallel_loop3A_1130 = arith.constant 0 : i32
      %parallel_loop3A_1131 = arith.cmpi ne, %parallel_loop3A_1129, %parallel_loop3A_1130 : i32
      %parallel_loop3A_1132 = arith.andi %parallel_loop3A_1128, %parallel_loop3A_1131 : i1
      %parallel_loop3A_1133 = arith.constant 1 : i32
      %parallel_loop3A_1134 = arith.subi %parallel_loop3A_1113, %parallel_loop3A_1133 : i32
      %parallel_loop3A_1135 = arith.select %parallel_loop3A_1132, %parallel_loop3A_1134, %parallel_loop3A_1113 : i32
      %parallel_loop3A_1136 = arith.constant 1024 : i32
      %parallel_loop3A_1137 = arith.constant 0 : i32
      %parallel_loop3A_1138 = arith.cmpi eq, %parallel_loop3A_1136, %parallel_loop3A_1137 : i32
      %parallel_loop3A_1139 = arith.constant 1 : i32
      %parallel_loop3A_1140 = arith.select %parallel_loop3A_1138, %parallel_loop3A_1139, %parallel_loop3A_1136 : i32
      %parallel_loop3A_1141 = arith.remsi %parallel_loop3A_1111, %parallel_loop3A_1140 : i32
      %parallel_loop3A_1142 = arith.constant 0 : i32
      %parallel_loop3A_1143 = arith.cmpi ne, %parallel_loop3A_1141, %parallel_loop3A_1142 : i32
      %parallel_loop3A_1144 = arith.constant 0 : i32
      %parallel_loop3A_1145 = arith.cmpi slt, %parallel_loop3A_1141, %parallel_loop3A_1144 : i32
      %parallel_loop3A_1146 = arith.constant 0 : i32
      %parallel_loop3A_1147 = arith.cmpi slt, %parallel_loop3A_1140, %parallel_loop3A_1146 : i32
      %parallel_loop3A_1148 = arith.xori %parallel_loop3A_1145, %parallel_loop3A_1147 : i1
      %parallel_loop3A_1149 = arith.andi %parallel_loop3A_1148, %parallel_loop3A_1143 : i1
      %parallel_loop3A_1150 = arith.addi %parallel_loop3A_1141, %parallel_loop3A_1140 : i32
      %parallel_loop3A_1151 = arith.select %parallel_loop3A_1149, %parallel_loop3A_1150, %parallel_loop3A_1141 : i32
      %parallel_loop3A_1152 = arith.index_cast %parallel_loop3A_1135 : i32 to index
      %parallel_loop3A_1153 = arith.index_cast %parallel_loop3A_1151 : i32 to index
      %parallel_loop3A_1154 = tpu.vector_load %arg9[%parallel_loop3A_1152, %parallel_loop3A_1153] {strides = array<i32>} : memref<16x1024xf32, #tpu.memory_space<vmem>>, vector<1x16xf32>,
      %parallel_loop3A_1155 = vector.shape_cast %parallel_loop3A_1154 : vector<1x16xf32> to vector<16xf32>
      %parallel_loop3A_1156 = arith.index_cast %parallel_loop3A_1135 : i32 to index
      %parallel_loop3A_1157 = arith.index_cast %parallel_loop3A_1151 : i32 to index
      %parallel_loop3A_1158 = tpu.vector_load %arg8[%parallel_loop3A_1156, %parallel_loop3A_1157] {strides = array<i32>} : memref<16x1024xf32, #tpu.memory_space<vmem>>, vector<1x16xf32>,
      %parallel_loop3A_1159 = vector.shape_cast %parallel_loop3A_1158 : vector<1x16xf32> to vector<16xf32>
      %parallel_loop3A_1160 = vector.shape_cast %parallel_loop3A_1155 : vector<16xf32> to vector<1x16xf32>
      tpu.vector_store %arg8[%parallel_loop3A_1156, %parallel_loop3A_1157], %parallel_loop3A_1160 {add = true, strides = array<i32>} : memref<16x1024xf32, #tpu.memory_space<vmem>>, vector<1x16xf32>,
    } {sc.loop_unroll_factor = 8 : i64, sc.parallel_access}
    %add3A_827 = arith.constant 32 : i32
    %add3A_828 = arith.addi %mul3A_2, %add3A_827 : i32
    %add3A_829 = arith.constant 0 : i32
    %add3A_830 = arith.addi %add3A_828, %add3A_829 : i32
    %dma_start3A_831 = arith.constant 3 : i32
    %dma_start3A_832 = arith.constant 0 : i32
    %dma_start3A_833 = arith.constant 0 : i32
    %dma_start3A_834 = tpu.memref_slice %arg8[%dma_start3A_832, %dma_start3A_833] : memref<16x1024xf32, #tpu.memory_space<vmem>> -> memref<8x1024xf32, #tpu.memory_space<vmem>>
    %dma_start3A_835 = arith.constant 0 : i32
    %dma_start3A_836 = tpu.memref_slice %arg4[%dma_start3A_831, %add3A_830, %dma_start3A_835] : memref<4x2048x1024xf32, #tpu.memory_space<hbm>> -> memref<1x8x1024xf32, #tpu.memory_space<hbm>>
    %dma_start3A_837 = tpu.memref_squeeze %dma_start3A_836 : memref<1x8x1024xf32, #tpu.memory_space<hbm>> -> memref<8x1024xf32, #tpu.memory_space<hbm>>
    %dma_start3A_838 = arith.constant 0 : i32
    %dma_start3A_839 = tpu.memref_slice %arg4[%dma_start3A_831, %add3A_830, %dma_start3A_838] : memref<4x2048x1024xf32, #tpu.memory_space<hbm>> -> memref<1x8x1024xf32, #tpu.memory_space<hbm>>
    %dma_start3A_840 = tpu.memref_squeeze %dma_start3A_839 : memref<1x8x1024xf32, #tpu.memory_space<hbm>> -> memref<8x1024xf32, #tpu.memory_space<hbm>>
    %dma_start3A_841 = arith.constant 0 : i32
    %dma_start3A_842 = arith.constant 0 : i32
    %dma_start3A_843 = tpu.memref_slice %arg8[%dma_start3A_841, %dma_start3A_842] : memref<16x1024xf32, #tpu.memory_space<vmem>> -> memref<8x1024xf32, #tpu.memory_space<vmem>>
    tpu.enqueue_dma source(%dma_start3A_843 : memref<8x1024xf32, #tpu.memory_space<vmem>>) target(%dma_start3A_840 : memref<8x1024xf32, #tpu.memory_space<hbm>>) target_semaphore(%arg18 : memref<!tpu.dma_semaphore, #tpu.memory_space<semaphore_mem>>)
    %parallel_loop3A_844 = arith.constant 8192 : i32
    %parallel_loop3A_845 = arith.constant 16384 : i32
    %parallel_loop3A_846 = arith.constant 16 : i32
    scf.for %parallel_loop3A_1111 = %parallel_loop3A_844 to %parallel_loop3A_845 step %parallel_loop3A_846  : i32 {
      %parallel_loop3A_1112 = arith.constant 1024 : i32
      %parallel_loop3A_1113 = arith.divsi %parallel_loop3A_1111, %parallel_loop3A_1112 : i32
      %parallel_loop3A_1114 = arith.constant 0 : i32
      %parallel_loop3A_1115 = arith.cmpi sgt, %parallel_loop3A_1111, %parallel_loop3A_1114 : i32
      %parallel_loop3A_1116 = arith.extui %parallel_loop3A_1115 : i1 to i32
      %parallel_loop3A_1117 = arith.constant 0 : i32
      %parallel_loop3A_1118 = arith.cmpi slt, %parallel_loop3A_1111, %parallel_loop3A_1117 : i32
      %parallel_loop3A_1119 = arith.extui %parallel_loop3A_1118 : i1 to i32
      %parallel_loop3A_1120 = arith.subi %parallel_loop3A_1116, %parallel_loop3A_1119 : i32
      %parallel_loop3A_1121 = arith.constant 0 : i32
      %parallel_loop3A_1122 = arith.cmpi sgt, %parallel_loop3A_1112, %parallel_loop3A_1121 : i32
      %parallel_loop3A_1123 = arith.extui %parallel_loop3A_1122 : i1 to i32
      %parallel_loop3A_1124 = arith.constant 0 : i32
      %parallel_loop3A_1125 = arith.cmpi slt, %parallel_loop3A_1112, %parallel_loop3A_1124 : i32
      %parallel_loop3A_1126 = arith.extui %parallel_loop3A_1125 : i1 to i32
      %parallel_loop3A_1127 = arith.subi %parallel_loop3A_1123, %parallel_loop3A_1126 : i32
      %parallel_loop3A_1128 = arith.cmpi ne, %parallel_loop3A_1120, %parallel_loop3A_1127 : i32
      %parallel_loop3A_1129 = arith.remsi %parallel_loop3A_1111, %parallel_loop3A_1112 : i32
      %parallel_loop3A_1130 = arith.constant 0 : i32
      %parallel_loop3A_1131 = arith.cmpi ne, %parallel_loop3A_1129, %parallel_loop3A_1130 : i32
      %parallel_loop3A_1132 = arith.andi %parallel_loop3A_1128, %parallel_loop3A_1131 : i1
      %parallel_loop3A_1133 = arith.constant 1 : i32
      %parallel_loop3A_1134 = arith.subi %parallel_loop3A_1113, %parallel_loop3A_1133 : i32
      %parallel_loop3A_1135 = arith.select %parallel_loop3A_1132, %parallel_loop3A_1134, %parallel_loop3A_1113 : i32
      %parallel_loop3A_1136 = arith.constant 1024 : i32
      %parallel_loop3A_1137 = arith.constant 0 : i32
      %parallel_loop3A_1138 = arith.cmpi eq, %parallel_loop3A_1136, %parallel_loop3A_1137 : i32
      %parallel_loop3A_1139 = arith.constant 1 : i32
      %parallel_loop3A_1140 = arith.select %parallel_loop3A_1138, %parallel_loop3A_1139, %parallel_loop3A_1136 : i32
      %parallel_loop3A_1141 = arith.remsi %parallel_loop3A_1111, %parallel_loop3A_1140 : i32
      %parallel_loop3A_1142 = arith.constant 0 : i32
      %parallel_loop3A_1143 = arith.cmpi ne, %parallel_loop3A_1141, %parallel_loop3A_1142 : i32
      %parallel_loop3A_1144 = arith.constant 0 : i32
      %parallel_loop3A_1145 = arith.cmpi slt, %parallel_loop3A_1141, %parallel_loop3A_1144 : i32
      %parallel_loop3A_1146 = arith.constant 0 : i32
      %parallel_loop3A_1147 = arith.cmpi slt, %parallel_loop3A_1140, %parallel_loop3A_1146 : i32
      %parallel_loop3A_1148 = arith.xori %parallel_loop3A_1145, %parallel_loop3A_1147 : i1
      %parallel_loop3A_1149 = arith.andi %parallel_loop3A_1148, %parallel_loop3A_1143 : i1
      %parallel_loop3A_1150 = arith.addi %parallel_loop3A_1141, %parallel_loop3A_1140 : i32
      %parallel_loop3A_1151 = arith.select %parallel_loop3A_1149, %parallel_loop3A_1150, %parallel_loop3A_1141 : i32
      %parallel_loop3A_1152 = arith.index_cast %parallel_loop3A_1135 : i32 to index
      %parallel_loop3A_1153 = arith.index_cast %parallel_loop3A_1151 : i32 to index
      %parallel_loop3A_1154 = tpu.vector_load %arg9[%parallel_loop3A_1152, %parallel_loop3A_1153] {strides = array<i32>} : memref<16x1024xf32, #tpu.memory_space<vmem>>, vector<1x16xf32>,
      %parallel_loop3A_1155 = vector.shape_cast %parallel_loop3A_1154 : vector<1x16xf32> to vector<16xf32>
      %parallel_loop3A_1156 = arith.index_cast %parallel_loop3A_1135 : i32 to index
      %parallel_loop3A_1157 = arith.index_cast %parallel_loop3A_1151 : i32 to index
      %parallel_loop3A_1158 = tpu.vector_load %arg8[%parallel_loop3A_1156, %parallel_loop3A_1157] {strides = array<i32>} : memref<16x1024xf32, #tpu.memory_space<vmem>>, vector<1x16xf32>,
      %parallel_loop3A_1159 = vector.shape_cast %parallel_loop3A_1158 : vector<1x16xf32> to vector<16xf32>
      %parallel_loop3A_1160 = vector.shape_cast %parallel_loop3A_1155 : vector<16xf32> to vector<1x16xf32>
      tpu.vector_store %arg8[%parallel_loop3A_1156, %parallel_loop3A_1157], %parallel_loop3A_1160 {add = true, strides = array<i32>} : memref<16x1024xf32, #tpu.memory_space<vmem>>, vector<1x16xf32>,
    } {sc.loop_unroll_factor = 8 : i64, sc.parallel_access}
    %add3A_847 = arith.constant 32 : i32
    %add3A_848 = arith.addi %mul3A_2, %add3A_847 : i32
    %add3A_849 = arith.constant 8 : i32
    %add3A_850 = arith.addi %add3A_848, %add3A_849 : i32
    %dma_start3A_851 = arith.constant 3 : i32
    %dma_start3A_852 = arith.constant 8 : i32
    %dma_start3A_853 = arith.constant 0 : i32
    %dma_start3A_854 = tpu.memref_slice %arg8[%dma_start3A_852, %dma_start3A_853] : memref<16x1024xf32, #tpu.memory_space<vmem>> -> memref<8x1024xf32, #tpu.memory_space<vmem>>
    %dma_start3A_855 = arith.constant 0 : i32
    %dma_start3A_856 = tpu.memref_slice %arg4[%dma_start3A_851, %add3A_850, %dma_start3A_855] : memref<4x2048x1024xf32, #tpu.memory_space<hbm>> -> memref<1x8x1024xf32, #tpu.memory_space<hbm>>
    %dma_start3A_857 = tpu.memref_squeeze %dma_start3A_856 : memref<1x8x1024xf32, #tpu.memory_space<hbm>> -> memref<8x1024xf32, #tpu.memory_space<hbm>>
    %dma_start3A_858 = arith.constant 0 : i32
    %dma_start3A_859 = tpu.memref_slice %arg4[%dma_start3A_851, %add3A_850, %dma_start3A_858] : memref<4x2048x1024xf32, #tpu.memory_space<hbm>> -> memref<1x8x1024xf32, #tpu.memory_space<hbm>>
    %dma_start3A_860 = tpu.memref_squeeze %dma_start3A_859 : memref<1x8x1024xf32, #tpu.memory_space<hbm>> -> memref<8x1024xf32, #tpu.memory_space<hbm>>
    %dma_start3A_861 = arith.constant 8 : i32
    %dma_start3A_862 = arith.constant 0 : i32
    %dma_start3A_863 = tpu.memref_slice %arg8[%dma_start3A_861, %dma_start3A_862] : memref<16x1024xf32, #tpu.memory_space<vmem>> -> memref<8x1024xf32, #tpu.memory_space<vmem>>
    tpu.enqueue_dma source(%dma_start3A_863 : memref<8x1024xf32, #tpu.memory_space<vmem>>) target(%dma_start3A_860 : memref<8x1024xf32, #tpu.memory_space<hbm>>) target_semaphore(%arg18 : memref<!tpu.dma_semaphore, #tpu.memory_space<semaphore_mem>>)
    %add3A_864 = arith.constant 32 : i32
    %add3A_865 = arith.addi %mul3A_2, %add3A_864 : i32
    %dma_wait3A_866 = arith.constant 3 : i32
    %dma_wait3A_867 = arith.constant 0 : i32
    %dma_wait3A_868 = tpu.memref_slice %arg4[%dma_wait3A_866, %add3A_865, %dma_wait3A_867] : memref<4x2048x1024xf32, #tpu.memory_space<hbm>> -> memref<1x16x1024xf32, #tpu.memory_space<hbm>>
    %dma_wait3A_869 = tpu.memref_squeeze %dma_wait3A_868 : memref<1x16x1024xf32, #tpu.memory_space<hbm>> -> memref<16x1024xf32, #tpu.memory_space<hbm>>
    %dma_wait3A_870 = arith.constant 0 : i32
    %dma_wait3A_871 = tpu.memref_slice %arg4[%dma_wait3A_866, %add3A_865, %dma_wait3A_870] : memref<4x2048x1024xf32, #tpu.memory_space<hbm>> -> memref<1x16x1024xf32, #tpu.memory_space<hbm>>
    %dma_wait3A_872 = tpu.memref_squeeze %dma_wait3A_871 : memref<1x16x1024xf32, #tpu.memory_space<hbm>> -> memref<16x1024xf32, #tpu.memory_space<hbm>>
    tpu.wait_dma2 semaphore(%arg18 : memref<!tpu.dma_semaphore, #tpu.memory_space<semaphore_mem>>) src(%arg8 : memref<16x1024xf32, #tpu.memory_space<vmem>>) dst(%dma_wait3A_872 : memref<16x1024xf32, #tpu.memory_space<hbm>>)
    %add3A_873 = arith.constant 48 : i32
    %add3A_874 = arith.addi %mul3A_2, %add3A_873 : i32
    %dma_start3A_875 = arith.constant 3 : i32
    %dma_start3A_876 = arith.constant 0 : i32
    %dma_start3A_877 = tpu.memref_slice %arg2[%dma_start3A_875, %add3A_874, %dma_start3A_876] : memref<4x2048x1024xf32, #tpu.memory_space<hbm>> -> memref<1x16x1024xf32, #tpu.memory_space<hbm>>
    %dma_start3A_878 = tpu.memref_squeeze %dma_start3A_877 : memref<1x16x1024xf32, #tpu.memory_space<hbm>> -> memref<16x1024xf32, #tpu.memory_space<hbm>>
    %dma_start3A_879 = arith.constant 0 : i32
    %dma_start3A_880 = tpu.memref_slice %arg2[%dma_start3A_875, %add3A_874, %dma_start3A_879] : memref<4x2048x1024xf32, #tpu.memory_space<hbm>> -> memref<1x16x1024xf32, #tpu.memory_space<hbm>>
    %dma_start3A_881 = tpu.memref_squeeze %dma_start3A_880 : memref<1x16x1024xf32, #tpu.memory_space<hbm>> -> memref<16x1024xf32, #tpu.memory_space<hbm>>
    tpu.enqueue_dma source(%dma_start3A_881 : memref<16x1024xf32, #tpu.memory_space<hbm>>) target(%arg8 : memref<16x1024xf32, #tpu.memory_space<vmem>>) target_semaphore(%arg14 : memref<!tpu.dma_semaphore, #tpu.memory_space<semaphore_mem>>)
    %add3A_882 = arith.constant 48 : i32
    %add3A_883 = arith.addi %mul3A_2, %add3A_882 : i32
    %dma_wait3A_884 = arith.constant 0 : i32
    %dma_wait3A_885 = arith.constant 0 : i32
    %dma_wait3A_886 = tpu.memref_slice %arg2[%dma_wait3A_884, %add3A_883, %dma_wait3A_885] : memref<4x2048x1024xf32, #tpu.memory_space<hbm>> -> memref<1x16x1024xf32, #tpu.memory_space<hbm>>
    %dma_wait3A_887 = tpu.memref_squeeze %dma_wait3A_886 : memref<1x16x1024xf32, #tpu.memory_space<hbm>> -> memref<16x1024xf32, #tpu.memory_space<hbm>>
    %dma_wait3A_888 = arith.constant 0 : i32
    %dma_wait3A_889 = tpu.memref_slice %arg2[%dma_wait3A_884, %add3A_883, %dma_wait3A_888] : memref<4x2048x1024xf32, #tpu.memory_space<hbm>> -> memref<1x16x1024xf32, #tpu.memory_space<hbm>>
    %dma_wait3A_890 = tpu.memref_squeeze %dma_wait3A_889 : memref<1x16x1024xf32, #tpu.memory_space<hbm>> -> memref<16x1024xf32, #tpu.memory_space<hbm>>
    tpu.wait_dma2 semaphore(%arg11 : memref<!tpu.dma_semaphore, #tpu.memory_space<semaphore_mem>>) src(%dma_wait3A_890 : memref<16x1024xf32, #tpu.memory_space<hbm>>) dst(%arg5 : memref<16x1024xf32, #tpu.memory_space<vmem>>)
    %add3A_891 = arith.constant 48 : i32
    %add3A_892 = arith.addi %mul3A_2, %add3A_891 : i32
    %dma_wait3A_893 = arith.constant 0 : i32
    %dma_wait3A_894 = tpu.memref_slice %arg3[%add3A_892, %dma_wait3A_893] : memref<4097x1024xf32, #tpu.memory_space<hbm>> -> memref<16x1024xf32, #tpu.memory_space<hbm>>
    %dma_wait3A_895 = arith.constant 0 : i32
    %dma_wait3A_896 = tpu.memref_slice %arg3[%add3A_892, %dma_wait3A_895] : memref<4097x1024xf32, #tpu.memory_space<hbm>> -> memref<16x1024xf32, #tpu.memory_space<hbm>>
    tpu.wait_dma2 semaphore(%arg20 : memref<!tpu.dma_semaphore, #tpu.memory_space<semaphore_mem>>) src(%dma_wait3A_896 : memref<16x1024xf32, #tpu.memory_space<hbm>>) dst(%arg10 : memref<16x1024xf32, #tpu.memory_space<vmem>>)
    %parallel_loop3A_897 = arith.constant 0 : i32
    %parallel_loop3A_898 = arith.constant 8192 : i32
    %parallel_loop3A_899 = arith.constant 16 : i32
    scf.for %parallel_loop3A_1111 = %parallel_loop3A_897 to %parallel_loop3A_898 step %parallel_loop3A_899  : i32 {
      %parallel_loop3A_1112 = arith.constant 1024 : i32
      %parallel_loop3A_1113 = arith.divsi %parallel_loop3A_1111, %parallel_loop3A_1112 : i32
      %parallel_loop3A_1114 = arith.constant 0 : i32
      %parallel_loop3A_1115 = arith.cmpi sgt, %parallel_loop3A_1111, %parallel_loop3A_1114 : i32
      %parallel_loop3A_1116 = arith.extui %parallel_loop3A_1115 : i1 to i32
      %parallel_loop3A_1117 = arith.constant 0 : i32
      %parallel_loop3A_1118 = arith.cmpi slt, %parallel_loop3A_1111, %parallel_loop3A_1117 : i32
      %parallel_loop3A_1119 = arith.extui %parallel_loop3A_1118 : i1 to i32
      %parallel_loop3A_1120 = arith.subi %parallel_loop3A_1116, %parallel_loop3A_1119 : i32
      %parallel_loop3A_1121 = arith.constant 0 : i32
      %parallel_loop3A_1122 = arith.cmpi sgt, %parallel_loop3A_1112, %parallel_loop3A_1121 : i32
      %parallel_loop3A_1123 = arith.extui %parallel_loop3A_1122 : i1 to i32
      %parallel_loop3A_1124 = arith.constant 0 : i32
      %parallel_loop3A_1125 = arith.cmpi slt, %parallel_loop3A_1112, %parallel_loop3A_1124 : i32
      %parallel_loop3A_1126 = arith.extui %parallel_loop3A_1125 : i1 to i32
      %parallel_loop3A_1127 = arith.subi %parallel_loop3A_1123, %parallel_loop3A_1126 : i32
      %parallel_loop3A_1128 = arith.cmpi ne, %parallel_loop3A_1120, %parallel_loop3A_1127 : i32
      %parallel_loop3A_1129 = arith.remsi %parallel_loop3A_1111, %parallel_loop3A_1112 : i32
      %parallel_loop3A_1130 = arith.constant 0 : i32
      %parallel_loop3A_1131 = arith.cmpi ne, %parallel_loop3A_1129, %parallel_loop3A_1130 : i32
      %parallel_loop3A_1132 = arith.andi %parallel_loop3A_1128, %parallel_loop3A_1131 : i1
      %parallel_loop3A_1133 = arith.constant 1 : i32
      %parallel_loop3A_1134 = arith.subi %parallel_loop3A_1113, %parallel_loop3A_1133 : i32
      %parallel_loop3A_1135 = arith.select %parallel_loop3A_1132, %parallel_loop3A_1134, %parallel_loop3A_1113 : i32
      %parallel_loop3A_1136 = arith.constant 1024 : i32
      %parallel_loop3A_1137 = arith.constant 0 : i32
      %parallel_loop3A_1138 = arith.cmpi eq, %parallel_loop3A_1136, %parallel_loop3A_1137 : i32
      %parallel_loop3A_1139 = arith.constant 1 : i32
      %parallel_loop3A_1140 = arith.select %parallel_loop3A_1138, %parallel_loop3A_1139, %parallel_loop3A_1136 : i32
      %parallel_loop3A_1141 = arith.remsi %parallel_loop3A_1111, %parallel_loop3A_1140 : i32
      %parallel_loop3A_1142 = arith.constant 0 : i32
      %parallel_loop3A_1143 = arith.cmpi ne, %parallel_loop3A_1141, %parallel_loop3A_1142 : i32
      %parallel_loop3A_1144 = arith.constant 0 : i32
      %parallel_loop3A_1145 = arith.cmpi slt, %parallel_loop3A_1141, %parallel_loop3A_1144 : i32
      %parallel_loop3A_1146 = arith.constant 0 : i32
      %parallel_loop3A_1147 = arith.cmpi slt, %parallel_loop3A_1140, %parallel_loop3A_1146 : i32
      %parallel_loop3A_1148 = arith.xori %parallel_loop3A_1145, %parallel_loop3A_1147 : i1
      %parallel_loop3A_1149 = arith.andi %parallel_loop3A_1148, %parallel_loop3A_1143 : i1
      %parallel_loop3A_1150 = arith.addi %parallel_loop3A_1141, %parallel_loop3A_1140 : i32
      %parallel_loop3A_1151 = arith.select %parallel_loop3A_1149, %parallel_loop3A_1150, %parallel_loop3A_1141 : i32
      %parallel_loop3A_1152 = arith.index_cast %parallel_loop3A_1135 : i32 to index
      %parallel_loop3A_1153 = arith.index_cast %parallel_loop3A_1151 : i32 to index
      %parallel_loop3A_1154 = tpu.vector_load %arg10[%parallel_loop3A_1152, %parallel_loop3A_1153] {strides = array<i32>} : memref<16x1024xf32, #tpu.memory_space<vmem>>, vector<1x16xf32>,
      %parallel_loop3A_1155 = vector.shape_cast %parallel_loop3A_1154 : vector<1x16xf32> to vector<16xf32>
      %parallel_loop3A_1156 = arith.index_cast %parallel_loop3A_1135 : i32 to index
      %parallel_loop3A_1157 = arith.index_cast %parallel_loop3A_1151 : i32 to index
      %parallel_loop3A_1158 = tpu.vector_load %arg5[%parallel_loop3A_1156, %parallel_loop3A_1157] {strides = array<i32>} : memref<16x1024xf32, #tpu.memory_space<vmem>>, vector<1x16xf32>,
      %parallel_loop3A_1159 = vector.shape_cast %parallel_loop3A_1158 : vector<1x16xf32> to vector<16xf32>
      %parallel_loop3A_1160 = vector.shape_cast %parallel_loop3A_1155 : vector<16xf32> to vector<1x16xf32>
      tpu.vector_store %arg5[%parallel_loop3A_1156, %parallel_loop3A_1157], %parallel_loop3A_1160 {add = true, strides = array<i32>} : memref<16x1024xf32, #tpu.memory_space<vmem>>, vector<1x16xf32>,
    } {sc.loop_unroll_factor = 8 : i64, sc.parallel_access}
    %add3A_900 = arith.constant 48 : i32
    %add3A_901 = arith.addi %mul3A_2, %add3A_900 : i32
    %add3A_902 = arith.constant 0 : i32
    %add3A_903 = arith.addi %add3A_901, %add3A_902 : i32
    %dma_start3A_904 = arith.constant 0 : i32
    %dma_start3A_905 = arith.constant 0 : i32
    %dma_start3A_906 = arith.constant 0 : i32
    %dma_start3A_907 = tpu.memref_slice %arg5[%dma_start3A_905, %dma_start3A_906] : memref<16x1024xf32, #tpu.memory_space<vmem>> -> memref<8x1024xf32, #tpu.memory_space<vmem>>
    %dma_start3A_908 = arith.constant 0 : i32
    %dma_start3A_909 = tpu.memref_slice %arg4[%dma_start3A_904, %add3A_903, %dma_start3A_908] : memref<4x2048x1024xf32, #tpu.memory_space<hbm>> -> memref<1x8x1024xf32, #tpu.memory_space<hbm>>
    %dma_start3A_910 = tpu.memref_squeeze %dma_start3A_909 : memref<1x8x1024xf32, #tpu.memory_space<hbm>> -> memref<8x1024xf32, #tpu.memory_space<hbm>>
    %dma_start3A_911 = arith.constant 0 : i32
    %dma_start3A_912 = tpu.memref_slice %arg4[%dma_start3A_904, %add3A_903, %dma_start3A_911] : memref<4x2048x1024xf32, #tpu.memory_space<hbm>> -> memref<1x8x1024xf32, #tpu.memory_space<hbm>>
    %dma_start3A_913 = tpu.memref_squeeze %dma_start3A_912 : memref<1x8x1024xf32, #tpu.memory_space<hbm>> -> memref<8x1024xf32, #tpu.memory_space<hbm>>
    %dma_start3A_914 = arith.constant 0 : i32
    %dma_start3A_915 = arith.constant 0 : i32
    %dma_start3A_916 = tpu.memref_slice %arg5[%dma_start3A_914, %dma_start3A_915] : memref<16x1024xf32, #tpu.memory_space<vmem>> -> memref<8x1024xf32, #tpu.memory_space<vmem>>
    tpu.enqueue_dma source(%dma_start3A_916 : memref<8x1024xf32, #tpu.memory_space<vmem>>) target(%dma_start3A_913 : memref<8x1024xf32, #tpu.memory_space<hbm>>) target_semaphore(%arg15 : memref<!tpu.dma_semaphore, #tpu.memory_space<semaphore_mem>>)
    %parallel_loop3A_917 = arith.constant 8192 : i32
    %parallel_loop3A_918 = arith.constant 16384 : i32
    %parallel_loop3A_919 = arith.constant 16 : i32
    scf.for %parallel_loop3A_1111 = %parallel_loop3A_917 to %parallel_loop3A_918 step %parallel_loop3A_919  : i32 {
      %parallel_loop3A_1112 = arith.constant 1024 : i32
      %parallel_loop3A_1113 = arith.divsi %parallel_loop3A_1111, %parallel_loop3A_1112 : i32
      %parallel_loop3A_1114 = arith.constant 0 : i32
      %parallel_loop3A_1115 = arith.cmpi sgt, %parallel_loop3A_1111, %parallel_loop3A_1114 : i32
      %parallel_loop3A_1116 = arith.extui %parallel_loop3A_1115 : i1 to i32
      %parallel_loop3A_1117 = arith.constant 0 : i32
      %parallel_loop3A_1118 = arith.cmpi slt, %parallel_loop3A_1111, %parallel_loop3A_1117 : i32
      %parallel_loop3A_1119 = arith.extui %parallel_loop3A_1118 : i1 to i32
      %parallel_loop3A_1120 = arith.subi %parallel_loop3A_1116, %parallel_loop3A_1119 : i32
      %parallel_loop3A_1121 = arith.constant 0 : i32
      %parallel_loop3A_1122 = arith.cmpi sgt, %parallel_loop3A_1112, %parallel_loop3A_1121 : i32
      %parallel_loop3A_1123 = arith.extui %parallel_loop3A_1122 : i1 to i32
      %parallel_loop3A_1124 = arith.constant 0 : i32
      %parallel_loop3A_1125 = arith.cmpi slt, %parallel_loop3A_1112, %parallel_loop3A_1124 : i32
      %parallel_loop3A_1126 = arith.extui %parallel_loop3A_1125 : i1 to i32
      %parallel_loop3A_1127 = arith.subi %parallel_loop3A_1123, %parallel_loop3A_1126 : i32
      %parallel_loop3A_1128 = arith.cmpi ne, %parallel_loop3A_1120, %parallel_loop3A_1127 : i32
      %parallel_loop3A_1129 = arith.remsi %parallel_loop3A_1111, %parallel_loop3A_1112 : i32
      %parallel_loop3A_1130 = arith.constant 0 : i32
      %parallel_loop3A_1131 = arith.cmpi ne, %parallel_loop3A_1129, %parallel_loop3A_1130 : i32
      %parallel_loop3A_1132 = arith.andi %parallel_loop3A_1128, %parallel_loop3A_1131 : i1
      %parallel_loop3A_1133 = arith.constant 1 : i32
      %parallel_loop3A_1134 = arith.subi %parallel_loop3A_1113, %parallel_loop3A_1133 : i32
      %parallel_loop3A_1135 = arith.select %parallel_loop3A_1132, %parallel_loop3A_1134, %parallel_loop3A_1113 : i32
      %parallel_loop3A_1136 = arith.constant 1024 : i32
      %parallel_loop3A_1137 = arith.constant 0 : i32
      %parallel_loop3A_1138 = arith.cmpi eq, %parallel_loop3A_1136, %parallel_loop3A_1137 : i32
      %parallel_loop3A_1139 = arith.constant 1 : i32
      %parallel_loop3A_1140 = arith.select %parallel_loop3A_1138, %parallel_loop3A_1139, %parallel_loop3A_1136 : i32
      %parallel_loop3A_1141 = arith.remsi %parallel_loop3A_1111, %parallel_loop3A_1140 : i32
      %parallel_loop3A_1142 = arith.constant 0 : i32
      %parallel_loop3A_1143 = arith.cmpi ne, %parallel_loop3A_1141, %parallel_loop3A_1142 : i32
      %parallel_loop3A_1144 = arith.constant 0 : i32
      %parallel_loop3A_1145 = arith.cmpi slt, %parallel_loop3A_1141, %parallel_loop3A_1144 : i32
      %parallel_loop3A_1146 = arith.constant 0 : i32
      %parallel_loop3A_1147 = arith.cmpi slt, %parallel_loop3A_1140, %parallel_loop3A_1146 : i32
      %parallel_loop3A_1148 = arith.xori %parallel_loop3A_1145, %parallel_loop3A_1147 : i1
      %parallel_loop3A_1149 = arith.andi %parallel_loop3A_1148, %parallel_loop3A_1143 : i1
      %parallel_loop3A_1150 = arith.addi %parallel_loop3A_1141, %parallel_loop3A_1140 : i32
      %parallel_loop3A_1151 = arith.select %parallel_loop3A_1149, %parallel_loop3A_1150, %parallel_loop3A_1141 : i32
      %parallel_loop3A_1152 = arith.index_cast %parallel_loop3A_1135 : i32 to index
      %parallel_loop3A_1153 = arith.index_cast %parallel_loop3A_1151 : i32 to index
      %parallel_loop3A_1154 = tpu.vector_load %arg10[%parallel_loop3A_1152, %parallel_loop3A_1153] {strides = array<i32>} : memref<16x1024xf32, #tpu.memory_space<vmem>>, vector<1x16xf32>,
      %parallel_loop3A_1155 = vector.shape_cast %parallel_loop3A_1154 : vector<1x16xf32> to vector<16xf32>
      %parallel_loop3A_1156 = arith.index_cast %parallel_loop3A_1135 : i32 to index
      %parallel_loop3A_1157 = arith.index_cast %parallel_loop3A_1151 : i32 to index
      %parallel_loop3A_1158 = tpu.vector_load %arg5[%parallel_loop3A_1156, %parallel_loop3A_1157] {strides = array<i32>} : memref<16x1024xf32, #tpu.memory_space<vmem>>, vector<1x16xf32>,
      %parallel_loop3A_1159 = vector.shape_cast %parallel_loop3A_1158 : vector<1x16xf32> to vector<16xf32>
      %parallel_loop3A_1160 = vector.shape_cast %parallel_loop3A_1155 : vector<16xf32> to vector<1x16xf32>
      tpu.vector_store %arg5[%parallel_loop3A_1156, %parallel_loop3A_1157], %parallel_loop3A_1160 {add = true, strides = array<i32>} : memref<16x1024xf32, #tpu.memory_space<vmem>>, vector<1x16xf32>,
    } {sc.loop_unroll_factor = 8 : i64, sc.parallel_access}
    %add3A_920 = arith.constant 48 : i32
    %add3A_921 = arith.addi %mul3A_2, %add3A_920 : i32
    %add3A_922 = arith.constant 8 : i32
    %add3A_923 = arith.addi %add3A_921, %add3A_922 : i32
    %dma_start3A_924 = arith.constant 0 : i32
    %dma_start3A_925 = arith.constant 8 : i32
    %dma_start3A_926 = arith.constant 0 : i32
    %dma_start3A_927 = tpu.memref_slice %arg5[%dma_start3A_925, %dma_start3A_926] : memref<16x1024xf32, #tpu.memory_space<vmem>> -> memref<8x1024xf32, #tpu.memory_space<vmem>>
    %dma_start3A_928 = arith.constant 0 : i32
    %dma_start3A_929 = tpu.memref_slice %arg4[%dma_start3A_924, %add3A_923, %dma_start3A_928] : memref<4x2048x1024xf32, #tpu.memory_space<hbm>> -> memref<1x8x1024xf32, #tpu.memory_space<hbm>>
    %dma_start3A_930 = tpu.memref_squeeze %dma_start3A_929 : memref<1x8x1024xf32, #tpu.memory_space<hbm>> -> memref<8x1024xf32, #tpu.memory_space<hbm>>
    %dma_start3A_931 = arith.constant 0 : i32
    %dma_start3A_932 = tpu.memref_slice %arg4[%dma_start3A_924, %add3A_923, %dma_start3A_931] : memref<4x2048x1024xf32, #tpu.memory_space<hbm>> -> memref<1x8x1024xf32, #tpu.memory_space<hbm>>
    %dma_start3A_933 = tpu.memref_squeeze %dma_start3A_932 : memref<1x8x1024xf32, #tpu.memory_space<hbm>> -> memref<8x1024xf32, #tpu.memory_space<hbm>>
    %dma_start3A_934 = arith.constant 8 : i32
    %dma_start3A_935 = arith.constant 0 : i32
    %dma_start3A_936 = tpu.memref_slice %arg5[%dma_start3A_934, %dma_start3A_935] : memref<16x1024xf32, #tpu.memory_space<vmem>> -> memref<8x1024xf32, #tpu.memory_space<vmem>>
    tpu.enqueue_dma source(%dma_start3A_936 : memref<8x1024xf32, #tpu.memory_space<vmem>>) target(%dma_start3A_933 : memref<8x1024xf32, #tpu.memory_space<hbm>>) target_semaphore(%arg15 : memref<!tpu.dma_semaphore, #tpu.memory_space<semaphore_mem>>)
    %add3A_937 = arith.constant 48 : i32
    %add3A_938 = arith.addi %mul3A_2, %add3A_937 : i32
    %dma_wait3A_939 = arith.constant 1 : i32
    %dma_wait3A_940 = arith.constant 0 : i32
    %dma_wait3A_941 = tpu.memref_slice %arg2[%dma_wait3A_939, %add3A_938, %dma_wait3A_940] : memref<4x2048x1024xf32, #tpu.memory_space<hbm>> -> memref<1x16x1024xf32, #tpu.memory_space<hbm>>
    %dma_wait3A_942 = tpu.memref_squeeze %dma_wait3A_941 : memref<1x16x1024xf32, #tpu.memory_space<hbm>> -> memref<16x1024xf32, #tpu.memory_space<hbm>>
    %dma_wait3A_943 = arith.constant 0 : i32
    %dma_wait3A_944 = tpu.memref_slice %arg2[%dma_wait3A_939, %add3A_938, %dma_wait3A_943] : memref<4x2048x1024xf32, #tpu.memory_space<hbm>> -> memref<1x16x1024xf32, #tpu.memory_space<hbm>>
    %dma_wait3A_945 = tpu.memref_squeeze %dma_wait3A_944 : memref<1x16x1024xf32, #tpu.memory_space<hbm>> -> memref<16x1024xf32, #tpu.memory_space<hbm>>
    tpu.wait_dma2 semaphore(%arg12 : memref<!tpu.dma_semaphore, #tpu.memory_space<semaphore_mem>>) src(%dma_wait3A_945 : memref<16x1024xf32, #tpu.memory_space<hbm>>) dst(%arg6 : memref<16x1024xf32, #tpu.memory_space<vmem>>)
    %parallel_loop3A_946 = arith.constant 0 : i32
    %parallel_loop3A_947 = arith.constant 8192 : i32
    %parallel_loop3A_948 = arith.constant 16 : i32
    scf.for %parallel_loop3A_1111 = %parallel_loop3A_946 to %parallel_loop3A_947 step %parallel_loop3A_948  : i32 {
      %parallel_loop3A_1112 = arith.constant 1024 : i32
      %parallel_loop3A_1113 = arith.divsi %parallel_loop3A_1111, %parallel_loop3A_1112 : i32
      %parallel_loop3A_1114 = arith.constant 0 : i32
      %parallel_loop3A_1115 = arith.cmpi sgt, %parallel_loop3A_1111, %parallel_loop3A_1114 : i32
      %parallel_loop3A_1116 = arith.extui %parallel_loop3A_1115 : i1 to i32
      %parallel_loop3A_1117 = arith.constant 0 : i32
      %parallel_loop3A_1118 = arith.cmpi slt, %parallel_loop3A_1111, %parallel_loop3A_1117 : i32
      %parallel_loop3A_1119 = arith.extui %parallel_loop3A_1118 : i1 to i32
      %parallel_loop3A_1120 = arith.subi %parallel_loop3A_1116, %parallel_loop3A_1119 : i32
      %parallel_loop3A_1121 = arith.constant 0 : i32
      %parallel_loop3A_1122 = arith.cmpi sgt, %parallel_loop3A_1112, %parallel_loop3A_1121 : i32
      %parallel_loop3A_1123 = arith.extui %parallel_loop3A_1122 : i1 to i32
      %parallel_loop3A_1124 = arith.constant 0 : i32
      %parallel_loop3A_1125 = arith.cmpi slt, %parallel_loop3A_1112, %parallel_loop3A_1124 : i32
      %parallel_loop3A_1126 = arith.extui %parallel_loop3A_1125 : i1 to i32
      %parallel_loop3A_1127 = arith.subi %parallel_loop3A_1123, %parallel_loop3A_1126 : i32
      %parallel_loop3A_1128 = arith.cmpi ne, %parallel_loop3A_1120, %parallel_loop3A_1127 : i32
      %parallel_loop3A_1129 = arith.remsi %parallel_loop3A_1111, %parallel_loop3A_1112 : i32
      %parallel_loop3A_1130 = arith.constant 0 : i32
      %parallel_loop3A_1131 = arith.cmpi ne, %parallel_loop3A_1129, %parallel_loop3A_1130 : i32
      %parallel_loop3A_1132 = arith.andi %parallel_loop3A_1128, %parallel_loop3A_1131 : i1
      %parallel_loop3A_1133 = arith.constant 1 : i32
      %parallel_loop3A_1134 = arith.subi %parallel_loop3A_1113, %parallel_loop3A_1133 : i32
      %parallel_loop3A_1135 = arith.select %parallel_loop3A_1132, %parallel_loop3A_1134, %parallel_loop3A_1113 : i32
      %parallel_loop3A_1136 = arith.constant 1024 : i32
      %parallel_loop3A_1137 = arith.constant 0 : i32
      %parallel_loop3A_1138 = arith.cmpi eq, %parallel_loop3A_1136, %parallel_loop3A_1137 : i32
      %parallel_loop3A_1139 = arith.constant 1 : i32
      %parallel_loop3A_1140 = arith.select %parallel_loop3A_1138, %parallel_loop3A_1139, %parallel_loop3A_1136 : i32
      %parallel_loop3A_1141 = arith.remsi %parallel_loop3A_1111, %parallel_loop3A_1140 : i32
      %parallel_loop3A_1142 = arith.constant 0 : i32
      %parallel_loop3A_1143 = arith.cmpi ne, %parallel_loop3A_1141, %parallel_loop3A_1142 : i32
      %parallel_loop3A_1144 = arith.constant 0 : i32
      %parallel_loop3A_1145 = arith.cmpi slt, %parallel_loop3A_1141, %parallel_loop3A_1144 : i32
      %parallel_loop3A_1146 = arith.constant 0 : i32
      %parallel_loop3A_1147 = arith.cmpi slt, %parallel_loop3A_1140, %parallel_loop3A_1146 : i32
      %parallel_loop3A_1148 = arith.xori %parallel_loop3A_1145, %parallel_loop3A_1147 : i1
      %parallel_loop3A_1149 = arith.andi %parallel_loop3A_1148, %parallel_loop3A_1143 : i1
      %parallel_loop3A_1150 = arith.addi %parallel_loop3A_1141, %parallel_loop3A_1140 : i32
      %parallel_loop3A_1151 = arith.select %parallel_loop3A_1149, %parallel_loop3A_1150, %parallel_loop3A_1141 : i32
      %parallel_loop3A_1152 = arith.index_cast %parallel_loop3A_1135 : i32 to index
      %parallel_loop3A_1153 = arith.index_cast %parallel_loop3A_1151 : i32 to index
      %parallel_loop3A_1154 = tpu.vector_load %arg10[%parallel_loop3A_1152, %parallel_loop3A_1153] {strides = array<i32>} : memref<16x1024xf32, #tpu.memory_space<vmem>>, vector<1x16xf32>,
      %parallel_loop3A_1155 = vector.shape_cast %parallel_loop3A_1154 : vector<1x16xf32> to vector<16xf32>
      %parallel_loop3A_1156 = arith.index_cast %parallel_loop3A_1135 : i32 to index
      %parallel_loop3A_1157 = arith.index_cast %parallel_loop3A_1151 : i32 to index
      %parallel_loop3A_1158 = tpu.vector_load %arg6[%parallel_loop3A_1156, %parallel_loop3A_1157] {strides = array<i32>} : memref<16x1024xf32, #tpu.memory_space<vmem>>, vector<1x16xf32>,
      %parallel_loop3A_1159 = vector.shape_cast %parallel_loop3A_1158 : vector<1x16xf32> to vector<16xf32>
      %parallel_loop3A_1160 = vector.shape_cast %parallel_loop3A_1155 : vector<16xf32> to vector<1x16xf32>
      tpu.vector_store %arg6[%parallel_loop3A_1156, %parallel_loop3A_1157], %parallel_loop3A_1160 {add = true, strides = array<i32>} : memref<16x1024xf32, #tpu.memory_space<vmem>>, vector<1x16xf32>,
    } {sc.loop_unroll_factor = 8 : i64, sc.parallel_access}
    %add3A_949 = arith.constant 48 : i32
    %add3A_950 = arith.addi %mul3A_2, %add3A_949 : i32
    %add3A_951 = arith.constant 0 : i32
    %add3A_952 = arith.addi %add3A_950, %add3A_951 : i32
    %dma_start3A_953 = arith.constant 1 : i32
    %dma_start3A_954 = arith.constant 0 : i32
    %dma_start3A_955 = arith.constant 0 : i32
    %dma_start3A_956 = tpu.memref_slice %arg6[%dma_start3A_954, %dma_start3A_955] : memref<16x1024xf32, #tpu.memory_space<vmem>> -> memref<8x1024xf32, #tpu.memory_space<vmem>>
    %dma_start3A_957 = arith.constant 0 : i32
    %dma_start3A_958 = tpu.memref_slice %arg4[%dma_start3A_953, %add3A_952, %dma_start3A_957] : memref<4x2048x1024xf32, #tpu.memory_space<hbm>> -> memref<1x8x1024xf32, #tpu.memory_space<hbm>>
    %dma_start3A_959 = tpu.memref_squeeze %dma_start3A_958 : memref<1x8x1024xf32, #tpu.memory_space<hbm>> -> memref<8x1024xf32, #tpu.memory_space<hbm>>
    %dma_start3A_960 = arith.constant 0 : i32
    %dma_start3A_961 = tpu.memref_slice %arg4[%dma_start3A_953, %add3A_952, %dma_start3A_960] : memref<4x2048x1024xf32, #tpu.memory_space<hbm>> -> memref<1x8x1024xf32, #tpu.memory_space<hbm>>
    %dma_start3A_962 = tpu.memref_squeeze %dma_start3A_961 : memref<1x8x1024xf32, #tpu.memory_space<hbm>> -> memref<8x1024xf32, #tpu.memory_space<hbm>>
    %dma_start3A_963 = arith.constant 0 : i32
    %dma_start3A_964 = arith.constant 0 : i32
    %dma_start3A_965 = tpu.memref_slice %arg6[%dma_start3A_963, %dma_start3A_964] : memref<16x1024xf32, #tpu.memory_space<vmem>> -> memref<8x1024xf32, #tpu.memory_space<vmem>>
    tpu.enqueue_dma source(%dma_start3A_965 : memref<8x1024xf32, #tpu.memory_space<vmem>>) target(%dma_start3A_962 : memref<8x1024xf32, #tpu.memory_space<hbm>>) target_semaphore(%arg16 : memref<!tpu.dma_semaphore, #tpu.memory_space<semaphore_mem>>)
    %parallel_loop3A_966 = arith.constant 8192 : i32
    %parallel_loop3A_967 = arith.constant 16384 : i32
    %parallel_loop3A_968 = arith.constant 16 : i32
    scf.for %parallel_loop3A_1111 = %parallel_loop3A_966 to %parallel_loop3A_967 step %parallel_loop3A_968  : i32 {
      %parallel_loop3A_1112 = arith.constant 1024 : i32
      %parallel_loop3A_1113 = arith.divsi %parallel_loop3A_1111, %parallel_loop3A_1112 : i32
      %parallel_loop3A_1114 = arith.constant 0 : i32
      %parallel_loop3A_1115 = arith.cmpi sgt, %parallel_loop3A_1111, %parallel_loop3A_1114 : i32
      %parallel_loop3A_1116 = arith.extui %parallel_loop3A_1115 : i1 to i32
      %parallel_loop3A_1117 = arith.constant 0 : i32
      %parallel_loop3A_1118 = arith.cmpi slt, %parallel_loop3A_1111, %parallel_loop3A_1117 : i32
      %parallel_loop3A_1119 = arith.extui %parallel_loop3A_1118 : i1 to i32
      %parallel_loop3A_1120 = arith.subi %parallel_loop3A_1116, %parallel_loop3A_1119 : i32
      %parallel_loop3A_1121 = arith.constant 0 : i32
      %parallel_loop3A_1122 = arith.cmpi sgt, %parallel_loop3A_1112, %parallel_loop3A_1121 : i32
      %parallel_loop3A_1123 = arith.extui %parallel_loop3A_1122 : i1 to i32
      %parallel_loop3A_1124 = arith.constant 0 : i32
      %parallel_loop3A_1125 = arith.cmpi slt, %parallel_loop3A_1112, %parallel_loop3A_1124 : i32
      %parallel_loop3A_1126 = arith.extui %parallel_loop3A_1125 : i1 to i32
      %parallel_loop3A_1127 = arith.subi %parallel_loop3A_1123, %parallel_loop3A_1126 : i32
      %parallel_loop3A_1128 = arith.cmpi ne, %parallel_loop3A_1120, %parallel_loop3A_1127 : i32
      %parallel_loop3A_1129 = arith.remsi %parallel_loop3A_1111, %parallel_loop3A_1112 : i32
      %parallel_loop3A_1130 = arith.constant 0 : i32
      %parallel_loop3A_1131 = arith.cmpi ne, %parallel_loop3A_1129, %parallel_loop3A_1130 : i32
      %parallel_loop3A_1132 = arith.andi %parallel_loop3A_1128, %parallel_loop3A_1131 : i1
      %parallel_loop3A_1133 = arith.constant 1 : i32
      %parallel_loop3A_1134 = arith.subi %parallel_loop3A_1113, %parallel_loop3A_1133 : i32
      %parallel_loop3A_1135 = arith.select %parallel_loop3A_1132, %parallel_loop3A_1134, %parallel_loop3A_1113 : i32
      %parallel_loop3A_1136 = arith.constant 1024 : i32
      %parallel_loop3A_1137 = arith.constant 0 : i32
      %parallel_loop3A_1138 = arith.cmpi eq, %parallel_loop3A_1136, %parallel_loop3A_1137 : i32
      %parallel_loop3A_1139 = arith.constant 1 : i32
      %parallel_loop3A_1140 = arith.select %parallel_loop3A_1138, %parallel_loop3A_1139, %parallel_loop3A_1136 : i32
      %parallel_loop3A_1141 = arith.remsi %parallel_loop3A_1111, %parallel_loop3A_1140 : i32
      %parallel_loop3A_1142 = arith.constant 0 : i32
      %parallel_loop3A_1143 = arith.cmpi ne, %parallel_loop3A_1141, %parallel_loop3A_1142 : i32
      %parallel_loop3A_1144 = arith.constant 0 : i32
      %parallel_loop3A_1145 = arith.cmpi slt, %parallel_loop3A_1141, %parallel_loop3A_1144 : i32
      %parallel_loop3A_1146 = arith.constant 0 : i32
      %parallel_loop3A_1147 = arith.cmpi slt, %parallel_loop3A_1140, %parallel_loop3A_1146 : i32
      %parallel_loop3A_1148 = arith.xori %parallel_loop3A_1145, %parallel_loop3A_1147 : i1
      %parallel_loop3A_1149 = arith.andi %parallel_loop3A_1148, %parallel_loop3A_1143 : i1
      %parallel_loop3A_1150 = arith.addi %parallel_loop3A_1141, %parallel_loop3A_1140 : i32
      %parallel_loop3A_1151 = arith.select %parallel_loop3A_1149, %parallel_loop3A_1150, %parallel_loop3A_1141 : i32
      %parallel_loop3A_1152 = arith.index_cast %parallel_loop3A_1135 : i32 to index
      %parallel_loop3A_1153 = arith.index_cast %parallel_loop3A_1151 : i32 to index
      %parallel_loop3A_1154 = tpu.vector_load %arg10[%parallel_loop3A_1152, %parallel_loop3A_1153] {strides = array<i32>} : memref<16x1024xf32, #tpu.memory_space<vmem>>, vector<1x16xf32>,
      %parallel_loop3A_1155 = vector.shape_cast %parallel_loop3A_1154 : vector<1x16xf32> to vector<16xf32>
      %parallel_loop3A_1156 = arith.index_cast %parallel_loop3A_1135 : i32 to index
      %parallel_loop3A_1157 = arith.index_cast %parallel_loop3A_1151 : i32 to index
      %parallel_loop3A_1158 = tpu.vector_load %arg6[%parallel_loop3A_1156, %parallel_loop3A_1157] {strides = array<i32>} : memref<16x1024xf32, #tpu.memory_space<vmem>>, vector<1x16xf32>,
      %parallel_loop3A_1159 = vector.shape_cast %parallel_loop3A_1158 : vector<1x16xf32> to vector<16xf32>
      %parallel_loop3A_1160 = vector.shape_cast %parallel_loop3A_1155 : vector<16xf32> to vector<1x16xf32>
      tpu.vector_store %arg6[%parallel_loop3A_1156, %parallel_loop3A_1157], %parallel_loop3A_1160 {add = true, strides = array<i32>} : memref<16x1024xf32, #tpu.memory_space<vmem>>, vector<1x16xf32>,
    } {sc.loop_unroll_factor = 8 : i64, sc.parallel_access}
    %add3A_969 = arith.constant 48 : i32
    %add3A_970 = arith.addi %mul3A_2, %add3A_969 : i32
    %add3A_971 = arith.constant 8 : i32
    %add3A_972 = arith.addi %add3A_970, %add3A_971 : i32
    %dma_start3A_973 = arith.constant 1 : i32
    %dma_start3A_974 = arith.constant 8 : i32
    %dma_start3A_975 = arith.constant 0 : i32
    %dma_start3A_976 = tpu.memref_slice %arg6[%dma_start3A_974, %dma_start3A_975] : memref<16x1024xf32, #tpu.memory_space<vmem>> -> memref<8x1024xf32, #tpu.memory_space<vmem>>
    %dma_start3A_977 = arith.constant 0 : i32
    %dma_start3A_978 = tpu.memref_slice %arg4[%dma_start3A_973, %add3A_972, %dma_start3A_977] : memref<4x2048x1024xf32, #tpu.memory_space<hbm>> -> memref<1x8x1024xf32, #tpu.memory_space<hbm>>
    %dma_start3A_979 = tpu.memref_squeeze %dma_start3A_978 : memref<1x8x1024xf32, #tpu.memory_space<hbm>> -> memref<8x1024xf32, #tpu.memory_space<hbm>>
    %dma_start3A_980 = arith.constant 0 : i32
    %dma_start3A_981 = tpu.memref_slice %arg4[%dma_start3A_973, %add3A_972, %dma_start3A_980] : memref<4x2048x1024xf32, #tpu.memory_space<hbm>> -> memref<1x8x1024xf32, #tpu.memory_space<hbm>>
    %dma_start3A_982 = tpu.memref_squeeze %dma_start3A_981 : memref<1x8x1024xf32, #tpu.memory_space<hbm>> -> memref<8x1024xf32, #tpu.memory_space<hbm>>
    %dma_start3A_983 = arith.constant 8 : i32
    %dma_start3A_984 = arith.constant 0 : i32
    %dma_start3A_985 = tpu.memref_slice %arg6[%dma_start3A_983, %dma_start3A_984] : memref<16x1024xf32, #tpu.memory_space<vmem>> -> memref<8x1024xf32, #tpu.memory_space<vmem>>
    tpu.enqueue_dma source(%dma_start3A_985 : memref<8x1024xf32, #tpu.memory_space<vmem>>) target(%dma_start3A_982 : memref<8x1024xf32, #tpu.memory_space<hbm>>) target_semaphore(%arg16 : memref<!tpu.dma_semaphore, #tpu.memory_space<semaphore_mem>>)
    %add3A_986 = arith.constant 48 : i32
    %add3A_987 = arith.addi %mul3A_2, %add3A_986 : i32
    %dma_wait3A_988 = arith.constant 2 : i32
    %dma_wait3A_989 = arith.constant 0 : i32
    %dma_wait3A_990 = tpu.memref_slice %arg2[%dma_wait3A_988, %add3A_987, %dma_wait3A_989] : memref<4x2048x1024xf32, #tpu.memory_space<hbm>> -> memref<1x16x1024xf32, #tpu.memory_space<hbm>>
    %dma_wait3A_991 = tpu.memref_squeeze %dma_wait3A_990 : memref<1x16x1024xf32, #tpu.memory_space<hbm>> -> memref<16x1024xf32, #tpu.memory_space<hbm>>
    %dma_wait3A_992 = arith.constant 0 : i32
    %dma_wait3A_993 = tpu.memref_slice %arg2[%dma_wait3A_988, %add3A_987, %dma_wait3A_992] : memref<4x2048x1024xf32, #tpu.memory_space<hbm>> -> memref<1x16x1024xf32, #tpu.memory_space<hbm>>
    %dma_wait3A_994 = tpu.memref_squeeze %dma_wait3A_993 : memref<1x16x1024xf32, #tpu.memory_space<hbm>> -> memref<16x1024xf32, #tpu.memory_space<hbm>>
    tpu.wait_dma2 semaphore(%arg13 : memref<!tpu.dma_semaphore, #tpu.memory_space<semaphore_mem>>) src(%dma_wait3A_994 : memref<16x1024xf32, #tpu.memory_space<hbm>>) dst(%arg7 : memref<16x1024xf32, #tpu.memory_space<vmem>>)
    %parallel_loop3A_995 = arith.constant 0 : i32
    %parallel_loop3A_996 = arith.constant 8192 : i32
    %parallel_loop3A_997 = arith.constant 16 : i32
    scf.for %parallel_loop3A_1111 = %parallel_loop3A_995 to %parallel_loop3A_996 step %parallel_loop3A_997  : i32 {
      %parallel_loop3A_1112 = arith.constant 1024 : i32
      %parallel_loop3A_1113 = arith.divsi %parallel_loop3A_1111, %parallel_loop3A_1112 : i32
      %parallel_loop3A_1114 = arith.constant 0 : i32
      %parallel_loop3A_1115 = arith.cmpi sgt, %parallel_loop3A_1111, %parallel_loop3A_1114 : i32
      %parallel_loop3A_1116 = arith.extui %parallel_loop3A_1115 : i1 to i32
      %parallel_loop3A_1117 = arith.constant 0 : i32
      %parallel_loop3A_1118 = arith.cmpi slt, %parallel_loop3A_1111, %parallel_loop3A_1117 : i32
      %parallel_loop3A_1119 = arith.extui %parallel_loop3A_1118 : i1 to i32
      %parallel_loop3A_1120 = arith.subi %parallel_loop3A_1116, %parallel_loop3A_1119 : i32
      %parallel_loop3A_1121 = arith.constant 0 : i32
      %parallel_loop3A_1122 = arith.cmpi sgt, %parallel_loop3A_1112, %parallel_loop3A_1121 : i32
      %parallel_loop3A_1123 = arith.extui %parallel_loop3A_1122 : i1 to i32
      %parallel_loop3A_1124 = arith.constant 0 : i32
      %parallel_loop3A_1125 = arith.cmpi slt, %parallel_loop3A_1112, %parallel_loop3A_1124 : i32
      %parallel_loop3A_1126 = arith.extui %parallel_loop3A_1125 : i1 to i32
      %parallel_loop3A_1127 = arith.subi %parallel_loop3A_1123, %parallel_loop3A_1126 : i32
      %parallel_loop3A_1128 = arith.cmpi ne, %parallel_loop3A_1120, %parallel_loop3A_1127 : i32
      %parallel_loop3A_1129 = arith.remsi %parallel_loop3A_1111, %parallel_loop3A_1112 : i32
      %parallel_loop3A_1130 = arith.constant 0 : i32
      %parallel_loop3A_1131 = arith.cmpi ne, %parallel_loop3A_1129, %parallel_loop3A_1130 : i32
      %parallel_loop3A_1132 = arith.andi %parallel_loop3A_1128, %parallel_loop3A_1131 : i1
      %parallel_loop3A_1133 = arith.constant 1 : i32
      %parallel_loop3A_1134 = arith.subi %parallel_loop3A_1113, %parallel_loop3A_1133 : i32
      %parallel_loop3A_1135 = arith.select %parallel_loop3A_1132, %parallel_loop3A_1134, %parallel_loop3A_1113 : i32
      %parallel_loop3A_1136 = arith.constant 1024 : i32
      %parallel_loop3A_1137 = arith.constant 0 : i32
      %parallel_loop3A_1138 = arith.cmpi eq, %parallel_loop3A_1136, %parallel_loop3A_1137 : i32
      %parallel_loop3A_1139 = arith.constant 1 : i32
      %parallel_loop3A_1140 = arith.select %parallel_loop3A_1138, %parallel_loop3A_1139, %parallel_loop3A_1136 : i32
      %parallel_loop3A_1141 = arith.remsi %parallel_loop3A_1111, %parallel_loop3A_1140 : i32
      %parallel_loop3A_1142 = arith.constant 0 : i32
      %parallel_loop3A_1143 = arith.cmpi ne, %parallel_loop3A_1141, %parallel_loop3A_1142 : i32
      %parallel_loop3A_1144 = arith.constant 0 : i32
      %parallel_loop3A_1145 = arith.cmpi slt, %parallel_loop3A_1141, %parallel_loop3A_1144 : i32
      %parallel_loop3A_1146 = arith.constant 0 : i32
      %parallel_loop3A_1147 = arith.cmpi slt, %parallel_loop3A_1140, %parallel_loop3A_1146 : i32
      %parallel_loop3A_1148 = arith.xori %parallel_loop3A_1145, %parallel_loop3A_1147 : i1
      %parallel_loop3A_1149 = arith.andi %parallel_loop3A_1148, %parallel_loop3A_1143 : i1
      %parallel_loop3A_1150 = arith.addi %parallel_loop3A_1141, %parallel_loop3A_1140 : i32
      %parallel_loop3A_1151 = arith.select %parallel_loop3A_1149, %parallel_loop3A_1150, %parallel_loop3A_1141 : i32
      %parallel_loop3A_1152 = arith.index_cast %parallel_loop3A_1135 : i32 to index
      %parallel_loop3A_1153 = arith.index_cast %parallel_loop3A_1151 : i32 to index
      %parallel_loop3A_1154 = tpu.vector_load %arg10[%parallel_loop3A_1152, %parallel_loop3A_1153] {strides = array<i32>} : memref<16x1024xf32, #tpu.memory_space<vmem>>, vector<1x16xf32>,
      %parallel_loop3A_1155 = vector.shape_cast %parallel_loop3A_1154 : vector<1x16xf32> to vector<16xf32>
      %parallel_loop3A_1156 = arith.index_cast %parallel_loop3A_1135 : i32 to index
      %parallel_loop3A_1157 = arith.index_cast %parallel_loop3A_1151 : i32 to index
      %parallel_loop3A_1158 = tpu.vector_load %arg7[%parallel_loop3A_1156, %parallel_loop3A_1157] {strides = array<i32>} : memref<16x1024xf32, #tpu.memory_space<vmem>>, vector<1x16xf32>,
      %parallel_loop3A_1159 = vector.shape_cast %parallel_loop3A_1158 : vector<1x16xf32> to vector<16xf32>
      %parallel_loop3A_1160 = vector.shape_cast %parallel_loop3A_1155 : vector<16xf32> to vector<1x16xf32>
      tpu.vector_store %arg7[%parallel_loop3A_1156, %parallel_loop3A_1157], %parallel_loop3A_1160 {add = true, strides = array<i32>} : memref<16x1024xf32, #tpu.memory_space<vmem>>, vector<1x16xf32>,
    } {sc.loop_unroll_factor = 8 : i64, sc.parallel_access}
    %add3A_998 = arith.constant 48 : i32
    %add3A_999 = arith.addi %mul3A_2, %add3A_998 : i32
    %add3A_1000 = arith.constant 0 : i32
    %add3A_1001 = arith.addi %add3A_999, %add3A_1000 : i32
    %dma_start3A_1002 = arith.constant 2 : i32
    %dma_start3A_1003 = arith.constant 0 : i32
    %dma_start3A_1004 = arith.constant 0 : i32
    %dma_start3A_1005 = tpu.memref_slice %arg7[%dma_start3A_1003, %dma_start3A_1004] : memref<16x1024xf32, #tpu.memory_space<vmem>> -> memref<8x1024xf32, #tpu.memory_space<vmem>>
    %dma_start3A_1006 = arith.constant 0 : i32
    %dma_start3A_1007 = tpu.memref_slice %arg4[%dma_start3A_1002, %add3A_1001, %dma_start3A_1006] : memref<4x2048x1024xf32, #tpu.memory_space<hbm>> -> memref<1x8x1024xf32, #tpu.memory_space<hbm>>
    %dma_start3A_1008 = tpu.memref_squeeze %dma_start3A_1007 : memref<1x8x1024xf32, #tpu.memory_space<hbm>> -> memref<8x1024xf32, #tpu.memory_space<hbm>>
    %dma_start3A_1009 = arith.constant 0 : i32
    %dma_start3A_1010 = tpu.memref_slice %arg4[%dma_start3A_1002, %add3A_1001, %dma_start3A_1009] : memref<4x2048x1024xf32, #tpu.memory_space<hbm>> -> memref<1x8x1024xf32, #tpu.memory_space<hbm>>
    %dma_start3A_1011 = tpu.memref_squeeze %dma_start3A_1010 : memref<1x8x1024xf32, #tpu.memory_space<hbm>> -> memref<8x1024xf32, #tpu.memory_space<hbm>>
    %dma_start3A_1012 = arith.constant 0 : i32
    %dma_start3A_1013 = arith.constant 0 : i32
    %dma_start3A_1014 = tpu.memref_slice %arg7[%dma_start3A_1012, %dma_start3A_1013] : memref<16x1024xf32, #tpu.memory_space<vmem>> -> memref<8x1024xf32, #tpu.memory_space<vmem>>
    tpu.enqueue_dma source(%dma_start3A_1014 : memref<8x1024xf32, #tpu.memory_space<vmem>>) target(%dma_start3A_1011 : memref<8x1024xf32, #tpu.memory_space<hbm>>) target_semaphore(%arg17 : memref<!tpu.dma_semaphore, #tpu.memory_space<semaphore_mem>>)
    %parallel_loop3A_1015 = arith.constant 8192 : i32
    %parallel_loop3A_1016 = arith.constant 16384 : i32
    %parallel_loop3A_1017 = arith.constant 16 : i32
    scf.for %parallel_loop3A_1111 = %parallel_loop3A_1015 to %parallel_loop3A_1016 step %parallel_loop3A_1017  : i32 {
      %parallel_loop3A_1112 = arith.constant 1024 : i32
      %parallel_loop3A_1113 = arith.divsi %parallel_loop3A_1111, %parallel_loop3A_1112 : i32
      %parallel_loop3A_1114 = arith.constant 0 : i32
      %parallel_loop3A_1115 = arith.cmpi sgt, %parallel_loop3A_1111, %parallel_loop3A_1114 : i32
      %parallel_loop3A_1116 = arith.extui %parallel_loop3A_1115 : i1 to i32
      %parallel_loop3A_1117 = arith.constant 0 : i32
      %parallel_loop3A_1118 = arith.cmpi slt, %parallel_loop3A_1111, %parallel_loop3A_1117 : i32
      %parallel_loop3A_1119 = arith.extui %parallel_loop3A_1118 : i1 to i32
      %parallel_loop3A_1120 = arith.subi %parallel_loop3A_1116, %parallel_loop3A_1119 : i32
      %parallel_loop3A_1121 = arith.constant 0 : i32
      %parallel_loop3A_1122 = arith.cmpi sgt, %parallel_loop3A_1112, %parallel_loop3A_1121 : i32
      %parallel_loop3A_1123 = arith.extui %parallel_loop3A_1122 : i1 to i32
      %parallel_loop3A_1124 = arith.constant 0 : i32
      %parallel_loop3A_1125 = arith.cmpi slt, %parallel_loop3A_1112, %parallel_loop3A_1124 : i32
      %parallel_loop3A_1126 = arith.extui %parallel_loop3A_1125 : i1 to i32
      %parallel_loop3A_1127 = arith.subi %parallel_loop3A_1123, %parallel_loop3A_1126 : i32
      %parallel_loop3A_1128 = arith.cmpi ne, %parallel_loop3A_1120, %parallel_loop3A_1127 : i32
      %parallel_loop3A_1129 = arith.remsi %parallel_loop3A_1111, %parallel_loop3A_1112 : i32
      %parallel_loop3A_1130 = arith.constant 0 : i32
      %parallel_loop3A_1131 = arith.cmpi ne, %parallel_loop3A_1129, %parallel_loop3A_1130 : i32
      %parallel_loop3A_1132 = arith.andi %parallel_loop3A_1128, %parallel_loop3A_1131 : i1
      %parallel_loop3A_1133 = arith.constant 1 : i32
      %parallel_loop3A_1134 = arith.subi %parallel_loop3A_1113, %parallel_loop3A_1133 : i32
      %parallel_loop3A_1135 = arith.select %parallel_loop3A_1132, %parallel_loop3A_1134, %parallel_loop3A_1113 : i32
      %parallel_loop3A_1136 = arith.constant 1024 : i32
      %parallel_loop3A_1137 = arith.constant 0 : i32
      %parallel_loop3A_1138 = arith.cmpi eq, %parallel_loop3A_1136, %parallel_loop3A_1137 : i32
      %parallel_loop3A_1139 = arith.constant 1 : i32
      %parallel_loop3A_1140 = arith.select %parallel_loop3A_1138, %parallel_loop3A_1139, %parallel_loop3A_1136 : i32
      %parallel_loop3A_1141 = arith.remsi %parallel_loop3A_1111, %parallel_loop3A_1140 : i32
      %parallel_loop3A_1142 = arith.constant 0 : i32
      %parallel_loop3A_1143 = arith.cmpi ne, %parallel_loop3A_1141, %parallel_loop3A_1142 : i32
      %parallel_loop3A_1144 = arith.constant 0 : i32
      %parallel_loop3A_1145 = arith.cmpi slt, %parallel_loop3A_1141, %parallel_loop3A_1144 : i32
      %parallel_loop3A_1146 = arith.constant 0 : i32
      %parallel_loop3A_1147 = arith.cmpi slt, %parallel_loop3A_1140, %parallel_loop3A_1146 : i32
      %parallel_loop3A_1148 = arith.xori %parallel_loop3A_1145, %parallel_loop3A_1147 : i1
      %parallel_loop3A_1149 = arith.andi %parallel_loop3A_1148, %parallel_loop3A_1143 : i1
      %parallel_loop3A_1150 = arith.addi %parallel_loop3A_1141, %parallel_loop3A_1140 : i32
      %parallel_loop3A_1151 = arith.select %parallel_loop3A_1149, %parallel_loop3A_1150, %parallel_loop3A_1141 : i32
      %parallel_loop3A_1152 = arith.index_cast %parallel_loop3A_1135 : i32 to index
      %parallel_loop3A_1153 = arith.index_cast %parallel_loop3A_1151 : i32 to index
      %parallel_loop3A_1154 = tpu.vector_load %arg10[%parallel_loop3A_1152, %parallel_loop3A_1153] {strides = array<i32>} : memref<16x1024xf32, #tpu.memory_space<vmem>>, vector<1x16xf32>,
      %parallel_loop3A_1155 = vector.shape_cast %parallel_loop3A_1154 : vector<1x16xf32> to vector<16xf32>
      %parallel_loop3A_1156 = arith.index_cast %parallel_loop3A_1135 : i32 to index
      %parallel_loop3A_1157 = arith.index_cast %parallel_loop3A_1151 : i32 to index
      %parallel_loop3A_1158 = tpu.vector_load %arg7[%parallel_loop3A_1156, %parallel_loop3A_1157] {strides = array<i32>} : memref<16x1024xf32, #tpu.memory_space<vmem>>, vector<1x16xf32>,
      %parallel_loop3A_1159 = vector.shape_cast %parallel_loop3A_1158 : vector<1x16xf32> to vector<16xf32>
      %parallel_loop3A_1160 = vector.shape_cast %parallel_loop3A_1155 : vector<16xf32> to vector<1x16xf32>
      tpu.vector_store %arg7[%parallel_loop3A_1156, %parallel_loop3A_1157], %parallel_loop3A_1160 {add = true, strides = array<i32>} : memref<16x1024xf32, #tpu.memory_space<vmem>>, vector<1x16xf32>,
    } {sc.loop_unroll_factor = 8 : i64, sc.parallel_access}
    %add3A_1018 = arith.constant 48 : i32
    %add3A_1019 = arith.addi %mul3A_2, %add3A_1018 : i32
    %add3A_1020 = arith.constant 8 : i32
    %add3A_1021 = arith.addi %add3A_1019, %add3A_1020 : i32
    %dma_start3A_1022 = arith.constant 2 : i32
    %dma_start3A_1023 = arith.constant 8 : i32
    %dma_start3A_1024 = arith.constant 0 : i32
    %dma_start3A_1025 = tpu.memref_slice %arg7[%dma_start3A_1023, %dma_start3A_1024] : memref<16x1024xf32, #tpu.memory_space<vmem>> -> memref<8x1024xf32, #tpu.memory_space<vmem>>
    %dma_start3A_1026 = arith.constant 0 : i32
    %dma_start3A_1027 = tpu.memref_slice %arg4[%dma_start3A_1022, %add3A_1021, %dma_start3A_1026] : memref<4x2048x1024xf32, #tpu.memory_space<hbm>> -> memref<1x8x1024xf32, #tpu.memory_space<hbm>>
    %dma_start3A_1028 = tpu.memref_squeeze %dma_start3A_1027 : memref<1x8x1024xf32, #tpu.memory_space<hbm>> -> memref<8x1024xf32, #tpu.memory_space<hbm>>
    %dma_start3A_1029 = arith.constant 0 : i32
    %dma_start3A_1030 = tpu.memref_slice %arg4[%dma_start3A_1022, %add3A_1021, %dma_start3A_1029] : memref<4x2048x1024xf32, #tpu.memory_space<hbm>> -> memref<1x8x1024xf32, #tpu.memory_space<hbm>>
    %dma_start3A_1031 = tpu.memref_squeeze %dma_start3A_1030 : memref<1x8x1024xf32, #tpu.memory_space<hbm>> -> memref<8x1024xf32, #tpu.memory_space<hbm>>
    %dma_start3A_1032 = arith.constant 8 : i32
    %dma_start3A_1033 = arith.constant 0 : i32
    %dma_start3A_1034 = tpu.memref_slice %arg7[%dma_start3A_1032, %dma_start3A_1033] : memref<16x1024xf32, #tpu.memory_space<vmem>> -> memref<8x1024xf32, #tpu.memory_space<vmem>>
    tpu.enqueue_dma source(%dma_start3A_1034 : memref<8x1024xf32, #tpu.memory_space<vmem>>) target(%dma_start3A_1031 : memref<8x1024xf32, #tpu.memory_space<hbm>>) target_semaphore(%arg17 : memref<!tpu.dma_semaphore, #tpu.memory_space<semaphore_mem>>)
    %add3A_1035 = arith.constant 48 : i32
    %add3A_1036 = arith.addi %mul3A_2, %add3A_1035 : i32
    %dma_wait3A_1037 = arith.constant 3 : i32
    %dma_wait3A_1038 = arith.constant 0 : i32
    %dma_wait3A_1039 = tpu.memref_slice %arg2[%dma_wait3A_1037, %add3A_1036, %dma_wait3A_1038] : memref<4x2048x1024xf32, #tpu.memory_space<hbm>> -> memref<1x16x1024xf32, #tpu.memory_space<hbm>>
    %dma_wait3A_1040 = tpu.memref_squeeze %dma_wait3A_1039 : memref<1x16x1024xf32, #tpu.memory_space<hbm>> -> memref<16x1024xf32, #tpu.memory_space<hbm>>
    %dma_wait3A_1041 = arith.constant 0 : i32
    %dma_wait3A_1042 = tpu.memref_slice %arg2[%dma_wait3A_1037, %add3A_1036, %dma_wait3A_1041] : memref<4x2048x1024xf32, #tpu.memory_space<hbm>> -> memref<1x16x1024xf32, #tpu.memory_space<hbm>>
    %dma_wait3A_1043 = tpu.memref_squeeze %dma_wait3A_1042 : memref<1x16x1024xf32, #tpu.memory_space<hbm>> -> memref<16x1024xf32, #tpu.memory_space<hbm>>
    tpu.wait_dma2 semaphore(%arg14 : memref<!tpu.dma_semaphore, #tpu.memory_space<semaphore_mem>>) src(%dma_wait3A_1043 : memref<16x1024xf32, #tpu.memory_space<hbm>>) dst(%arg8 : memref<16x1024xf32, #tpu.memory_space<vmem>>)
    %parallel_loop3A_1044 = arith.constant 0 : i32
    %parallel_loop3A_1045 = arith.constant 8192 : i32
    %parallel_loop3A_1046 = arith.constant 16 : i32
    scf.for %parallel_loop3A_1111 = %parallel_loop3A_1044 to %parallel_loop3A_1045 step %parallel_loop3A_1046  : i32 {
      %parallel_loop3A_1112 = arith.constant 1024 : i32
      %parallel_loop3A_1113 = arith.divsi %parallel_loop3A_1111, %parallel_loop3A_1112 : i32
      %parallel_loop3A_1114 = arith.constant 0 : i32
      %parallel_loop3A_1115 = arith.cmpi sgt, %parallel_loop3A_1111, %parallel_loop3A_1114 : i32
      %parallel_loop3A_1116 = arith.extui %parallel_loop3A_1115 : i1 to i32
      %parallel_loop3A_1117 = arith.constant 0 : i32
      %parallel_loop3A_1118 = arith.cmpi slt, %parallel_loop3A_1111, %parallel_loop3A_1117 : i32
      %parallel_loop3A_1119 = arith.extui %parallel_loop3A_1118 : i1 to i32
      %parallel_loop3A_1120 = arith.subi %parallel_loop3A_1116, %parallel_loop3A_1119 : i32
      %parallel_loop3A_1121 = arith.constant 0 : i32
      %parallel_loop3A_1122 = arith.cmpi sgt, %parallel_loop3A_1112, %parallel_loop3A_1121 : i32
      %parallel_loop3A_1123 = arith.extui %parallel_loop3A_1122 : i1 to i32
      %parallel_loop3A_1124 = arith.constant 0 : i32
      %parallel_loop3A_1125 = arith.cmpi slt, %parallel_loop3A_1112, %parallel_loop3A_1124 : i32
      %parallel_loop3A_1126 = arith.extui %parallel_loop3A_1125 : i1 to i32
      %parallel_loop3A_1127 = arith.subi %parallel_loop3A_1123, %parallel_loop3A_1126 : i32
      %parallel_loop3A_1128 = arith.cmpi ne, %parallel_loop3A_1120, %parallel_loop3A_1127 : i32
      %parallel_loop3A_1129 = arith.remsi %parallel_loop3A_1111, %parallel_loop3A_1112 : i32
      %parallel_loop3A_1130 = arith.constant 0 : i32
      %parallel_loop3A_1131 = arith.cmpi ne, %parallel_loop3A_1129, %parallel_loop3A_1130 : i32
      %parallel_loop3A_1132 = arith.andi %parallel_loop3A_1128, %parallel_loop3A_1131 : i1
      %parallel_loop3A_1133 = arith.constant 1 : i32
      %parallel_loop3A_1134 = arith.subi %parallel_loop3A_1113, %parallel_loop3A_1133 : i32
      %parallel_loop3A_1135 = arith.select %parallel_loop3A_1132, %parallel_loop3A_1134, %parallel_loop3A_1113 : i32
      %parallel_loop3A_1136 = arith.constant 1024 : i32
      %parallel_loop3A_1137 = arith.constant 0 : i32
      %parallel_loop3A_1138 = arith.cmpi eq, %parallel_loop3A_1136, %parallel_loop3A_1137 : i32
      %parallel_loop3A_1139 = arith.constant 1 : i32
      %parallel_loop3A_1140 = arith.select %parallel_loop3A_1138, %parallel_loop3A_1139, %parallel_loop3A_1136 : i32
      %parallel_loop3A_1141 = arith.remsi %parallel_loop3A_1111, %parallel_loop3A_1140 : i32
      %parallel_loop3A_1142 = arith.constant 0 : i32
      %parallel_loop3A_1143 = arith.cmpi ne, %parallel_loop3A_1141, %parallel_loop3A_1142 : i32
      %parallel_loop3A_1144 = arith.constant 0 : i32
      %parallel_loop3A_1145 = arith.cmpi slt, %parallel_loop3A_1141, %parallel_loop3A_1144 : i32
      %parallel_loop3A_1146 = arith.constant 0 : i32
      %parallel_loop3A_1147 = arith.cmpi slt, %parallel_loop3A_1140, %parallel_loop3A_1146 : i32
      %parallel_loop3A_1148 = arith.xori %parallel_loop3A_1145, %parallel_loop3A_1147 : i1
      %parallel_loop3A_1149 = arith.andi %parallel_loop3A_1148, %parallel_loop3A_1143 : i1
      %parallel_loop3A_1150 = arith.addi %parallel_loop3A_1141, %parallel_loop3A_1140 : i32
      %parallel_loop3A_1151 = arith.select %parallel_loop3A_1149, %parallel_loop3A_1150, %parallel_loop3A_1141 : i32
      %parallel_loop3A_1152 = arith.index_cast %parallel_loop3A_1135 : i32 to index
      %parallel_loop3A_1153 = arith.index_cast %parallel_loop3A_1151 : i32 to index
      %parallel_loop3A_1154 = tpu.vector_load %arg10[%parallel_loop3A_1152, %parallel_loop3A_1153] {strides = array<i32>} : memref<16x1024xf32, #tpu.memory_space<vmem>>, vector<1x16xf32>,
      %parallel_loop3A_1155 = vector.shape_cast %parallel_loop3A_1154 : vector<1x16xf32> to vector<16xf32>
      %parallel_loop3A_1156 = arith.index_cast %parallel_loop3A_1135 : i32 to index
      %parallel_loop3A_1157 = arith.index_cast %parallel_loop3A_1151 : i32 to index
      %parallel_loop3A_1158 = tpu.vector_load %arg8[%parallel_loop3A_1156, %parallel_loop3A_1157] {strides = array<i32>} : memref<16x1024xf32, #tpu.memory_space<vmem>>, vector<1x16xf32>,
      %parallel_loop3A_1159 = vector.shape_cast %parallel_loop3A_1158 : vector<1x16xf32> to vector<16xf32>
      %parallel_loop3A_1160 = vector.shape_cast %parallel_loop3A_1155 : vector<16xf32> to vector<1x16xf32>
      tpu.vector_store %arg8[%parallel_loop3A_1156, %parallel_loop3A_1157], %parallel_loop3A_1160 {add = true, strides = array<i32>} : memref<16x1024xf32, #tpu.memory_space<vmem>>, vector<1x16xf32>,
    } {sc.loop_unroll_factor = 8 : i64, sc.parallel_access}
    %add3A_1047 = arith.constant 48 : i32
    %add3A_1048 = arith.addi %mul3A_2, %add3A_1047 : i32
    %add3A_1049 = arith.constant 0 : i32
    %add3A_1050 = arith.addi %add3A_1048, %add3A_1049 : i32
    %dma_start3A_1051 = arith.constant 3 : i32
    %dma_start3A_1052 = arith.constant 0 : i32
    %dma_start3A_1053 = arith.constant 0 : i32
    %dma_start3A_1054 = tpu.memref_slice %arg8[%dma_start3A_1052, %dma_start3A_1053] : memref<16x1024xf32, #tpu.memory_space<vmem>> -> memref<8x1024xf32, #tpu.memory_space<vmem>>
    %dma_start3A_1055 = arith.constant 0 : i32
    %dma_start3A_1056 = tpu.memref_slice %arg4[%dma_start3A_1051, %add3A_1050, %dma_start3A_1055] : memref<4x2048x1024xf32, #tpu.memory_space<hbm>> -> memref<1x8x1024xf32, #tpu.memory_space<hbm>>
    %dma_start3A_1057 = tpu.memref_squeeze %dma_start3A_1056 : memref<1x8x1024xf32, #tpu.memory_space<hbm>> -> memref<8x1024xf32, #tpu.memory_space<hbm>>
    %dma_start3A_1058 = arith.constant 0 : i32
    %dma_start3A_1059 = tpu.memref_slice %arg4[%dma_start3A_1051, %add3A_1050, %dma_start3A_1058] : memref<4x2048x1024xf32, #tpu.memory_space<hbm>> -> memref<1x8x1024xf32, #tpu.memory_space<hbm>>
    %dma_start3A_1060 = tpu.memref_squeeze %dma_start3A_1059 : memref<1x8x1024xf32, #tpu.memory_space<hbm>> -> memref<8x1024xf32, #tpu.memory_space<hbm>>
    %dma_start3A_1061 = arith.constant 0 : i32
    %dma_start3A_1062 = arith.constant 0 : i32
    %dma_start3A_1063 = tpu.memref_slice %arg8[%dma_start3A_1061, %dma_start3A_1062] : memref<16x1024xf32, #tpu.memory_space<vmem>> -> memref<8x1024xf32, #tpu.memory_space<vmem>>
    tpu.enqueue_dma source(%dma_start3A_1063 : memref<8x1024xf32, #tpu.memory_space<vmem>>) target(%dma_start3A_1060 : memref<8x1024xf32, #tpu.memory_space<hbm>>) target_semaphore(%arg18 : memref<!tpu.dma_semaphore, #tpu.memory_space<semaphore_mem>>)
    %parallel_loop3A_1064 = arith.constant 8192 : i32
    %parallel_loop3A_1065 = arith.constant 16384 : i32
    %parallel_loop3A_1066 = arith.constant 16 : i32
    scf.for %parallel_loop3A_1111 = %parallel_loop3A_1064 to %parallel_loop3A_1065 step %parallel_loop3A_1066  : i32 {
      %parallel_loop3A_1112 = arith.constant 1024 : i32
      %parallel_loop3A_1113 = arith.divsi %parallel_loop3A_1111, %parallel_loop3A_1112 : i32
      %parallel_loop3A_1114 = arith.constant 0 : i32
      %parallel_loop3A_1115 = arith.cmpi sgt, %parallel_loop3A_1111, %parallel_loop3A_1114 : i32
      %parallel_loop3A_1116 = arith.extui %parallel_loop3A_1115 : i1 to i32
      %parallel_loop3A_1117 = arith.constant 0 : i32
      %parallel_loop3A_1118 = arith.cmpi slt, %parallel_loop3A_1111, %parallel_loop3A_1117 : i32
      %parallel_loop3A_1119 = arith.extui %parallel_loop3A_1118 : i1 to i32
      %parallel_loop3A_1120 = arith.subi %parallel_loop3A_1116, %parallel_loop3A_1119 : i32
      %parallel_loop3A_1121 = arith.constant 0 : i32
      %parallel_loop3A_1122 = arith.cmpi sgt, %parallel_loop3A_1112, %parallel_loop3A_1121 : i32
      %parallel_loop3A_1123 = arith.extui %parallel_loop3A_1122 : i1 to i32
      %parallel_loop3A_1124 = arith.constant 0 : i32
      %parallel_loop3A_1125 = arith.cmpi slt, %parallel_loop3A_1112, %parallel_loop3A_1124 : i32
      %parallel_loop3A_1126 = arith.extui %parallel_loop3A_1125 : i1 to i32
      %parallel_loop3A_1127 = arith.subi %parallel_loop3A_1123, %parallel_loop3A_1126 : i32
      %parallel_loop3A_1128 = arith.cmpi ne, %parallel_loop3A_1120, %parallel_loop3A_1127 : i32
      %parallel_loop3A_1129 = arith.remsi %parallel_loop3A_1111, %parallel_loop3A_1112 : i32
      %parallel_loop3A_1130 = arith.constant 0 : i32
      %parallel_loop3A_1131 = arith.cmpi ne, %parallel_loop3A_1129, %parallel_loop3A_1130 : i32
      %parallel_loop3A_1132 = arith.andi %parallel_loop3A_1128, %parallel_loop3A_1131 : i1
      %parallel_loop3A_1133 = arith.constant 1 : i32
      %parallel_loop3A_1134 = arith.subi %parallel_loop3A_1113, %parallel_loop3A_1133 : i32
      %parallel_loop3A_1135 = arith.select %parallel_loop3A_1132, %parallel_loop3A_1134, %parallel_loop3A_1113 : i32
      %parallel_loop3A_1136 = arith.constant 1024 : i32
      %parallel_loop3A_1137 = arith.constant 0 : i32
      %parallel_loop3A_1138 = arith.cmpi eq, %parallel_loop3A_1136, %parallel_loop3A_1137 : i32
      %parallel_loop3A_1139 = arith.constant 1 : i32
      %parallel_loop3A_1140 = arith.select %parallel_loop3A_1138, %parallel_loop3A_1139, %parallel_loop3A_1136 : i32
      %parallel_loop3A_1141 = arith.remsi %parallel_loop3A_1111, %parallel_loop3A_1140 : i32
      %parallel_loop3A_1142 = arith.constant 0 : i32
      %parallel_loop3A_1143 = arith.cmpi ne, %parallel_loop3A_1141, %parallel_loop3A_1142 : i32
      %parallel_loop3A_1144 = arith.constant 0 : i32
      %parallel_loop3A_1145 = arith.cmpi slt, %parallel_loop3A_1141, %parallel_loop3A_1144 : i32
      %parallel_loop3A_1146 = arith.constant 0 : i32
      %parallel_loop3A_1147 = arith.cmpi slt, %parallel_loop3A_1140, %parallel_loop3A_1146 : i32
      %parallel_loop3A_1148 = arith.xori %parallel_loop3A_1145, %parallel_loop3A_1147 : i1
      %parallel_loop3A_1149 = arith.andi %parallel_loop3A_1148, %parallel_loop3A_1143 : i1
      %parallel_loop3A_1150 = arith.addi %parallel_loop3A_1141, %parallel_loop3A_1140 : i32
      %parallel_loop3A_1151 = arith.select %parallel_loop3A_1149, %parallel_loop3A_1150, %parallel_loop3A_1141 : i32
      %parallel_loop3A_1152 = arith.index_cast %parallel_loop3A_1135 : i32 to index
      %parallel_loop3A_1153 = arith.index_cast %parallel_loop3A_1151 : i32 to index
      %parallel_loop3A_1154 = tpu.vector_load %arg10[%parallel_loop3A_1152, %parallel_loop3A_1153] {strides = array<i32>} : memref<16x1024xf32, #tpu.memory_space<vmem>>, vector<1x16xf32>,
      %parallel_loop3A_1155 = vector.shape_cast %parallel_loop3A_1154 : vector<1x16xf32> to vector<16xf32>
      %parallel_loop3A_1156 = arith.index_cast %parallel_loop3A_1135 : i32 to index
      %parallel_loop3A_1157 = arith.index_cast %parallel_loop3A_1151 : i32 to index
      %parallel_loop3A_1158 = tpu.vector_load %arg8[%parallel_loop3A_1156, %parallel_loop3A_1157] {strides = array<i32>} : memref<16x1024xf32, #tpu.memory_space<vmem>>, vector<1x16xf32>,
      %parallel_loop3A_1159 = vector.shape_cast %parallel_loop3A_1158 : vector<1x16xf32> to vector<16xf32>
      %parallel_loop3A_1160 = vector.shape_cast %parallel_loop3A_1155 : vector<16xf32> to vector<1x16xf32>
      tpu.vector_store %arg8[%parallel_loop3A_1156, %parallel_loop3A_1157], %parallel_loop3A_1160 {add = true, strides = array<i32>} : memref<16x1024xf32, #tpu.memory_space<vmem>>, vector<1x16xf32>,
    } {sc.loop_unroll_factor = 8 : i64, sc.parallel_access}
    %add3A_1067 = arith.constant 48 : i32
    %add3A_1068 = arith.addi %mul3A_2, %add3A_1067 : i32
    %add3A_1069 = arith.constant 8 : i32
    %add3A_1070 = arith.addi %add3A_1068, %add3A_1069 : i32
    %dma_start3A_1071 = arith.constant 3 : i32
    %dma_start3A_1072 = arith.constant 8 : i32
    %dma_start3A_1073 = arith.constant 0 : i32
    %dma_start3A_1074 = tpu.memref_slice %arg8[%dma_start3A_1072, %dma_start3A_1073] : memref<16x1024xf32, #tpu.memory_space<vmem>> -> memref<8x1024xf32, #tpu.memory_space<vmem>>
    %dma_start3A_1075 = arith.constant 0 : i32
    %dma_start3A_1076 = tpu.memref_slice %arg4[%dma_start3A_1071, %add3A_1070, %dma_start3A_1075] : memref<4x2048x1024xf32, #tpu.memory_space<hbm>> -> memref<1x8x1024xf32, #tpu.memory_space<hbm>>
    %dma_start3A_1077 = tpu.memref_squeeze %dma_start3A_1076 : memref<1x8x1024xf32, #tpu.memory_space<hbm>> -> memref<8x1024xf32, #tpu.memory_space<hbm>>
    %dma_start3A_1078 = arith.constant 0 : i32
    %dma_start3A_1079 = tpu.memref_slice %arg4[%dma_start3A_1071, %add3A_1070, %dma_start3A_1078] : memref<4x2048x1024xf32, #tpu.memory_space<hbm>> -> memref<1x8x1024xf32, #tpu.memory_space<hbm>>
    %dma_start3A_1080 = tpu.memref_squeeze %dma_start3A_1079 : memref<1x8x1024xf32, #tpu.memory_space<hbm>> -> memref<8x1024xf32, #tpu.memory_space<hbm>>
    %dma_start3A_1081 = arith.constant 8 : i32
    %dma_start3A_1082 = arith.constant 0 : i32
    %dma_start3A_1083 = tpu.memref_slice %arg8[%dma_start3A_1081, %dma_start3A_1082] : memref<16x1024xf32, #tpu.memory_space<vmem>> -> memref<8x1024xf32, #tpu.memory_space<vmem>>
    tpu.enqueue_dma source(%dma_start3A_1083 : memref<8x1024xf32, #tpu.memory_space<vmem>>) target(%dma_start3A_1080 : memref<8x1024xf32, #tpu.memory_space<hbm>>) target_semaphore(%arg18 : memref<!tpu.dma_semaphore, #tpu.memory_space<semaphore_mem>>)
    %add3A_1084 = arith.constant 48 : i32
    %add3A_1085 = arith.addi %mul3A_2, %add3A_1084 : i32
    %dma_wait3A_1086 = arith.constant 1 : i32
    %dma_wait3A_1087 = arith.constant 0 : i32
    %dma_wait3A_1088 = tpu.memref_slice %arg4[%dma_wait3A_1086, %add3A_1085, %dma_wait3A_1087] : memref<4x2048x1024xf32, #tpu.memory_space<hbm>> -> memref<1x16x1024xf32, #tpu.memory_space<hbm>>
    %dma_wait3A_1089 = tpu.memref_squeeze %dma_wait3A_1088 : memref<1x16x1024xf32, #tpu.memory_space<hbm>> -> memref<16x1024xf32, #tpu.memory_space<hbm>>
    %dma_wait3A_1090 = arith.constant 0 : i32
    %dma_wait3A_1091 = tpu.memref_slice %arg4[%dma_wait3A_1086, %add3A_1085, %dma_wait3A_1090] : memref<4x2048x1024xf32, #tpu.memory_space<hbm>> -> memref<1x16x1024xf32, #tpu.memory_space<hbm>>
    %dma_wait3A_1092 = tpu.memref_squeeze %dma_wait3A_1091 : memref<1x16x1024xf32, #tpu.memory_space<hbm>> -> memref<16x1024xf32, #tpu.memory_space<hbm>>
    tpu.wait_dma2 semaphore(%arg16 : memref<!tpu.dma_semaphore, #tpu.memory_space<semaphore_mem>>) src(%arg6 : memref<16x1024xf32, #tpu.memory_space<vmem>>) dst(%dma_wait3A_1092 : memref<16x1024xf32, #tpu.memory_space<hbm>>)
    %add3A_1093 = arith.constant 48 : i32
    %add3A_1094 = arith.addi %mul3A_2, %add3A_1093 : i32
    %dma_wait3A_1095 = arith.constant 2 : i32
    %dma_wait3A_1096 = arith.constant 0 : i32
    %dma_wait3A_1097 = tpu.memref_slice %arg4[%dma_wait3A_1095, %add3A_1094, %dma_wait3A_1096] : memref<4x2048x1024xf32, #tpu.memory_space<hbm>> -> memref<1x16x1024xf32, #tpu.memory_space<hbm>>
    %dma_wait3A_1098 = tpu.memref_squeeze %dma_wait3A_1097 : memref<1x16x1024xf32, #tpu.memory_space<hbm>> -> memref<16x1024xf32, #tpu.memory_space<hbm>>
    %dma_wait3A_1099 = arith.constant 0 : i32
    %dma_wait3A_1100 = tpu.memref_slice %arg4[%dma_wait3A_1095, %add3A_1094, %dma_wait3A_1099] : memref<4x2048x1024xf32, #tpu.memory_space<hbm>> -> memref<1x16x1024xf32, #tpu.memory_space<hbm>>
    %dma_wait3A_1101 = tpu.memref_squeeze %dma_wait3A_1100 : memref<1x16x1024xf32, #tpu.memory_space<hbm>> -> memref<16x1024xf32, #tpu.memory_space<hbm>>
    tpu.wait_dma2 semaphore(%arg17 : memref<!tpu.dma_semaphore, #tpu.memory_space<semaphore_mem>>) src(%arg7 : memref<16x1024xf32, #tpu.memory_space<vmem>>) dst(%dma_wait3A_1101 : memref<16x1024xf32, #tpu.memory_space<hbm>>)
    %add3A_1102 = arith.constant 48 : i32
    %add3A_1103 = arith.addi %mul3A_2, %add3A_1102 : i32
    %dma_wait3A_1104 = arith.constant 3 : i32
    %dma_wait3A_1105 = arith.constant 0 : i32
    %dma_wait3A_1106 = tpu.memref_slice %arg4[%dma_wait3A_1104, %add3A_1103, %dma_wait3A_1105] : memref<4x2048x1024xf32, #tpu.memory_space<hbm>> -> memref<1x16x1024xf32, #tpu.memory_space<hbm>>
    %dma_wait3A_1107 = tpu.memref_squeeze %dma_wait3A_1106 : memref<1x16x1024xf32, #tpu.memory_space<hbm>> -> memref<16x1024xf32, #tpu.memory_space<hbm>>
    %dma_wait3A_1108 = arith.constant 0 : i32
    %dma_wait3A_1109 = tpu.memref_slice %arg4[%dma_wait3A_1104, %add3A_1103, %dma_wait3A_1108] : memref<4x2048x1024xf32, #tpu.memory_space<hbm>> -> memref<1x16x1024xf32, #tpu.memory_space<hbm>>
    %dma_wait3A_1110 = tpu.memref_squeeze %dma_wait3A_1109 : memref<1x16x1024xf32, #tpu.memory_space<hbm>> -> memref<16x1024xf32, #tpu.memory_space<hbm>>
    tpu.wait_dma2 semaphore(%arg18 : memref<!tpu.dma_semaphore, #tpu.memory_space<semaphore_mem>>) src(%arg8 : memref<16x1024xf32, #tpu.memory_space<vmem>>) dst(%dma_wait3A_1110 : memref<16x1024xf32, #tpu.memory_space<hbm>>)
    return
  }
}

</mosaic_0001>

<sc_bundles>
// kernel: kernel.3.cloned.1.call-start
scs
__scs_entry_jumppad:
0x0: {  	(pc) =	sbr.rel $0x88, $3  }
0x1: {  	(tag) =	ssettag $0x0;
	lr =	simm.s32 $0x1  }
0x2: {  	[smem:$0x3F9F] =	sst lr;
	_ =	strace $0xD0000000  }
0x3: {  	_ = 	snop  }
0x4: {  	_ = 	snop  }
0x5: {  	_ = 	snop  }
0x6: {  	_ = 	snop  }
0x7: {  	_ = 	snop  }
__scs_overlays_trampoline_lowered:
0x8: {  	[smem:$0x3FAE] =	sst s0  }
0x9: {  	[smem:$0x3FAF] =	sst s1  }
0xa: {  	[smem:$0x3FB0] =	sst s2  }
0xb: {  	[smem:$0x3FB1] =	sst s3  }
0xc: {  	[smem:$0x3FB2] =	sst s4  }
0xd: {  	[smem:$0x3FB3] =	sst s5  }
0xe: {  	[smem:$0x3FB4] =	sst s6  }
0xf: {  	[smem:$0x3FB5] =	sst s7  }
0x10: {  	[smem:$0x3FB6] =	sst s8  }
0x11: {  	[smem:$0x3FB7] =	sst s9;
	s0 =	simm.s32 @!p0 $0x0  }
0x12: {  	s1 =	sld [smem:$0x3F9D];
	s0 =	simm.s32 @p0 $0x1  }
0x13: {  	[smem:$0x3FB8] =	sst s0;
	s0 =	simm.s32 @!p1 $0x0  }
0x14: {  	s2 =	sld [smem:$0x3F9C];
	s0 =	simm.s32 @p1 $0x1  }
0x15: {  	[smem:$0x3FB9] =	sst s0;
	s0 =	simm.s32 @!p2 $0x0  }
0x16: {  	s3 =	sld [smem:$0x3FDB];
	s0 =	simm.s32 @p2 $0x1  }
0x17: {  	s4 =	simm.s32 $0x1BF5;
	[smem:$0x3FBB] =	sst s0  }
0x18: {  	s0 =	sld [smem:$0x3F9E];
	_ =	swait.ge [sflag:s4], $0x0  }
0x19: {  	s7 =	sld [smem:$0x3F9F]  }
0x1a: {  	s8 =	sadd.s32 $0xFFFFE003, lr  }
0x1b: {  	s9 =	sadd.s32 $0xFFFFFEF7, lr;
	s5 =	simm.s32 $0xFFFFFFFF;
	p2 =	slt.u32 s8, $0xFFFFF086  }
0x1c: {  	p1 =	slt.u32 s9, $0xF7A;
	s5 =	simm.s32 @!p2 $0x0  }
0x1d: {  	s5 =	simm.s32 @p1 $0x1;
	p0 =	seq.s32 s7, s2  }
0x1e: {  	s7 =	smul.u32 @!p0 $0xF7A, s2;
	p2 =	seq.s32 @!p0 s5, $0x0  }
0x1f: {  	s9 =	smul.u32 $0xF7A, s1;
	s8 =	simm.s32 @!p0 $0x1BF5;
	p2 =	por !p2, p0  }
0x20: {  	[sflag:s8] =	ssyncset.s32 @!p0 $0xFFFFF086;
	s6 =	sadd.s32 @!p0 s3, s7;
	s7 =	simm.s32 @!p0 $0x108  }
0x21: {  	s3 =	sadd.s32 s3, s9;
	s6 =	sadd.s32 @!p0 $0x88, s6;
	s7 =	simm.s32 @p2 $0x1082  }
0x22: {  	[simem:s7], [sflag:s8] =	dma.local @!p0 [hbm:s6], $0xF7A  }
0x23: {  	s9 =	sor.u32 $0xD0000000, s2;
	s6 =	simm.s32 $0x108;
	_ =	swait.ge @!p0 [sflag:s8], $0x0  }
0x24: {  	s3 =	sadd.s32 $0x88, s3;
	s6 =	simm.s32 @!p1 $0x1082;
	[sflag:s4] =	ssyncset.s32 $0xFFFFF086  }
0x25: {  	[simem:s6], [sflag:s4] =	dma.local [hbm:s3], $0xF7A  }
0x26: {  	[smem:$0x3F9F] =	sst s1;
	(tag) =	ssettag s2;
	_ =	strace s9  }
0x27: {  	s1 =	sld [smem:$0x3FAF]  }
0x28: {  	s2 =	sld [smem:$0x3FB0]  }
0x29: {  	s4 =	sld [smem:$0x3FB2]  }
0x2a: {  	p0 =	seq.s32 s5, $0x0;
	s5 =	sld [smem:$0x3FB3]  }
0x2b: {  	s6 =	sld [smem:$0x3FB4]  }
0x2c: {  	s7 =	sld [smem:$0x3FB5]  }
0x2d: {  	s3 =	simm.s32 $0x108;
	s8 =	sld [smem:$0x3FB6]  }
0x2e: {  	s3 =	simm.s32 @!p0 $0x1082;
	s9 =	sld [smem:$0x3FB7]  }
0x2f: {  	lr =	sadd.s32 s0, s3;
	s0 =	sld [smem:$0x3FAE]  }
0x30: {  	s3 =	sld [smem:$0x3FB1]  }
0x31: {  	[smem:$0x3FBA] =	sst s10  }
0x32: {  	s10 =	sld [smem:$0x3FB8];
	_ =	sdelay $0x3  }
0x33: {  	p0 =	seq.s32 s10, $0x1;
	s10 =	sld [smem:$0x3FBA];
	_ =	sdelay $0x3  }
0x34: {  	[smem:$0x3FBA] =	sst s10  }
0x35: {  	s10 =	sld [smem:$0x3FB9];
	_ =	sdelay $0x3  }
0x36: {  	p1 =	seq.s32 s10, $0x1;
	s10 =	sld [smem:$0x3FBA];
	_ =	sdelay $0x3  }
0x37: {  	[smem:$0x3FBA] =	sst s10  }
0x38: {  	s10 =	sld [smem:$0x3FBB]  }
0x39: {  	_ = 	snop;
	(pc) =	sbr.ind lr, $3  }
0x3a: {  	_ = 	snop  }
0x3b: {  	_ = 	snop  }
0x3c: {  	p2 =	seq.s32 s10, $0x1;
	s10 =	sld [smem:$0x3FBA]  }
0x3d: {  	_ =	shalt  }
0x3e: {  	_ =	shalt  }
0x3f: {  	_ =	shalt  }
0x40: {  	_ =	shalt  }
0x41: {  	_ =	shalt  }
0x42: {  	_ =	shalt  }
0x43: {  	_ =	shalt  }
0x44: {  	_ =	shalt  }
0x45: {  	_ =	shalt  }
0x46: {  	_ =	shalt  }
0x47: {  	_ =	shalt  }
0x48: {  	_ =	shalt  }
0x49: {  	_ =	shalt  }
0x4a: {  	_ =	shalt  }
0x4b: {  	_ =	shalt  }
0x4c: {  	_ =	shalt  }
0x4d: {  	_ =	shalt  }
0x4e: {  	_ =	shalt  }
0x4f: {  	_ =	shalt  }
0x50: {  	_ =	shalt  }
0x51: {  	_ =	shalt  }
0x52: {  	_ =	shalt  }
0x53: {  	_ =	shalt  }
0x54: {  	_ =	shalt  }
0x55: {  	_ =	shalt  }
0x56: {  	_ =	shalt  }
0x57: {  	_ =	shalt  }
0x58: {  	_ =	shalt  }
0x59: {  	_ =	shalt  }
0x5a: {  	_ =	shalt  }
0x5b: {  	_ =	shalt  }
0x5c: {  	_ =	shalt  }
0x5d: {  	_ =	shalt  }
0x5e: {  	_ =	shalt  }
0x5f: {  	_ =	shalt  }
0x60: {  	_ =	shalt  }
0x61: {  	_ =	shalt  }
0x62: {  	_ =	shalt  }
0x63: {  	_ =	shalt  }
0x64: {  	_ =	shalt  }
0x65: {  	_ =	shalt  }
0x66: {  	_ =	shalt  }
0x67: {  	_ =	shalt  }
0x68: {  	_ =	shalt  }
0x69: {  	_ =	shalt  }
0x6a: {  	_ =	shalt  }
0x6b: {  	_ =	shalt  }
0x6c: {  	_ =	shalt  }
0x6d: {  	_ =	shalt  }
0x6e: {  	_ =	shalt  }
0x6f: {  	_ =	shalt  }
0x70: {  	_ =	shalt  }
0x71: {  	_ =	shalt  }
0x72: {  	_ =	shalt  }
0x73: {  	_ =	shalt  }
0x74: {  	_ =	shalt  }
0x75: {  	_ =	shalt  }
0x76: {  	_ =	shalt  }
0x77: {  	_ =	shalt  }
0x78: {  	_ =	shalt  }
0x79: {  	_ =	shalt  }
0x7a: {  	_ =	shalt  }
0x7b: {  	_ =	shalt  }
0x7c: {  	_ =	shalt  }
0x7d: {  	_ =	shalt  }
0x7e: {  	_ =	shalt  }
0x7f: {  	_ =	shalt  }
0x80: {  	_ =	shalt  }
0x81: {  	_ =	shalt  }
0x82: {  	_ =	shalt  }
0x83: {  	_ =	shalt  }
0x84: {  	_ =	shalt  }
0x85: {  	_ =	shalt  }
0x86: {  	_ =	shalt  }
0x87: {  	_ =	shalt  }
.Lfunc_end0:
.L_simem_size_0:
called_computation_lowered:
.L_overlay_start_0:
0x88: {  	s2 =	sld [smem:$0x3FD9]  }
0x89: {  	s3 =	sld [smem:$0x3FFE];
	_ =	sdelay $0x1  }
0x8a: {  	s1 =	srdreg.scid  }
0x8b: {  	s0 =	sand.u32 $0x1, s1  }
0x8c: {  	s18 =	sshll.u32 s0, $0xA;
	s2 =	sadd.s32 s3, s2  }
0x8d: {  	s2 =	sadd.s32 s2, s18  }
0x8e: {  	[smem:$0x3FC6] =	sst s2  }
0x8f: {  	_ = 	snop  }
0x90: {  	s2 =	sld [smem:$0x3FC9]  }
0x91: {  	s19 =	sld [smem:$0x3FC8]  }
0x92: {  	s4 =	sld [smem:$0x3FD0];
	(tm) =	ssettm $0x1  }
0x93: {  	s5 =	sld [smem:$0x3FFB];
	_ =	sdelay $0x3  }
0x94: {  	_ =	strace s5  }
0x95: {  	s5 =	sld [smem:$0x3FFC];
	_ =	sdelay $0x3  }
0x96: {  	_ =	strace s5  }
0x97: {  	s5 =	sld [smem:$0x3FFD];
	_ =	sdelay $0x3  }
0x98: {  	_ =	strace s5  }
0x99: {  	_ =	strace $0x8FFFFFFF  }
0x9a: {  	s20 =	sld [smem:$0x3FDB];
	_ =	sdelay $0x1  }
0x9b: {  	s6 =	simm.s32 $_scs_section_size  }
0x9c: {  	s7 =	simm.s32 $_size__tile_overlayer_lowered;
	s8 =	simm.s32 $_tile_overlayer_lowered  }
0x9d: {  	s23 =	simm.s32 $0x1BFF;
	s22 =	sshll.u32 s8, $0x1;
	s5 =	sadd.s32 s6, s20  }
0x9e: {  	s9 =	simm.s32 $0x0;
	s21 =	sshll.u32 s7, $0x1;
	s7 =	sadd.s32 s22, s5  }
0x9f: {  	[timem:s9], [sflag:s23] =	dma.local [hbm:s7], s21  }
0xa0: {  	_ =	swait.ge [sflag:s23], s21  }
0xa1: {  	s6 =	ssub.s32 $0x0, s21;
	[sflag:s23] =	ssyncset.done $0x0  }
0xa2: {  	[sflag:s23] =	ssyncadd.s32 s6;
	_ =	sdelay $0x1  }
0xa3: {  	s24 =	simm.s32 $0x1B8B  }
0xa4: {  	_ =	swait.ge [sflag:s24], $0x1  }
0xa5: {  	[sflag:s24] =	ssyncset.done $0x0  }
0xa6: {  	s25 =	simm.s32 $0x1B8E;
	[sflag:s24] =	ssyncadd.s32 $0xFFFFFFFF  }
0xa7: {  	s26 =	simm.s32 $execute0_lowered;
	[smem:$0x3FD2] =	sst s25  }
0xa8: {  	s6 =	sshll.u32 s26, $0x1;
	_ =	strace $0x80000046;
	[dreg:$0x1] =	wrdreg $0xFFFFFFFF  }
0xa9: {  	s28 =	simm.s32 $_size_execute0_lowered;
	s5 =	sadd.s32 s5, s6;
	[dreg:$0x0] =	wrdreg $0x0  }
0xaa: {  	s6 =	sshll.u32 s28, $0x1;
	[dreg:$0x2] =	wrdreg s5  }
0xab: {  	[dreg:$0x3] =	wrdreg s6  }
0xac: {  	[dreg:$0x4] =	wrdreg $0xC0  }
0xad: {  	_ =	task [dreg:s9], $0x5FFFF  }
0xae: {  	[dreg:$0x1] =	wrdreg $0xFFFFFFFF  }
0xaf: {  	[dreg:$0x0] =	wrdreg $0x60  }
0xb0: {  	[dreg:$0x2] =	wrdreg s2  }
0xb1: {  	[dreg:$0x3] =	wrdreg s19  }
0xb2: {  	[dreg:$0x4] =	wrdreg s4  }
0xb3: {  	[dreg:$0x5] =	wrdreg $0x9  }
0xb4: {  	_ =	task.clear_ibuf [dreg:s9], $0x6FFFF;
	_ =	strace $0x90000046  }
0xb5: {  	s29 =	simm.s32 $0x9;
	_ =	strace $0x80000048  }
0xb6: {  	_ =	swait.ge [sflag:s29], $0x1  }
0xb7: {  	[sflag:s29] =	ssyncadd.s32 $0xFFFFFFFF  }
0xb8: {  	_ =	strace $0x90000048  }
0xb9: {  	_ =	sfence  }
0xba: {  	s30 =	sld [smem:$0x0];
	_ =	sdelay $0x2  }
0xbb: {  	s31 =	sshll.u32 s1, $0xD;
	s1 =	sshrl.u32 s1, $0x2  }
0xbc: {  	s3 =	sand.u32 $0x4000, s31;
	s1 =	sadd.s32 s1, s30  }
0xbd: {  	s0 =	sor.u32 s3, s0;
	s1 =	sshll.u32 s1, $0x11  }
0xbe: {  	s0 =	sor.u32 s1, s0  }
0xbf: {  	s0 =	sadd.s32 $0x8F2B, s0  }
0xc0: {  	[sflag:s0] =	ssyncadd.remote.s32 $0x1  }
0xc1: {  	_ =	sfence.sel $0xFFFF  }
0xc2: {  	[dreg:$0x0] =	wrdreg $0xFFFFFFFF;
	(pc) =	sbr.abs _section_cstart, $3  }
0xc3: {  	[dreg:$0x1] =	wrdreg $0xFFFFFFFF  }
0xc4: {  	_ =	task.clear_ibuf [dreg:s9], $0x2FFFF;
	_ =	strace $0x9FFFFFFF  }
0xc5: {  	(tm) =	ssettm $0x7FFFFFFF  }
tec
execute0_lowered:
.L_overlay_start_1:
0x0: {  	(tag) =	ssettag $0x1  }
0x1: {  	s1 =	srdreg.scid  }
0x2: {  	s0 =	rddreg [dreg:$0x0];
	s5 =	stileid.u32;
	s3 =	sand.u32 $0x1, s1  }
0x3: {  	s2 =	rddreg [dreg:$0x1];
	s5 =	sshll.u32 s5, $0xE;
	s6 =	sshll.u32 s3, $0xD  }
0x4: {  	s4 =	rddreg [dreg:$0x2];
	s1 =	simm.s32 $0x0;
	s5 =	sor.u32 s6, s5  }
0x5: {  	[smem:$0x7FF] =	sst s1;
	s7 =	sor.u32 $0x40000, s5;
	s10 =	sadd.s32 s2, s5  }
0x6: {  	s15 =	sor.u32 $0x80000, s5;
	s14 =	sadd.s32 s0, s7;
	[dreg:$0x6] =	wrdreg s10  }
0x7: {  	s16 =	sor.u32 $0x800, s5;
	s8 =	sadd.s32 s0, s15;
	[dreg:$0x4] =	wrdreg s14  }
0x8: {  	s9 =	sor.u32 $0xC0000, s5;
	s17 =	sadd.s32 s2, s16;
	[dreg:$0x5] =	wrdreg s8  }
0x9: {  	s18 =	sadd.s32 s0, s9;
	[dreg:$0x7] =	wrdreg s17  }
0xa: {  	s19 =	sadd.s32 s0, s16;
	[dreg:$0x8] =	wrdreg s18  }
0xb: {  	s20 =	sor.u32 $0x40800, s5;
	s7 =	sadd.s32 s4, s7;
	[dreg:$0x9] =	wrdreg s19  }
0xc: {  	s21 =	sadd.s32 s0, s20;
	[dreg:$0xa] =	wrdreg s7  }
0xd: {  	s22 =	sor.u32 $0x80800, s5;
	s6 =	sadd.s32 s4, s15;
	[dreg:$0xb] =	wrdreg s21  }
0xe: {  	s23 =	sadd.s32 s0, s22;
	[dreg:$0xc] =	wrdreg s6  }
0xf: {  	s24 =	sor.u32 $0x1000, s5;
	s9 =	sadd.s32 s4, s9;
	[dreg:$0xd] =	wrdreg s23  }
0x10: {  	s11 =	sor.u32 $0xC0800, s5;
	s25 =	sadd.s32 s2, s24;
	[dreg:$0xe] =	wrdreg s9  }
0x11: {  	s3 =	ssub.s32 $0x2, s3;
	s26 =	sadd.s32 s0, s11;
	[dreg:$0xf] =	wrdreg s25  }
0x12: {  	s30 =	sor.u32 $0x1800, s5;
	s12 =	sadd.s32 s4, s11;
	[dreg:$0x10] =	wrdreg s26  }
0x13: {  	s13 =	sshrl.u32 s3, $0x1;
	s2 =	sadd.s32 s2, s30;
	[dreg:$0x14] =	wrdreg s12  }
0x14: {  	s3 =	ssub.s32 s3, s13;
	s13 =	sadd.s32 s0, s24;
	[dreg:$0x15] =	wrdreg s2  }
0x15: {  	s8 =	sadd.s32 s4, s16;
	[dreg:$0x16] =	wrdreg s13  }
0x16: {  	s7 =	sadd.s32 s4, s20;
	[dreg:$0x11] =	wrdreg s8  }
0x17: {  	s6 =	sadd.s32 s4, s22;
	[dreg:$0x12] =	wrdreg s7  }
0x18: {  	s15 =	sor.u32 $0x41000, s5;
	s14 =	sadd.s32 s4, s24;
	[dreg:$0x13] =	wrdreg s6  }
0x19: {  	s16 =	sadd.s32 s0, s15;
	[dreg:$0x17] =	wrdreg s14  }
0x1a: {  	s2 =	sadd.s32 s4, s15;
	[dreg:$0x18] =	wrdreg s16  }
0x1b: {  	s21 =	sadd.s32 s0, s5;
	[dreg:$0x19] =	wrdreg s2  }
0x1c: {  	s24 =	sadd.s32 s0, s30;
	[dreg:$0x1e] =	wrdreg s21  }
0x1d: {  	s17 =	sor.u32 $0x81000, s5;
	s30 =	sadd.s32 s4, s30;
	[smem:$0x7E5] =	sst s24  }
0x1e: {  	s18 =	sadd.s32 s0, s17;
	[smem:$0x7E9] =	sst s30  }
0x1f: {  	s19 =	sor.u32 $0xC1000, s5;
	s2 =	sadd.s32 s4, s17;
	[dreg:$0x1a] =	wrdreg s18  }
0x20: {  	s22 =	sor.u32 $0x41800, s5;
	s20 =	sadd.s32 s0, s19;
	[dreg:$0x1b] =	wrdreg s2  }
0x21: {  	s23 =	sor.u32 $0x81800, s5;
	s25 =	sadd.s32 s0, s22;
	[dreg:$0x1c] =	wrdreg s20  }
0x22: {  	s26 =	sadd.s32 s0, s23;
	[smem:$0x7E6] =	sst s25  }
0x23: {  	s7 =	sadd.s32 s4, s22;
	[smem:$0x7E7] =	sst s26  }
0x24: {  	s8 =	sadd.s32 s4, s5;
	s9 =	sadd.s32 s4, s23;
	[smem:$0x7EA] =	sst s7  }
0x25: {  	s5 =	sor.u32 $0xC1800, s5;
	s2 =	sadd.s32 s4, s19;
	[smem:$0x7EB] =	sst s9  }
0x26: {  	s0 =	sadd.s32 s0, s5;
	[dreg:$0x1d] =	wrdreg s2  }
0x27: {  	s10 =	sadd.s32 s4, s5;
	[smem:$0x7E8] =	sst s0  }
0x28: {  	s11 =	smax.u32 s3, $0x1;
	[smem:$0x7EC] =	sst s10  }
0x29: {  	s12 =	sadd.s32 $0x400, s8;
	_ =	strace $0x80000047;
	[smem:$0x7ED] =	sst s11  }
0x2a: {  	s13 =	sadd.s32 $0x40400, s8;
	[smem:$0x7EE] =	sst s12  }
0x2b: {  	s14 =	sadd.s32 $0x80400, s8;
	[smem:$0x7EF] =	sst s13  }
0x2c: {  	s15 =	sadd.s32 $0xC0400, s8;
	[smem:$0x7F0] =	sst s14  }
0x2d: {  	s16 =	sadd.s32 $0xC00, s8;
	[smem:$0x7F1] =	sst s15  }
0x2e: {  	s17 =	sadd.s32 $0x40C00, s8;
	[smem:$0x7F2] =	sst s16  }
0x2f: {  	s18 =	sadd.s32 $0x80C00, s8;
	[smem:$0x7F3] =	sst s17  }
0x30: {  	s19 =	sadd.s32 $0xC0C00, s8;
	[smem:$0x7F4] =	sst s18  }
0x31: {  	s28 =	simm.s32 $0xC000;
	s20 =	sadd.s32 $0x1400, s8;
	[smem:$0x7F5] =	sst s19  }
0x32: {  	s29 =	simm.s32 $0x1;
	s21 =	sadd.s32 $0x41400, s8;
	[smem:$0x7F6] =	sst s20  }
0x33: {  	s31 =	simm.s32 $0x9;
	s22 =	sadd.s32 $0x81400, s8;
	[smem:$0x7F7] =	sst s21  }
0x34: {  	s3 =	simm.s32 $0x2;
	s23 =	sadd.s32 $0xC1400, s8;
	[smem:$0x7F8] =	sst s22  }
0x35: {  	s6 =	simm.s32 $0x3;
	s24 =	sadd.s32 $0x1C00, s8;
	[smem:$0x7F9] =	sst s23  }
0x36: {  	s25 =	sadd.s32 $0x41C00, s8;
	s26 =	sadd.s32 $0x81C00, s8;
	[smem:$0x7FA] =	sst s24  }
0x37: {  	s30 =	sadd.s32 $0xC1C00, s8;
	s4 =	simm.s32 $0x6000;
	[smem:$0x7FB] =	sst s25  }
0x38: {  	s5 =	simm.s32 $0x6;
	s7 =	simm.s32 $0xA000;
	[smem:$0x7FC] =	sst s26  }
0x39: {  	s9 =	simm.s32 $0x4;
	s0 =	simm.s32 $0x2000;
	[dreg:$0x1f] =	wrdreg s8  }
0x3a: {  	s2 =	simm.s32 $0x5;
	s10 =	simm.s32 $0xE000;
	[smem:$0x7FD] =	sst s30  }
0x3b: {  	s25 =	simm.s32 $0x4000;
	s26 =	simm.s32 $0x8000;
	s8 =	simm.s32 $0x7  }
0x3c: {  	s11 =	simm.s32 $0x8;
	s12 =	simm.s32 $0xA;
	s13 =	simm.s32 $0x0  }
.LBB2_1:
0x3d: {  	s14 =	rddreg [dreg:$0x1e]  }
0x3e: {  	[tilespmem:s1], [sflag:$0x1] =	stream.linear.gather [hbm4b:s14+s1], $0x4000, $0x38;
	[tilespmem:$0x18000] =	vst v63  }
0x3f: {  	s16 =	rddreg [dreg:$0x4]  }
0x40: {  	[tilespmem:s25], [sflag:$0x2] =	stream.linear.gather [hbm4b:s16+s1], $0x4000, $0x38;
	[tilespmem:$0x18000] =	vst v63  }
0x41: {  	s17 =	rddreg [dreg:$0x5]  }
0x42: {  	[tilespmem:s26], [sflag:$0x3] =	stream.linear.gather [hbm4b:s17+s1], $0x4000, $0x38;
	[tilespmem:$0x18000] =	vst v63  }
0x43: {  	s18 =	rddreg [dreg:$0x6];
	s15 =	simm.s32 $0x10000  }
0x44: {  	[tilespmem:s15], [sflag:$0x9] =	stream.linear.gather [hbm4b:s18+s1], $0x4000, $0x38;
	[tilespmem:$0x18000] =	vst v63  }
0x45: {  	s19 =	rddreg [dreg:$0x7];
	s20 =	simm.s32 $0x14000  }
0x46: {  	[tilespmem:s20], [sflag:$0xA] =	stream.linear.gather [hbm4b:s19+s1], $0x4000, $0x38;
	[tilespmem:$0x18000] =	vst v63  }
0x47: {  	s21 =	rddreg [dreg:$0x8]  }
0x48: {  	[tilespmem:s28], [sflag:$0x4] =	stream.linear.gather [hbm4b:s21+s1], $0x4000, $0x38;
	[tilespmem:$0x18000] =	vst v63  }
0x49: {  	_ =	swait.ge [sflag:s29], $0x4000  }
0x4a: {  	[sflag:s29] =	ssyncset.done $0x0  }
0x4b: {  	[sflag:s29] =	ssyncadd.s32 $0xFFFFC000  }
0x4c: {  	s22 =	sand.u32 $0x1C00, s1;
	_ =	swait.ge [sflag:s31], $0x4000  }
0x4d: {  	s23 =	sor.u32 s22, s1;
	[sflag:s31] =	ssyncset.done $0x0  }
0x4e: {  	s16 =	sand.u32 $0x380, s1;
	s15 =	sor.u32 $0x70, s23;
	[sflag:s31] =	ssyncadd.s32 $0xFFFFC000  }
0x4f: {  	s16 =	sor.u32 s16, s22;
	v0 =	vld [tilespmem:s15+$0x10000]  }
0x50: {  	v3 =	vld [tilespmem:s16+$0x10000]  }
0x51: {  	v4 =	vld [tilespmem:s16+$0x10010]  }
0x52: {  	v5 =	vld [tilespmem:s16+$0x10020]  }
0x53: {  	v6 =	vld [tilespmem:s16+$0x10030]  }
0x54: {  	v2 =	vld [tilespmem:s16+$0x10040]  }
0x55: {  	v1 =	vld [tilespmem:s16+$0x10050]  }
0x56: {  	[tilespmem:s15+$0x0] =	vst.add.f32.msk $0xffff, v0  }
0x57: {  	v0 =	vld [tilespmem:s16+$0x10060]  }
0x58: {  	s24 =	sor.u32 $0x10, s16;
	[tilespmem:s16+$0x0] =	vst.add.f32.msk $0xffff, v3  }
0x59: {  	s14 =	simm.s32 $0x0;
	s17 =	sor.u32 $0x20, s16;
	[tilespmem:s24+$0x0] =	vst.add.f32.msk $0xffff, v4  }
0x5a: {  	s30 =	sor.u32 $0x30, s16;
	s18 =	sor.u32 $0x50, s16;
	s19 =	sor.u32 $0x40, s16;
	[tilespmem:s17+$0x0] =	vst.add.f32.msk $0xffff, v5  }
0x5b: {  	s17 =	sor.u32 $0x60, s16;
	[tilespmem:s30+$0x0] =	vst.add.f32.msk $0xffff, v6;
	s15 =	simm.s32 $0x400;
	s16 =	simm.s32 $0x0  }
.LBB2_2:
0x5c: {  	s20 =	sand.u32 $0x1C00, s15;
	s14 =	sadd.s32 $0x80, s14;
	[tilespmem:s19+$0x0] =	vst.add.f32.msk $0xffff, v2;
	s16 =	sadd.s32 $0x10, s16  }
0x5d: {  	s19 =	sand.u32 $0x380, s16;
	s21 =	sor.u32 s20, s16;
	p0 =	slt.u32 s14, $0x1F80;
	[tilespmem:s18+$0x0] =	vst.add.f32.msk $0xffff, v1  }
0x5e: {  	s20 =	sor.u32 s19, s20;
	s21 =	sor.u32 $0x70, s21;
	[tilespmem:s17+$0x0] =	vst.add.f32.msk $0xffff, v0  }
0x5f: {  	s22 =	sor.u32 $0x10, s20;
	s23 =	sor.u32 $0x20, s20;
	s24 =	sor.u32 $0x30, s20;
	v0 =	vld [tilespmem:s21+$0x10000]  }
0x60: {  	s19 =	sor.u32 $0x40, s20;
	s18 =	sor.u32 $0x50, s20;
	s17 =	sor.u32 $0x60, s20;
	v3 =	vld [tilespmem:s20+$0x10000]  }
0x61: {  	v4 =	vld [tilespmem:s20+$0x10010]  }
0x62: {  	v5 =	vld [tilespmem:s20+$0x10020]  }
0x63: {  	v6 =	vld [tilespmem:s20+$0x10030]  }
0x64: {  	[tilespmem:s21+$0x0] =	vst.add.f32.msk $0xffff, v0  }
0x65: {  	v2 =	vld [tilespmem:s20+$0x10040]  }
0x66: {  	v1 =	vld [tilespmem:s20+$0x10050]  }
.Ltmp0:
0x67: {  	v0 =	vld [tilespmem:s20+$0x10060];
	(pc) =	sbr.rel @p0 .LBB2_2-.Ltmp0, $4  }
0x68: {  	[tilespmem:s20+$0x0] =	vst.add.f32.msk $0xffff, v3  }
0x69: {  	[tilespmem:s22+$0x0] =	vst.add.f32.msk $0xffff, v4  }
0x6a: {  	[tilespmem:s23+$0x0] =	vst.add.f32.msk $0xffff, v5  }
0x6b: {  	s15 =	sadd.s32 $0x400, s15;
	[tilespmem:s24+$0x0] =	vst.add.f32.msk $0xffff, v6  }
0x6c: {  	[tilespmem:s19+$0x0] =	vst.add.f32.msk $0xffff, v2  }
0x6d: {  	[tilespmem:s18+$0x0] =	vst.add.f32.msk $0xffff, v1  }
0x6e: {  	[tilespmem:s17+$0x0] =	vst.add.f32.msk $0xffff, v0  }
0x6f: {  	s14 =	rddreg [dreg:$0x1f]  }
0x70: {  	[hbm4b:s14+s1] =	stream.linear.scatter [tilespmem:s1], [sflag:$0x5], $0x2000, $0x38;
	[tilespmem:$0x18000] =	vst v63  }
0x71: {  	s15 =	simm.s32 $0x2000;
	s14 =	simm.s32 $0x10000  }
0x72: {  	s16 =	simm.s32 $0x400;
	s22 =	sand.u32 $0x2000, s15;
	s23 =	sand.u32 $0x1C00, s14  }
0x73: {  	s24 =	sand.u32 $0x380, s16;
	s17 =	sor.u32 s22, s23  }
0x74: {  	s17 =	sor.u32 s24, s17  }
0x75: {  	v0 =	vld [tilespmem:s17+$0x10070]  }
0x76: {  	v4 =	vld [tilespmem:s17+$0x10000]  }
0x77: {  	v5 =	vld [tilespmem:s17+$0x10010]  }
0x78: {  	v6 =	vld [tilespmem:s17+$0x10020]  }
0x79: {  	v2 =	vld [tilespmem:s17+$0x10030]  }
0x7a: {  	v3 =	vld [tilespmem:s17+$0x10040]  }
0x7b: {  	s18 =	sor.u32 $0x70, s17;
	v1 =	vld [tilespmem:s17+$0x10050]  }
0x7c: {  	[tilespmem:s18+$0x0] =	vst.add.f32.msk $0xffff, v0  }
0x7d: {  	v0 =	vld [tilespmem:s17+$0x10060]  }
0x7e: {  	s30 =	sor.u32 $0x10, s17;
	[tilespmem:s17+$0x0] =	vst.add.f32.msk $0xffff, v4  }
0x7f: {  	s21 =	sor.u32 $0x20, s17;
	s19 =	sor.u32 $0x30, s17;
	[tilespmem:s30+$0x0] =	vst.add.f32.msk $0xffff, v5  }
0x80: {  	s20 =	sor.u32 $0x40, s17;
	s18 =	sor.u32 $0x50, s17;
	s17 =	sor.u32 $0x60, s17;
	[tilespmem:s21+$0x0] =	vst.add.f32.msk $0xffff, v6  }
.LBB2_4:
0x81: {  	s15 =	sadd.s32 $0x80, s15;
	[tilespmem:s19+$0x0] =	vst.add.f32.msk $0xffff, v2;
	s14 =	sadd.s32 $0x400, s14  }
0x82: {  	s16 =	sadd.s32 $0x10, s16;
	s19 =	sand.u32 $0x2000, s15;
	s21 =	sand.u32 $0x1C00, s14;
	[tilespmem:s20+$0x0] =	vst.add.f32.msk $0xffff, v3  }
0x83: {  	s20 =	sand.u32 $0x380, s16;
	p0 =	slt.u32 s15, $0x3F80;
	s19 =	sor.u32 s19, s21;
	[tilespmem:s18+$0x0] =	vst.add.f32.msk $0xffff, v1  }
0x84: {  	s21 =	sor.u32 s20, s19;
	[tilespmem:s17+$0x0] =	vst.add.f32.msk $0xffff, v0  }
0x85: {  	s22 =	sor.u32 $0x10, s21;
	s23 =	sor.u32 $0x20, s21;
	s19 =	sor.u32 $0x30, s21;
	v0 =	vld [tilespmem:s21+$0x10070]  }
0x86: {  	s20 =	sor.u32 $0x40, s21;
	s18 =	sor.u32 $0x50, s21;
	s17 =	sor.u32 $0x60, s21;
	v4 =	vld [tilespmem:s21+$0x10000]  }
0x87: {  	v5 =	vld [tilespmem:s21+$0x10010]  }
0x88: {  	v6 =	vld [tilespmem:s21+$0x10020]  }
0x89: {  	s24 =	sor.u32 $0x70, s21;
	v2 =	vld [tilespmem:s21+$0x10030]  }
0x8a: {  	[tilespmem:s24+$0x0] =	vst.add.f32.msk $0xffff, v0  }
0x8b: {  	v3 =	vld [tilespmem:s21+$0x10040]  }
.Ltmp1:
0x8c: {  	v1 =	vld [tilespmem:s21+$0x10050];
	(pc) =	sbr.rel @p0 .LBB2_4-.Ltmp1, $4  }
0x8d: {  	v0 =	vld [tilespmem:s21+$0x10060]  }
0x8e: {  	[tilespmem:s21+$0x0] =	vst.add.f32.msk $0xffff, v4  }
0x8f: {  	[tilespmem:s22+$0x0] =	vst.add.f32.msk $0xffff, v5  }
0x90: {  	[tilespmem:s23+$0x0] =	vst.add.f32.msk $0xffff, v6  }
0x91: {  	[tilespmem:s19+$0x0] =	vst.add.f32.msk $0xffff, v2  }
0x92: {  	[tilespmem:s20+$0x0] =	vst.add.f32.msk $0xffff, v3  }
0x93: {  	[tilespmem:s18+$0x0] =	vst.add.f32.msk $0xffff, v1  }
0x94: {  	[tilespmem:s17+$0x0] =	vst.add.f32.msk $0xffff, v0  }
0x95: {  	s15 =	sld [smem:$0x7EE];
	_ =	sdelay $0x1  }
0x96: {  	s14 =	simm.s32 $0x0  }
0x97: {  	[hbm4b:s15+s14] =	stream.linear.scatter [tilespmem:s0], [sflag:$0x5], $0x2000, $0x38;
	[tilespmem:$0x18000] =	vst v63  }
0x98: {  	_ =	swait.ge [sflag:s2], $0x4000  }
0x99: {  	[sflag:s2] =	ssyncset.done $0x0  }
0x9a: {  	s20 =	rddreg [dreg:$0x9];
	[sflag:s2] =	ssyncadd.s32 $0xFFFFC000  }
0x9b: {  	[tilespmem:s14], [sflag:$0x1] =	stream.linear.gather [hbm4b:s20+s14], $0x4000, $0x38;
	[tilespmem:$0x18000] =	vst v63  }
0x9c: {  	s21 =	sand.u32 $0x1C00, s14;
	_ =	swait.ge [sflag:s3], $0x4000  }
0x9d: {  	s16 =	sor.u32 s21, s14;
	[sflag:s3] =	ssyncset.done $0x0  }
0x9e: {  	s22 =	sand.u32 $0x380, s14;
	s16 =	sor.u32 $0x70, s16;
	[sflag:s3] =	ssyncadd.s32 $0xFFFFC000  }
0x9f: {  	s17 =	sor.u32 s22, s21;
	v0 =	vld [tilespmem:s16+$0x10000]  }
0xa0: {  	v3 =	vld [tilespmem:s17+$0x10000]  }
0xa1: {  	v4 =	vld [tilespmem:s17+$0x10010]  }
0xa2: {  	v5 =	vld [tilespmem:s17+$0x10020]  }
0xa3: {  	v6 =	vld [tilespmem:s17+$0x10030]  }
0xa4: {  	v2 =	vld [tilespmem:s17+$0x10040]  }
0xa5: {  	v1 =	vld [tilespmem:s17+$0x10050]  }
0xa6: {  	[tilespmem:s16+$0x4000] =	vst.add.f32.msk $0xffff, v0  }
0xa7: {  	s15 =	sor.u32 $0x4000, s17;
	v0 =	vld [tilespmem:s17+$0x10060]  }
0xa8: {  	s23 =	sor.u32 $0x4010, s17;
	[tilespmem:s15+$0x0] =	vst.add.f32.msk $0xffff, v3  }
0xa9: {  	s24 =	sor.u32 $0x4020, s17;
	[tilespmem:s23+$0x0] =	vst.add.f32.msk $0xffff, v4  }
0xaa: {  	s30 =	sor.u32 $0x4030, s17;
	s19 =	sor.u32 $0x4040, s17;
	s18 =	sor.u32 $0x4050, s17;
	[tilespmem:s24+$0x0] =	vst.add.f32.msk $0xffff, v5  }
0xab: {  	s15 =	simm.s32 $0x0;
	s17 =	sor.u32 $0x4060, s17;
	[tilespmem:s30+$0x0] =	vst.add.f32.msk $0xffff, v6;
	s16 =	simm.s32 $0x400  }
.LBB2_6:
0xac: {  	s20 =	sand.u32 $0x1C00, s16;
	s15 =	sadd.s32 $0x80, s15;
	[tilespmem:s19+$0x0] =	vst.add.f32.msk $0xffff, v2;
	s14 =	sadd.s32 $0x10, s14  }
0xad: {  	s19 =	sand.u32 $0x380, s14;
	s21 =	sor.u32 s20, s14;
	p0 =	slt.u32 s15, $0x1F80;
	[tilespmem:s18+$0x0] =	vst.add.f32.msk $0xffff, v1  }
0xae: {  	s20 =	sor.u32 s19, s20;
	s21 =	sor.u32 $0x70, s21;
	[tilespmem:s17+$0x0] =	vst.add.f32.msk $0xffff, v0  }
0xaf: {  	s22 =	sor.u32 $0x4000, s20;
	s23 =	sor.u32 $0x4010, s20;
	s24 =	sor.u32 $0x4020, s20;
	v0 =	vld [tilespmem:s21+$0x10000]  }
0xb0: {  	s30 =	sor.u32 $0x4030, s20;
	s19 =	sor.u32 $0x4040, s20;
	s18 =	sor.u32 $0x4050, s20;
	v3 =	vld [tilespmem:s20+$0x10000]  }
0xb1: {  	s17 =	sor.u32 $0x4060, s20;
	v4 =	vld [tilespmem:s20+$0x10010]  }
0xb2: {  	v5 =	vld [tilespmem:s20+$0x10020]  }
0xb3: {  	v6 =	vld [tilespmem:s20+$0x10030]  }
0xb4: {  	[tilespmem:s21+$0x4000] =	vst.add.f32.msk $0xffff, v0  }
0xb5: {  	v2 =	vld [tilespmem:s20+$0x10040]  }
0xb6: {  	v1 =	vld [tilespmem:s20+$0x10050]  }
.Ltmp2:
0xb7: {  	v0 =	vld [tilespmem:s20+$0x10060];
	(pc) =	sbr.rel @p0 .LBB2_6-.Ltmp2, $4  }
0xb8: {  	[tilespmem:s22+$0x0] =	vst.add.f32.msk $0xffff, v3  }
0xb9: {  	[tilespmem:s23+$0x0] =	vst.add.f32.msk $0xffff, v4  }
0xba: {  	[tilespmem:s24+$0x0] =	vst.add.f32.msk $0xffff, v5  }
0xbb: {  	s16 =	sadd.s32 $0x400, s16;
	[tilespmem:s30+$0x0] =	vst.add.f32.msk $0xffff, v6  }
0xbc: {  	[tilespmem:s19+$0x0] =	vst.add.f32.msk $0xffff, v2  }
0xbd: {  	[tilespmem:s18+$0x0] =	vst.add.f32.msk $0xffff, v1  }
0xbe: {  	[tilespmem:s17+$0x0] =	vst.add.f32.msk $0xffff, v0  }
0xbf: {  	s14 =	rddreg [dreg:$0xa]  }
0xc0: {  	[hbm4b:s14+s1] =	stream.linear.scatter [tilespmem:s25], [sflag:$0x6], $0x2000, $0x38;
	[tilespmem:$0x18000] =	vst v63  }
0xc1: {  	s15 =	simm.s32 $0x2000;
	s14 =	simm.s32 $0x10000  }
0xc2: {  	s16 =	simm.s32 $0x400;
	s21 =	sand.u32 $0x2000, s15;
	s22 =	sand.u32 $0x1C00, s14  }
0xc3: {  	s23 =	sand.u32 $0x380, s16;
	s17 =	sor.u32 s21, s22  }
0xc4: {  	s18 =	sor.u32 s23, s17  }
0xc5: {  	v0 =	vld [tilespmem:s18+$0x10070]  }
0xc6: {  	v4 =	vld [tilespmem:s18+$0x10000]  }
0xc7: {  	v5 =	vld [tilespmem:s18+$0x10010]  }
0xc8: {  	v6 =	vld [tilespmem:s18+$0x10020]  }
0xc9: {  	v2 =	vld [tilespmem:s18+$0x10030]  }
0xca: {  	v3 =	vld [tilespmem:s18+$0x10040]  }
0xcb: {  	s17 =	sor.u32 $0x4070, s18;
	v1 =	vld [tilespmem:s18+$0x10060]  }
0xcc: {  	[tilespmem:s17+$0x0] =	vst.add.f32.msk $0xffff, v0  }
0xcd: {  	s24 =	sor.u32 $0x4000, s18;
	v0 =	vld [tilespmem:s18+$0x10050]  }
0xce: {  	s30 =	sor.u32 $0x4010, s18;
	[tilespmem:s24+$0x0] =	vst.add.f32.msk $0xffff, v4  }
0xcf: {  	s21 =	sor.u32 $0x4020, s18;
	s20 =	sor.u32 $0x4030, s18;
	[tilespmem:s30+$0x0] =	vst.add.f32.msk $0xffff, v5  }
0xd0: {  	s19 =	sor.u32 $0x4040, s18;
	s17 =	sor.u32 $0x4050, s18;
	s18 =	sor.u32 $0x4060, s18;
	[tilespmem:s21+$0x0] =	vst.add.f32.msk $0xffff, v6  }
.LBB2_8:
0xd1: {  	s15 =	sadd.s32 $0x80, s15;
	[tilespmem:s20+$0x0] =	vst.add.f32.msk $0xffff, v2;
	s14 =	sadd.s32 $0x400, s14  }
0xd2: {  	s16 =	sadd.s32 $0x10, s16;
	s20 =	sand.u32 $0x2000, s15;
	s21 =	sand.u32 $0x1C00, s14;
	[tilespmem:s19+$0x0] =	vst.add.f32.msk $0xffff, v3  }
0xd3: {  	p0 =	slt.u32 s15, $0x3F80;
	s19 =	sor.u32 s20, s21;
	s20 =	sand.u32 $0x380, s16;
	[tilespmem:s17+$0x0] =	vst.add.f32.msk $0xffff, v0  }
0xd4: {  	s21 =	sor.u32 s20, s19;
	[tilespmem:s18+$0x0] =	vst.add.f32.msk $0xffff, v1  }
0xd5: {  	s22 =	sor.u32 $0x4000, s21;
	s23 =	sor.u32 $0x4010, s21;
	s24 =	sor.u32 $0x4020, s21;
	v0 =	vld [tilespmem:s21+$0x10070]  }
0xd6: {  	s20 =	sor.u32 $0x4030, s21;
	s19 =	sor.u32 $0x4040, s21;
	s17 =	sor.u32 $0x4050, s21;
	v4 =	vld [tilespmem:s21+$0x10000]  }
0xd7: {  	s18 =	sor.u32 $0x4060, s21;
	v5 =	vld [tilespmem:s21+$0x10010]  }
0xd8: {  	v6 =	vld [tilespmem:s21+$0x10020]  }
0xd9: {  	s30 =	sor.u32 $0x4070, s21;
	v2 =	vld [tilespmem:s21+$0x10030]  }
0xda: {  	[tilespmem:s30+$0x0] =	vst.add.f32.msk $0xffff, v0  }
0xdb: {  	v3 =	vld [tilespmem:s21+$0x10040]  }
.Ltmp3:
0xdc: {  	v0 =	vld [tilespmem:s21+$0x10050];
	(pc) =	sbr.rel @p0 .LBB2_8-.Ltmp3, $4  }
0xdd: {  	v1 =	vld [tilespmem:s21+$0x10060]  }
0xde: {  	[tilespmem:s22+$0x0] =	vst.add.f32.msk $0xffff, v4  }
0xdf: {  	[tilespmem:s23+$0x0] =	vst.add.f32.msk $0xffff, v5  }
0xe0: {  	[tilespmem:s24+$0x0] =	vst.add.f32.msk $0xffff, v6  }
0xe1: {  	[tilespmem:s20+$0x0] =	vst.add.f32.msk $0xffff, v2  }
0xe2: {  	[tilespmem:s19+$0x0] =	vst.add.f32.msk $0xffff, v3  }
0xe3: {  	[tilespmem:s17+$0x0] =	vst.add.f32.msk $0xffff, v0  }
0xe4: {  	[tilespmem:s18+$0x0] =	vst.add.f32.msk $0xffff, v1  }
0xe5: {  	s15 =	sld [smem:$0x7EF];
	_ =	sdelay $0x1  }
0xe6: {  	s14 =	simm.s32 $0x0  }
0xe7: {  	[hbm4b:s15+s14] =	stream.linear.scatter [tilespmem:s4], [sflag:$0x6], $0x2000, $0x38;
	[tilespmem:$0x18000] =	vst v63  }
0xe8: {  	_ =	swait.ge [sflag:s5], $0x4000  }
0xe9: {  	[sflag:s5] =	ssyncset.done $0x0  }
0xea: {  	s20 =	rddreg [dreg:$0xb];
	[sflag:s5] =	ssyncadd.s32 $0xFFFFC000  }
0xeb: {  	[tilespmem:s25], [sflag:$0x2] =	stream.linear.gather [hbm4b:s20+s14], $0x4000, $0x38;
	[tilespmem:$0x18000] =	vst v63  }
0xec: {  	s21 =	sand.u32 $0x1C00, s14;
	_ =	swait.ge [sflag:s6], $0x4000  }
0xed: {  	s16 =	sor.u32 s21, s14;
	[sflag:s6] =	ssyncset.done $0x0  }
0xee: {  	s22 =	sand.u32 $0x380, s14;
	s16 =	sor.u32 $0x70, s16;
	[sflag:s6] =	ssyncadd.s32 $0xFFFFC000  }
0xef: {  	s17 =	sor.u32 s22, s21;
	v0 =	vld [tilespmem:s16+$0x10000]  }
0xf0: {  	v3 =	vld [tilespmem:s17+$0x10000]  }
0xf1: {  	v4 =	vld [tilespmem:s17+$0x10010]  }
0xf2: {  	v5 =	vld [tilespmem:s17+$0x10020]  }
0xf3: {  	v6 =	vld [tilespmem:s17+$0x10030]  }
0xf4: {  	v2 =	vld [tilespmem:s17+$0x10040]  }
0xf5: {  	v1 =	vld [tilespmem:s17+$0x10050]  }
0xf6: {  	[tilespmem:s16+$0x8000] =	vst.add.f32.msk $0xffff, v0  }
0xf7: {  	s15 =	sor.u32 $0x8000, s17;
	v0 =	vld [tilespmem:s17+$0x10060]  }
0xf8: {  	s23 =	sor.u32 $0x8010, s17;
	[tilespmem:s15+$0x0] =	vst.add.f32.msk $0xffff, v3  }
0xf9: {  	s24 =	sor.u32 $0x8020, s17;
	[tilespmem:s23+$0x0] =	vst.add.f32.msk $0xffff, v4  }
0xfa: {  	s30 =	sor.u32 $0x8030, s17;
	s19 =	sor.u32 $0x8040, s17;
	s18 =	sor.u32 $0x8050, s17;
	[tilespmem:s24+$0x0] =	vst.add.f32.msk $0xffff, v5  }
0xfb: {  	s15 =	simm.s32 $0x0;
	s17 =	sor.u32 $0x8060, s17;
	[tilespmem:s30+$0x0] =	vst.add.f32.msk $0xffff, v6;
	s16 =	simm.s32 $0x400  }
.LBB2_10:
0xfc: {  	s20 =	sand.u32 $0x1C00, s16;
	s15 =	sadd.s32 $0x80, s15;
	[tilespmem:s19+$0x0] =	vst.add.f32.msk $0xffff, v2;
	s14 =	sadd.s32 $0x10, s14  }
0xfd: {  	s19 =	sand.u32 $0x380, s14;
	s21 =	sor.u32 s20, s14;
	p0 =	slt.u32 s15, $0x1F80;
	[tilespmem:s18+$0x0] =	vst.add.f32.msk $0xffff, v1  }
0xfe: {  	s20 =	sor.u32 s19, s20;
	s21 =	sor.u32 $0x70, s21;
	[tilespmem:s17+$0x0] =	vst.add.f32.msk $0xffff, v0  }
0xff: {  	s22 =	sor.u32 $0x8000, s20;
	s23 =	sor.u32 $0x8010, s20;
	s24 =	sor.u32 $0x8020, s20;
	v0 =	vld [tilespmem:s21+$0x10000]  }
0x100: {  	s30 =	sor.u32 $0x8030, s20;
	s19 =	sor.u32 $0x8040, s20;
	s18 =	sor.u32 $0x8050, s20;
	v3 =	vld [tilespmem:s20+$0x10000]  }
0x101: {  	s17 =	sor.u32 $0x8060, s20;
	v4 =	vld [tilespmem:s20+$0x10010]  }
0x102: {  	v5 =	vld [tilespmem:s20+$0x10020]  }
0x103: {  	v6 =	vld [tilespmem:s20+$0x10030]  }
0x104: {  	[tilespmem:s21+$0x8000] =	vst.add.f32.msk $0xffff, v0  }
0x105: {  	v2 =	vld [tilespmem:s20+$0x10040]  }
0x106: {  	v1 =	vld [tilespmem:s20+$0x10050]  }
.Ltmp4:
0x107: {  	v0 =	vld [tilespmem:s20+$0x10060];
	(pc) =	sbr.rel @p0 .LBB2_10-.Ltmp4, $4  }
0x108: {  	[tilespmem:s22+$0x0] =	vst.add.f32.msk $0xffff, v3  }
0x109: {  	[tilespmem:s23+$0x0] =	vst.add.f32.msk $0xffff, v4  }
0x10a: {  	[tilespmem:s24+$0x0] =	vst.add.f32.msk $0xffff, v5  }
0x10b: {  	s16 =	sadd.s32 $0x400, s16;
	[tilespmem:s30+$0x0] =	vst.add.f32.msk $0xffff, v6  }
0x10c: {  	[tilespmem:s19+$0x0] =	vst.add.f32.msk $0xffff, v2  }
0x10d: {  	[tilespmem:s18+$0x0] =	vst.add.f32.msk $0xffff, v1  }
0x10e: {  	[tilespmem:s17+$0x0] =	vst.add.f32.msk $0xffff, v0  }
0x10f: {  	s14 =	rddreg [dreg:$0xc]  }
0x110: {  	[hbm4b:s14+s1] =	stream.linear.scatter [tilespmem:s26], [sflag:$0x7], $0x2000, $0x38;
	[tilespmem:$0x18000] =	vst v63  }
0x111: {  	s15 =	simm.s32 $0x2000;
	s14 =	simm.s32 $0x10000  }
0x112: {  	s16 =	simm.s32 $0x400;
	s21 =	sand.u32 $0x2000, s15;
	s22 =	sand.u32 $0x1C00, s14  }
0x113: {  	s23 =	sand.u32 $0x380, s16;
	s17 =	sor.u32 s21, s22  }
0x114: {  	s18 =	sor.u32 s23, s17  }
0x115: {  	v0 =	vld [tilespmem:s18+$0x10070]  }
0x116: {  	v4 =	vld [tilespmem:s18+$0x10000]  }
0x117: {  	v5 =	vld [tilespmem:s18+$0x10010]  }
0x118: {  	v6 =	vld [tilespmem:s18+$0x10020]  }
0x119: {  	v2 =	vld [tilespmem:s18+$0x10030]  }
0x11a: {  	v3 =	vld [tilespmem:s18+$0x10040]  }
0x11b: {  	s17 =	sor.u32 $0x8070, s18;
	v1 =	vld [tilespmem:s18+$0x10060]  }
0x11c: {  	[tilespmem:s17+$0x0] =	vst.add.f32.msk $0xffff, v0  }
0x11d: {  	s24 =	sor.u32 $0x8000, s18;
	v0 =	vld [tilespmem:s18+$0x10050]  }
0x11e: {  	s30 =	sor.u32 $0x8010, s18;
	[tilespmem:s24+$0x0] =	vst.add.f32.msk $0xffff, v4  }
0x11f: {  	s21 =	sor.u32 $0x8020, s18;
	s20 =	sor.u32 $0x8030, s18;
	[tilespmem:s30+$0x0] =	vst.add.f32.msk $0xffff, v5  }
0x120: {  	s19 =	sor.u32 $0x8040, s18;
	s17 =	sor.u32 $0x8050, s18;
	s18 =	sor.u32 $0x8060, s18;
	[tilespmem:s21+$0x0] =	vst.add.f32.msk $0xffff, v6  }
.LBB2_12:
0x121: {  	s15 =	sadd.s32 $0x80, s15;
	[tilespmem:s20+$0x0] =	vst.add.f32.msk $0xffff, v2;
	s14 =	sadd.s32 $0x400, s14  }
0x122: {  	s16 =	sadd.s32 $0x10, s16;
	s20 =	sand.u32 $0x2000, s15;
	s21 =	sand.u32 $0x1C00, s14;
	[tilespmem:s19+$0x0] =	vst.add.f32.msk $0xffff, v3  }
0x123: {  	p0 =	slt.u32 s15, $0x3F80;
	s19 =	sor.u32 s20, s21;
	s20 =	sand.u32 $0x380, s16;
	[tilespmem:s17+$0x0] =	vst.add.f32.msk $0xffff, v0  }
0x124: {  	s21 =	sor.u32 s20, s19;
	[tilespmem:s18+$0x0] =	vst.add.f32.msk $0xffff, v1  }
0x125: {  	s22 =	sor.u32 $0x8000, s21;
	s23 =	sor.u32 $0x8010, s21;
	s24 =	sor.u32 $0x8020, s21;
	v0 =	vld [tilespmem:s21+$0x10070]  }
0x126: {  	s20 =	sor.u32 $0x8030, s21;
	s19 =	sor.u32 $0x8040, s21;
	s17 =	sor.u32 $0x8050, s21;
	v4 =	vld [tilespmem:s21+$0x10000]  }
0x127: {  	s18 =	sor.u32 $0x8060, s21;
	v5 =	vld [tilespmem:s21+$0x10010]  }
0x128: {  	v6 =	vld [tilespmem:s21+$0x10020]  }
0x129: {  	s30 =	sor.u32 $0x8070, s21;
	v2 =	vld [tilespmem:s21+$0x10030]  }
0x12a: {  	[tilespmem:s30+$0x0] =	vst.add.f32.msk $0xffff, v0  }
0x12b: {  	v3 =	vld [tilespmem:s21+$0x10040]  }
.Ltmp5:
0x12c: {  	v0 =	vld [tilespmem:s21+$0x10050];
	(pc) =	sbr.rel @p0 .LBB2_12-.Ltmp5, $4  }
0x12d: {  	v1 =	vld [tilespmem:s21+$0x10060]  }
0x12e: {  	[tilespmem:s22+$0x0] =	vst.add.f32.msk $0xffff, v4  }
0x12f: {  	[tilespmem:s23+$0x0] =	vst.add.f32.msk $0xffff, v5  }
0x130: {  	[tilespmem:s24+$0x0] =	vst.add.f32.msk $0xffff, v6  }
0x131: {  	[tilespmem:s20+$0x0] =	vst.add.f32.msk $0xffff, v2  }
0x132: {  	[tilespmem:s19+$0x0] =	vst.add.f32.msk $0xffff, v3  }
0x133: {  	[tilespmem:s17+$0x0] =	vst.add.f32.msk $0xffff, v0  }
0x134: {  	[tilespmem:s18+$0x0] =	vst.add.f32.msk $0xffff, v1  }
0x135: {  	s15 =	sld [smem:$0x7F0];
	_ =	sdelay $0x1  }
0x136: {  	s14 =	simm.s32 $0x0  }
0x137: {  	[hbm4b:s15+s14] =	stream.linear.scatter [tilespmem:s7], [sflag:$0x7], $0x2000, $0x38;
	[tilespmem:$0x18000] =	vst v63  }
0x138: {  	_ =	swait.ge [sflag:s8], $0x4000  }
0x139: {  	[sflag:s8] =	ssyncset.done $0x0  }
0x13a: {  	s20 =	rddreg [dreg:$0xd];
	[sflag:s8] =	ssyncadd.s32 $0xFFFFC000  }
0x13b: {  	[tilespmem:s26], [sflag:$0x3] =	stream.linear.gather [hbm4b:s20+s14], $0x4000, $0x38;
	[tilespmem:$0x18000] =	vst v63  }
0x13c: {  	s21 =	sand.u32 $0x1C00, s14;
	_ =	swait.ge [sflag:s9], $0x4000  }
0x13d: {  	s16 =	sor.u32 s21, s14;
	[sflag:s9] =	ssyncset.done $0x0  }
0x13e: {  	s22 =	sand.u32 $0x380, s14;
	s16 =	sor.u32 $0x70, s16;
	[sflag:s9] =	ssyncadd.s32 $0xFFFFC000  }
0x13f: {  	s17 =	sor.u32 s22, s21;
	v0 =	vld [tilespmem:s16+$0x10000]  }
0x140: {  	v3 =	vld [tilespmem:s17+$0x10000]  }
0x141: {  	v4 =	vld [tilespmem:s17+$0x10010]  }
0x142: {  	v5 =	vld [tilespmem:s17+$0x10020]  }
0x143: {  	v6 =	vld [tilespmem:s17+$0x10030]  }
0x144: {  	v2 =	vld [tilespmem:s17+$0x10040]  }
0x145: {  	v1 =	vld [tilespmem:s17+$0x10050]  }
0x146: {  	[tilespmem:s16+$0xC000] =	vst.add.f32.msk $0xffff, v0  }
0x147: {  	s15 =	sor.u32 $0xC000, s17;
	v0 =	vld [tilespmem:s17+$0x10060]  }
0x148: {  	s23 =	sor.u32 $0xC010, s17;
	[tilespmem:s15+$0x0] =	vst.add.f32.msk $0xffff, v3  }
0x149: {  	s24 =	sor.u32 $0xC020, s17;
	[tilespmem:s23+$0x0] =	vst.add.f32.msk $0xffff, v4  }
0x14a: {  	s30 =	sor.u32 $0xC030, s17;
	s19 =	sor.u32 $0xC040, s17;
	s18 =	sor.u32 $0xC050, s17;
	[tilespmem:s24+$0x0] =	vst.add.f32.msk $0xffff, v5  }
0x14b: {  	s15 =	simm.s32 $0x0;
	s17 =	sor.u32 $0xC060, s17;
	[tilespmem:s30+$0x0] =	vst.add.f32.msk $0xffff, v6;
	s16 =	simm.s32 $0x400  }
.LBB2_14:
0x14c: {  	s20 =	sand.u32 $0x1C00, s16;
	s15 =	sadd.s32 $0x80, s15;
	[tilespmem:s19+$0x0] =	vst.add.f32.msk $0xffff, v2;
	s14 =	sadd.s32 $0x10, s14  }
0x14d: {  	s19 =	sand.u32 $0x380, s14;
	s21 =	sor.u32 s20, s14;
	p0 =	slt.u32 s15, $0x1F80;
	[tilespmem:s18+$0x0] =	vst.add.f32.msk $0xffff, v1  }
0x14e: {  	s20 =	sor.u32 s19, s20;
	s21 =	sor.u32 $0x70, s21;
	[tilespmem:s17+$0x0] =	vst.add.f32.msk $0xffff, v0  }
0x14f: {  	s22 =	sor.u32 $0xC000, s20;
	s23 =	sor.u32 $0xC010, s20;
	s24 =	sor.u32 $0xC020, s20;
	v0 =	vld [tilespmem:s21+$0x10000]  }
0x150: {  	s30 =	sor.u32 $0xC030, s20;
	s19 =	sor.u32 $0xC040, s20;
	s18 =	sor.u32 $0xC050, s20;
	v3 =	vld [tilespmem:s20+$0x10000]  }
0x151: {  	s17 =	sor.u32 $0xC060, s20;
	v4 =	vld [tilespmem:s20+$0x10010]  }
0x152: {  	v5 =	vld [tilespmem:s20+$0x10020]  }
0x153: {  	v6 =	vld [tilespmem:s20+$0x10030]  }
0x154: {  	[tilespmem:s21+$0xC000] =	vst.add.f32.msk $0xffff, v0  }
0x155: {  	v2 =	vld [tilespmem:s20+$0x10040]  }
0x156: {  	v1 =	vld [tilespmem:s20+$0x10050]  }
.Ltmp6:
0x157: {  	v0 =	vld [tilespmem:s20+$0x10060];
	(pc) =	sbr.rel @p0 .LBB2_14-.Ltmp6, $4  }
0x158: {  	[tilespmem:s22+$0x0] =	vst.add.f32.msk $0xffff, v3  }
0x159: {  	[tilespmem:s23+$0x0] =	vst.add.f32.msk $0xffff, v4  }
0x15a: {  	[tilespmem:s24+$0x0] =	vst.add.f32.msk $0xffff, v5  }
0x15b: {  	s16 =	sadd.s32 $0x400, s16;
	[tilespmem:s30+$0x0] =	vst.add.f32.msk $0xffff, v6  }
0x15c: {  	[tilespmem:s19+$0x0] =	vst.add.f32.msk $0xffff, v2  }
0x15d: {  	[tilespmem:s18+$0x0] =	vst.add.f32.msk $0xffff, v1  }
0x15e: {  	[tilespmem:s17+$0x0] =	vst.add.f32.msk $0xffff, v0  }
0x15f: {  	s14 =	rddreg [dreg:$0xe]  }
0x160: {  	[hbm4b:s14+s1] =	stream.linear.scatter [tilespmem:s28], [sflag:$0x8], $0x2000, $0x38;
	[tilespmem:$0x18000] =	vst v63  }
0x161: {  	s15 =	simm.s32 $0x2000;
	s14 =	simm.s32 $0x10000  }
0x162: {  	s16 =	simm.s32 $0x400;
	s21 =	sand.u32 $0x2000, s15;
	s22 =	sand.u32 $0x1C00, s14  }
0x163: {  	s23 =	sand.u32 $0x380, s16;
	s17 =	sor.u32 s21, s22  }
0x164: {  	s18 =	sor.u32 s23, s17  }
0x165: {  	v0 =	vld [tilespmem:s18+$0x10070]  }
0x166: {  	v4 =	vld [tilespmem:s18+$0x10000]  }
0x167: {  	v5 =	vld [tilespmem:s18+$0x10010]  }
0x168: {  	v6 =	vld [tilespmem:s18+$0x10020]  }
0x169: {  	v2 =	vld [tilespmem:s18+$0x10030]  }
0x16a: {  	v3 =	vld [tilespmem:s18+$0x10040]  }
0x16b: {  	s17 =	sor.u32 $0xC070, s18;
	v1 =	vld [tilespmem:s18+$0x10060]  }
0x16c: {  	[tilespmem:s17+$0x0] =	vst.add.f32.msk $0xffff, v0  }
0x16d: {  	s24 =	sor.u32 $0xC000, s18;
	v0 =	vld [tilespmem:s18+$0x10050]  }
0x16e: {  	s30 =	sor.u32 $0xC010, s18;
	[tilespmem:s24+$0x0] =	vst.add.f32.msk $0xffff, v4  }
0x16f: {  	s21 =	sor.u32 $0xC020, s18;
	s20 =	sor.u32 $0xC030, s18;
	[tilespmem:s30+$0x0] =	vst.add.f32.msk $0xffff, v5  }
0x170: {  	s19 =	sor.u32 $0xC040, s18;
	s17 =	sor.u32 $0xC050, s18;
	s18 =	sor.u32 $0xC060, s18;
	[tilespmem:s21+$0x0] =	vst.add.f32.msk $0xffff, v6  }
.LBB2_16:
0x171: {  	s15 =	sadd.s32 $0x80, s15;
	[tilespmem:s20+$0x0] =	vst.add.f32.msk $0xffff, v2;
	s14 =	sadd.s32 $0x400, s14  }
0x172: {  	s16 =	sadd.s32 $0x10, s16;
	s20 =	sand.u32 $0x2000, s15;
	s21 =	sand.u32 $0x1C00, s14;
	[tilespmem:s19+$0x0] =	vst.add.f32.msk $0xffff, v3  }
0x173: {  	p0 =	slt.u32 s15, $0x3F80;
	s19 =	sor.u32 s20, s21;
	s20 =	sand.u32 $0x380, s16;
	[tilespmem:s17+$0x0] =	vst.add.f32.msk $0xffff, v0  }
0x174: {  	s21 =	sor.u32 s20, s19;
	[tilespmem:s18+$0x0] =	vst.add.f32.msk $0xffff, v1  }
0x175: {  	s22 =	sor.u32 $0xC000, s21;
	s23 =	sor.u32 $0xC010, s21;
	s24 =	sor.u32 $0xC020, s21;
	v0 =	vld [tilespmem:s21+$0x10070]  }
0x176: {  	s20 =	sor.u32 $0xC030, s21;
	s19 =	sor.u32 $0xC040, s21;
	s17 =	sor.u32 $0xC050, s21;
	v4 =	vld [tilespmem:s21+$0x10000]  }
0x177: {  	s18 =	sor.u32 $0xC060, s21;
	v5 =	vld [tilespmem:s21+$0x10010]  }
0x178: {  	v6 =	vld [tilespmem:s21+$0x10020]  }
0x179: {  	s30 =	sor.u32 $0xC070, s21;
	v2 =	vld [tilespmem:s21+$0x10030]  }
0x17a: {  	[tilespmem:s30+$0x0] =	vst.add.f32.msk $0xffff, v0  }
0x17b: {  	v3 =	vld [tilespmem:s21+$0x10040]  }
.Ltmp7:
0x17c: {  	v0 =	vld [tilespmem:s21+$0x10050];
	(pc) =	sbr.rel @p0 .LBB2_16-.Ltmp7, $4  }
0x17d: {  	v1 =	vld [tilespmem:s21+$0x10060]  }
0x17e: {  	[tilespmem:s22+$0x0] =	vst.add.f32.msk $0xffff, v4  }
0x17f: {  	[tilespmem:s23+$0x0] =	vst.add.f32.msk $0xffff, v5  }
0x180: {  	[tilespmem:s24+$0x0] =	vst.add.f32.msk $0xffff, v6  }
0x181: {  	[tilespmem:s20+$0x0] =	vst.add.f32.msk $0xffff, v2  }
0x182: {  	[tilespmem:s19+$0x0] =	vst.add.f32.msk $0xffff, v3  }
0x183: {  	[tilespmem:s17+$0x0] =	vst.add.f32.msk $0xffff, v0  }
0x184: {  	[tilespmem:s18+$0x0] =	vst.add.f32.msk $0xffff, v1  }
0x185: {  	s15 =	sld [smem:$0x7F1];
	_ =	sdelay $0x1  }
0x186: {  	s14 =	simm.s32 $0x0  }
0x187: {  	[hbm4b:s15+s14] =	stream.linear.scatter [tilespmem:s10], [sflag:$0x8], $0x2000, $0x38;
	[tilespmem:$0x18000] =	vst v63  }
0x188: {  	s16 =	simm.s32 $0x10000;
	s19 =	rddreg [dreg:$0xf]  }
0x189: {  	[tilespmem:s16], [sflag:$0x9] =	stream.linear.gather [hbm4b:s19+s14], $0x4000, $0x38;
	[tilespmem:$0x18000] =	vst v63  }
0x18a: {  	_ =	swait.ge [sflag:s11], $0x4000  }
0x18b: {  	[sflag:s11] =	ssyncset.done $0x0  }
0x18c: {  	s20 =	rddreg [dreg:$0x10];
	[sflag:s11] =	ssyncadd.s32 $0xFFFFC000  }
0x18d: {  	[tilespmem:s28], [sflag:$0x4] =	stream.linear.gather [hbm4b:s20+s14], $0x4000, $0x38;
	[tilespmem:$0x18000] =	vst v63  }
0x18e: {  	_ =	swait.ge [sflag:s29], $0x4000  }
0x18f: {  	[sflag:s29] =	ssyncset.done $0x0  }
0x190: {  	[sflag:s29] =	ssyncadd.s32 $0xFFFFC000  }
0x191: {  	s21 =	sand.u32 $0x1C00, s14;
	_ =	swait.ge [sflag:s12], $0x4000  }
0x192: {  	s22 =	sor.u32 s21, s14;
	[sflag:s12] =	ssyncset.done $0x0  }
0x193: {  	s23 =	sand.u32 $0x380, s14;
	s16 =	sor.u32 $0x70, s22;
	[sflag:s12] =	ssyncadd.s32 $0xFFFFC000  }
0x194: {  	s17 =	sor.u32 s23, s21;
	v0 =	vld [tilespmem:s16+$0x14000]  }
0x195: {  	v3 =	vld [tilespmem:s17+$0x14000]  }
0x196: {  	v4 =	vld [tilespmem:s17+$0x14010]  }
0x197: {  	v5 =	vld [tilespmem:s17+$0x14020]  }
0x198: {  	v6 =	vld [tilespmem:s17+$0x14030]  }
0x199: {  	v2 =	vld [tilespmem:s17+$0x14040]  }
0x19a: {  	v1 =	vld [tilespmem:s17+$0x14050]  }
0x19b: {  	[tilespmem:s16+$0x0] =	vst.add.f32.msk $0xffff, v0  }
0x19c: {  	v0 =	vld [tilespmem:s17+$0x14060]  }
0x19d: {  	s15 =	sor.u32 $0x10, s17;
	[tilespmem:s17+$0x0] =	vst.add.f32.msk $0xffff, v3  }
0x19e: {  	s24 =	sor.u32 $0x20, s17;
	[tilespmem:s15+$0x0] =	vst.add.f32.msk $0xffff, v4  }
0x19f: {  	s30 =	sor.u32 $0x30, s17;
	s18 =	sor.u32 $0x50, s17;
	s19 =	sor.u32 $0x40, s17;
	[tilespmem:s24+$0x0] =	vst.add.f32.msk $0xffff, v5  }
0x1a0: {  	s15 =	simm.s32 $0x0;
	s17 =	sor.u32 $0x60, s17;
	[tilespmem:s30+$0x0] =	vst.add.f32.msk $0xffff, v6;
	s16 =	simm.s32 $0x400  }
.LBB2_18:
0x1a1: {  	s20 =	sand.u32 $0x1C00, s16;
	s15 =	sadd.s32 $0x80, s15;
	[tilespmem:s19+$0x0] =	vst.add.f32.msk $0xffff, v2;
	s14 =	sadd.s32 $0x10, s14  }
0x1a2: {  	s19 =	sand.u32 $0x380, s14;
	s21 =	sor.u32 s20, s14;
	p0 =	slt.u32 s15, $0x1F80;
	[tilespmem:s18+$0x0] =	vst.add.f32.msk $0xffff, v1  }
0x1a3: {  	s20 =	sor.u32 s19, s20;
	s21 =	sor.u32 $0x70, s21;
	[tilespmem:s17+$0x0] =	vst.add.f32.msk $0xffff, v0  }
0x1a4: {  	s22 =	sor.u32 $0x10, s20;
	s23 =	sor.u32 $0x20, s20;
	s24 =	sor.u32 $0x30, s20;
	v0 =	vld [tilespmem:s21+$0x14000]  }
0x1a5: {  	s19 =	sor.u32 $0x40, s20;
	s18 =	sor.u32 $0x50, s20;
	s17 =	sor.u32 $0x60, s20;
	v3 =	vld [tilespmem:s20+$0x14000]  }
0x1a6: {  	v4 =	vld [tilespmem:s20+$0x14010]  }
0x1a7: {  	v5 =	vld [tilespmem:s20+$0x14020]  }
0x1a8: {  	v6 =	vld [tilespmem:s20+$0x14030]  }
0x1a9: {  	[tilespmem:s21+$0x0] =	vst.add.f32.msk $0xffff, v0  }
0x1aa: {  	v2 =	vld [tilespmem:s20+$0x14040]  }
0x1ab: {  	v1 =	vld [tilespmem:s20+$0x14050]  }
.Ltmp8:
0x1ac: {  	v0 =	vld [tilespmem:s20+$0x14060];
	(pc) =	sbr.rel @p0 .LBB2_18-.Ltmp8, $4  }
0x1ad: {  	[tilespmem:s20+$0x0] =	vst.add.f32.msk $0xffff, v3  }
0x1ae: {  	[tilespmem:s22+$0x0] =	vst.add.f32.msk $0xffff, v4  }
0x1af: {  	[tilespmem:s23+$0x0] =	vst.add.f32.msk $0xffff, v5  }
0x1b0: {  	s16 =	sadd.s32 $0x400, s16;
	[tilespmem:s24+$0x0] =	vst.add.f32.msk $0xffff, v6  }
0x1b1: {  	[tilespmem:s19+$0x0] =	vst.add.f32.msk $0xffff, v2  }
0x1b2: {  	[tilespmem:s18+$0x0] =	vst.add.f32.msk $0xffff, v1  }
0x1b3: {  	[tilespmem:s17+$0x0] =	vst.add.f32.msk $0xffff, v0  }
0x1b4: {  	s14 =	rddreg [dreg:$0x11]  }
0x1b5: {  	[hbm4b:s14+s1] =	stream.linear.scatter [tilespmem:s1], [sflag:$0x5], $0x2000, $0x38;
	[tilespmem:$0x18000] =	vst v63  }
0x1b6: {  	s15 =	simm.s32 $0x2000;
	s14 =	simm.s32 $0x10000  }
0x1b7: {  	s16 =	simm.s32 $0x400;
	s22 =	sand.u32 $0x2000, s15;
	s23 =	sand.u32 $0x1C00, s14  }
0x1b8: {  	s24 =	sand.u32 $0x380, s16;
	s17 =	sor.u32 s22, s23  }
0x1b9: {  	s17 =	sor.u32 s24, s17  }
0x1ba: {  	v0 =	vld [tilespmem:s17+$0x14070]  }
0x1bb: {  	v4 =	vld [tilespmem:s17+$0x14000]  }
0x1bc: {  	v5 =	vld [tilespmem:s17+$0x14010]  }
0x1bd: {  	v6 =	vld [tilespmem:s17+$0x14020]  }
0x1be: {  	v2 =	vld [tilespmem:s17+$0x14030]  }
0x1bf: {  	v3 =	vld [tilespmem:s17+$0x14040]  }
0x1c0: {  	s18 =	sor.u32 $0x70, s17;
	v1 =	vld [tilespmem:s17+$0x14050]  }
0x1c1: {  	[tilespmem:s18+$0x0] =	vst.add.f32.msk $0xffff, v0  }
0x1c2: {  	v0 =	vld [tilespmem:s17+$0x14060]  }
0x1c3: {  	s30 =	sor.u32 $0x10, s17;
	[tilespmem:s17+$0x0] =	vst.add.f32.msk $0xffff, v4  }
0x1c4: {  	s21 =	sor.u32 $0x20, s17;
	s19 =	sor.u32 $0x30, s17;
	[tilespmem:s30+$0x0] =	vst.add.f32.msk $0xffff, v5  }
0x1c5: {  	s20 =	sor.u32 $0x40, s17;
	s18 =	sor.u32 $0x50, s17;
	s17 =	sor.u32 $0x60, s17;
	[tilespmem:s21+$0x0] =	vst.add.f32.msk $0xffff, v6  }
.LBB2_20:
0x1c6: {  	s15 =	sadd.s32 $0x80, s15;
	[tilespmem:s19+$0x0] =	vst.add.f32.msk $0xffff, v2;
	s14 =	sadd.s32 $0x400, s14  }
0x1c7: {  	s16 =	sadd.s32 $0x10, s16;
	s19 =	sand.u32 $0x2000, s15;
	s21 =	sand.u32 $0x1C00, s14;
	[tilespmem:s20+$0x0] =	vst.add.f32.msk $0xffff, v3  }
0x1c8: {  	s20 =	sand.u32 $0x380, s16;
	p0 =	slt.u32 s15, $0x3F80;
	s19 =	sor.u32 s19, s21;
	[tilespmem:s18+$0x0] =	vst.add.f32.msk $0xffff, v1  }
0x1c9: {  	s21 =	sor.u32 s20, s19;
	[tilespmem:s17+$0x0] =	vst.add.f32.msk $0xffff, v0  }
0x1ca: {  	s22 =	sor.u32 $0x10, s21;
	s23 =	sor.u32 $0x20, s21;
	s19 =	sor.u32 $0x30, s21;
	v0 =	vld [tilespmem:s21+$0x14070]  }
0x1cb: {  	s20 =	sor.u32 $0x40, s21;
	s18 =	sor.u32 $0x50, s21;
	s17 =	sor.u32 $0x60, s21;
	v4 =	vld [tilespmem:s21+$0x14000]  }
0x1cc: {  	v5 =	vld [tilespmem:s21+$0x14010]  }
0x1cd: {  	v6 =	vld [tilespmem:s21+$0x14020]  }
0x1ce: {  	s24 =	sor.u32 $0x70, s21;
	v2 =	vld [tilespmem:s21+$0x14030]  }
0x1cf: {  	[tilespmem:s24+$0x0] =	vst.add.f32.msk $0xffff, v0  }
0x1d0: {  	v3 =	vld [tilespmem:s21+$0x14040]  }
.Ltmp9:
0x1d1: {  	v1 =	vld [tilespmem:s21+$0x14050];
	(pc) =	sbr.rel @p0 .LBB2_20-.Ltmp9, $4  }
0x1d2: {  	v0 =	vld [tilespmem:s21+$0x14060]  }
0x1d3: {  	[tilespmem:s21+$0x0] =	vst.add.f32.msk $0xffff, v4  }
0x1d4: {  	[tilespmem:s22+$0x0] =	vst.add.f32.msk $0xffff, v5  }
0x1d5: {  	[tilespmem:s23+$0x0] =	vst.add.f32.msk $0xffff, v6  }
0x1d6: {  	[tilespmem:s19+$0x0] =	vst.add.f32.msk $0xffff, v2  }
0x1d7: {  	[tilespmem:s20+$0x0] =	vst.add.f32.msk $0xffff, v3  }
0x1d8: {  	[tilespmem:s18+$0x0] =	vst.add.f32.msk $0xffff, v1  }
0x1d9: {  	[tilespmem:s17+$0x0] =	vst.add.f32.msk $0xffff, v0  }
0x1da: {  	s15 =	sld [smem:$0x7F2];
	_ =	sdelay $0x1  }
0x1db: {  	s14 =	simm.s32 $0x0  }
0x1dc: {  	[hbm4b:s15+s14] =	stream.linear.scatter [tilespmem:s0], [sflag:$0x5], $0x2000, $0x38;
	[tilespmem:$0x18000] =	vst v63  }
0x1dd: {  	_ =	swait.ge [sflag:s2], $0x4000  }
0x1de: {  	[sflag:s2] =	ssyncset.done $0x0  }
0x1df: {  	s20 =	rddreg [dreg:$0x16];
	[sflag:s2] =	ssyncadd.s32 $0xFFFFC000  }
0x1e0: {  	[tilespmem:s14], [sflag:$0x1] =	stream.linear.gather [hbm4b:s20+s14], $0x4000, $0x38;
	[tilespmem:$0x18000] =	vst v63  }
0x1e1: {  	s21 =	sand.u32 $0x1C00, s14;
	_ =	swait.ge [sflag:s3], $0x4000  }
0x1e2: {  	s16 =	sor.u32 s21, s14;
	[sflag:s3] =	ssyncset.done $0x0  }
0x1e3: {  	s22 =	sand.u32 $0x380, s14;
	s16 =	sor.u32 $0x70, s16;
	[sflag:s3] =	ssyncadd.s32 $0xFFFFC000  }
0x1e4: {  	s17 =	sor.u32 s22, s21;
	v0 =	vld [tilespmem:s16+$0x14000]  }
0x1e5: {  	v3 =	vld [tilespmem:s17+$0x14000]  }
0x1e6: {  	v4 =	vld [tilespmem:s17+$0x14010]  }
0x1e7: {  	v5 =	vld [tilespmem:s17+$0x14020]  }
0x1e8: {  	v6 =	vld [tilespmem:s17+$0x14030]  }
0x1e9: {  	v2 =	vld [tilespmem:s17+$0x14040]  }
0x1ea: {  	v1 =	vld [tilespmem:s17+$0x14050]  }
0x1eb: {  	[tilespmem:s16+$0x4000] =	vst.add.f32.msk $0xffff, v0  }
0x1ec: {  	s15 =	sor.u32 $0x4000, s17;
	v0 =	vld [tilespmem:s17+$0x14060]  }
0x1ed: {  	s23 =	sor.u32 $0x4010, s17;
	[tilespmem:s15+$0x0] =	vst.add.f32.msk $0xffff, v3  }
0x1ee: {  	s24 =	sor.u32 $0x4020, s17;
	[tilespmem:s23+$0x0] =	vst.add.f32.msk $0xffff, v4  }
0x1ef: {  	s30 =	sor.u32 $0x4030, s17;
	s19 =	sor.u32 $0x4040, s17;
	s18 =	sor.u32 $0x4050, s17;
	[tilespmem:s24+$0x0] =	vst.add.f32.msk $0xffff, v5  }
0x1f0: {  	s15 =	simm.s32 $0x0;
	s17 =	sor.u32 $0x4060, s17;
	[tilespmem:s30+$0x0] =	vst.add.f32.msk $0xffff, v6;
	s16 =	simm.s32 $0x400  }
.LBB2_22:
0x1f1: {  	s20 =	sand.u32 $0x1C00, s16;
	s15 =	sadd.s32 $0x80, s15;
	[tilespmem:s19+$0x0] =	vst.add.f32.msk $0xffff, v2;
	s14 =	sadd.s32 $0x10, s14  }
0x1f2: {  	s19 =	sand.u32 $0x380, s14;
	s21 =	sor.u32 s20, s14;
	p0 =	slt.u32 s15, $0x1F80;
	[tilespmem:s18+$0x0] =	vst.add.f32.msk $0xffff, v1  }
0x1f3: {  	s20 =	sor.u32 s19, s20;
	s21 =	sor.u32 $0x70, s21;
	[tilespmem:s17+$0x0] =	vst.add.f32.msk $0xffff, v0  }
0x1f4: {  	s22 =	sor.u32 $0x4000, s20;
	s23 =	sor.u32 $0x4010, s20;
	s24 =	sor.u32 $0x4020, s20;
	v0 =	vld [tilespmem:s21+$0x14000]  }
0x1f5: {  	s30 =	sor.u32 $0x4030, s20;
	s19 =	sor.u32 $0x4040, s20;
	s18 =	sor.u32 $0x4050, s20;
	v3 =	vld [tilespmem:s20+$0x14000]  }
0x1f6: {  	s17 =	sor.u32 $0x4060, s20;
	v4 =	vld [tilespmem:s20+$0x14010]  }
0x1f7: {  	v5 =	vld [tilespmem:s20+$0x14020]  }
0x1f8: {  	v6 =	vld [tilespmem:s20+$0x14030]  }
0x1f9: {  	[tilespmem:s21+$0x4000] =	vst.add.f32.msk $0xffff, v0  }
0x1fa: {  	v2 =	vld [tilespmem:s20+$0x14040]  }
0x1fb: {  	v1 =	vld [tilespmem:s20+$0x14050]  }
.Ltmp10:
0x1fc: {  	v0 =	vld [tilespmem:s20+$0x14060];
	(pc) =	sbr.rel @p0 .LBB2_22-.Ltmp10, $4  }
0x1fd: {  	[tilespmem:s22+$0x0] =	vst.add.f32.msk $0xffff, v3  }
0x1fe: {  	[tilespmem:s23+$0x0] =	vst.add.f32.msk $0xffff, v4  }
0x1ff: {  	[tilespmem:s24+$0x0] =	vst.add.f32.msk $0xffff, v5  }
0x200: {  	s16 =	sadd.s32 $0x400, s16;
	[tilespmem:s30+$0x0] =	vst.add.f32.msk $0xffff, v6  }
0x201: {  	[tilespmem:s19+$0x0] =	vst.add.f32.msk $0xffff, v2  }
0x202: {  	[tilespmem:s18+$0x0] =	vst.add.f32.msk $0xffff, v1  }
0x203: {  	[tilespmem:s17+$0x0] =	vst.add.f32.msk $0xffff, v0  }
0x204: {  	s14 =	rddreg [dreg:$0x12]  }
0x205: {  	[hbm4b:s14+s1] =	stream.linear.scatter [tilespmem:s25], [sflag:$0x6], $0x2000, $0x38;
	[tilespmem:$0x18000] =	vst v63  }
0x206: {  	s15 =	simm.s32 $0x2000;
	s14 =	simm.s32 $0x10000  }
0x207: {  	s16 =	simm.s32 $0x400;
	s21 =	sand.u32 $0x2000, s15;
	s22 =	sand.u32 $0x1C00, s14  }
0x208: {  	s23 =	sand.u32 $0x380, s16;
	s17 =	sor.u32 s21, s22  }
0x209: {  	s18 =	sor.u32 s23, s17  }
0x20a: {  	v0 =	vld [tilespmem:s18+$0x14070]  }
0x20b: {  	v4 =	vld [tilespmem:s18+$0x14000]  }
0x20c: {  	v5 =	vld [tilespmem:s18+$0x14010]  }
0x20d: {  	v6 =	vld [tilespmem:s18+$0x14020]  }
0x20e: {  	v2 =	vld [tilespmem:s18+$0x14030]  }
0x20f: {  	v3 =	vld [tilespmem:s18+$0x14040]  }
0x210: {  	s17 =	sor.u32 $0x4070, s18;
	v1 =	vld [tilespmem:s18+$0x14060]  }
0x211: {  	[tilespmem:s17+$0x0] =	vst.add.f32.msk $0xffff, v0  }
0x212: {  	s24 =	sor.u32 $0x4000, s18;
	v0 =	vld [tilespmem:s18+$0x14050]  }
0x213: {  	s30 =	sor.u32 $0x4010, s18;
	[tilespmem:s24+$0x0] =	vst.add.f32.msk $0xffff, v4  }
0x214: {  	s21 =	sor.u32 $0x4020, s18;
	s20 =	sor.u32 $0x4030, s18;
	[tilespmem:s30+$0x0] =	vst.add.f32.msk $0xffff, v5  }
0x215: {  	s19 =	sor.u32 $0x4040, s18;
	s17 =	sor.u32 $0x4050, s18;
	s18 =	sor.u32 $0x4060, s18;
	[tilespmem:s21+$0x0] =	vst.add.f32.msk $0xffff, v6  }
.LBB2_24:
0x216: {  	s15 =	sadd.s32 $0x80, s15;
	[tilespmem:s20+$0x0] =	vst.add.f32.msk $0xffff, v2;
	s14 =	sadd.s32 $0x400, s14  }
0x217: {  	s16 =	sadd.s32 $0x10, s16;
	s20 =	sand.u32 $0x2000, s15;
	s21 =	sand.u32 $0x1C00, s14;
	[tilespmem:s19+$0x0] =	vst.add.f32.msk $0xffff, v3  }
0x218: {  	p0 =	slt.u32 s15, $0x3F80;
	s19 =	sor.u32 s20, s21;
	s20 =	sand.u32 $0x380, s16;
	[tilespmem:s17+$0x0] =	vst.add.f32.msk $0xffff, v0  }
0x219: {  	s21 =	sor.u32 s20, s19;
	[tilespmem:s18+$0x0] =	vst.add.f32.msk $0xffff, v1  }
0x21a: {  	s22 =	sor.u32 $0x4000, s21;
	s23 =	sor.u32 $0x4010, s21;
	s24 =	sor.u32 $0x4020, s21;
	v0 =	vld [tilespmem:s21+$0x14070]  }
0x21b: {  	s20 =	sor.u32 $0x4030, s21;
	s19 =	sor.u32 $0x4040, s21;
	s17 =	sor.u32 $0x4050, s21;
	v4 =	vld [tilespmem:s21+$0x14000]  }
0x21c: {  	s18 =	sor.u32 $0x4060, s21;
	v5 =	vld [tilespmem:s21+$0x14010]  }
0x21d: {  	v6 =	vld [tilespmem:s21+$0x14020]  }
0x21e: {  	s30 =	sor.u32 $0x4070, s21;
	v2 =	vld [tilespmem:s21+$0x14030]  }
0x21f: {  	[tilespmem:s30+$0x0] =	vst.add.f32.msk $0xffff, v0  }
0x220: {  	v3 =	vld [tilespmem:s21+$0x14040]  }
.Ltmp11:
0x221: {  	v0 =	vld [tilespmem:s21+$0x14050];
	(pc) =	sbr.rel @p0 .LBB2_24-.Ltmp11, $4  }
0x222: {  	v1 =	vld [tilespmem:s21+$0x14060]  }
0x223: {  	[tilespmem:s22+$0x0] =	vst.add.f32.msk $0xffff, v4  }
0x224: {  	[tilespmem:s23+$0x0] =	vst.add.f32.msk $0xffff, v5  }
0x225: {  	[tilespmem:s24+$0x0] =	vst.add.f32.msk $0xffff, v6  }
0x226: {  	[tilespmem:s20+$0x0] =	vst.add.f32.msk $0xffff, v2  }
0x227: {  	[tilespmem:s19+$0x0] =	vst.add.f32.msk $0xffff, v3  }
0x228: {  	[tilespmem:s17+$0x0] =	vst.add.f32.msk $0xffff, v0  }
0x229: {  	[tilespmem:s18+$0x0] =	vst.add.f32.msk $0xffff, v1  }
0x22a: {  	s15 =	sld [smem:$0x7F3];
	_ =	sdelay $0x1  }
0x22b: {  	s14 =	simm.s32 $0x0  }
0x22c: {  	[hbm4b:s15+s14] =	stream.linear.scatter [tilespmem:s4], [sflag:$0x6], $0x2000, $0x38;
	[tilespmem:$0x18000] =	vst v63  }
0x22d: {  	_ =	swait.ge [sflag:s5], $0x4000  }
0x22e: {  	[sflag:s5] =	ssyncset.done $0x0  }
0x22f: {  	s20 =	rddreg [dreg:$0x18];
	[sflag:s5] =	ssyncadd.s32 $0xFFFFC000  }
0x230: {  	[tilespmem:s25], [sflag:$0x2] =	stream.linear.gather [hbm4b:s20+s14], $0x4000, $0x38;
	[tilespmem:$0x18000] =	vst v63  }
0x231: {  	s21 =	sand.u32 $0x1C00, s14;
	_ =	swait.ge [sflag:s6], $0x4000  }
0x232: {  	s16 =	sor.u32 s21, s14;
	[sflag:s6] =	ssyncset.done $0x0  }
0x233: {  	s22 =	sand.u32 $0x380, s14;
	s16 =	sor.u32 $0x70, s16;
	[sflag:s6] =	ssyncadd.s32 $0xFFFFC000  }
0x234: {  	s17 =	sor.u32 s22, s21;
	v0 =	vld [tilespmem:s16+$0x14000]  }
0x235: {  	v3 =	vld [tilespmem:s17+$0x14000]  }
0x236: {  	v4 =	vld [tilespmem:s17+$0x14010]  }
0x237: {  	v5 =	vld [tilespmem:s17+$0x14020]  }
0x238: {  	v6 =	vld [tilespmem:s17+$0x14030]  }
0x239: {  	v2 =	vld [tilespmem:s17+$0x14040]  }
0x23a: {  	v1 =	vld [tilespmem:s17+$0x14050]  }
0x23b: {  	[tilespmem:s16+$0x8000] =	vst.add.f32.msk $0xffff, v0  }
0x23c: {  	s15 =	sor.u32 $0x8000, s17;
	v0 =	vld [tilespmem:s17+$0x14060]  }
0x23d: {  	s23 =	sor.u32 $0x8010, s17;
	[tilespmem:s15+$0x0] =	vst.add.f32.msk $0xffff, v3  }
0x23e: {  	s24 =	sor.u32 $0x8020, s17;
	[tilespmem:s23+$0x0] =	vst.add.f32.msk $0xffff, v4  }
0x23f: {  	s30 =	sor.u32 $0x8030, s17;
	s19 =	sor.u32 $0x8040, s17;
	s18 =	sor.u32 $0x8050, s17;
	[tilespmem:s24+$0x0] =	vst.add.f32.msk $0xffff, v5  }
0x240: {  	s15 =	simm.s32 $0x0;
	s17 =	sor.u32 $0x8060, s17;
	[tilespmem:s30+$0x0] =	vst.add.f32.msk $0xffff, v6;
	s16 =	simm.s32 $0x400  }
.LBB2_26:
0x241: {  	s20 =	sand.u32 $0x1C00, s16;
	s15 =	sadd.s32 $0x80, s15;
	[tilespmem:s19+$0x0] =	vst.add.f32.msk $0xffff, v2;
	s14 =	sadd.s32 $0x10, s14  }
0x242: {  	s19 =	sand.u32 $0x380, s14;
	s21 =	sor.u32 s20, s14;
	p0 =	slt.u32 s15, $0x1F80;
	[tilespmem:s18+$0x0] =	vst.add.f32.msk $0xffff, v1  }
0x243: {  	s20 =	sor.u32 s19, s20;
	s21 =	sor.u32 $0x70, s21;
	[tilespmem:s17+$0x0] =	vst.add.f32.msk $0xffff, v0  }
0x244: {  	s22 =	sor.u32 $0x8000, s20;
	s23 =	sor.u32 $0x8010, s20;
	s24 =	sor.u32 $0x8020, s20;
	v0 =	vld [tilespmem:s21+$0x14000]  }
0x245: {  	s30 =	sor.u32 $0x8030, s20;
	s19 =	sor.u32 $0x8040, s20;
	s18 =	sor.u32 $0x8050, s20;
	v3 =	vld [tilespmem:s20+$0x14000]  }
0x246: {  	s17 =	sor.u32 $0x8060, s20;
	v4 =	vld [tilespmem:s20+$0x14010]  }
0x247: {  	v5 =	vld [tilespmem:s20+$0x14020]  }
0x248: {  	v6 =	vld [tilespmem:s20+$0x14030]  }
0x249: {  	[tilespmem:s21+$0x8000] =	vst.add.f32.msk $0xffff, v0  }
0x24a: {  	v2 =	vld [tilespmem:s20+$0x14040]  }
0x24b: {  	v1 =	vld [tilespmem:s20+$0x14050]  }
.Ltmp12:
0x24c: {  	v0 =	vld [tilespmem:s20+$0x14060];
	(pc) =	sbr.rel @p0 .LBB2_26-.Ltmp12, $4  }
0x24d: {  	[tilespmem:s22+$0x0] =	vst.add.f32.msk $0xffff, v3  }
0x24e: {  	[tilespmem:s23+$0x0] =	vst.add.f32.msk $0xffff, v4  }
0x24f: {  	[tilespmem:s24+$0x0] =	vst.add.f32.msk $0xffff, v5  }
0x250: {  	s16 =	sadd.s32 $0x400, s16;
	[tilespmem:s30+$0x0] =	vst.add.f32.msk $0xffff, v6  }
0x251: {  	[tilespmem:s19+$0x0] =	vst.add.f32.msk $0xffff, v2  }
0x252: {  	[tilespmem:s18+$0x0] =	vst.add.f32.msk $0xffff, v1  }
0x253: {  	[tilespmem:s17+$0x0] =	vst.add.f32.msk $0xffff, v0  }
0x254: {  	s14 =	rddreg [dreg:$0x13]  }
0x255: {  	[hbm4b:s14+s1] =	stream.linear.scatter [tilespmem:s26], [sflag:$0x7], $0x2000, $0x38;
	[tilespmem:$0x18000] =	vst v63  }
0x256: {  	s15 =	simm.s32 $0x2000;
	s14 =	simm.s32 $0x10000  }
0x257: {  	s16 =	simm.s32 $0x400;
	s21 =	sand.u32 $0x2000, s15;
	s22 =	sand.u32 $0x1C00, s14  }
0x258: {  	s23 =	sand.u32 $0x380, s16;
	s17 =	sor.u32 s21, s22  }
0x259: {  	s18 =	sor.u32 s23, s17  }
0x25a: {  	v0 =	vld [tilespmem:s18+$0x14070]  }
0x25b: {  	v4 =	vld [tilespmem:s18+$0x14000]  }
0x25c: {  	v5 =	vld [tilespmem:s18+$0x14010]  }
0x25d: {  	v6 =	vld [tilespmem:s18+$0x14020]  }
0x25e: {  	v2 =	vld [tilespmem:s18+$0x14030]  }
0x25f: {  	v3 =	vld [tilespmem:s18+$0x14040]  }
0x260: {  	s17 =	sor.u32 $0x8070, s18;
	v1 =	vld [tilespmem:s18+$0x14060]  }
0x261: {  	[tilespmem:s17+$0x0] =	vst.add.f32.msk $0xffff, v0  }
0x262: {  	s24 =	sor.u32 $0x8000, s18;
	v0 =	vld [tilespmem:s18+$0x14050]  }
0x263: {  	s30 =	sor.u32 $0x8010, s18;
	[tilespmem:s24+$0x0] =	vst.add.f32.msk $0xffff, v4  }
0x264: {  	s21 =	sor.u32 $0x8020, s18;
	s20 =	sor.u32 $0x8030, s18;
	[tilespmem:s30+$0x0] =	vst.add.f32.msk $0xffff, v5  }
0x265: {  	s19 =	sor.u32 $0x8040, s18;
	s17 =	sor.u32 $0x8050, s18;
	s18 =	sor.u32 $0x8060, s18;
	[tilespmem:s21+$0x0] =	vst.add.f32.msk $0xffff, v6  }
.LBB2_28:
0x266: {  	s15 =	sadd.s32 $0x80, s15;
	[tilespmem:s20+$0x0] =	vst.add.f32.msk $0xffff, v2;
	s14 =	sadd.s32 $0x400, s14  }
0x267: {  	s16 =	sadd.s32 $0x10, s16;
	s20 =	sand.u32 $0x2000, s15;
	s21 =	sand.u32 $0x1C00, s14;
	[tilespmem:s19+$0x0] =	vst.add.f32.msk $0xffff, v3  }
0x268: {  	p0 =	slt.u32 s15, $0x3F80;
	s19 =	sor.u32 s20, s21;
	s20 =	sand.u32 $0x380, s16;
	[tilespmem:s17+$0x0] =	vst.add.f32.msk $0xffff, v0  }
0x269: {  	s21 =	sor.u32 s20, s19;
	[tilespmem:s18+$0x0] =	vst.add.f32.msk $0xffff, v1  }
0x26a: {  	s22 =	sor.u32 $0x8000, s21;
	s23 =	sor.u32 $0x8010, s21;
	s24 =	sor.u32 $0x8020, s21;
	v0 =	vld [tilespmem:s21+$0x14070]  }
0x26b: {  	s20 =	sor.u32 $0x8030, s21;
	s19 =	sor.u32 $0x8040, s21;
	s17 =	sor.u32 $0x8050, s21;
	v4 =	vld [tilespmem:s21+$0x14000]  }
0x26c: {  	s18 =	sor.u32 $0x8060, s21;
	v5 =	vld [tilespmem:s21+$0x14010]  }
0x26d: {  	v6 =	vld [tilespmem:s21+$0x14020]  }
0x26e: {  	s30 =	sor.u32 $0x8070, s21;
	v2 =	vld [tilespmem:s21+$0x14030]  }
0x26f: {  	[tilespmem:s30+$0x0] =	vst.add.f32.msk $0xffff, v0  }
0x270: {  	v3 =	vld [tilespmem:s21+$0x14040]  }
.Ltmp13:
0x271: {  	v0 =	vld [tilespmem:s21+$0x14050];
	(pc) =	sbr.rel @p0 .LBB2_28-.Ltmp13, $4  }
0x272: {  	v1 =	vld [tilespmem:s21+$0x14060]  }
0x273: {  	[tilespmem:s22+$0x0] =	vst.add.f32.msk $0xffff, v4  }
0x274: {  	[tilespmem:s23+$0x0] =	vst.add.f32.msk $0xffff, v5  }
0x275: {  	[tilespmem:s24+$0x0] =	vst.add.f32.msk $0xffff, v6  }
0x276: {  	[tilespmem:s20+$0x0] =	vst.add.f32.msk $0xffff, v2  }
0x277: {  	[tilespmem:s19+$0x0] =	vst.add.f32.msk $0xffff, v3  }
0x278: {  	[tilespmem:s17+$0x0] =	vst.add.f32.msk $0xffff, v0  }
0x279: {  	[tilespmem:s18+$0x0] =	vst.add.f32.msk $0xffff, v1  }
0x27a: {  	s15 =	sld [smem:$0x7F4];
	_ =	sdelay $0x1  }
0x27b: {  	s14 =	simm.s32 $0x0  }
0x27c: {  	[hbm4b:s15+s14] =	stream.linear.scatter [tilespmem:s7], [sflag:$0x7], $0x2000, $0x38;
	[tilespmem:$0x18000] =	vst v63  }
0x27d: {  	_ =	swait.ge [sflag:s8], $0x4000  }
0x27e: {  	[sflag:s8] =	ssyncset.done $0x0  }
0x27f: {  	s20 =	rddreg [dreg:$0x1a];
	[sflag:s8] =	ssyncadd.s32 $0xFFFFC000  }
0x280: {  	[tilespmem:s26], [sflag:$0x3] =	stream.linear.gather [hbm4b:s20+s14], $0x4000, $0x38;
	[tilespmem:$0x18000] =	vst v63  }
0x281: {  	s21 =	sand.u32 $0x1C00, s14;
	_ =	swait.ge [sflag:s9], $0x4000  }
0x282: {  	s16 =	sor.u32 s21, s14;
	[sflag:s9] =	ssyncset.done $0x0  }
0x283: {  	s22 =	sand.u32 $0x380, s14;
	s16 =	sor.u32 $0x70, s16;
	[sflag:s9] =	ssyncadd.s32 $0xFFFFC000  }
0x284: {  	s17 =	sor.u32 s22, s21;
	v0 =	vld [tilespmem:s16+$0x14000]  }
0x285: {  	v3 =	vld [tilespmem:s17+$0x14000]  }
0x286: {  	v4 =	vld [tilespmem:s17+$0x14010]  }
0x287: {  	v5 =	vld [tilespmem:s17+$0x14020]  }
0x288: {  	v6 =	vld [tilespmem:s17+$0x14030]  }
0x289: {  	v2 =	vld [tilespmem:s17+$0x14040]  }
0x28a: {  	v1 =	vld [tilespmem:s17+$0x14050]  }
0x28b: {  	[tilespmem:s16+$0xC000] =	vst.add.f32.msk $0xffff, v0  }
0x28c: {  	s15 =	sor.u32 $0xC000, s17;
	v0 =	vld [tilespmem:s17+$0x14060]  }
0x28d: {  	s23 =	sor.u32 $0xC010, s17;
	[tilespmem:s15+$0x0] =	vst.add.f32.msk $0xffff, v3  }
0x28e: {  	s24 =	sor.u32 $0xC020, s17;
	[tilespmem:s23+$0x0] =	vst.add.f32.msk $0xffff, v4  }
0x28f: {  	s30 =	sor.u32 $0xC030, s17;
	s19 =	sor.u32 $0xC040, s17;
	s18 =	sor.u32 $0xC050, s17;
	[tilespmem:s24+$0x0] =	vst.add.f32.msk $0xffff, v5  }
0x290: {  	s15 =	simm.s32 $0x0;
	s17 =	sor.u32 $0xC060, s17;
	[tilespmem:s30+$0x0] =	vst.add.f32.msk $0xffff, v6;
	s16 =	simm.s32 $0x400  }
.LBB2_30:
0x291: {  	s20 =	sand.u32 $0x1C00, s16;
	s15 =	sadd.s32 $0x80, s15;
	[tilespmem:s19+$0x0] =	vst.add.f32.msk $0xffff, v2;
	s14 =	sadd.s32 $0x10, s14  }
0x292: {  	s19 =	sand.u32 $0x380, s14;
	s21 =	sor.u32 s20, s14;
	p0 =	slt.u32 s15, $0x1F80;
	[tilespmem:s18+$0x0] =	vst.add.f32.msk $0xffff, v1  }
0x293: {  	s20 =	sor.u32 s19, s20;
	s21 =	sor.u32 $0x70, s21;
	[tilespmem:s17+$0x0] =	vst.add.f32.msk $0xffff, v0  }
0x294: {  	s22 =	sor.u32 $0xC000, s20;
	s23 =	sor.u32 $0xC010, s20;
	s24 =	sor.u32 $0xC020, s20;
	v0 =	vld [tilespmem:s21+$0x14000]  }
0x295: {  	s30 =	sor.u32 $0xC030, s20;
	s19 =	sor.u32 $0xC040, s20;
	s18 =	sor.u32 $0xC050, s20;
	v3 =	vld [tilespmem:s20+$0x14000]  }
0x296: {  	s17 =	sor.u32 $0xC060, s20;
	v4 =	vld [tilespmem:s20+$0x14010]  }
0x297: {  	v5 =	vld [tilespmem:s20+$0x14020]  }
0x298: {  	v6 =	vld [tilespmem:s20+$0x14030]  }
0x299: {  	[tilespmem:s21+$0xC000] =	vst.add.f32.msk $0xffff, v0  }
0x29a: {  	v2 =	vld [tilespmem:s20+$0x14040]  }
0x29b: {  	v1 =	vld [tilespmem:s20+$0x14050]  }
.Ltmp14:
0x29c: {  	v0 =	vld [tilespmem:s20+$0x14060];
	(pc) =	sbr.rel @p0 .LBB2_30-.Ltmp14, $4  }
0x29d: {  	[tilespmem:s22+$0x0] =	vst.add.f32.msk $0xffff, v3  }
0x29e: {  	[tilespmem:s23+$0x0] =	vst.add.f32.msk $0xffff, v4  }
0x29f: {  	[tilespmem:s24+$0x0] =	vst.add.f32.msk $0xffff, v5  }
0x2a0: {  	s16 =	sadd.s32 $0x400, s16;
	[tilespmem:s30+$0x0] =	vst.add.f32.msk $0xffff, v6  }
0x2a1: {  	[tilespmem:s19+$0x0] =	vst.add.f32.msk $0xffff, v2  }
0x2a2: {  	[tilespmem:s18+$0x0] =	vst.add.f32.msk $0xffff, v1  }
0x2a3: {  	[tilespmem:s17+$0x0] =	vst.add.f32.msk $0xffff, v0  }
0x2a4: {  	s14 =	rddreg [dreg:$0x14]  }
0x2a5: {  	[hbm4b:s14+s1] =	stream.linear.scatter [tilespmem:s28], [sflag:$0x8], $0x2000, $0x38;
	[tilespmem:$0x18000] =	vst v63  }
0x2a6: {  	s15 =	simm.s32 $0x2000;
	s14 =	simm.s32 $0x10000  }
0x2a7: {  	s16 =	simm.s32 $0x400;
	s21 =	sand.u32 $0x2000, s15;
	s22 =	sand.u32 $0x1C00, s14  }
0x2a8: {  	s23 =	sand.u32 $0x380, s16;
	s17 =	sor.u32 s21, s22  }
0x2a9: {  	s18 =	sor.u32 s23, s17  }
0x2aa: {  	v0 =	vld [tilespmem:s18+$0x14070]  }
0x2ab: {  	v4 =	vld [tilespmem:s18+$0x14000]  }
0x2ac: {  	v5 =	vld [tilespmem:s18+$0x14010]  }
0x2ad: {  	v6 =	vld [tilespmem:s18+$0x14020]  }
0x2ae: {  	v2 =	vld [tilespmem:s18+$0x14030]  }
0x2af: {  	v3 =	vld [tilespmem:s18+$0x14040]  }
0x2b0: {  	s17 =	sor.u32 $0xC070, s18;
	v1 =	vld [tilespmem:s18+$0x14060]  }
0x2b1: {  	[tilespmem:s17+$0x0] =	vst.add.f32.msk $0xffff, v0  }
0x2b2: {  	s24 =	sor.u32 $0xC000, s18;
	v0 =	vld [tilespmem:s18+$0x14050]  }
0x2b3: {  	s30 =	sor.u32 $0xC010, s18;
	[tilespmem:s24+$0x0] =	vst.add.f32.msk $0xffff, v4  }
0x2b4: {  	s21 =	sor.u32 $0xC020, s18;
	s20 =	sor.u32 $0xC030, s18;
	[tilespmem:s30+$0x0] =	vst.add.f32.msk $0xffff, v5  }
0x2b5: {  	s19 =	sor.u32 $0xC040, s18;
	s17 =	sor.u32 $0xC050, s18;
	s18 =	sor.u32 $0xC060, s18;
	[tilespmem:s21+$0x0] =	vst.add.f32.msk $0xffff, v6  }
.LBB2_32:
0x2b6: {  	s15 =	sadd.s32 $0x80, s15;
	[tilespmem:s20+$0x0] =	vst.add.f32.msk $0xffff, v2;
	s14 =	sadd.s32 $0x400, s14  }
0x2b7: {  	s16 =	sadd.s32 $0x10, s16;
	s20 =	sand.u32 $0x2000, s15;
	s21 =	sand.u32 $0x1C00, s14;
	[tilespmem:s19+$0x0] =	vst.add.f32.msk $0xffff, v3  }
0x2b8: {  	p0 =	slt.u32 s15, $0x3F80;
	s19 =	sor.u32 s20, s21;
	s20 =	sand.u32 $0x380, s16;
	[tilespmem:s17+$0x0] =	vst.add.f32.msk $0xffff, v0  }
0x2b9: {  	s21 =	sor.u32 s20, s19;
	[tilespmem:s18+$0x0] =	vst.add.f32.msk $0xffff, v1  }
0x2ba: {  	s22 =	sor.u32 $0xC000, s21;
	s23 =	sor.u32 $0xC010, s21;
	s24 =	sor.u32 $0xC020, s21;
	v0 =	vld [tilespmem:s21+$0x14070]  }
0x2bb: {  	s20 =	sor.u32 $0xC030, s21;
	s19 =	sor.u32 $0xC040, s21;
	s17 =	sor.u32 $0xC050, s21;
	v4 =	vld [tilespmem:s21+$0x14000]  }
0x2bc: {  	s18 =	sor.u32 $0xC060, s21;
	v5 =	vld [tilespmem:s21+$0x14010]  }
0x2bd: {  	v6 =	vld [tilespmem:s21+$0x14020]  }
0x2be: {  	s30 =	sor.u32 $0xC070, s21;
	v2 =	vld [tilespmem:s21+$0x14030]  }
0x2bf: {  	[tilespmem:s30+$0x0] =	vst.add.f32.msk $0xffff, v0  }
0x2c0: {  	v3 =	vld [tilespmem:s21+$0x14040]  }
.Ltmp15:
0x2c1: {  	v0 =	vld [tilespmem:s21+$0x14050];
	(pc) =	sbr.rel @p0 .LBB2_32-.Ltmp15, $4  }
0x2c2: {  	v1 =	vld [tilespmem:s21+$0x14060]  }
0x2c3: {  	[tilespmem:s22+$0x0] =	vst.add.f32.msk $0xffff, v4  }
0x2c4: {  	[tilespmem:s23+$0x0] =	vst.add.f32.msk $0xffff, v5  }
0x2c5: {  	[tilespmem:s24+$0x0] =	vst.add.f32.msk $0xffff, v6  }
0x2c6: {  	[tilespmem:s20+$0x0] =	vst.add.f32.msk $0xffff, v2  }
0x2c7: {  	[tilespmem:s19+$0x0] =	vst.add.f32.msk $0xffff, v3  }
0x2c8: {  	[tilespmem:s17+$0x0] =	vst.add.f32.msk $0xffff, v0  }
0x2c9: {  	[tilespmem:s18+$0x0] =	vst.add.f32.msk $0xffff, v1  }
0x2ca: {  	s15 =	sld [smem:$0x7F5];
	_ =	sdelay $0x1  }
0x2cb: {  	s14 =	simm.s32 $0x0  }
0x2cc: {  	[hbm4b:s15+s14] =	stream.linear.scatter [tilespmem:s10], [sflag:$0x8], $0x2000, $0x38;
	[tilespmem:$0x18000] =	vst v63  }
0x2cd: {  	s16 =	simm.s32 $0x14000;
	s19 =	rddreg [dreg:$0x15]  }
0x2ce: {  	[tilespmem:s16], [sflag:$0xA] =	stream.linear.gather [hbm4b:s19+s14], $0x4000, $0x38;
	[tilespmem:$0x18000] =	vst v63  }
0x2cf: {  	_ =	swait.ge [sflag:s11], $0x4000  }
0x2d0: {  	[sflag:s11] =	ssyncset.done $0x0  }
0x2d1: {  	s20 =	rddreg [dreg:$0x1c];
	[sflag:s11] =	ssyncadd.s32 $0xFFFFC000  }
0x2d2: {  	[tilespmem:s28], [sflag:$0x4] =	stream.linear.gather [hbm4b:s20+s14], $0x4000, $0x38;
	[tilespmem:$0x18000] =	vst v63  }
0x2d3: {  	_ =	swait.ge [sflag:s29], $0x4000  }
0x2d4: {  	[sflag:s29] =	ssyncset.done $0x0  }
0x2d5: {  	[sflag:s29] =	ssyncadd.s32 $0xFFFFC000  }
0x2d6: {  	s21 =	sand.u32 $0x1C00, s14;
	_ =	swait.ge [sflag:s31], $0x4000  }
0x2d7: {  	s22 =	sor.u32 s21, s14;
	[sflag:s31] =	ssyncset.done $0x0  }
0x2d8: {  	s23 =	sand.u32 $0x380, s14;
	s16 =	sor.u32 $0x70, s22;
	[sflag:s31] =	ssyncadd.s32 $0xFFFFC000  }
0x2d9: {  	s17 =	sor.u32 s23, s21;
	v0 =	vld [tilespmem:s16+$0x10000]  }
0x2da: {  	v3 =	vld [tilespmem:s17+$0x10000]  }
0x2db: {  	v4 =	vld [tilespmem:s17+$0x10010]  }
0x2dc: {  	v5 =	vld [tilespmem:s17+$0x10020]  }
0x2dd: {  	v6 =	vld [tilespmem:s17+$0x10030]  }
0x2de: {  	v2 =	vld [tilespmem:s17+$0x10040]  }
0x2df: {  	v1 =	vld [tilespmem:s17+$0x10050]  }
0x2e0: {  	[tilespmem:s16+$0x0] =	vst.add.f32.msk $0xffff, v0  }
0x2e1: {  	v0 =	vld [tilespmem:s17+$0x10060]  }
0x2e2: {  	s15 =	sor.u32 $0x10, s17;
	[tilespmem:s17+$0x0] =	vst.add.f32.msk $0xffff, v3  }
0x2e3: {  	s24 =	sor.u32 $0x20, s17;
	[tilespmem:s15+$0x0] =	vst.add.f32.msk $0xffff, v4  }
0x2e4: {  	s30 =	sor.u32 $0x30, s17;
	s18 =	sor.u32 $0x50, s17;
	s19 =	sor.u32 $0x40, s17;
	[tilespmem:s24+$0x0] =	vst.add.f32.msk $0xffff, v5  }
0x2e5: {  	s15 =	simm.s32 $0x0;
	s17 =	sor.u32 $0x60, s17;
	[tilespmem:s30+$0x0] =	vst.add.f32.msk $0xffff, v6;
	s16 =	simm.s32 $0x400  }
.LBB2_34:
0x2e6: {  	s20 =	sand.u32 $0x1C00, s16;
	s15 =	sadd.s32 $0x80, s15;
	[tilespmem:s19+$0x0] =	vst.add.f32.msk $0xffff, v2;
	s14 =	sadd.s32 $0x10, s14  }
0x2e7: {  	s19 =	sand.u32 $0x380, s14;
	s21 =	sor.u32 s20, s14;
	p0 =	slt.u32 s15, $0x1F80;
	[tilespmem:s18+$0x0] =	vst.add.f32.msk $0xffff, v1  }
0x2e8: {  	s20 =	sor.u32 s19, s20;
	s21 =	sor.u32 $0x70, s21;
	[tilespmem:s17+$0x0] =	vst.add.f32.msk $0xffff, v0  }
0x2e9: {  	s22 =	sor.u32 $0x10, s20;
	s23 =	sor.u32 $0x20, s20;
	s24 =	sor.u32 $0x30, s20;
	v0 =	vld [tilespmem:s21+$0x10000]  }
0x2ea: {  	s19 =	sor.u32 $0x40, s20;
	s18 =	sor.u32 $0x50, s20;
	s17 =	sor.u32 $0x60, s20;
	v3 =	vld [tilespmem:s20+$0x10000]  }
0x2eb: {  	v4 =	vld [tilespmem:s20+$0x10010]  }
0x2ec: {  	v5 =	vld [tilespmem:s20+$0x10020]  }
0x2ed: {  	v6 =	vld [tilespmem:s20+$0x10030]  }
0x2ee: {  	[tilespmem:s21+$0x0] =	vst.add.f32.msk $0xffff, v0  }
0x2ef: {  	v2 =	vld [tilespmem:s20+$0x10040]  }
0x2f0: {  	v1 =	vld [tilespmem:s20+$0x10050]  }
.Ltmp16:
0x2f1: {  	v0 =	vld [tilespmem:s20+$0x10060];
	(pc) =	sbr.rel @p0 .LBB2_34-.Ltmp16, $4  }
0x2f2: {  	[tilespmem:s20+$0x0] =	vst.add.f32.msk $0xffff, v3  }
0x2f3: {  	[tilespmem:s22+$0x0] =	vst.add.f32.msk $0xffff, v4  }
0x2f4: {  	[tilespmem:s23+$0x0] =	vst.add.f32.msk $0xffff, v5  }
0x2f5: {  	s16 =	sadd.s32 $0x400, s16;
	[tilespmem:s24+$0x0] =	vst.add.f32.msk $0xffff, v6  }
0x2f6: {  	[tilespmem:s19+$0x0] =	vst.add.f32.msk $0xffff, v2  }
0x2f7: {  	[tilespmem:s18+$0x0] =	vst.add.f32.msk $0xffff, v1  }
0x2f8: {  	[tilespmem:s17+$0x0] =	vst.add.f32.msk $0xffff, v0  }
0x2f9: {  	s14 =	rddreg [dreg:$0x17]  }
0x2fa: {  	[hbm4b:s14+s1] =	stream.linear.scatter [tilespmem:s1], [sflag:$0x5], $0x2000, $0x38;
	[tilespmem:$0x18000] =	vst v63  }
0x2fb: {  	s15 =	simm.s32 $0x2000;
	s14 =	simm.s32 $0x10000  }
0x2fc: {  	s16 =	simm.s32 $0x400;
	s22 =	sand.u32 $0x2000, s15;
	s23 =	sand.u32 $0x1C00, s14  }
0x2fd: {  	s24 =	sand.u32 $0x380, s16;
	s17 =	sor.u32 s22, s23  }
0x2fe: {  	s17 =	sor.u32 s24, s17  }
0x2ff: {  	v0 =	vld [tilespmem:s17+$0x10070]  }
0x300: {  	v4 =	vld [tilespmem:s17+$0x10000]  }
0x301: {  	v5 =	vld [tilespmem:s17+$0x10010]  }
0x302: {  	v6 =	vld [tilespmem:s17+$0x10020]  }
0x303: {  	v2 =	vld [tilespmem:s17+$0x10030]  }
0x304: {  	v3 =	vld [tilespmem:s17+$0x10040]  }
0x305: {  	s18 =	sor.u32 $0x70, s17;
	v1 =	vld [tilespmem:s17+$0x10050]  }
0x306: {  	[tilespmem:s18+$0x0] =	vst.add.f32.msk $0xffff, v0  }
0x307: {  	v0 =	vld [tilespmem:s17+$0x10060]  }
0x308: {  	s30 =	sor.u32 $0x10, s17;
	[tilespmem:s17+$0x0] =	vst.add.f32.msk $0xffff, v4  }
0x309: {  	s21 =	sor.u32 $0x20, s17;
	s19 =	sor.u32 $0x30, s17;
	[tilespmem:s30+$0x0] =	vst.add.f32.msk $0xffff, v5  }
0x30a: {  	s20 =	sor.u32 $0x40, s17;
	s18 =	sor.u32 $0x50, s17;
	s17 =	sor.u32 $0x60, s17;
	[tilespmem:s21+$0x0] =	vst.add.f32.msk $0xffff, v6  }
.LBB2_36:
0x30b: {  	s15 =	sadd.s32 $0x80, s15;
	[tilespmem:s19+$0x0] =	vst.add.f32.msk $0xffff, v2;
	s14 =	sadd.s32 $0x400, s14  }
0x30c: {  	s16 =	sadd.s32 $0x10, s16;
	s19 =	sand.u32 $0x2000, s15;
	s21 =	sand.u32 $0x1C00, s14;
	[tilespmem:s20+$0x0] =	vst.add.f32.msk $0xffff, v3  }
0x30d: {  	s20 =	sand.u32 $0x380, s16;
	p0 =	slt.u32 s15, $0x3F80;
	s19 =	sor.u32 s19, s21;
	[tilespmem:s18+$0x0] =	vst.add.f32.msk $0xffff, v1  }
0x30e: {  	s21 =	sor.u32 s20, s19;
	[tilespmem:s17+$0x0] =	vst.add.f32.msk $0xffff, v0  }
0x30f: {  	s22 =	sor.u32 $0x10, s21;
	s23 =	sor.u32 $0x20, s21;
	s19 =	sor.u32 $0x30, s21;
	v0 =	vld [tilespmem:s21+$0x10070]  }
0x310: {  	s20 =	sor.u32 $0x40, s21;
	s18 =	sor.u32 $0x50, s21;
	s17 =	sor.u32 $0x60, s21;
	v4 =	vld [tilespmem:s21+$0x10000]  }
0x311: {  	v5 =	vld [tilespmem:s21+$0x10010]  }
0x312: {  	v6 =	vld [tilespmem:s21+$0x10020]  }
0x313: {  	s24 =	sor.u32 $0x70, s21;
	v2 =	vld [tilespmem:s21+$0x10030]  }
0x314: {  	[tilespmem:s24+$0x0] =	vst.add.f32.msk $0xffff, v0  }
0x315: {  	v3 =	vld [tilespmem:s21+$0x10040]  }
.Ltmp17:
0x316: {  	v1 =	vld [tilespmem:s21+$0x10050];
	(pc) =	sbr.rel @p0 .LBB2_36-.Ltmp17, $4  }
0x317: {  	v0 =	vld [tilespmem:s21+$0x10060]  }
0x318: {  	[tilespmem:s21+$0x0] =	vst.add.f32.msk $0xffff, v4  }
0x319: {  	[tilespmem:s22+$0x0] =	vst.add.f32.msk $0xffff, v5  }
0x31a: {  	[tilespmem:s23+$0x0] =	vst.add.f32.msk $0xffff, v6  }
0x31b: {  	[tilespmem:s19+$0x0] =	vst.add.f32.msk $0xffff, v2  }
0x31c: {  	[tilespmem:s20+$0x0] =	vst.add.f32.msk $0xffff, v3  }
0x31d: {  	[tilespmem:s18+$0x0] =	vst.add.f32.msk $0xffff, v1  }
0x31e: {  	[tilespmem:s17+$0x0] =	vst.add.f32.msk $0xffff, v0  }
0x31f: {  	s15 =	sld [smem:$0x7F6];
	_ =	sdelay $0x1  }
0x320: {  	s14 =	simm.s32 $0x0  }
0x321: {  	[hbm4b:s15+s14] =	stream.linear.scatter [tilespmem:s0], [sflag:$0x5], $0x2000, $0x38;
	[tilespmem:$0x18000] =	vst v63  }
0x322: {  	_ =	swait.ge [sflag:s2], $0x4000  }
0x323: {  	s20 =	sld [smem:$0x7E5]  }
0x324: {  	[sflag:s2] =	ssyncset.done $0x0  }
0x325: {  	[sflag:s2] =	ssyncadd.s32 $0xFFFFC000  }
0x326: {  	[tilespmem:s14], [sflag:$0x1] =	stream.linear.gather [hbm4b:s20+s14], $0x4000, $0x38;
	[tilespmem:$0x18000] =	vst v63  }
0x327: {  	s21 =	sand.u32 $0x1C00, s14;
	_ =	swait.ge [sflag:s3], $0x4000  }
0x328: {  	s16 =	sor.u32 s21, s14;
	[sflag:s3] =	ssyncset.done $0x0  }
0x329: {  	s22 =	sand.u32 $0x380, s14;
	s16 =	sor.u32 $0x70, s16;
	[sflag:s3] =	ssyncadd.s32 $0xFFFFC000  }
0x32a: {  	s17 =	sor.u32 s22, s21;
	v0 =	vld [tilespmem:s16+$0x10000]  }
0x32b: {  	v3 =	vld [tilespmem:s17+$0x10000]  }
0x32c: {  	v4 =	vld [tilespmem:s17+$0x10010]  }
0x32d: {  	v5 =	vld [tilespmem:s17+$0x10020]  }
0x32e: {  	v6 =	vld [tilespmem:s17+$0x10030]  }
0x32f: {  	v2 =	vld [tilespmem:s17+$0x10040]  }
0x330: {  	v1 =	vld [tilespmem:s17+$0x10050]  }
0x331: {  	[tilespmem:s16+$0x4000] =	vst.add.f32.msk $0xffff, v0  }
0x332: {  	s15 =	sor.u32 $0x4000, s17;
	v0 =	vld [tilespmem:s17+$0x10060]  }
0x333: {  	s23 =	sor.u32 $0x4010, s17;
	[tilespmem:s15+$0x0] =	vst.add.f32.msk $0xffff, v3  }
0x334: {  	s24 =	sor.u32 $0x4020, s17;
	[tilespmem:s23+$0x0] =	vst.add.f32.msk $0xffff, v4  }
0x335: {  	s30 =	sor.u32 $0x4030, s17;
	s19 =	sor.u32 $0x4040, s17;
	s18 =	sor.u32 $0x4050, s17;
	[tilespmem:s24+$0x0] =	vst.add.f32.msk $0xffff, v5  }
0x336: {  	s15 =	simm.s32 $0x0;
	s17 =	sor.u32 $0x4060, s17;
	[tilespmem:s30+$0x0] =	vst.add.f32.msk $0xffff, v6;
	s16 =	simm.s32 $0x400  }
.LBB2_38:
0x337: {  	s20 =	sand.u32 $0x1C00, s16;
	s15 =	sadd.s32 $0x80, s15;
	[tilespmem:s19+$0x0] =	vst.add.f32.msk $0xffff, v2;
	s14 =	sadd.s32 $0x10, s14  }
0x338: {  	s19 =	sand.u32 $0x380, s14;
	s21 =	sor.u32 s20, s14;
	p0 =	slt.u32 s15, $0x1F80;
	[tilespmem:s18+$0x0] =	vst.add.f32.msk $0xffff, v1  }
0x339: {  	s20 =	sor.u32 s19, s20;
	s21 =	sor.u32 $0x70, s21;
	[tilespmem:s17+$0x0] =	vst.add.f32.msk $0xffff, v0  }
0x33a: {  	s22 =	sor.u32 $0x4000, s20;
	s23 =	sor.u32 $0x4010, s20;
	s24 =	sor.u32 $0x4020, s20;
	v0 =	vld [tilespmem:s21+$0x10000]  }
0x33b: {  	s30 =	sor.u32 $0x4030, s20;
	s19 =	sor.u32 $0x4040, s20;
	s18 =	sor.u32 $0x4050, s20;
	v3 =	vld [tilespmem:s20+$0x10000]  }
0x33c: {  	s17 =	sor.u32 $0x4060, s20;
	v4 =	vld [tilespmem:s20+$0x10010]  }
0x33d: {  	v5 =	vld [tilespmem:s20+$0x10020]  }
0x33e: {  	v6 =	vld [tilespmem:s20+$0x10030]  }
0x33f: {  	[tilespmem:s21+$0x4000] =	vst.add.f32.msk $0xffff, v0  }
0x340: {  	v2 =	vld [tilespmem:s20+$0x10040]  }
0x341: {  	v1 =	vld [tilespmem:s20+$0x10050]  }
.Ltmp18:
0x342: {  	v0 =	vld [tilespmem:s20+$0x10060];
	(pc) =	sbr.rel @p0 .LBB2_38-.Ltmp18, $4  }
0x343: {  	[tilespmem:s22+$0x0] =	vst.add.f32.msk $0xffff, v3  }
0x344: {  	[tilespmem:s23+$0x0] =	vst.add.f32.msk $0xffff, v4  }
0x345: {  	[tilespmem:s24+$0x0] =	vst.add.f32.msk $0xffff, v5  }
0x346: {  	s16 =	sadd.s32 $0x400, s16;
	[tilespmem:s30+$0x0] =	vst.add.f32.msk $0xffff, v6  }
0x347: {  	[tilespmem:s19+$0x0] =	vst.add.f32.msk $0xffff, v2  }
0x348: {  	[tilespmem:s18+$0x0] =	vst.add.f32.msk $0xffff, v1  }
0x349: {  	[tilespmem:s17+$0x0] =	vst.add.f32.msk $0xffff, v0  }
0x34a: {  	s14 =	rddreg [dreg:$0x19]  }
0x34b: {  	[hbm4b:s14+s1] =	stream.linear.scatter [tilespmem:s25], [sflag:$0x6], $0x2000, $0x38;
	[tilespmem:$0x18000] =	vst v63  }
0x34c: {  	s15 =	simm.s32 $0x2000;
	s14 =	simm.s32 $0x10000  }
0x34d: {  	s16 =	simm.s32 $0x400;
	s21 =	sand.u32 $0x2000, s15;
	s22 =	sand.u32 $0x1C00, s14  }
0x34e: {  	s23 =	sand.u32 $0x380, s16;
	s17 =	sor.u32 s21, s22  }
0x34f: {  	s18 =	sor.u32 s23, s17  }
0x350: {  	v0 =	vld [tilespmem:s18+$0x10070]  }
0x351: {  	v4 =	vld [tilespmem:s18+$0x10000]  }
0x352: {  	v5 =	vld [tilespmem:s18+$0x10010]  }
0x353: {  	v6 =	vld [tilespmem:s18+$0x10020]  }
0x354: {  	v2 =	vld [tilespmem:s18+$0x10030]  }
0x355: {  	v3 =	vld [tilespmem:s18+$0x10040]  }
0x356: {  	s17 =	sor.u32 $0x4070, s18;
	v1 =	vld [tilespmem:s18+$0x10060]  }
0x357: {  	[tilespmem:s17+$0x0] =	vst.add.f32.msk $0xffff, v0  }
0x358: {  	s24 =	sor.u32 $0x4000, s18;
	v0 =	vld [tilespmem:s18+$0x10050]  }
0x359: {  	s30 =	sor.u32 $0x4010, s18;
	[tilespmem:s24+$0x0] =	vst.add.f32.msk $0xffff, v4  }
0x35a: {  	s21 =	sor.u32 $0x4020, s18;
	s20 =	sor.u32 $0x4030, s18;
	[tilespmem:s30+$0x0] =	vst.add.f32.msk $0xffff, v5  }
0x35b: {  	s19 =	sor.u32 $0x4040, s18;
	s17 =	sor.u32 $0x4050, s18;
	s18 =	sor.u32 $0x4060, s18;
	[tilespmem:s21+$0x0] =	vst.add.f32.msk $0xffff, v6  }
.LBB2_40:
0x35c: {  	s15 =	sadd.s32 $0x80, s15;
	[tilespmem:s20+$0x0] =	vst.add.f32.msk $0xffff, v2;
	s14 =	sadd.s32 $0x400, s14  }
0x35d: {  	s16 =	sadd.s32 $0x10, s16;
	s20 =	sand.u32 $0x2000, s15;
	s21 =	sand.u32 $0x1C00, s14;
	[tilespmem:s19+$0x0] =	vst.add.f32.msk $0xffff, v3  }
0x35e: {  	p0 =	slt.u32 s15, $0x3F80;
	s19 =	sor.u32 s20, s21;
	s20 =	sand.u32 $0x380, s16;
	[tilespmem:s17+$0x0] =	vst.add.f32.msk $0xffff, v0  }
0x35f: {  	s21 =	sor.u32 s20, s19;
	[tilespmem:s18+$0x0] =	vst.add.f32.msk $0xffff, v1  }
0x360: {  	s22 =	sor.u32 $0x4000, s21;
	s23 =	sor.u32 $0x4010, s21;
	s24 =	sor.u32 $0x4020, s21;
	v0 =	vld [tilespmem:s21+$0x10070]  }
0x361: {  	s20 =	sor.u32 $0x4030, s21;
	s19 =	sor.u32 $0x4040, s21;
	s17 =	sor.u32 $0x4050, s21;
	v4 =	vld [tilespmem:s21+$0x10000]  }
0x362: {  	s18 =	sor.u32 $0x4060, s21;
	v5 =	vld [tilespmem:s21+$0x10010]  }
0x363: {  	v6 =	vld [tilespmem:s21+$0x10020]  }
0x364: {  	s30 =	sor.u32 $0x4070, s21;
	v2 =	vld [tilespmem:s21+$0x10030]  }
0x365: {  	[tilespmem:s30+$0x0] =	vst.add.f32.msk $0xffff, v0  }
0x366: {  	v3 =	vld [tilespmem:s21+$0x10040]  }
.Ltmp19:
0x367: {  	v0 =	vld [tilespmem:s21+$0x10050];
	(pc) =	sbr.rel @p0 .LBB2_40-.Ltmp19, $4  }
0x368: {  	v1 =	vld [tilespmem:s21+$0x10060]  }
0x369: {  	[tilespmem:s22+$0x0] =	vst.add.f32.msk $0xffff, v4  }
0x36a: {  	[tilespmem:s23+$0x0] =	vst.add.f32.msk $0xffff, v5  }
0x36b: {  	[tilespmem:s24+$0x0] =	vst.add.f32.msk $0xffff, v6  }
0x36c: {  	[tilespmem:s20+$0x0] =	vst.add.f32.msk $0xffff, v2  }
0x36d: {  	[tilespmem:s19+$0x0] =	vst.add.f32.msk $0xffff, v3  }
0x36e: {  	[tilespmem:s17+$0x0] =	vst.add.f32.msk $0xffff, v0  }
0x36f: {  	[tilespmem:s18+$0x0] =	vst.add.f32.msk $0xffff, v1  }
0x370: {  	s15 =	sld [smem:$0x7F7];
	_ =	sdelay $0x1  }
0x371: {  	s14 =	simm.s32 $0x0  }
0x372: {  	[hbm4b:s15+s14] =	stream.linear.scatter [tilespmem:s4], [sflag:$0x6], $0x2000, $0x38;
	[tilespmem:$0x18000] =	vst v63  }
0x373: {  	_ =	swait.ge [sflag:s5], $0x4000  }
0x374: {  	s20 =	sld [smem:$0x7E6]  }
0x375: {  	[sflag:s5] =	ssyncset.done $0x0  }
0x376: {  	[sflag:s5] =	ssyncadd.s32 $0xFFFFC000  }
0x377: {  	[tilespmem:s25], [sflag:$0x2] =	stream.linear.gather [hbm4b:s20+s14], $0x4000, $0x38;
	[tilespmem:$0x18000] =	vst v63  }
0x378: {  	s21 =	sand.u32 $0x1C00, s14;
	_ =	swait.ge [sflag:s6], $0x4000  }
0x379: {  	s16 =	sor.u32 s21, s14;
	[sflag:s6] =	ssyncset.done $0x0  }
0x37a: {  	s22 =	sand.u32 $0x380, s14;
	s16 =	sor.u32 $0x70, s16;
	[sflag:s6] =	ssyncadd.s32 $0xFFFFC000  }
0x37b: {  	s17 =	sor.u32 s22, s21;
	v0 =	vld [tilespmem:s16+$0x10000]  }
0x37c: {  	v3 =	vld [tilespmem:s17+$0x10000]  }
0x37d: {  	v4 =	vld [tilespmem:s17+$0x10010]  }
0x37e: {  	v5 =	vld [tilespmem:s17+$0x10020]  }
0x37f: {  	v6 =	vld [tilespmem:s17+$0x10030]  }
0x380: {  	v2 =	vld [tilespmem:s17+$0x10040]  }
0x381: {  	v1 =	vld [tilespmem:s17+$0x10050]  }
0x382: {  	[tilespmem:s16+$0x8000] =	vst.add.f32.msk $0xffff, v0  }
0x383: {  	s15 =	sor.u32 $0x8000, s17;
	v0 =	vld [tilespmem:s17+$0x10060]  }
0x384: {  	s23 =	sor.u32 $0x8010, s17;
	[tilespmem:s15+$0x0] =	vst.add.f32.msk $0xffff, v3  }
0x385: {  	s24 =	sor.u32 $0x8020, s17;
	[tilespmem:s23+$0x0] =	vst.add.f32.msk $0xffff, v4  }
0x386: {  	s30 =	sor.u32 $0x8030, s17;
	s19 =	sor.u32 $0x8040, s17;
	s18 =	sor.u32 $0x8050, s17;
	[tilespmem:s24+$0x0] =	vst.add.f32.msk $0xffff, v5  }
0x387: {  	s15 =	simm.s32 $0x0;
	s17 =	sor.u32 $0x8060, s17;
	[tilespmem:s30+$0x0] =	vst.add.f32.msk $0xffff, v6;
	s16 =	simm.s32 $0x400  }
.LBB2_42:
0x388: {  	s20 =	sand.u32 $0x1C00, s16;
	s15 =	sadd.s32 $0x80, s15;
	[tilespmem:s19+$0x0] =	vst.add.f32.msk $0xffff, v2;
	s14 =	sadd.s32 $0x10, s14  }
0x389: {  	s19 =	sand.u32 $0x380, s14;
	s21 =	sor.u32 s20, s14;
	p0 =	slt.u32 s15, $0x1F80;
	[tilespmem:s18+$0x0] =	vst.add.f32.msk $0xffff, v1  }
0x38a: {  	s20 =	sor.u32 s19, s20;
	s21 =	sor.u32 $0x70, s21;
	[tilespmem:s17+$0x0] =	vst.add.f32.msk $0xffff, v0  }
0x38b: {  	s22 =	sor.u32 $0x8000, s20;
	s23 =	sor.u32 $0x8010, s20;
	s24 =	sor.u32 $0x8020, s20;
	v0 =	vld [tilespmem:s21+$0x10000]  }
0x38c: {  	s30 =	sor.u32 $0x8030, s20;
	s19 =	sor.u32 $0x8040, s20;
	s18 =	sor.u32 $0x8050, s20;
	v3 =	vld [tilespmem:s20+$0x10000]  }
0x38d: {  	s17 =	sor.u32 $0x8060, s20;
	v4 =	vld [tilespmem:s20+$0x10010]  }
0x38e: {  	v5 =	vld [tilespmem:s20+$0x10020]  }
0x38f: {  	v6 =	vld [tilespmem:s20+$0x10030]  }
0x390: {  	[tilespmem:s21+$0x8000] =	vst.add.f32.msk $0xffff, v0  }
0x391: {  	v2 =	vld [tilespmem:s20+$0x10040]  }
0x392: {  	v1 =	vld [tilespmem:s20+$0x10050]  }
.Ltmp20:
0x393: {  	v0 =	vld [tilespmem:s20+$0x10060];
	(pc) =	sbr.rel @p0 .LBB2_42-.Ltmp20, $4  }
0x394: {  	[tilespmem:s22+$0x0] =	vst.add.f32.msk $0xffff, v3  }
0x395: {  	[tilespmem:s23+$0x0] =	vst.add.f32.msk $0xffff, v4  }
0x396: {  	[tilespmem:s24+$0x0] =	vst.add.f32.msk $0xffff, v5  }
0x397: {  	s16 =	sadd.s32 $0x400, s16;
	[tilespmem:s30+$0x0] =	vst.add.f32.msk $0xffff, v6  }
0x398: {  	[tilespmem:s19+$0x0] =	vst.add.f32.msk $0xffff, v2  }
0x399: {  	[tilespmem:s18+$0x0] =	vst.add.f32.msk $0xffff, v1  }
0x39a: {  	[tilespmem:s17+$0x0] =	vst.add.f32.msk $0xffff, v0  }
0x39b: {  	s14 =	rddreg [dreg:$0x1b]  }
0x39c: {  	[hbm4b:s14+s1] =	stream.linear.scatter [tilespmem:s26], [sflag:$0x7], $0x2000, $0x38;
	[tilespmem:$0x18000] =	vst v63  }
0x39d: {  	s15 =	simm.s32 $0x2000;
	s14 =	simm.s32 $0x10000  }
0x39e: {  	s16 =	simm.s32 $0x400;
	s21 =	sand.u32 $0x2000, s15;
	s22 =	sand.u32 $0x1C00, s14  }
0x39f: {  	s23 =	sand.u32 $0x380, s16;
	s17 =	sor.u32 s21, s22  }
0x3a0: {  	s18 =	sor.u32 s23, s17  }
0x3a1: {  	v0 =	vld [tilespmem:s18+$0x10070]  }
0x3a2: {  	v4 =	vld [tilespmem:s18+$0x10000]  }
0x3a3: {  	v5 =	vld [tilespmem:s18+$0x10010]  }
0x3a4: {  	v6 =	vld [tilespmem:s18+$0x10020]  }
0x3a5: {  	v2 =	vld [tilespmem:s18+$0x10030]  }
0x3a6: {  	v3 =	vld [tilespmem:s18+$0x10040]  }
0x3a7: {  	s17 =	sor.u32 $0x8070, s18;
	v1 =	vld [tilespmem:s18+$0x10060]  }
0x3a8: {  	[tilespmem:s17+$0x0] =	vst.add.f32.msk $0xffff, v0  }
0x3a9: {  	s24 =	sor.u32 $0x8000, s18;
	v0 =	vld [tilespmem:s18+$0x10050]  }
0x3aa: {  	s30 =	sor.u32 $0x8010, s18;
	[tilespmem:s24+$0x0] =	vst.add.f32.msk $0xffff, v4  }
0x3ab: {  	s21 =	sor.u32 $0x8020, s18;
	s20 =	sor.u32 $0x8030, s18;
	[tilespmem:s30+$0x0] =	vst.add.f32.msk $0xffff, v5  }
0x3ac: {  	s19 =	sor.u32 $0x8040, s18;
	s17 =	sor.u32 $0x8050, s18;
	s18 =	sor.u32 $0x8060, s18;
	[tilespmem:s21+$0x0] =	vst.add.f32.msk $0xffff, v6  }
.LBB2_44:
0x3ad: {  	s15 =	sadd.s32 $0x80, s15;
	[tilespmem:s20+$0x0] =	vst.add.f32.msk $0xffff, v2;
	s14 =	sadd.s32 $0x400, s14  }
0x3ae: {  	s16 =	sadd.s32 $0x10, s16;
	s20 =	sand.u32 $0x2000, s15;
	s21 =	sand.u32 $0x1C00, s14;
	[tilespmem:s19+$0x0] =	vst.add.f32.msk $0xffff, v3  }
0x3af: {  	p0 =	slt.u32 s15, $0x3F80;
	s19 =	sor.u32 s20, s21;
	s20 =	sand.u32 $0x380, s16;
	[tilespmem:s17+$0x0] =	vst.add.f32.msk $0xffff, v0  }
0x3b0: {  	s21 =	sor.u32 s20, s19;
	[tilespmem:s18+$0x0] =	vst.add.f32.msk $0xffff, v1  }
0x3b1: {  	s22 =	sor.u32 $0x8000, s21;
	s23 =	sor.u32 $0x8010, s21;
	s24 =	sor.u32 $0x8020, s21;
	v0 =	vld [tilespmem:s21+$0x10070]  }
0x3b2: {  	s20 =	sor.u32 $0x8030, s21;
	s19 =	sor.u32 $0x8040, s21;
	s17 =	sor.u32 $0x8050, s21;
	v4 =	vld [tilespmem:s21+$0x10000]  }
0x3b3: {  	s18 =	sor.u32 $0x8060, s21;
	v5 =	vld [tilespmem:s21+$0x10010]  }
0x3b4: {  	v6 =	vld [tilespmem:s21+$0x10020]  }
0x3b5: {  	s30 =	sor.u32 $0x8070, s21;
	v2 =	vld [tilespmem:s21+$0x10030]  }
0x3b6: {  	[tilespmem:s30+$0x0] =	vst.add.f32.msk $0xffff, v0  }
0x3b7: {  	v3 =	vld [tilespmem:s21+$0x10040]  }
.Ltmp21:
0x3b8: {  	v0 =	vld [tilespmem:s21+$0x10050];
	(pc) =	sbr.rel @p0 .LBB2_44-.Ltmp21, $4  }
0x3b9: {  	v1 =	vld [tilespmem:s21+$0x10060]  }
0x3ba: {  	[tilespmem:s22+$0x0] =	vst.add.f32.msk $0xffff, v4  }
0x3bb: {  	[tilespmem:s23+$0x0] =	vst.add.f32.msk $0xffff, v5  }
0x3bc: {  	[tilespmem:s24+$0x0] =	vst.add.f32.msk $0xffff, v6  }
0x3bd: {  	[tilespmem:s20+$0x0] =	vst.add.f32.msk $0xffff, v2  }
0x3be: {  	[tilespmem:s19+$0x0] =	vst.add.f32.msk $0xffff, v3  }
0x3bf: {  	[tilespmem:s17+$0x0] =	vst.add.f32.msk $0xffff, v0  }
0x3c0: {  	[tilespmem:s18+$0x0] =	vst.add.f32.msk $0xffff, v1  }
0x3c1: {  	s15 =	sld [smem:$0x7F8];
	_ =	sdelay $0x1  }
0x3c2: {  	s14 =	simm.s32 $0x0  }
0x3c3: {  	[hbm4b:s15+s14] =	stream.linear.scatter [tilespmem:s7], [sflag:$0x7], $0x2000, $0x38;
	[tilespmem:$0x18000] =	vst v63  }
0x3c4: {  	_ =	swait.ge [sflag:s8], $0x4000  }
0x3c5: {  	s20 =	sld [smem:$0x7E7]  }
0x3c6: {  	[sflag:s8] =	ssyncset.done $0x0  }
0x3c7: {  	[sflag:s8] =	ssyncadd.s32 $0xFFFFC000  }
0x3c8: {  	[tilespmem:s26], [sflag:$0x3] =	stream.linear.gather [hbm4b:s20+s14], $0x4000, $0x38;
	[tilespmem:$0x18000] =	vst v63  }
0x3c9: {  	s21 =	sand.u32 $0x1C00, s14;
	_ =	swait.ge [sflag:s9], $0x4000  }
0x3ca: {  	s16 =	sor.u32 s21, s14;
	[sflag:s9] =	ssyncset.done $0x0  }
0x3cb: {  	s22 =	sand.u32 $0x380, s14;
	s16 =	sor.u32 $0x70, s16;
	[sflag:s9] =	ssyncadd.s32 $0xFFFFC000  }
0x3cc: {  	s17 =	sor.u32 s22, s21;
	v0 =	vld [tilespmem:s16+$0x10000]  }
0x3cd: {  	v3 =	vld [tilespmem:s17+$0x10000]  }
0x3ce: {  	v4 =	vld [tilespmem:s17+$0x10010]  }
0x3cf: {  	v5 =	vld [tilespmem:s17+$0x10020]  }
0x3d0: {  	v6 =	vld [tilespmem:s17+$0x10030]  }
0x3d1: {  	v2 =	vld [tilespmem:s17+$0x10040]  }
0x3d2: {  	v1 =	vld [tilespmem:s17+$0x10050]  }
0x3d3: {  	[tilespmem:s16+$0xC000] =	vst.add.f32.msk $0xffff, v0  }
0x3d4: {  	s15 =	sor.u32 $0xC000, s17;
	v0 =	vld [tilespmem:s17+$0x10060]  }
0x3d5: {  	s23 =	sor.u32 $0xC010, s17;
	[tilespmem:s15+$0x0] =	vst.add.f32.msk $0xffff, v3  }
0x3d6: {  	s24 =	sor.u32 $0xC020, s17;
	[tilespmem:s23+$0x0] =	vst.add.f32.msk $0xffff, v4  }
0x3d7: {  	s30 =	sor.u32 $0xC030, s17;
	s19 =	sor.u32 $0xC040, s17;
	s18 =	sor.u32 $0xC050, s17;
	[tilespmem:s24+$0x0] =	vst.add.f32.msk $0xffff, v5  }
0x3d8: {  	s15 =	simm.s32 $0x0;
	s17 =	sor.u32 $0xC060, s17;
	[tilespmem:s30+$0x0] =	vst.add.f32.msk $0xffff, v6;
	s16 =	simm.s32 $0x400  }
.LBB2_46:
0x3d9: {  	s20 =	sand.u32 $0x1C00, s16;
	s15 =	sadd.s32 $0x80, s15;
	[tilespmem:s19+$0x0] =	vst.add.f32.msk $0xffff, v2;
	s14 =	sadd.s32 $0x10, s14  }
0x3da: {  	s19 =	sand.u32 $0x380, s14;
	s21 =	sor.u32 s20, s14;
	p0 =	slt.u32 s15, $0x1F80;
	[tilespmem:s18+$0x0] =	vst.add.f32.msk $0xffff, v1  }
0x3db: {  	s20 =	sor.u32 s19, s20;
	s21 =	sor.u32 $0x70, s21;
	[tilespmem:s17+$0x0] =	vst.add.f32.msk $0xffff, v0  }
0x3dc: {  	s22 =	sor.u32 $0xC000, s20;
	s23 =	sor.u32 $0xC010, s20;
	s24 =	sor.u32 $0xC020, s20;
	v0 =	vld [tilespmem:s21+$0x10000]  }
0x3dd: {  	s30 =	sor.u32 $0xC030, s20;
	s19 =	sor.u32 $0xC040, s20;
	s18 =	sor.u32 $0xC050, s20;
	v3 =	vld [tilespmem:s20+$0x10000]  }
0x3de: {  	s17 =	sor.u32 $0xC060, s20;
	v4 =	vld [tilespmem:s20+$0x10010]  }
0x3df: {  	v5 =	vld [tilespmem:s20+$0x10020]  }
0x3e0: {  	v6 =	vld [tilespmem:s20+$0x10030]  }
0x3e1: {  	[tilespmem:s21+$0xC000] =	vst.add.f32.msk $0xffff, v0  }
0x3e2: {  	v2 =	vld [tilespmem:s20+$0x10040]  }
0x3e3: {  	v1 =	vld [tilespmem:s20+$0x10050]  }
.Ltmp22:
0x3e4: {  	v0 =	vld [tilespmem:s20+$0x10060];
	(pc) =	sbr.rel @p0 .LBB2_46-.Ltmp22, $4  }
0x3e5: {  	[tilespmem:s22+$0x0] =	vst.add.f32.msk $0xffff, v3  }
0x3e6: {  	[tilespmem:s23+$0x0] =	vst.add.f32.msk $0xffff, v4  }
0x3e7: {  	[tilespmem:s24+$0x0] =	vst.add.f32.msk $0xffff, v5  }
0x3e8: {  	s16 =	sadd.s32 $0x400, s16;
	[tilespmem:s30+$0x0] =	vst.add.f32.msk $0xffff, v6  }
0x3e9: {  	[tilespmem:s19+$0x0] =	vst.add.f32.msk $0xffff, v2  }
0x3ea: {  	[tilespmem:s18+$0x0] =	vst.add.f32.msk $0xffff, v1  }
0x3eb: {  	[tilespmem:s17+$0x0] =	vst.add.f32.msk $0xffff, v0  }
0x3ec: {  	s14 =	rddreg [dreg:$0x1d]  }
0x3ed: {  	[hbm4b:s14+s1] =	stream.linear.scatter [tilespmem:s28], [sflag:$0x8], $0x2000, $0x38;
	[tilespmem:$0x18000] =	vst v63  }
0x3ee: {  	s15 =	simm.s32 $0x2000;
	s14 =	simm.s32 $0x10000  }
0x3ef: {  	s16 =	simm.s32 $0x400;
	s21 =	sand.u32 $0x2000, s15;
	s22 =	sand.u32 $0x1C00, s14  }
0x3f0: {  	s23 =	sand.u32 $0x380, s16;
	s17 =	sor.u32 s21, s22  }
0x3f1: {  	s18 =	sor.u32 s23, s17  }
0x3f2: {  	v0 =	vld [tilespmem:s18+$0x10070]  }
0x3f3: {  	v4 =	vld [tilespmem:s18+$0x10000]  }
0x3f4: {  	v5 =	vld [tilespmem:s18+$0x10010]  }
0x3f5: {  	v6 =	vld [tilespmem:s18+$0x10020]  }
0x3f6: {  	v2 =	vld [tilespmem:s18+$0x10030]  }
0x3f7: {  	v3 =	vld [tilespmem:s18+$0x10040]  }
0x3f8: {  	s17 =	sor.u32 $0xC070, s18;
	v1 =	vld [tilespmem:s18+$0x10060]  }
0x3f9: {  	[tilespmem:s17+$0x0] =	vst.add.f32.msk $0xffff, v0  }
0x3fa: {  	s24 =	sor.u32 $0xC000, s18;
	v0 =	vld [tilespmem:s18+$0x10050]  }
0x3fb: {  	s30 =	sor.u32 $0xC010, s18;
	[tilespmem:s24+$0x0] =	vst.add.f32.msk $0xffff, v4  }
0x3fc: {  	s21 =	sor.u32 $0xC020, s18;
	s20 =	sor.u32 $0xC030, s18;
	[tilespmem:s30+$0x0] =	vst.add.f32.msk $0xffff, v5  }
0x3fd: {  	s19 =	sor.u32 $0xC040, s18;
	s17 =	sor.u32 $0xC050, s18;
	s18 =	sor.u32 $0xC060, s18;
	[tilespmem:s21+$0x0] =	vst.add.f32.msk $0xffff, v6  }
.LBB2_48:
0x3fe: {  	s15 =	sadd.s32 $0x80, s15;
	[tilespmem:s20+$0x0] =	vst.add.f32.msk $0xffff, v2;
	s14 =	sadd.s32 $0x400, s14  }
0x3ff: {  	s16 =	sadd.s32 $0x10, s16;
	s20 =	sand.u32 $0x2000, s15;
	s21 =	sand.u32 $0x1C00, s14;
	[tilespmem:s19+$0x0] =	vst.add.f32.msk $0xffff, v3  }
0x400: {  	p0 =	slt.u32 s15, $0x3F80;
	s19 =	sor.u32 s20, s21;
	s20 =	sand.u32 $0x380, s16;
	[tilespmem:s17+$0x0] =	vst.add.f32.msk $0xffff, v0  }
0x401: {  	s21 =	sor.u32 s20, s19;
	[tilespmem:s18+$0x0] =	vst.add.f32.msk $0xffff, v1  }
0x402: {  	s22 =	sor.u32 $0xC000, s21;
	s23 =	sor.u32 $0xC010, s21;
	s24 =	sor.u32 $0xC020, s21;
	v0 =	vld [tilespmem:s21+$0x10070]  }
0x403: {  	s20 =	sor.u32 $0xC030, s21;
	s19 =	sor.u32 $0xC040, s21;
	s17 =	sor.u32 $0xC050, s21;
	v4 =	vld [tilespmem:s21+$0x10000]  }
0x404: {  	s18 =	sor.u32 $0xC060, s21;
	v5 =	vld [tilespmem:s21+$0x10010]  }
0x405: {  	v6 =	vld [tilespmem:s21+$0x10020]  }
0x406: {  	s30 =	sor.u32 $0xC070, s21;
	v2 =	vld [tilespmem:s21+$0x10030]  }
0x407: {  	[tilespmem:s30+$0x0] =	vst.add.f32.msk $0xffff, v0  }
0x408: {  	v3 =	vld [tilespmem:s21+$0x10040]  }
.Ltmp23:
0x409: {  	v0 =	vld [tilespmem:s21+$0x10050];
	(pc) =	sbr.rel @p0 .LBB2_48-.Ltmp23, $4  }
0x40a: {  	v1 =	vld [tilespmem:s21+$0x10060]  }
0x40b: {  	[tilespmem:s22+$0x0] =	vst.add.f32.msk $0xffff, v4  }
0x40c: {  	[tilespmem:s23+$0x0] =	vst.add.f32.msk $0xffff, v5  }
0x40d: {  	[tilespmem:s24+$0x0] =	vst.add.f32.msk $0xffff, v6  }
0x40e: {  	[tilespmem:s20+$0x0] =	vst.add.f32.msk $0xffff, v2  }
0x40f: {  	[tilespmem:s19+$0x0] =	vst.add.f32.msk $0xffff, v3  }
0x410: {  	[tilespmem:s17+$0x0] =	vst.add.f32.msk $0xffff, v0  }
0x411: {  	[tilespmem:s18+$0x0] =	vst.add.f32.msk $0xffff, v1  }
0x412: {  	s15 =	sld [smem:$0x7F9];
	_ =	sdelay $0x1  }
0x413: {  	s14 =	simm.s32 $0x0  }
0x414: {  	[hbm4b:s15+s14] =	stream.linear.scatter [tilespmem:s10], [sflag:$0x8], $0x2000, $0x38;
	[tilespmem:$0x18000] =	vst v63  }
0x415: {  	_ =	swait.ge [sflag:s11], $0x4000  }
0x416: {  	s21 =	sld [smem:$0x7E8]  }
0x417: {  	[sflag:s11] =	ssyncset.done $0x0  }
0x418: {  	[sflag:s11] =	ssyncadd.s32 $0xFFFFC000  }
0x419: {  	[tilespmem:s28], [sflag:$0x4] =	stream.linear.gather [hbm4b:s21+s14], $0x4000, $0x38;
	[tilespmem:$0x18000] =	vst v63  }
0x41a: {  	_ =	swait.ge [sflag:s29], $0x4000  }
0x41b: {  	[sflag:s29] =	ssyncset.done $0x0  }
0x41c: {  	[sflag:s29] =	ssyncadd.s32 $0xFFFFC000  }
0x41d: {  	s22 =	sand.u32 $0x1C00, s14;
	_ =	swait.ge [sflag:s12], $0x4000  }
0x41e: {  	s16 =	sor.u32 s22, s14;
	[sflag:s12] =	ssyncset.done $0x0  }
0x41f: {  	s23 =	sand.u32 $0x380, s14;
	s16 =	sor.u32 $0x70, s16;
	[sflag:s12] =	ssyncadd.s32 $0xFFFFC000  }
0x420: {  	s17 =	sor.u32 s23, s22;
	v0 =	vld [tilespmem:s16+$0x14000]  }
0x421: {  	v3 =	vld [tilespmem:s17+$0x14000]  }
0x422: {  	v4 =	vld [tilespmem:s17+$0x14010]  }
0x423: {  	v5 =	vld [tilespmem:s17+$0x14020]  }
0x424: {  	v6 =	vld [tilespmem:s17+$0x14030]  }
0x425: {  	v2 =	vld [tilespmem:s17+$0x14040]  }
0x426: {  	v1 =	vld [tilespmem:s17+$0x14050]  }
0x427: {  	[tilespmem:s16+$0x0] =	vst.add.f32.msk $0xffff, v0  }
0x428: {  	v0 =	vld [tilespmem:s17+$0x14060]  }
0x429: {  	s15 =	sor.u32 $0x10, s17;
	[tilespmem:s17+$0x0] =	vst.add.f32.msk $0xffff, v3  }
0x42a: {  	s24 =	sor.u32 $0x20, s17;
	[tilespmem:s15+$0x0] =	vst.add.f32.msk $0xffff, v4  }
0x42b: {  	s30 =	sor.u32 $0x30, s17;
	s19 =	sor.u32 $0x40, s17;
	s18 =	sor.u32 $0x50, s17;
	[tilespmem:s24+$0x0] =	vst.add.f32.msk $0xffff, v5  }
0x42c: {  	s15 =	simm.s32 $0x0;
	s17 =	sor.u32 $0x60, s17;
	[tilespmem:s30+$0x0] =	vst.add.f32.msk $0xffff, v6;
	s16 =	simm.s32 $0x400  }
.LBB2_50:
0x42d: {  	s20 =	sand.u32 $0x1C00, s16;
	s15 =	sadd.s32 $0x80, s15;
	[tilespmem:s19+$0x0] =	vst.add.f32.msk $0xffff, v2;
	s14 =	sadd.s32 $0x10, s14  }
0x42e: {  	s19 =	sand.u32 $0x380, s14;
	s21 =	sor.u32 s20, s14;
	p0 =	slt.u32 s15, $0x1F80;
	[tilespmem:s18+$0x0] =	vst.add.f32.msk $0xffff, v1  }
0x42f: {  	s20 =	sor.u32 s19, s20;
	s21 =	sor.u32 $0x70, s21;
	[tilespmem:s17+$0x0] =	vst.add.f32.msk $0xffff, v0  }
0x430: {  	s22 =	sor.u32 $0x10, s20;
	s23 =	sor.u32 $0x20, s20;
	s24 =	sor.u32 $0x30, s20;
	v0 =	vld [tilespmem:s21+$0x14000]  }
0x431: {  	s19 =	sor.u32 $0x40, s20;
	s18 =	sor.u32 $0x50, s20;
	s17 =	sor.u32 $0x60, s20;
	v3 =	vld [tilespmem:s20+$0x14000]  }
0x432: {  	v4 =	vld [tilespmem:s20+$0x14010]  }
0x433: {  	v5 =	vld [tilespmem:s20+$0x14020]  }
0x434: {  	v6 =	vld [tilespmem:s20+$0x14030]  }
0x435: {  	[tilespmem:s21+$0x0] =	vst.add.f32.msk $0xffff, v0  }
0x436: {  	v2 =	vld [tilespmem:s20+$0x14040]  }
0x437: {  	v1 =	vld [tilespmem:s20+$0x14050]  }
.Ltmp24:
0x438: {  	v0 =	vld [tilespmem:s20+$0x14060];
	(pc) =	sbr.rel @p0 .LBB2_50-.Ltmp24, $4  }
0x439: {  	[tilespmem:s20+$0x0] =	vst.add.f32.msk $0xffff, v3  }
0x43a: {  	[tilespmem:s22+$0x0] =	vst.add.f32.msk $0xffff, v4  }
0x43b: {  	[tilespmem:s23+$0x0] =	vst.add.f32.msk $0xffff, v5  }
0x43c: {  	s16 =	sadd.s32 $0x400, s16;
	[tilespmem:s24+$0x0] =	vst.add.f32.msk $0xffff, v6  }
0x43d: {  	[tilespmem:s19+$0x0] =	vst.add.f32.msk $0xffff, v2  }
0x43e: {  	[tilespmem:s18+$0x0] =	vst.add.f32.msk $0xffff, v1  }
0x43f: {  	[tilespmem:s17+$0x0] =	vst.add.f32.msk $0xffff, v0  }
0x440: {  	s14 =	sld [smem:$0x7E9];
	_ =	sdelay $0x2  }
0x441: {  	[hbm4b:s14+s1] =	stream.linear.scatter [tilespmem:s1], [sflag:$0x5], $0x2000, $0x38;
	[tilespmem:$0x18000] =	vst v63  }
0x442: {  	s15 =	simm.s32 $0x2000;
	s14 =	simm.s32 $0x10000  }
0x443: {  	s16 =	simm.s32 $0x400;
	s22 =	sand.u32 $0x2000, s15;
	s23 =	sand.u32 $0x1C00, s14  }
0x444: {  	s24 =	sand.u32 $0x380, s16;
	s17 =	sor.u32 s22, s23  }
0x445: {  	s17 =	sor.u32 s24, s17  }
0x446: {  	v0 =	vld [tilespmem:s17+$0x14070]  }
0x447: {  	v4 =	vld [tilespmem:s17+$0x14000]  }
0x448: {  	v5 =	vld [tilespmem:s17+$0x14010]  }
0x449: {  	v6 =	vld [tilespmem:s17+$0x14020]  }
0x44a: {  	v2 =	vld [tilespmem:s17+$0x14030]  }
0x44b: {  	v3 =	vld [tilespmem:s17+$0x14040]  }
0x44c: {  	s18 =	sor.u32 $0x70, s17;
	v1 =	vld [tilespmem:s17+$0x14050]  }
0x44d: {  	[tilespmem:s18+$0x0] =	vst.add.f32.msk $0xffff, v0  }
0x44e: {  	v0 =	vld [tilespmem:s17+$0x14060]  }
0x44f: {  	s30 =	sor.u32 $0x10, s17;
	[tilespmem:s17+$0x0] =	vst.add.f32.msk $0xffff, v4  }
0x450: {  	s21 =	sor.u32 $0x20, s17;
	s19 =	sor.u32 $0x30, s17;
	[tilespmem:s30+$0x0] =	vst.add.f32.msk $0xffff, v5  }
0x451: {  	s20 =	sor.u32 $0x40, s17;
	s18 =	sor.u32 $0x50, s17;
	s17 =	sor.u32 $0x60, s17;
	[tilespmem:s21+$0x0] =	vst.add.f32.msk $0xffff, v6  }
.LBB2_52:
0x452: {  	s15 =	sadd.s32 $0x80, s15;
	[tilespmem:s19+$0x0] =	vst.add.f32.msk $0xffff, v2;
	s14 =	sadd.s32 $0x400, s14  }
0x453: {  	s16 =	sadd.s32 $0x10, s16;
	s19 =	sand.u32 $0x2000, s15;
	s21 =	sand.u32 $0x1C00, s14;
	[tilespmem:s20+$0x0] =	vst.add.f32.msk $0xffff, v3  }
0x454: {  	s20 =	sand.u32 $0x380, s16;
	p0 =	slt.u32 s15, $0x3F80;
	s19 =	sor.u32 s19, s21;
	[tilespmem:s18+$0x0] =	vst.add.f32.msk $0xffff, v1  }
0x455: {  	s21 =	sor.u32 s20, s19;
	[tilespmem:s17+$0x0] =	vst.add.f32.msk $0xffff, v0  }
0x456: {  	s22 =	sor.u32 $0x10, s21;
	s23 =	sor.u32 $0x20, s21;
	s19 =	sor.u32 $0x30, s21;
	v0 =	vld [tilespmem:s21+$0x14070]  }
0x457: {  	s20 =	sor.u32 $0x40, s21;
	s18 =	sor.u32 $0x50, s21;
	s17 =	sor.u32 $0x60, s21;
	v4 =	vld [tilespmem:s21+$0x14000]  }
0x458: {  	v5 =	vld [tilespmem:s21+$0x14010]  }
0x459: {  	v6 =	vld [tilespmem:s21+$0x14020]  }
0x45a: {  	s24 =	sor.u32 $0x70, s21;
	v2 =	vld [tilespmem:s21+$0x14030]  }
0x45b: {  	[tilespmem:s24+$0x0] =	vst.add.f32.msk $0xffff, v0  }
0x45c: {  	v3 =	vld [tilespmem:s21+$0x14040]  }
.Ltmp25:
0x45d: {  	v1 =	vld [tilespmem:s21+$0x14050];
	(pc) =	sbr.rel @p0 .LBB2_52-.Ltmp25, $4  }
0x45e: {  	v0 =	vld [tilespmem:s21+$0x14060]  }
0x45f: {  	[tilespmem:s21+$0x0] =	vst.add.f32.msk $0xffff, v4  }
0x460: {  	[tilespmem:s22+$0x0] =	vst.add.f32.msk $0xffff, v5  }
0x461: {  	[tilespmem:s23+$0x0] =	vst.add.f32.msk $0xffff, v6  }
0x462: {  	[tilespmem:s19+$0x0] =	vst.add.f32.msk $0xffff, v2  }
0x463: {  	[tilespmem:s20+$0x0] =	vst.add.f32.msk $0xffff, v3  }
0x464: {  	[tilespmem:s18+$0x0] =	vst.add.f32.msk $0xffff, v1  }
0x465: {  	[tilespmem:s17+$0x0] =	vst.add.f32.msk $0xffff, v0  }
0x466: {  	s15 =	sld [smem:$0x7FA];
	_ =	sdelay $0x1  }
0x467: {  	s14 =	simm.s32 $0x0  }
0x468: {  	[hbm4b:s15+s14] =	stream.linear.scatter [tilespmem:s0], [sflag:$0x5], $0x2000, $0x38;
	[tilespmem:$0x18000] =	vst v63  }
0x469: {  	s21 =	sand.u32 $0x1C00, s14;
	_ =	swait.ge [sflag:s3], $0x4000  }
0x46a: {  	s16 =	sor.u32 s21, s14;
	[sflag:s3] =	ssyncset.done $0x0  }
0x46b: {  	s22 =	sand.u32 $0x380, s14;
	s16 =	sor.u32 $0x70, s16;
	[sflag:s3] =	ssyncadd.s32 $0xFFFFC000  }
0x46c: {  	s17 =	sor.u32 s22, s21;
	v0 =	vld [tilespmem:s16+$0x14000]  }
0x46d: {  	v3 =	vld [tilespmem:s17+$0x14000]  }
0x46e: {  	v4 =	vld [tilespmem:s17+$0x14010]  }
0x46f: {  	v5 =	vld [tilespmem:s17+$0x14020]  }
0x470: {  	v6 =	vld [tilespmem:s17+$0x14030]  }
0x471: {  	v2 =	vld [tilespmem:s17+$0x14040]  }
0x472: {  	v1 =	vld [tilespmem:s17+$0x14050]  }
0x473: {  	[tilespmem:s16+$0x4000] =	vst.add.f32.msk $0xffff, v0  }
0x474: {  	s15 =	sor.u32 $0x4000, s17;
	v0 =	vld [tilespmem:s17+$0x14060]  }
0x475: {  	s23 =	sor.u32 $0x4010, s17;
	[tilespmem:s15+$0x0] =	vst.add.f32.msk $0xffff, v3  }
0x476: {  	s24 =	sor.u32 $0x4020, s17;
	[tilespmem:s23+$0x0] =	vst.add.f32.msk $0xffff, v4  }
0x477: {  	s30 =	sor.u32 $0x4030, s17;
	s19 =	sor.u32 $0x4040, s17;
	s18 =	sor.u32 $0x4050, s17;
	[tilespmem:s24+$0x0] =	vst.add.f32.msk $0xffff, v5  }
0x478: {  	s15 =	simm.s32 $0x0;
	s17 =	sor.u32 $0x4060, s17;
	[tilespmem:s30+$0x0] =	vst.add.f32.msk $0xffff, v6;
	s16 =	simm.s32 $0x400  }
.LBB2_54:
0x479: {  	s20 =	sand.u32 $0x1C00, s16;
	s15 =	sadd.s32 $0x80, s15;
	[tilespmem:s19+$0x0] =	vst.add.f32.msk $0xffff, v2;
	s14 =	sadd.s32 $0x10, s14  }
0x47a: {  	s19 =	sand.u32 $0x380, s14;
	s21 =	sor.u32 s20, s14;
	p0 =	slt.u32 s15, $0x1F80;
	[tilespmem:s18+$0x0] =	vst.add.f32.msk $0xffff, v1  }
0x47b: {  	s20 =	sor.u32 s19, s20;
	s21 =	sor.u32 $0x70, s21;
	[tilespmem:s17+$0x0] =	vst.add.f32.msk $0xffff, v0  }
0x47c: {  	s22 =	sor.u32 $0x4000, s20;
	s23 =	sor.u32 $0x4010, s20;
	s24 =	sor.u32 $0x4020, s20;
	v0 =	vld [tilespmem:s21+$0x14000]  }
0x47d: {  	s30 =	sor.u32 $0x4030, s20;
	s19 =	sor.u32 $0x4040, s20;
	s18 =	sor.u32 $0x4050, s20;
	v3 =	vld [tilespmem:s20+$0x14000]  }
0x47e: {  	s17 =	sor.u32 $0x4060, s20;
	v4 =	vld [tilespmem:s20+$0x14010]  }
0x47f: {  	v5 =	vld [tilespmem:s20+$0x14020]  }
0x480: {  	v6 =	vld [tilespmem:s20+$0x14030]  }
0x481: {  	[tilespmem:s21+$0x4000] =	vst.add.f32.msk $0xffff, v0  }
0x482: {  	v2 =	vld [tilespmem:s20+$0x14040]  }
0x483: {  	v1 =	vld [tilespmem:s20+$0x14050]  }
.Ltmp26:
0x484: {  	v0 =	vld [tilespmem:s20+$0x14060];
	(pc) =	sbr.rel @p0 .LBB2_54-.Ltmp26, $4  }
0x485: {  	[tilespmem:s22+$0x0] =	vst.add.f32.msk $0xffff, v3  }
0x486: {  	[tilespmem:s23+$0x0] =	vst.add.f32.msk $0xffff, v4  }
0x487: {  	[tilespmem:s24+$0x0] =	vst.add.f32.msk $0xffff, v5  }
0x488: {  	s16 =	sadd.s32 $0x400, s16;
	[tilespmem:s30+$0x0] =	vst.add.f32.msk $0xffff, v6  }
0x489: {  	[tilespmem:s19+$0x0] =	vst.add.f32.msk $0xffff, v2  }
0x48a: {  	[tilespmem:s18+$0x0] =	vst.add.f32.msk $0xffff, v1  }
0x48b: {  	[tilespmem:s17+$0x0] =	vst.add.f32.msk $0xffff, v0  }
0x48c: {  	s14 =	sld [smem:$0x7EA];
	_ =	sdelay $0x2  }
0x48d: {  	[hbm4b:s14+s1] =	stream.linear.scatter [tilespmem:s25], [sflag:$0x6], $0x2000, $0x38;
	[tilespmem:$0x18000] =	vst v63  }
0x48e: {  	s15 =	simm.s32 $0x2000;
	s14 =	simm.s32 $0x10000  }
0x48f: {  	s16 =	simm.s32 $0x400;
	s21 =	sand.u32 $0x2000, s15;
	s22 =	sand.u32 $0x1C00, s14  }
0x490: {  	s23 =	sand.u32 $0x380, s16;
	s17 =	sor.u32 s21, s22  }
0x491: {  	s18 =	sor.u32 s23, s17  }
0x492: {  	v0 =	vld [tilespmem:s18+$0x14070]  }
0x493: {  	v4 =	vld [tilespmem:s18+$0x14000]  }
0x494: {  	v5 =	vld [tilespmem:s18+$0x14010]  }
0x495: {  	v6 =	vld [tilespmem:s18+$0x14020]  }
0x496: {  	v2 =	vld [tilespmem:s18+$0x14030]  }
0x497: {  	v3 =	vld [tilespmem:s18+$0x14040]  }
0x498: {  	s17 =	sor.u32 $0x4070, s18;
	v1 =	vld [tilespmem:s18+$0x14060]  }
0x499: {  	[tilespmem:s17+$0x0] =	vst.add.f32.msk $0xffff, v0  }
0x49a: {  	s24 =	sor.u32 $0x4000, s18;
	v0 =	vld [tilespmem:s18+$0x14050]  }
0x49b: {  	s30 =	sor.u32 $0x4010, s18;
	[tilespmem:s24+$0x0] =	vst.add.f32.msk $0xffff, v4  }
0x49c: {  	s21 =	sor.u32 $0x4020, s18;
	s20 =	sor.u32 $0x4030, s18;
	[tilespmem:s30+$0x0] =	vst.add.f32.msk $0xffff, v5  }
0x49d: {  	s19 =	sor.u32 $0x4040, s18;
	s17 =	sor.u32 $0x4050, s18;
	s18 =	sor.u32 $0x4060, s18;
	[tilespmem:s21+$0x0] =	vst.add.f32.msk $0xffff, v6  }
.LBB2_56:
0x49e: {  	s15 =	sadd.s32 $0x80, s15;
	[tilespmem:s20+$0x0] =	vst.add.f32.msk $0xffff, v2;
	s14 =	sadd.s32 $0x400, s14  }
0x49f: {  	s16 =	sadd.s32 $0x10, s16;
	s20 =	sand.u32 $0x2000, s15;
	s21 =	sand.u32 $0x1C00, s14;
	[tilespmem:s19+$0x0] =	vst.add.f32.msk $0xffff, v3  }
0x4a0: {  	p0 =	slt.u32 s15, $0x3F80;
	s19 =	sor.u32 s20, s21;
	s20 =	sand.u32 $0x380, s16;
	[tilespmem:s17+$0x0] =	vst.add.f32.msk $0xffff, v0  }
0x4a1: {  	s21 =	sor.u32 s20, s19;
	[tilespmem:s18+$0x0] =	vst.add.f32.msk $0xffff, v1  }
0x4a2: {  	s22 =	sor.u32 $0x4000, s21;
	s23 =	sor.u32 $0x4010, s21;
	s24 =	sor.u32 $0x4020, s21;
	v0 =	vld [tilespmem:s21+$0x14070]  }
0x4a3: {  	s20 =	sor.u32 $0x4030, s21;
	s19 =	sor.u32 $0x4040, s21;
	s17 =	sor.u32 $0x4050, s21;
	v4 =	vld [tilespmem:s21+$0x14000]  }
0x4a4: {  	s18 =	sor.u32 $0x4060, s21;
	v5 =	vld [tilespmem:s21+$0x14010]  }
0x4a5: {  	v6 =	vld [tilespmem:s21+$0x14020]  }
0x4a6: {  	s30 =	sor.u32 $0x4070, s21;
	v2 =	vld [tilespmem:s21+$0x14030]  }
0x4a7: {  	[tilespmem:s30+$0x0] =	vst.add.f32.msk $0xffff, v0  }
0x4a8: {  	v3 =	vld [tilespmem:s21+$0x14040]  }
.Ltmp27:
0x4a9: {  	v0 =	vld [tilespmem:s21+$0x14050];
	(pc) =	sbr.rel @p0 .LBB2_56-.Ltmp27, $4  }
0x4aa: {  	v1 =	vld [tilespmem:s21+$0x14060]  }
0x4ab: {  	[tilespmem:s22+$0x0] =	vst.add.f32.msk $0xffff, v4  }
0x4ac: {  	[tilespmem:s23+$0x0] =	vst.add.f32.msk $0xffff, v5  }
0x4ad: {  	[tilespmem:s24+$0x0] =	vst.add.f32.msk $0xffff, v6  }
0x4ae: {  	[tilespmem:s20+$0x0] =	vst.add.f32.msk $0xffff, v2  }
0x4af: {  	[tilespmem:s19+$0x0] =	vst.add.f32.msk $0xffff, v3  }
0x4b0: {  	[tilespmem:s17+$0x0] =	vst.add.f32.msk $0xffff, v0  }
0x4b1: {  	[tilespmem:s18+$0x0] =	vst.add.f32.msk $0xffff, v1  }
0x4b2: {  	s15 =	sld [smem:$0x7FB];
	_ =	sdelay $0x1  }
0x4b3: {  	s14 =	simm.s32 $0x0  }
0x4b4: {  	[hbm4b:s15+s14] =	stream.linear.scatter [tilespmem:s4], [sflag:$0x6], $0x2000, $0x38;
	[tilespmem:$0x18000] =	vst v63  }
0x4b5: {  	s21 =	sand.u32 $0x1C00, s14;
	_ =	swait.ge [sflag:s6], $0x4000  }
0x4b6: {  	s16 =	sor.u32 s21, s14;
	[sflag:s6] =	ssyncset.done $0x0  }
0x4b7: {  	s22 =	sand.u32 $0x380, s14;
	s16 =	sor.u32 $0x70, s16;
	[sflag:s6] =	ssyncadd.s32 $0xFFFFC000  }
0x4b8: {  	s17 =	sor.u32 s22, s21;
	v0 =	vld [tilespmem:s16+$0x14000]  }
0x4b9: {  	v3 =	vld [tilespmem:s17+$0x14000]  }
0x4ba: {  	v4 =	vld [tilespmem:s17+$0x14010]  }
0x4bb: {  	v5 =	vld [tilespmem:s17+$0x14020]  }
0x4bc: {  	v6 =	vld [tilespmem:s17+$0x14030]  }
0x4bd: {  	v2 =	vld [tilespmem:s17+$0x14040]  }
0x4be: {  	v1 =	vld [tilespmem:s17+$0x14050]  }
0x4bf: {  	[tilespmem:s16+$0x8000] =	vst.add.f32.msk $0xffff, v0  }
0x4c0: {  	s15 =	sor.u32 $0x8000, s17;
	v0 =	vld [tilespmem:s17+$0x14060]  }
0x4c1: {  	s23 =	sor.u32 $0x8010, s17;
	[tilespmem:s15+$0x0] =	vst.add.f32.msk $0xffff, v3  }
0x4c2: {  	s24 =	sor.u32 $0x8020, s17;
	[tilespmem:s23+$0x0] =	vst.add.f32.msk $0xffff, v4  }
0x4c3: {  	s30 =	sor.u32 $0x8030, s17;
	s19 =	sor.u32 $0x8040, s17;
	s18 =	sor.u32 $0x8050, s17;
	[tilespmem:s24+$0x0] =	vst.add.f32.msk $0xffff, v5  }
0x4c4: {  	s15 =	simm.s32 $0x0;
	s17 =	sor.u32 $0x8060, s17;
	[tilespmem:s30+$0x0] =	vst.add.f32.msk $0xffff, v6;
	s16 =	simm.s32 $0x400  }
.LBB2_58:
0x4c5: {  	s20 =	sand.u32 $0x1C00, s16;
	s15 =	sadd.s32 $0x80, s15;
	[tilespmem:s19+$0x0] =	vst.add.f32.msk $0xffff, v2;
	s14 =	sadd.s32 $0x10, s14  }
0x4c6: {  	s19 =	sand.u32 $0x380, s14;
	s21 =	sor.u32 s20, s14;
	p0 =	slt.u32 s15, $0x1F80;
	[tilespmem:s18+$0x0] =	vst.add.f32.msk $0xffff, v1  }
0x4c7: {  	s20 =	sor.u32 s19, s20;
	s21 =	sor.u32 $0x70, s21;
	[tilespmem:s17+$0x0] =	vst.add.f32.msk $0xffff, v0  }
0x4c8: {  	s22 =	sor.u32 $0x8000, s20;
	s23 =	sor.u32 $0x8010, s20;
	s24 =	sor.u32 $0x8020, s20;
	v0 =	vld [tilespmem:s21+$0x14000]  }
0x4c9: {  	s30 =	sor.u32 $0x8030, s20;
	s19 =	sor.u32 $0x8040, s20;
	s18 =	sor.u32 $0x8050, s20;
	v3 =	vld [tilespmem:s20+$0x14000]  }
0x4ca: {  	s17 =	sor.u32 $0x8060, s20;
	v4 =	vld [tilespmem:s20+$0x14010]  }
0x4cb: {  	v5 =	vld [tilespmem:s20+$0x14020]  }
0x4cc: {  	v6 =	vld [tilespmem:s20+$0x14030]  }
0x4cd: {  	[tilespmem:s21+$0x8000] =	vst.add.f32.msk $0xffff, v0  }
0x4ce: {  	v2 =	vld [tilespmem:s20+$0x14040]  }
0x4cf: {  	v1 =	vld [tilespmem:s20+$0x14050]  }
.Ltmp28:
0x4d0: {  	v0 =	vld [tilespmem:s20+$0x14060];
	(pc) =	sbr.rel @p0 .LBB2_58-.Ltmp28, $4  }
0x4d1: {  	[tilespmem:s22+$0x0] =	vst.add.f32.msk $0xffff, v3  }
0x4d2: {  	[tilespmem:s23+$0x0] =	vst.add.f32.msk $0xffff, v4  }
0x4d3: {  	[tilespmem:s24+$0x0] =	vst.add.f32.msk $0xffff, v5  }
0x4d4: {  	s16 =	sadd.s32 $0x400, s16;
	[tilespmem:s30+$0x0] =	vst.add.f32.msk $0xffff, v6  }
0x4d5: {  	[tilespmem:s19+$0x0] =	vst.add.f32.msk $0xffff, v2  }
0x4d6: {  	[tilespmem:s18+$0x0] =	vst.add.f32.msk $0xffff, v1  }
0x4d7: {  	[tilespmem:s17+$0x0] =	vst.add.f32.msk $0xffff, v0  }
0x4d8: {  	s14 =	sld [smem:$0x7EB];
	_ =	sdelay $0x2  }
0x4d9: {  	[hbm4b:s14+s1] =	stream.linear.scatter [tilespmem:s26], [sflag:$0x7], $0x2000, $0x38;
	[tilespmem:$0x18000] =	vst v63  }
0x4da: {  	s15 =	simm.s32 $0x2000;
	s14 =	simm.s32 $0x10000  }
0x4db: {  	s16 =	simm.s32 $0x400;
	s21 =	sand.u32 $0x2000, s15;
	s22 =	sand.u32 $0x1C00, s14  }
0x4dc: {  	s23 =	sand.u32 $0x380, s16;
	s17 =	sor.u32 s21, s22  }
0x4dd: {  	s18 =	sor.u32 s23, s17  }
0x4de: {  	v0 =	vld [tilespmem:s18+$0x14070]  }
0x4df: {  	v4 =	vld [tilespmem:s18+$0x14000]  }
0x4e0: {  	v5 =	vld [tilespmem:s18+$0x14010]  }
0x4e1: {  	v6 =	vld [tilespmem:s18+$0x14020]  }
0x4e2: {  	v2 =	vld [tilespmem:s18+$0x14030]  }
0x4e3: {  	v3 =	vld [tilespmem:s18+$0x14040]  }
0x4e4: {  	s17 =	sor.u32 $0x8070, s18;
	v1 =	vld [tilespmem:s18+$0x14060]  }
0x4e5: {  	[tilespmem:s17+$0x0] =	vst.add.f32.msk $0xffff, v0  }
0x4e6: {  	s24 =	sor.u32 $0x8000, s18;
	v0 =	vld [tilespmem:s18+$0x14050]  }
0x4e7: {  	s30 =	sor.u32 $0x8010, s18;
	[tilespmem:s24+$0x0] =	vst.add.f32.msk $0xffff, v4  }
0x4e8: {  	s21 =	sor.u32 $0x8020, s18;
	s20 =	sor.u32 $0x8030, s18;
	[tilespmem:s30+$0x0] =	vst.add.f32.msk $0xffff, v5  }
0x4e9: {  	s19 =	sor.u32 $0x8040, s18;
	s17 =	sor.u32 $0x8050, s18;
	s18 =	sor.u32 $0x8060, s18;
	[tilespmem:s21+$0x0] =	vst.add.f32.msk $0xffff, v6  }
.LBB2_60:
0x4ea: {  	s15 =	sadd.s32 $0x80, s15;
	[tilespmem:s20+$0x0] =	vst.add.f32.msk $0xffff, v2;
	s14 =	sadd.s32 $0x400, s14  }
0x4eb: {  	s16 =	sadd.s32 $0x10, s16;
	s20 =	sand.u32 $0x2000, s15;
	s21 =	sand.u32 $0x1C00, s14;
	[tilespmem:s19+$0x0] =	vst.add.f32.msk $0xffff, v3  }
0x4ec: {  	p0 =	slt.u32 s15, $0x3F80;
	s19 =	sor.u32 s20, s21;
	s20 =	sand.u32 $0x380, s16;
	[tilespmem:s17+$0x0] =	vst.add.f32.msk $0xffff, v0  }
0x4ed: {  	s21 =	sor.u32 s20, s19;
	[tilespmem:s18+$0x0] =	vst.add.f32.msk $0xffff, v1  }
0x4ee: {  	s22 =	sor.u32 $0x8000, s21;
	s23 =	sor.u32 $0x8010, s21;
	s24 =	sor.u32 $0x8020, s21;
	v0 =	vld [tilespmem:s21+$0x14070]  }
0x4ef: {  	s20 =	sor.u32 $0x8030, s21;
	s19 =	sor.u32 $0x8040, s21;
	s17 =	sor.u32 $0x8050, s21;
	v4 =	vld [tilespmem:s21+$0x14000]  }
0x4f0: {  	s18 =	sor.u32 $0x8060, s21;
	v5 =	vld [tilespmem:s21+$0x14010]  }
0x4f1: {  	v6 =	vld [tilespmem:s21+$0x14020]  }
0x4f2: {  	s30 =	sor.u32 $0x8070, s21;
	v2 =	vld [tilespmem:s21+$0x14030]  }
0x4f3: {  	[tilespmem:s30+$0x0] =	vst.add.f32.msk $0xffff, v0  }
0x4f4: {  	v3 =	vld [tilespmem:s21+$0x14040]  }
.Ltmp29:
0x4f5: {  	v0 =	vld [tilespmem:s21+$0x14050];
	(pc) =	sbr.rel @p0 .LBB2_60-.Ltmp29, $4  }
0x4f6: {  	v1 =	vld [tilespmem:s21+$0x14060]  }
0x4f7: {  	[tilespmem:s22+$0x0] =	vst.add.f32.msk $0xffff, v4  }
0x4f8: {  	[tilespmem:s23+$0x0] =	vst.add.f32.msk $0xffff, v5  }
0x4f9: {  	[tilespmem:s24+$0x0] =	vst.add.f32.msk $0xffff, v6  }
0x4fa: {  	[tilespmem:s20+$0x0] =	vst.add.f32.msk $0xffff, v2  }
0x4fb: {  	[tilespmem:s19+$0x0] =	vst.add.f32.msk $0xffff, v3  }
0x4fc: {  	[tilespmem:s17+$0x0] =	vst.add.f32.msk $0xffff, v0  }
0x4fd: {  	[tilespmem:s18+$0x0] =	vst.add.f32.msk $0xffff, v1  }
0x4fe: {  	s15 =	sld [smem:$0x7FC];
	_ =	sdelay $0x1  }
0x4ff: {  	s14 =	simm.s32 $0x0  }
0x500: {  	[hbm4b:s15+s14] =	stream.linear.scatter [tilespmem:s7], [sflag:$0x7], $0x2000, $0x38;
	[tilespmem:$0x18000] =	vst v63  }
0x501: {  	s21 =	sand.u32 $0x1C00, s14;
	_ =	swait.ge [sflag:s9], $0x4000  }
0x502: {  	s16 =	sor.u32 s21, s14;
	[sflag:s9] =	ssyncset.done $0x0  }
0x503: {  	s22 =	sand.u32 $0x380, s14;
	s16 =	sor.u32 $0x70, s16;
	[sflag:s9] =	ssyncadd.s32 $0xFFFFC000  }
0x504: {  	s17 =	sor.u32 s22, s21;
	v0 =	vld [tilespmem:s16+$0x14000]  }
0x505: {  	v3 =	vld [tilespmem:s17+$0x14000]  }
0x506: {  	v4 =	vld [tilespmem:s17+$0x14010]  }
0x507: {  	v5 =	vld [tilespmem:s17+$0x14020]  }
0x508: {  	v6 =	vld [tilespmem:s17+$0x14030]  }
0x509: {  	v2 =	vld [tilespmem:s17+$0x14040]  }
0x50a: {  	v1 =	vld [tilespmem:s17+$0x14050]  }
0x50b: {  	[tilespmem:s16+$0xC000] =	vst.add.f32.msk $0xffff, v0  }
0x50c: {  	s15 =	sor.u32 $0xC000, s17;
	v0 =	vld [tilespmem:s17+$0x14060]  }
0x50d: {  	s23 =	sor.u32 $0xC010, s17;
	[tilespmem:s15+$0x0] =	vst.add.f32.msk $0xffff, v3  }
0x50e: {  	s24 =	sor.u32 $0xC020, s17;
	[tilespmem:s23+$0x0] =	vst.add.f32.msk $0xffff, v4  }
0x50f: {  	s30 =	sor.u32 $0xC030, s17;
	s19 =	sor.u32 $0xC040, s17;
	s18 =	sor.u32 $0xC050, s17;
	[tilespmem:s24+$0x0] =	vst.add.f32.msk $0xffff, v5  }
0x510: {  	s15 =	simm.s32 $0x0;
	s17 =	sor.u32 $0xC060, s17;
	[tilespmem:s30+$0x0] =	vst.add.f32.msk $0xffff, v6;
	s16 =	simm.s32 $0x400  }
.LBB2_62:
0x511: {  	s20 =	sand.u32 $0x1C00, s16;
	s15 =	sadd.s32 $0x80, s15;
	[tilespmem:s19+$0x0] =	vst.add.f32.msk $0xffff, v2;
	s14 =	sadd.s32 $0x10, s14  }
0x512: {  	s19 =	sand.u32 $0x380, s14;
	s21 =	sor.u32 s20, s14;
	p0 =	slt.u32 s15, $0x1F80;
	[tilespmem:s18+$0x0] =	vst.add.f32.msk $0xffff, v1  }
0x513: {  	s20 =	sor.u32 s19, s20;
	s21 =	sor.u32 $0x70, s21;
	[tilespmem:s17+$0x0] =	vst.add.f32.msk $0xffff, v0  }
0x514: {  	s22 =	sor.u32 $0xC000, s20;
	s23 =	sor.u32 $0xC010, s20;
	s24 =	sor.u32 $0xC020, s20;
	v0 =	vld [tilespmem:s21+$0x14000]  }
0x515: {  	s30 =	sor.u32 $0xC030, s20;
	s19 =	sor.u32 $0xC040, s20;
	s18 =	sor.u32 $0xC050, s20;
	v3 =	vld [tilespmem:s20+$0x14000]  }
0x516: {  	s17 =	sor.u32 $0xC060, s20;
	v4 =	vld [tilespmem:s20+$0x14010]  }
0x517: {  	v5 =	vld [tilespmem:s20+$0x14020]  }
0x518: {  	v6 =	vld [tilespmem:s20+$0x14030]  }
0x519: {  	[tilespmem:s21+$0xC000] =	vst.add.f32.msk $0xffff, v0  }
0x51a: {  	v2 =	vld [tilespmem:s20+$0x14040]  }
0x51b: {  	v1 =	vld [tilespmem:s20+$0x14050]  }
.Ltmp30:
0x51c: {  	v0 =	vld [tilespmem:s20+$0x14060];
	(pc) =	sbr.rel @p0 .LBB2_62-.Ltmp30, $4  }
0x51d: {  	[tilespmem:s22+$0x0] =	vst.add.f32.msk $0xffff, v3  }
0x51e: {  	[tilespmem:s23+$0x0] =	vst.add.f32.msk $0xffff, v4  }
0x51f: {  	[tilespmem:s24+$0x0] =	vst.add.f32.msk $0xffff, v5  }
0x520: {  	s16 =	sadd.s32 $0x400, s16;
	[tilespmem:s30+$0x0] =	vst.add.f32.msk $0xffff, v6  }
0x521: {  	[tilespmem:s19+$0x0] =	vst.add.f32.msk $0xffff, v2  }
0x522: {  	[tilespmem:s18+$0x0] =	vst.add.f32.msk $0xffff, v1  }
0x523: {  	[tilespmem:s17+$0x0] =	vst.add.f32.msk $0xffff, v0  }
0x524: {  	s14 =	sld [smem:$0x7EC];
	_ =	sdelay $0x2  }
0x525: {  	[hbm4b:s14+s1] =	stream.linear.scatter [tilespmem:s28], [sflag:$0x8], $0x2000, $0x38;
	[tilespmem:$0x18000] =	vst v63  }
0x526: {  	s15 =	simm.s32 $0x2000;
	s14 =	simm.s32 $0x10000  }
0x527: {  	s16 =	simm.s32 $0x400;
	s21 =	sand.u32 $0x2000, s15;
	s22 =	sand.u32 $0x1C00, s14  }
0x528: {  	s23 =	sand.u32 $0x380, s16;
	s17 =	sor.u32 s21, s22  }
0x529: {  	s18 =	sor.u32 s23, s17  }
0x52a: {  	v0 =	vld [tilespmem:s18+$0x14070]  }
0x52b: {  	v4 =	vld [tilespmem:s18+$0x14000]  }
0x52c: {  	v5 =	vld [tilespmem:s18+$0x14010]  }
0x52d: {  	v6 =	vld [tilespmem:s18+$0x14020]  }
0x52e: {  	v2 =	vld [tilespmem:s18+$0x14030]  }
0x52f: {  	v3 =	vld [tilespmem:s18+$0x14040]  }
0x530: {  	s17 =	sor.u32 $0xC070, s18;
	v1 =	vld [tilespmem:s18+$0x14060]  }
0x531: {  	[tilespmem:s17+$0x0] =	vst.add.f32.msk $0xffff, v0  }
0x532: {  	s24 =	sor.u32 $0xC000, s18;
	v0 =	vld [tilespmem:s18+$0x14050]  }
0x533: {  	s30 =	sor.u32 $0xC010, s18;
	[tilespmem:s24+$0x0] =	vst.add.f32.msk $0xffff, v4  }
0x534: {  	s21 =	sor.u32 $0xC020, s18;
	s20 =	sor.u32 $0xC030, s18;
	[tilespmem:s30+$0x0] =	vst.add.f32.msk $0xffff, v5  }
0x535: {  	s19 =	sor.u32 $0xC040, s18;
	s17 =	sor.u32 $0xC050, s18;
	s18 =	sor.u32 $0xC060, s18;
	[tilespmem:s21+$0x0] =	vst.add.f32.msk $0xffff, v6  }
.LBB2_64:
0x536: {  	s15 =	sadd.s32 $0x80, s15;
	[tilespmem:s20+$0x0] =	vst.add.f32.msk $0xffff, v2;
	s14 =	sadd.s32 $0x400, s14  }
0x537: {  	s16 =	sadd.s32 $0x10, s16;
	s20 =	sand.u32 $0x2000, s15;
	s21 =	sand.u32 $0x1C00, s14;
	[tilespmem:s19+$0x0] =	vst.add.f32.msk $0xffff, v3  }
0x538: {  	p0 =	slt.u32 s15, $0x3F80;
	s19 =	sor.u32 s20, s21;
	s20 =	sand.u32 $0x380, s16;
	[tilespmem:s17+$0x0] =	vst.add.f32.msk $0xffff, v0  }
0x539: {  	s21 =	sor.u32 s20, s19;
	[tilespmem:s18+$0x0] =	vst.add.f32.msk $0xffff, v1  }
0x53a: {  	s22 =	sor.u32 $0xC000, s21;
	s23 =	sor.u32 $0xC010, s21;
	s24 =	sor.u32 $0xC020, s21;
	v0 =	vld [tilespmem:s21+$0x14070]  }
0x53b: {  	s20 =	sor.u32 $0xC030, s21;
	s19 =	sor.u32 $0xC040, s21;
	s17 =	sor.u32 $0xC050, s21;
	v4 =	vld [tilespmem:s21+$0x14000]  }
0x53c: {  	s18 =	sor.u32 $0xC060, s21;
	v5 =	vld [tilespmem:s21+$0x14010]  }
0x53d: {  	v6 =	vld [tilespmem:s21+$0x14020]  }
0x53e: {  	s30 =	sor.u32 $0xC070, s21;
	v2 =	vld [tilespmem:s21+$0x14030]  }
0x53f: {  	[tilespmem:s30+$0x0] =	vst.add.f32.msk $0xffff, v0  }
0x540: {  	v3 =	vld [tilespmem:s21+$0x14040]  }
.Ltmp31:
0x541: {  	v0 =	vld [tilespmem:s21+$0x14050];
	(pc) =	sbr.rel @p0 .LBB2_64-.Ltmp31, $4  }
0x542: {  	v1 =	vld [tilespmem:s21+$0x14060]  }
0x543: {  	[tilespmem:s22+$0x0] =	vst.add.f32.msk $0xffff, v4  }
0x544: {  	[tilespmem:s23+$0x0] =	vst.add.f32.msk $0xffff, v5  }
0x545: {  	[tilespmem:s24+$0x0] =	vst.add.f32.msk $0xffff, v6  }
0x546: {  	[tilespmem:s20+$0x0] =	vst.add.f32.msk $0xffff, v2  }
0x547: {  	[tilespmem:s19+$0x0] =	vst.add.f32.msk $0xffff, v3  }
0x548: {  	[tilespmem:s17+$0x0] =	vst.add.f32.msk $0xffff, v0  }
0x549: {  	[tilespmem:s18+$0x0] =	vst.add.f32.msk $0xffff, v1  }
0x54a: {  	s14 =	sld [smem:$0x7FD];
	_ =	sdelay $0x2  }
0x54b: {  	[hbm4b:s14+s1] =	stream.linear.scatter [tilespmem:s10], [sflag:$0x8], $0x2000, $0x38;
	[tilespmem:$0x18000] =	vst v63  }
0x54c: {  	_ =	swait.ge [sflag:s5], $0x4000  }
0x54d: {  	[sflag:s5] =	ssyncset.done $0x0  }
0x54e: {  	[sflag:s5] =	ssyncadd.s32 $0xFFFFC000  }
0x54f: {  	_ =	swait.ge [sflag:s8], $0x4000  }
0x550: {  	[sflag:s8] =	ssyncset.done $0x0  }
0x551: {  	[sflag:s8] =	ssyncadd.s32 $0xFFFFC000  }
0x552: {  	_ =	swait.ge [sflag:s11], $0x4000  }
0x553: {  	s30 =	sld [smem:$0x7ED];
	_ =	sdelay $0x1  }
0x554: {  	s13 =	sadd.s32 $0x1, s13  }
0x555: {  	p0 =	sne.s32 s13, s30  }
.Ltmp32:
0x556: {  	_ = 	snop;
	(pc) =	sbr.rel @p0 .LBB2_1-.Ltmp32, $3  }
0x557: {  	_ =	sdelay $0x1  }
0x558: {  	[sflag:s11] =	ssyncset.done $0x0  }
0x559: {  	[sflag:s11] =	ssyncadd.s32 $0xFFFFC000  }
0x55a: {  	_ =	sfence.sel $0x180000  }
0x55b: {  	[bflag:$0x0] =	sbarrier.arrive $0xFFFF  }
0x55c: {  	_ =	strace $0x90000047  }
0x55d: {  	s0 =	stileid.u32;
	[bflag:$0x2] =	sbarrier.arrive $0xFFFF  }
0x55e: {  	p0 =	sne.s32 s0, $0x0;
	s0 =	rddreg [dreg:$0x3]  }
0x55f: {  	s0 =	sadd.s32 @!p0 $0x100000, s0  }
0x560: {  	[sflag:s0] =	ssyncadd.tile.s32 @!p0 $0x1;
	_ =	shalt  }
.Lfunc_end2:
_tile_overlayer_lowered:
.L_overlay_start_2:
0x561: {  	(tag) =	ssettag $0x2  }
0x562: {  	s0 =	rddreg [dreg:$0x0];
	s2 =	stileid.u32  }
0x563: {  	s1 =	rddreg [dreg:$0x1];
	p0 =	sne.s32 s2, $0x0  }
0x564: {  	s3 =	rddreg [dreg:$0x2];
	[bflag:$0x3] =	sbarrier.arrive $0xFFFF;
	s2 =	simm.s32 @!p0 $0x1C0B  }
0x565: {  	[timem:s3], [sflag:s2] =	dma.local @!p0 [hbm:s0], s1  }
0x566: {  	s0 =	simm.s32 @!p0 $0xB  }
0x567: {  	_ =	swait.ge @!p0 [sflag:s0], s1  }
0x568: {  	s1 =	ssub.s32 @!p0 $0x0, s1;
	[sflag:s0] =	ssyncset.done @!p0 $0x0  }
0x569: {  	[sflag:s0] =	ssyncadd.s32 @!p0 s1  }
0x56a: {  	[bflag:$0x3] =	sbarrier.arrive $0xFFFF  }
0x56b: {  	_ =	shalt  }

</sc_bundles>
